<compile_context>
chip_gen: v7x
topology: tpu7x:2x2x1
jax: 0.10.2.dev20260603
libtpu: 0.0.44.dev20260713+nightly
codegen_flags: <defaults>
</compile_context>

<pallas_src>
import functools

import jax
import jax.numpy as jnp
from jax import lax
from jax.experimental import pallas as pl
from jax.experimental.pallas import tpu as pltpu
from jax.experimental.pallas import tpu_sc as plsc

N = 10000
E = 320000
NC = 2
NS = 16
NW = NC * NS
NRJ = N + 128
NRA = N + 8

PCHUNKS = {128: (80, 125, 3), 64: (128, 79, 4), 48: (128, 79, 4)}
EPAD = NW * 79 * 128

DEG_CHUNK = 80
DEG_NCHUNK = 125
DEG_D = 16
DEG_FIRE = 5

ROWS_PT = 624
ROWS_TAIL = NRA - NS * ROWS_PT


def _make_propagate(d):
  PCHUNK, PNCHUNK, NBUF = PCHUNKS[d]
  mesh = plsc.VectorSubcoreMesh(core_axis_name="c", subcore_axis_name="s")

  rows_bufs = [pltpu.VMEM((PCHUNK, d), jnp.float32) for _ in range(NBUF)]
  sems = [pltpu.SemaphoreType.DMA for _ in range(NBUF)]

  paired = d < 128
  out_shape = (NRA, 128) if paired else (NC, NRA, d)

  @functools.partial(
      pl.kernel,
      out_type=jax.ShapeDtypeStruct(out_shape, jnp.float32),
      mesh=mesh,
      scratch_types=[
          pltpu.VMEM((PNCHUNK, PCHUNK), jnp.int32),
          pltpu.VMEM((PNCHUNK, PCHUNK), jnp.int32),
          pltpu.VMEM_SHARED((NRA, d), jnp.float32),
      ] + rows_bufs + sems,
      compiler_params=pltpu.CompilerParams(use_tc_tiling_on_sc=False),
  )
  def propagate(g_hbm, src_hbm, dst_hbm, zeros_hbm, out_hbm,
                src_v, dst_v, acc, *bufs_sems):
    rows = bufs_sems[:NBUF]
    sem = bufs_sems[NBUF:]
    cid = lax.axis_index("c")
    sid = lax.axis_index("s")
    wid = cid * NS + sid
    pltpu.sync_copy(src_hbm.at[wid], src_v)
    pltpu.sync_copy(dst_hbm.at[wid], dst_v)
    row0 = sid * ROWS_PT
    pltpu.sync_copy(zeros_hbm.at[pl.ds(row0, ROWS_PT)],
                    acc.at[pl.ds(row0, ROWS_PT)])

    @pl.when(sid == 0)
    def _zero_tail():
      pltpu.sync_copy(zeros_hbm.at[pl.ds(NS * ROWS_PT, ROWS_TAIL)],
                      acc.at[pl.ds(NS * ROWS_PT, ROWS_TAIL)])

    plsc.subcore_barrier()

    for c in range(NBUF):
      pltpu.async_copy(g_hbm.at[src_v.at[c]], rows[c], sem[c])

    loop_end = (PNCHUNK // NBUF) * NBUF

    @pl.loop(0, loop_end, step=NBUF)
    def _group(j):
      for b in range(NBUF):
        pltpu.make_async_copy(g_hbm.at[src_v.at[j + b]], rows[b],
                              sem[b]).wait()
        pltpu.sync_copy(rows[b], acc.at[dst_v.at[j + b]], add=True)

        @pl.when(j + b + NBUF < PNCHUNK)
        def _next():
          pltpu.async_copy(g_hbm.at[src_v.at[j + b + NBUF]], rows[b], sem[b])

    for c in range(loop_end, PNCHUNK):
      b = c % NBUF
      pltpu.make_async_copy(g_hbm.at[src_v.at[c]], rows[b], sem[b]).wait()
      pltpu.sync_copy(rows[b], acc.at[dst_v.at[c]], add=True)

    plsc.subcore_barrier()
    if paired:
      pltpu.sync_copy(acc.at[pl.ds(row0, ROWS_PT)],
                      out_hbm.at[pl.ds(row0, ROWS_PT), pl.ds(cid * d, d)])

      @pl.when(sid == 0)
      def _copy_tail():
        pltpu.sync_copy(acc.at[pl.ds(NS * ROWS_PT, ROWS_TAIL)],
                        out_hbm.at[pl.ds(NS * ROWS_PT, ROWS_TAIL),
                                   pl.ds(cid * d, d)])
    else:
      pltpu.sync_copy(acc.at[pl.ds(row0, ROWS_PT)],
                      out_hbm.at[cid, pl.ds(row0, ROWS_PT)])

      @pl.when(sid == 0)
      def _copy_tail():
        pltpu.sync_copy(acc.at[pl.ds(NS * ROWS_PT, ROWS_TAIL)],
                        out_hbm.at[cid, pl.ds(NS * ROWS_PT, ROWS_TAIL)])

  return propagate


_PROPAGATE = {d: _make_propagate(d) for d in (128, 64, 48)}


def _make_degree():
  mesh = plsc.VectorSubcoreMesh(core_axis_name="c", subcore_axis_name="s")

  @functools.partial(
      pl.kernel,
      out_type=jax.ShapeDtypeStruct((NRA, 128), jnp.float32),
      mesh=mesh,
      scratch_types=[
          pltpu.VMEM((DEG_NCHUNK, DEG_CHUNK), jnp.int32),
          pltpu.VMEM((DEG_CHUNK, DEG_D), jnp.float32),
          pltpu.VMEM_SHARED((NRA, DEG_D), jnp.float32),
          pltpu.SemaphoreType.DMA,
      ],
      compiler_params=pltpu.CompilerParams(use_tc_tiling_on_sc=False),
  )
  def degree(ones_hbm, dst_hbm, zeros_hbm, out_hbm, dst_v, ones_v, acc, sem):
    cid = lax.axis_index("c")
    sid = lax.axis_index("s")
    wid = cid * NS + sid
    pltpu.sync_copy(dst_hbm.at[wid], dst_v)
    pltpu.sync_copy(ones_hbm, ones_v)
    row0 = sid * ROWS_PT
    pltpu.sync_copy(zeros_hbm.at[pl.ds(row0, ROWS_PT)],
                    acc.at[pl.ds(row0, ROWS_PT)])

    @pl.when(sid == 0)
    def _zero_tail():
      pltpu.sync_copy(zeros_hbm.at[pl.ds(NS * ROWS_PT, ROWS_TAIL)],
                      acc.at[pl.ds(NS * ROWS_PT, ROWS_TAIL)])

    plsc.subcore_barrier()

    @pl.loop(0, DEG_NCHUNK, step=DEG_FIRE)
    def _group(j):
      for k in range(DEG_FIRE):
        pltpu.async_copy(ones_v, acc.at[dst_v.at[j + k]], sem, add=True)
      for k in range(DEG_FIRE):
        pltpu.make_async_copy(ones_v, acc.at[dst_v.at[j + k]], sem).wait()

    plsc.subcore_barrier()
    pltpu.sync_copy(acc.at[pl.ds(row0, ROWS_PT)],
                    out_hbm.at[pl.ds(row0, ROWS_PT), pl.ds(cid * DEG_D, DEG_D)])

    @pl.when(sid == 0)
    def _copy_tail():
      pltpu.sync_copy(acc.at[pl.ds(NS * ROWS_PT, ROWS_TAIL)],
                      out_hbm.at[pl.ds(NS * ROWS_PT, ROWS_TAIL),
                                 pl.ds(cid * DEG_D, DEG_D)])

  return degree


_DEGREE = _make_degree()


def _tc_call(body, out_shape, *args):
  return pl.pallas_call(body, out_shape=out_shape)(*args)


def _deg_scale_body(dp_ref, x_ref, dinv_ref, g_ref):
  deg = dp_ref[0:N, 0:1] + dp_ref[0:N, DEG_D:DEG_D + 1] + 2.0
  dinv = lax.rsqrt(deg)
  dinv_ref[...] = dinv
  g_ref[...] = x_ref[...] * dinv


def _layer_relu_mm_body(p_ref, g_ref, dinv_ref, w_ref, b_ref, w2_ref, out_ref):
  s = dinv_ref[...] * (p_ref[0, 0:N] + p_ref[1, 0:N] + 2.0 * g_ref[...])
  z = jax.nn.relu(
      jnp.dot(s, w_ref[...], preferred_element_type=jnp.float32) + b_ref[...])
  out_ref[...] = dinv_ref[...] * jnp.dot(
      z, w2_ref[...], preferred_element_type=jnp.float32)


def _layer_relu_ew_mm_body(p_ref, g_ref, dinv_ref, b_ref, w2_ref, out_ref):
  z = jax.nn.relu(
      dinv_ref[...] * (p_ref[0, 0:N] + p_ref[1, 0:N] + 2.0 * g_ref[...])
      + b_ref[...])
  out_ref[0:N, :] = dinv_ref[...] * jnp.dot(
      z, w2_ref[...], preferred_element_type=jnp.float32)
  out_ref[N:NRJ, :] = jnp.zeros((NRJ - N, w2_ref.shape[1]), jnp.float32)


def _layer_lin_mm_body(p_ref, g_ref, dinv_ref, b_ref, w2_ref, out_ref):
  z = (dinv_ref[...] * (p_ref[0:N, 0:64] + p_ref[0:N, 64:128]
                        + 2.0 * g_ref[0:N]) + b_ref[...])
  out_ref[0:N, :] = dinv_ref[...] * jnp.dot(
      z, w2_ref[...], preferred_element_type=jnp.float32)
  out_ref[N:NRJ, :] = jnp.zeros((NRJ - N, w2_ref.shape[1]), jnp.float32)


def _final_body(p_ref, g_ref, dinv_ref, b_ref, out_ref):
  v = (dinv_ref[...] * (p_ref[0:N, 0:48] + p_ref[0:N, 48:96]
                        + 2.0 * g_ref[0:N]) + b_ref[...])
  out_ref[...] = v[:, 0:40]


def kernel(x, edge_index, W1, b1, W2, b2, W3, b3, W4, b4):
  i32 = jnp.int32
  f32 = jnp.float32
  src_pad = N + jnp.arange(EPAD - E, dtype=i32) % (NRJ - N)
  dst_pad = jnp.arange(EPAD - E, dtype=i32)
  src80 = edge_index[0].reshape(NW, 125, 80)
  dst80 = edge_index[1].reshape(NW, 125, 80)
  src128 = jnp.concatenate([edge_index[0], src_pad]).reshape(NW, 79, 128)
  dst128 = jnp.concatenate([edge_index[1], dst_pad]).reshape(NW, 79, 128)
  dst_deg = edge_index[1].reshape(NW, DEG_NCHUNK, DEG_CHUNK)

  zeros = {d: jnp.zeros((NRA, d), f32) for d in (128, 64, 48)}
  zeros16 = jnp.zeros((NRA, DEG_D), f32)
  ones16 = jnp.ones((DEG_CHUNK, DEG_D), f32)
  W4p = jnp.pad(W4, ((0, 0), (0, 8)))
  b4p = jnp.pad(b4, (0, 8))

  dp = _DEGREE(ones16, dst_deg, zeros16)
  dinv, g0 = _tc_call(
      _deg_scale_body,
      (jax.ShapeDtypeStruct((N, 1), f32),
       jax.ShapeDtypeStruct((N, 128), f32)),
      dp, x)

  s0 = _PROPAGATE[128](g0, src80, dst80, zeros[128])
  g1 = _tc_call(_layer_relu_mm_body, jax.ShapeDtypeStruct((N, 128), f32),
                s0, g0, dinv, W1, b1.reshape(1, -1), W2)

  s1 = _PROPAGATE[128](g1, src80, dst80, zeros[128])
  g2 = _tc_call(_layer_relu_ew_mm_body, jax.ShapeDtypeStruct((NRJ, 64), f32),
                s1, g1, dinv, b2.reshape(1, -1), W3)

  s2 = _PROPAGATE[64](g2, src128, dst128, zeros[64])
  g3 = _tc_call(_layer_lin_mm_body, jax.ShapeDtypeStruct((NRJ, 48), f32),
                s2, g2, dinv, b3.reshape(1, -1), W4p)

  s3 = _PROPAGATE[48](g3, src128, dst128, zeros[48])
  return _tc_call(_final_body, jax.ShapeDtypeStruct((N, 40), f32),
                  s3, g3, dinv, b4p.reshape(1, -1))

# --- scband reference (transcript-rebuilt; emitter-appended) ---
"""Pipeline reference for scband-gcn-53386443489915 (READ-ONLY COPY).

The authoritative reference and input builder live on the scoring server;
editing this copy changes nothing except your own understanding.
"""

import jax, jax.numpy as jnp
import numpy as np

N = 10000
E = 320000
D_IN = 128
NUM_CLASSES = 40
DIMS = [(D_IN, 256), (256, 128), (128, 64), (64, NUM_CLASSES)]


def setup_inputs(seed: int = 0) -> dict:
    key = jax.random.key(seed)
    ks = jax.random.split(key, 12)
    x = jax.random.normal(ks[0], (N, D_IN), dtype=jnp.float32)
    edge_index = jax.random.randint(ks[1], (2, E), 0, N, dtype=jnp.int32)
    inp = {"x": x, "edge_index": edge_index}
    for i, (din, dout) in enumerate(DIMS):
        scale = 1.0 / np.sqrt(din)
        inp[f"W{i+1}"] = jax.random.normal(ks[2 + 2 * i], (din, dout), dtype=jnp.float32) * scale
        inp[f"b{i+1}"] = jnp.zeros((dout,), dtype=jnp.float32)
    return inp


def _gcn_layer(x, src, dst, W, b):
    # GCNConv with improved=True: A_hat = A + 2I
    h = x @ W
    ones = jnp.ones((src.shape[0],), dtype=jnp.float32)
    deg = jax.ops.segment_sum(ones, dst, num_segments=N) + 2.0  # self-loop weight 2
    dinv = jax.lax.rsqrt(deg)
    norm = dinv[src] * dinv[dst]
    agg = jax.ops.segment_sum(h[src] * norm[:, None], dst, num_segments=N)
    # self-loop contribution: weight 2, norm = 2 * dinv[i]^2
    agg = agg + h * (2.0 * dinv * dinv)[:, None]
    return agg + b


def reference(x, edge_index, W1, b1, W2, b2, W3, b3, W4, b4):
    src, dst = edge_index[0], edge_index[1]
    h = jax.nn.relu(_gcn_layer(x, src, dst, W1, b1))
    h = jax.nn.relu(_gcn_layer(h, src, dst, W2, b2))
    h = _gcn_layer(h, src, dst, W3, b3)
    h = _gcn_layer(h, src, dst, W4, b4)
    return h

if __name__ == "__main__":
    import jax
    _d = setup_inputs()
    print(jax.jit(kernel)(*tuple(_d.values())))

</pallas_src>

<mosaic_0001>
#map = affine_map<(d0, d1) -> (0, 0)>
#map1 = affine_map<(d0, d1) -> (0, 0, 0)>
module attributes {stable_mosaic.version = 14 : i64} {
  func.func @propagate(%arg0: i32, %arg1: i32, %arg2: memref<10000x128xf32, #tpu.memory_space<hbm>>, %arg3: memref<32x125x80xi32, #tpu.memory_space<hbm>>, %arg4: memref<32x125x80xi32, #tpu.memory_space<hbm>>, %arg5: memref<10008x128xf32, #tpu.memory_space<hbm>>, %arg6: memref<2x10008x128xf32, #tpu.memory_space<hbm>>, %arg7: memref<125x80xi32, #tpu.memory_space<vmem>>, %arg8: memref<125x80xi32, #tpu.memory_space<vmem>>, %arg9: memref<10008x128xf32, #tpu.memory_space<vmem_shared>>, %arg10: memref<80x128xf32, #tpu.memory_space<vmem>>, %arg11: memref<80x128xf32, #tpu.memory_space<vmem>>, %arg12: memref<80x128xf32, #tpu.memory_space<vmem>>, %arg13: memref<!tpu.dma_semaphore, #tpu.memory_space<semaphore_mem>>, %arg14: memref<!tpu.dma_semaphore, #tpu.memory_space<semaphore_mem>>, %arg15: memref<!tpu.dma_semaphore, #tpu.memory_space<semaphore_mem>>) attributes {dimension_semantics = [#tpu.dimension_semantics<core_parallel>, #tpu.dimension_semantics<subcore_parallel>], iteration_bounds = array<i64: 2, 16>, scalar_prefetch = 0 : i64, scratch_operands = 9 : i64, tpu.core_type = #tpu.core_type<sc_vector_subcore>, window_params = [{transform_indices = #map}, {transform_indices = #map1}, {transform_indices = #map1}, {transform_indices = #map}, {transform_indices = #map1}]} {
    %mul3A = arith.constant 16 : i32
    %mul3A_0 = arith.muli %arg0, %mul3A : i32
    %add3A = arith.addi %mul3A_0, %arg1 : i32
    "tpu.region"() ({
      %run_scoped3A_49 = tpu.sem_alloc : memref<!tpu.dma_semaphore, #tpu.memory_space<semaphore_mem>>
      %dma_start3A_50 = arith.constant 0 : i32
      %dma_start3A_51 = arith.constant 0 : i32
      %dma_start3A_52 = tpu.memref_slice %arg3[%add3A, %dma_start3A_50, %dma_start3A_51] : memref<32x125x80xi32, #tpu.memory_space<hbm>> -> memref<1x125x80xi32, #tpu.memory_space<hbm>>
      %dma_start3A_53 = tpu.memref_squeeze %dma_start3A_52 : memref<1x125x80xi32, #tpu.memory_space<hbm>> -> memref<125x80xi32, #tpu.memory_space<hbm>>
      %dma_start3A_54 = arith.constant 0 : i32
      %dma_start3A_55 = arith.constant 0 : i32
      %dma_start3A_56 = tpu.memref_slice %arg3[%add3A, %dma_start3A_54, %dma_start3A_55] : memref<32x125x80xi32, #tpu.memory_space<hbm>> -> memref<1x125x80xi32, #tpu.memory_space<hbm>>
      %dma_start3A_57 = tpu.memref_squeeze %dma_start3A_56 : memref<1x125x80xi32, #tpu.memory_space<hbm>> -> memref<125x80xi32, #tpu.memory_space<hbm>>
      tpu.enqueue_dma source(%dma_start3A_57 : memref<125x80xi32, #tpu.memory_space<hbm>>) target(%arg7 : memref<125x80xi32, #tpu.memory_space<vmem>>) target_semaphore(%run_scoped3A_49 : memref<!tpu.dma_semaphore, #tpu.memory_space<semaphore_mem>>)
      %dma_wait3A_58 = arith.constant 0 : i32
      %dma_wait3A_59 = arith.constant 0 : i32
      %dma_wait3A_60 = tpu.memref_slice %arg3[%add3A, %dma_wait3A_58, %dma_wait3A_59] : memref<32x125x80xi32, #tpu.memory_space<hbm>> -> memref<1x125x80xi32, #tpu.memory_space<hbm>>
      %dma_wait3A_61 = tpu.memref_squeeze %dma_wait3A_60 : memref<1x125x80xi32, #tpu.memory_space<hbm>> -> memref<125x80xi32, #tpu.memory_space<hbm>>
      %dma_wait3A_62 = arith.constant 0 : i32
      %dma_wait3A_63 = arith.constant 0 : i32
      %dma_wait3A_64 = tpu.memref_slice %arg3[%add3A, %dma_wait3A_62, %dma_wait3A_63] : memref<32x125x80xi32, #tpu.memory_space<hbm>> -> memref<1x125x80xi32, #tpu.memory_space<hbm>>
      %dma_wait3A_65 = tpu.memref_squeeze %dma_wait3A_64 : memref<1x125x80xi32, #tpu.memory_space<hbm>> -> memref<125x80xi32, #tpu.memory_space<hbm>>
      tpu.wait_dma2 semaphore(%run_scoped3A_49 : memref<!tpu.dma_semaphore, #tpu.memory_space<semaphore_mem>>) src(%dma_wait3A_65 : memref<125x80xi32, #tpu.memory_space<hbm>>) dst(%arg7 : memref<125x80xi32, #tpu.memory_space<vmem>>)
      tpu.yield
    }) : () -> ()
    "tpu.region"() ({
      %run_scoped3A_49 = tpu.sem_alloc : memref<!tpu.dma_semaphore, #tpu.memory_space<semaphore_mem>>
      %dma_start3A_50 = arith.constant 0 : i32
      %dma_start3A_51 = arith.constant 0 : i32
      %dma_start3A_52 = tpu.memref_slice %arg4[%add3A, %dma_start3A_50, %dma_start3A_51] : memref<32x125x80xi32, #tpu.memory_space<hbm>> -> memref<1x125x80xi32, #tpu.memory_space<hbm>>
      %dma_start3A_53 = tpu.memref_squeeze %dma_start3A_52 : memref<1x125x80xi32, #tpu.memory_space<hbm>> -> memref<125x80xi32, #tpu.memory_space<hbm>>
      %dma_start3A_54 = arith.constant 0 : i32
      %dma_start3A_55 = arith.constant 0 : i32
      %dma_start3A_56 = tpu.memref_slice %arg4[%add3A, %dma_start3A_54, %dma_start3A_55] : memref<32x125x80xi32, #tpu.memory_space<hbm>> -> memref<1x125x80xi32, #tpu.memory_space<hbm>>
      %dma_start3A_57 = tpu.memref_squeeze %dma_start3A_56 : memref<1x125x80xi32, #tpu.memory_space<hbm>> -> memref<125x80xi32, #tpu.memory_space<hbm>>
      tpu.enqueue_dma source(%dma_start3A_57 : memref<125x80xi32, #tpu.memory_space<hbm>>) target(%arg8 : memref<125x80xi32, #tpu.memory_space<vmem>>) target_semaphore(%run_scoped3A_49 : memref<!tpu.dma_semaphore, #tpu.memory_space<semaphore_mem>>)
      %dma_wait3A_58 = arith.constant 0 : i32
      %dma_wait3A_59 = arith.constant 0 : i32
      %dma_wait3A_60 = tpu.memref_slice %arg4[%add3A, %dma_wait3A_58, %dma_wait3A_59] : memref<32x125x80xi32, #tpu.memory_space<hbm>> -> memref<1x125x80xi32, #tpu.memory_space<hbm>>
      %dma_wait3A_61 = tpu.memref_squeeze %dma_wait3A_60 : memref<1x125x80xi32, #tpu.memory_space<hbm>> -> memref<125x80xi32, #tpu.memory_space<hbm>>
      %dma_wait3A_62 = arith.constant 0 : i32
      %dma_wait3A_63 = arith.constant 0 : i32
      %dma_wait3A_64 = tpu.memref_slice %arg4[%add3A, %dma_wait3A_62, %dma_wait3A_63] : memref<32x125x80xi32, #tpu.memory_space<hbm>> -> memref<1x125x80xi32, #tpu.memory_space<hbm>>
      %dma_wait3A_65 = tpu.memref_squeeze %dma_wait3A_64 : memref<1x125x80xi32, #tpu.memory_space<hbm>> -> memref<125x80xi32, #tpu.memory_space<hbm>>
      tpu.wait_dma2 semaphore(%run_scoped3A_49 : memref<!tpu.dma_semaphore, #tpu.memory_space<semaphore_mem>>) src(%dma_wait3A_65 : memref<125x80xi32, #tpu.memory_space<hbm>>) dst(%arg8 : memref<125x80xi32, #tpu.memory_space<vmem>>)
      tpu.yield
    }) : () -> ()
    %mul3A_1 = arith.constant 624 : i32
    %mul3A_2 = arith.muli %arg1, %mul3A_1 : i32
    "tpu.region"() ({
      %run_scoped3A_49 = tpu.sem_alloc : memref<!tpu.dma_semaphore, #tpu.memory_space<semaphore_mem>>
      %dma_start3A_50 = arith.constant 0 : i32
      %dma_start3A_51 = tpu.memref_slice %arg9[%mul3A_2, %dma_start3A_50] : memref<10008x128xf32, #tpu.memory_space<vmem_shared>> -> memref<624x128xf32, #tpu.memory_space<vmem_shared>>
      %dma_start3A_52 = arith.constant 0 : i32
      %dma_start3A_53 = tpu.memref_slice %arg5[%mul3A_2, %dma_start3A_52] : memref<10008x128xf32, #tpu.memory_space<hbm>> -> memref<624x128xf32, #tpu.memory_space<hbm>>
      tpu.enqueue_dma source(%dma_start3A_53 : memref<624x128xf32, #tpu.memory_space<hbm>>) target(%dma_start3A_51 : memref<624x128xf32, #tpu.memory_space<vmem_shared>>) target_semaphore(%run_scoped3A_49 : memref<!tpu.dma_semaphore, #tpu.memory_space<semaphore_mem>>)
      %dma_wait3A_54 = arith.constant 0 : i32
      %dma_wait3A_55 = tpu.memref_slice %arg9[%mul3A_2, %dma_wait3A_54] : memref<10008x128xf32, #tpu.memory_space<vmem_shared>> -> memref<624x128xf32, #tpu.memory_space<vmem_shared>>
      %dma_wait3A_56 = arith.constant 0 : i32
      %dma_wait3A_57 = tpu.memref_slice %arg5[%mul3A_2, %dma_wait3A_56] : memref<10008x128xf32, #tpu.memory_space<hbm>> -> memref<624x128xf32, #tpu.memory_space<hbm>>
      tpu.wait_dma2 semaphore(%run_scoped3A_49 : memref<!tpu.dma_semaphore, #tpu.memory_space<semaphore_mem>>) src(%dma_wait3A_57 : memref<624x128xf32, #tpu.memory_space<hbm>>) dst(%dma_wait3A_55 : memref<624x128xf32, #tpu.memory_space<vmem_shared>>)
      tpu.yield
    }) : () -> ()
    %eq3A = arith.constant 0 : i32
    %eq3A_3 = arith.cmpi eq, %arg1, %eq3A : i32
    %convert_element_type3A = arith.extui %eq3A_3 : i1 to i32
    %cond3A = arith.constant 0 : i32
    %cond3A_4 = arith.cmpi ne, %convert_element_type3A, %cond3A : i32
    scf.if %cond3A_4 {
      "tpu.region"() ({
        %run_scoped3A_49 = tpu.sem_alloc : memref<!tpu.dma_semaphore, #tpu.memory_space<semaphore_mem>>
        %dma_start3A_50 = arith.constant 9984 : i32
        %dma_start3A_51 = arith.constant 0 : i32
        %dma_start3A_52 = tpu.memref_slice %arg9[%dma_start3A_50, %dma_start3A_51] : memref<10008x128xf32, #tpu.memory_space<vmem_shared>> -> memref<24x128xf32, #tpu.memory_space<vmem_shared>>
        %dma_start3A_53 = arith.constant 9984 : i32
        %dma_start3A_54 = arith.constant 0 : i32
        %dma_start3A_55 = tpu.memref_slice %arg5[%dma_start3A_53, %dma_start3A_54] : memref<10008x128xf32, #tpu.memory_space<hbm>> -> memref<24x128xf32, #tpu.memory_space<hbm>>
        tpu.enqueue_dma source(%dma_start3A_55 : memref<24x128xf32, #tpu.memory_space<hbm>>) target(%dma_start3A_52 : memref<24x128xf32, #tpu.memory_space<vmem_shared>>) target_semaphore(%run_scoped3A_49 : memref<!tpu.dma_semaphore, #tpu.memory_space<semaphore_mem>>)
        %dma_wait3A_56 = arith.constant 9984 : i32
        %dma_wait3A_57 = arith.constant 0 : i32
        %dma_wait3A_58 = tpu.memref_slice %arg9[%dma_wait3A_56, %dma_wait3A_57] : memref<10008x128xf32, #tpu.memory_space<vmem_shared>> -> memref<24x128xf32, #tpu.memory_space<vmem_shared>>
        %dma_wait3A_59 = arith.constant 9984 : i32
        %dma_wait3A_60 = arith.constant 0 : i32
        %dma_wait3A_61 = tpu.memref_slice %arg5[%dma_wait3A_59, %dma_wait3A_60] : memref<10008x128xf32, #tpu.memory_space<hbm>> -> memref<24x128xf32, #tpu.memory_space<hbm>>
        tpu.wait_dma2 semaphore(%run_scoped3A_49 : memref<!tpu.dma_semaphore, #tpu.memory_space<semaphore_mem>>) src(%dma_wait3A_61 : memref<24x128xf32, #tpu.memory_space<hbm>>) dst(%dma_wait3A_58 : memref<24x128xf32, #tpu.memory_space<vmem_shared>>)
        tpu.yield
      }) : () -> ()
    } else {
    }
    %barrier3A = arith.constant 0 : index
    tpu.barrier barrier_id(%barrier3A)
    %dma_start3A = arith.constant 0 : i32
    %dma_start3A_5 = arith.constant 0 : i32
    %dma_start3A_6 = tpu.memref_slice %arg7[%dma_start3A, %dma_start3A_5] : memref<125x80xi32, #tpu.memory_space<vmem>> -> memref<1x80xi32, #tpu.memory_space<vmem>>
    %dma_start3A_7 = tpu.memref_squeeze %dma_start3A_6 : memref<1x80xi32, #tpu.memory_space<vmem>> -> memref<80xi32, #tpu.memory_space<vmem>>
    %dma_start3A_8 = arith.constant 0 : i32
    %dma_start3A_9 = arith.constant 0 : i32
    %dma_start3A_10 = tpu.memref_slice %arg2[%dma_start3A_8, %dma_start3A_9] : memref<10000x128xf32, #tpu.memory_space<hbm>> -> memref<10000x128xf32, #tpu.memory_space<hbm>>
    tpu.enqueue_indirect_dma source(%dma_start3A_10 : memref<10000x128xf32, #tpu.memory_space<hbm>>) target(%arg10 : memref<80x128xf32, #tpu.memory_space<vmem>>) offsets(%dma_start3A_7 : memref<80xi32, #tpu.memory_space<vmem>>) semaphore(%arg13 : memref<!tpu.dma_semaphore, #tpu.memory_space<semaphore_mem>>)
    %dma_start3A_11 = arith.constant 1 : i32
    %dma_start3A_12 = arith.constant 0 : i32
    %dma_start3A_13 = tpu.memref_slice %arg7[%dma_start3A_11, %dma_start3A_12] : memref<125x80xi32, #tpu.memory_space<vmem>> -> memref<1x80xi32, #tpu.memory_space<vmem>>
    %dma_start3A_14 = tpu.memref_squeeze %dma_start3A_13 : memref<1x80xi32, #tpu.memory_space<vmem>> -> memref<80xi32, #tpu.memory_space<vmem>>
    %dma_start3A_15 = arith.constant 0 : i32
    %dma_start3A_16 = arith.constant 0 : i32
    %dma_start3A_17 = tpu.memref_slice %arg2[%dma_start3A_15, %dma_start3A_16] : memref<10000x128xf32, #tpu.memory_space<hbm>> -> memref<10000x128xf32, #tpu.memory_space<hbm>>
    tpu.enqueue_indirect_dma source(%dma_start3A_17 : memref<10000x128xf32, #tpu.memory_space<hbm>>) target(%arg11 : memref<80x128xf32, #tpu.memory_space<vmem>>) offsets(%dma_start3A_14 : memref<80xi32, #tpu.memory_space<vmem>>) semaphore(%arg14 : memref<!tpu.dma_semaphore, #tpu.memory_space<semaphore_mem>>)
    %dma_start3A_18 = arith.constant 2 : i32
    %dma_start3A_19 = arith.constant 0 : i32
    %dma_start3A_20 = tpu.memref_slice %arg7[%dma_start3A_18, %dma_start3A_19] : memref<125x80xi32, #tpu.memory_space<vmem>> -> memref<1x80xi32, #tpu.memory_space<vmem>>
    %dma_start3A_21 = tpu.memref_squeeze %dma_start3A_20 : memref<1x80xi32, #tpu.memory_space<vmem>> -> memref<80xi32, #tpu.memory_space<vmem>>
    %dma_start3A_22 = arith.constant 0 : i32
    %dma_start3A_23 = arith.constant 0 : i32
    %dma_start3A_24 = tpu.memref_slice %arg2[%dma_start3A_22, %dma_start3A_23] : memref<10000x128xf32, #tpu.memory_space<hbm>> -> memref<10000x128xf32, #tpu.memory_space<hbm>>
    tpu.enqueue_indirect_dma source(%dma_start3A_24 : memref<10000x128xf32, #tpu.memory_space<hbm>>) target(%arg12 : memref<80x128xf32, #tpu.memory_space<vmem>>) offsets(%dma_start3A_21 : memref<80xi32, #tpu.memory_space<vmem>>) semaphore(%arg15 : memref<!tpu.dma_semaphore, #tpu.memory_space<semaphore_mem>>)
    %scan3A = arith.constant 0 : i32
    %scan3A_25 = arith.constant 41 : i32
    %scan3A_26 = arith.addi %scan3A, %scan3A_25 : i32
    %scan3A_27 = arith.constant 1 : i32
    scf.for %scan3A_49 = %scan3A to %scan3A_26 step %scan3A_27  : i32 {
      %mul3A_50 = arith.constant 3 : i32
      %mul3A_51 = arith.muli %scan3A_49, %mul3A_50 : i32
      %add3A_52 = arith.constant 0 : i32
      %add3A_53 = arith.addi %add3A_52, %mul3A_51 : i32
      %add3A_54 = arith.constant 0 : i32
      %add3A_55 = arith.addi %add3A_53, %add3A_54 : i32
      %dma_wait3A_56 = arith.constant 0 : i32
      %dma_wait3A_57 = tpu.memref_slice %arg7[%add3A_55, %dma_wait3A_56] : memref<125x80xi32, #tpu.memory_space<vmem>> -> memref<1x80xi32, #tpu.memory_space<vmem>>
      %dma_wait3A_58 = tpu.memref_squeeze %dma_wait3A_57 : memref<1x80xi32, #tpu.memory_space<vmem>> -> memref<80xi32, #tpu.memory_space<vmem>>
      %dma_wait3A_59 = arith.constant 0 : i32
      %dma_wait3A_60 = arith.constant 0 : i32
      %dma_wait3A_61 = tpu.memref_slice %arg2[%dma_wait3A_59, %dma_wait3A_60] : memref<10000x128xf32, #tpu.memory_space<hbm>> -> memref<10000x128xf32, #tpu.memory_space<hbm>>
      tpu.wait_indirect_dma semaphore(%arg13 : memref<!tpu.dma_semaphore, #tpu.memory_space<semaphore_mem>>) src(%dma_wait3A_61 : memref<10000x128xf32, #tpu.memory_space<hbm>>) dst(%arg10 : memref<80x128xf32, #tpu.memory_space<vmem>>)
      %add3A_62 = arith.constant 0 : i32
      %add3A_63 = arith.addi %add3A_53, %add3A_62 : i32
      "tpu.region"() ({
        %run_scoped3A_110 = tpu.sem_alloc : memref<!tpu.dma_semaphore, #tpu.memory_space<semaphore_mem>>
        %dma_start3A_111 = arith.constant 0 : i32
        %dma_start3A_112 = tpu.memref_slice %arg8[%add3A_63, %dma_start3A_111] : memref<125x80xi32, #tpu.memory_space<vmem>> -> memref<1x80xi32, #tpu.memory_space<vmem>>
        %dma_start3A_113 = tpu.memref_squeeze %dma_start3A_112 : memref<1x80xi32, #tpu.memory_space<vmem>> -> memref<80xi32, #tpu.memory_space<vmem>>
        %dma_start3A_114 = arith.constant 0 : i32
        %dma_start3A_115 = arith.constant 0 : i32
        %dma_start3A_116 = tpu.memref_slice %arg9[%dma_start3A_114, %dma_start3A_115] : memref<10008x128xf32, #tpu.memory_space<vmem_shared>> -> memref<10008x128xf32, #tpu.memory_space<vmem_shared>>
        tpu.enqueue_indirect_dma source(%arg10 : memref<80x128xf32, #tpu.memory_space<vmem>>) target(%dma_start3A_116 : memref<10008x128xf32, #tpu.memory_space<vmem_shared>>) offsets(%dma_start3A_113 : memref<80xi32, #tpu.memory_space<vmem>>) semaphore(%run_scoped3A_110 : memref<!tpu.dma_semaphore, #tpu.memory_space<semaphore_mem>>) {add = true}
        %dma_wait3A_117 = arith.constant 0 : i32
        %dma_wait3A_118 = tpu.memref_slice %arg8[%add3A_63, %dma_wait3A_117] : memref<125x80xi32, #tpu.memory_space<vmem>> -> memref<1x80xi32, #tpu.memory_space<vmem>>
        %dma_wait3A_119 = tpu.memref_squeeze %dma_wait3A_118 : memref<1x80xi32, #tpu.memory_space<vmem>> -> memref<80xi32, #tpu.memory_space<vmem>>
        %dma_wait3A_120 = arith.constant 0 : i32
        %dma_wait3A_121 = arith.constant 0 : i32
        %dma_wait3A_122 = tpu.memref_slice %arg9[%dma_wait3A_120, %dma_wait3A_121] : memref<10008x128xf32, #tpu.memory_space<vmem_shared>> -> memref<10008x128xf32, #tpu.memory_space<vmem_shared>>
        tpu.wait_indirect_dma semaphore(%run_scoped3A_110 : memref<!tpu.dma_semaphore, #tpu.memory_space<semaphore_mem>>) src(%arg10 : memref<80x128xf32, #tpu.memory_space<vmem>>) dst(%dma_wait3A_122 : memref<10008x128xf32, #tpu.memory_space<vmem_shared>>)
        tpu.yield
      }) : () -> ()
      %add3A_64 = arith.constant 0 : i32
      %add3A_65 = arith.addi %add3A_53, %add3A_64 : i32
      %add3A_66 = arith.constant 3 : i32
      %add3A_67 = arith.addi %add3A_65, %add3A_66 : i32
      %lt3A = arith.constant 125 : i32
      %lt3A_68 = arith.cmpi slt, %add3A_67, %lt3A : i32
      %convert_element_type3A_69 = arith.extui %lt3A_68 : i1 to i32
      %cond3A_70 = arith.constant 0 : i32
      %cond3A_71 = arith.cmpi ne, %convert_element_type3A_69, %cond3A_70 : i32
      scf.if %cond3A_71 {
        %add3A_110 = arith.constant 0 : i32
        %add3A_111 = arith.addi %add3A_53, %add3A_110 : i32
        %add3A_112 = arith.constant 3 : i32
        %add3A_113 = arith.addi %add3A_111, %add3A_112 : i32
        %dma_start3A_114 = arith.constant 0 : i32
        %dma_start3A_115 = tpu.memref_slice %arg7[%add3A_113, %dma_start3A_114] : memref<125x80xi32, #tpu.memory_space<vmem>> -> memref<1x80xi32, #tpu.memory_space<vmem>>
        %dma_start3A_116 = tpu.memref_squeeze %dma_start3A_115 : memref<1x80xi32, #tpu.memory_space<vmem>> -> memref<80xi32, #tpu.memory_space<vmem>>
        %dma_start3A_117 = arith.constant 0 : i32
        %dma_start3A_118 = arith.constant 0 : i32
        %dma_start3A_119 = tpu.memref_slice %arg2[%dma_start3A_117, %dma_start3A_118] : memref<10000x128xf32, #tpu.memory_space<hbm>> -> memref<10000x128xf32, #tpu.memory_space<hbm>>
        tpu.enqueue_indirect_dma source(%dma_start3A_119 : memref<10000x128xf32, #tpu.memory_space<hbm>>) target(%arg10 : memref<80x128xf32, #tpu.memory_space<vmem>>) offsets(%dma_start3A_116 : memref<80xi32, #tpu.memory_space<vmem>>) semaphore(%arg13 : memref<!tpu.dma_semaphore, #tpu.memory_space<semaphore_mem>>)
      } else {
      }
      %add3A_72 = arith.constant 1 : i32
      %add3A_73 = arith.addi %add3A_53, %add3A_72 : i32
      %dma_wait3A_74 = arith.constant 0 : i32
      %dma_wait3A_75 = tpu.memref_slice %arg7[%add3A_73, %dma_wait3A_74] : memref<125x80xi32, #tpu.memory_space<vmem>> -> memref<1x80xi32, #tpu.memory_space<vmem>>
      %dma_wait3A_76 = tpu.memref_squeeze %dma_wait3A_75 : memref<1x80xi32, #tpu.memory_space<vmem>> -> memref<80xi32, #tpu.memory_space<vmem>>
      %dma_wait3A_77 = arith.constant 0 : i32
      %dma_wait3A_78 = arith.constant 0 : i32
      %dma_wait3A_79 = tpu.memref_slice %arg2[%dma_wait3A_77, %dma_wait3A_78] : memref<10000x128xf32, #tpu.memory_space<hbm>> -> memref<10000x128xf32, #tpu.memory_space<hbm>>
      tpu.wait_indirect_dma semaphore(%arg14 : memref<!tpu.dma_semaphore, #tpu.memory_space<semaphore_mem>>) src(%dma_wait3A_79 : memref<10000x128xf32, #tpu.memory_space<hbm>>) dst(%arg11 : memref<80x128xf32, #tpu.memory_space<vmem>>)
      %add3A_80 = arith.constant 1 : i32
      %add3A_81 = arith.addi %add3A_53, %add3A_80 : i32
      "tpu.region"() ({
        %run_scoped3A_110 = tpu.sem_alloc : memref<!tpu.dma_semaphore, #tpu.memory_space<semaphore_mem>>
        %dma_start3A_111 = arith.constant 0 : i32
        %dma_start3A_112 = tpu.memref_slice %arg8[%add3A_81, %dma_start3A_111] : memref<125x80xi32, #tpu.memory_space<vmem>> -> memref<1x80xi32, #tpu.memory_space<vmem>>
        %dma_start3A_113 = tpu.memref_squeeze %dma_start3A_112 : memref<1x80xi32, #tpu.memory_space<vmem>> -> memref<80xi32, #tpu.memory_space<vmem>>
        %dma_start3A_114 = arith.constant 0 : i32
        %dma_start3A_115 = arith.constant 0 : i32
        %dma_start3A_116 = tpu.memref_slice %arg9[%dma_start3A_114, %dma_start3A_115] : memref<10008x128xf32, #tpu.memory_space<vmem_shared>> -> memref<10008x128xf32, #tpu.memory_space<vmem_shared>>
        tpu.enqueue_indirect_dma source(%arg11 : memref<80x128xf32, #tpu.memory_space<vmem>>) target(%dma_start3A_116 : memref<10008x128xf32, #tpu.memory_space<vmem_shared>>) offsets(%dma_start3A_113 : memref<80xi32, #tpu.memory_space<vmem>>) semaphore(%run_scoped3A_110 : memref<!tpu.dma_semaphore, #tpu.memory_space<semaphore_mem>>) {add = true}
        %dma_wait3A_117 = arith.constant 0 : i32
        %dma_wait3A_118 = tpu.memref_slice %arg8[%add3A_81, %dma_wait3A_117] : memref<125x80xi32, #tpu.memory_space<vmem>> -> memref<1x80xi32, #tpu.memory_space<vmem>>
        %dma_wait3A_119 = tpu.memref_squeeze %dma_wait3A_118 : memref<1x80xi32, #tpu.memory_space<vmem>> -> memref<80xi32, #tpu.memory_space<vmem>>
        %dma_wait3A_120 = arith.constant 0 : i32
        %dma_wait3A_121 = arith.constant 0 : i32
        %dma_wait3A_122 = tpu.memref_slice %arg9[%dma_wait3A_120, %dma_wait3A_121] : memref<10008x128xf32, #tpu.memory_space<vmem_shared>> -> memref<10008x128xf32, #tpu.memory_space<vmem_shared>>
        tpu.wait_indirect_dma semaphore(%run_scoped3A_110 : memref<!tpu.dma_semaphore, #tpu.memory_space<semaphore_mem>>) src(%arg11 : memref<80x128xf32, #tpu.memory_space<vmem>>) dst(%dma_wait3A_122 : memref<10008x128xf32, #tpu.memory_space<vmem_shared>>)
        tpu.yield
      }) : () -> ()
      %add3A_82 = arith.constant 1 : i32
      %add3A_83 = arith.addi %add3A_53, %add3A_82 : i32
      %add3A_84 = arith.constant 3 : i32
      %add3A_85 = arith.addi %add3A_83, %add3A_84 : i32
      %lt3A_86 = arith.constant 125 : i32
      %lt3A_87 = arith.cmpi slt, %add3A_85, %lt3A_86 : i32
      %convert_element_type3A_88 = arith.extui %lt3A_87 : i1 to i32
      %cond3A_89 = arith.constant 0 : i32
      %cond3A_90 = arith.cmpi ne, %convert_element_type3A_88, %cond3A_89 : i32
      scf.if %cond3A_90 {
        %add3A_110 = arith.constant 1 : i32
        %add3A_111 = arith.addi %add3A_53, %add3A_110 : i32
        %add3A_112 = arith.constant 3 : i32
        %add3A_113 = arith.addi %add3A_111, %add3A_112 : i32
        %dma_start3A_114 = arith.constant 0 : i32
        %dma_start3A_115 = tpu.memref_slice %arg7[%add3A_113, %dma_start3A_114] : memref<125x80xi32, #tpu.memory_space<vmem>> -> memref<1x80xi32, #tpu.memory_space<vmem>>
        %dma_start3A_116 = tpu.memref_squeeze %dma_start3A_115 : memref<1x80xi32, #tpu.memory_space<vmem>> -> memref<80xi32, #tpu.memory_space<vmem>>
        %dma_start3A_117 = arith.constant 0 : i32
        %dma_start3A_118 = arith.constant 0 : i32
        %dma_start3A_119 = tpu.memref_slice %arg2[%dma_start3A_117, %dma_start3A_118] : memref<10000x128xf32, #tpu.memory_space<hbm>> -> memref<10000x128xf32, #tpu.memory_space<hbm>>
        tpu.enqueue_indirect_dma source(%dma_start3A_119 : memref<10000x128xf32, #tpu.memory_space<hbm>>) target(%arg11 : memref<80x128xf32, #tpu.memory_space<vmem>>) offsets(%dma_start3A_116 : memref<80xi32, #tpu.memory_space<vmem>>) semaphore(%arg14 : memref<!tpu.dma_semaphore, #tpu.memory_space<semaphore_mem>>)
      } else {
      }
      %add3A_91 = arith.constant 2 : i32
      %add3A_92 = arith.addi %add3A_53, %add3A_91 : i32
      %dma_wait3A_93 = arith.constant 0 : i32
      %dma_wait3A_94 = tpu.memref_slice %arg7[%add3A_92, %dma_wait3A_93] : memref<125x80xi32, #tpu.memory_space<vmem>> -> memref<1x80xi32, #tpu.memory_space<vmem>>
      %dma_wait3A_95 = tpu.memref_squeeze %dma_wait3A_94 : memref<1x80xi32, #tpu.memory_space<vmem>> -> memref<80xi32, #tpu.memory_space<vmem>>
      %dma_wait3A_96 = arith.constant 0 : i32
      %dma_wait3A_97 = arith.constant 0 : i32
      %dma_wait3A_98 = tpu.memref_slice %arg2[%dma_wait3A_96, %dma_wait3A_97] : memref<10000x128xf32, #tpu.memory_space<hbm>> -> memref<10000x128xf32, #tpu.memory_space<hbm>>
      tpu.wait_indirect_dma semaphore(%arg15 : memref<!tpu.dma_semaphore, #tpu.memory_space<semaphore_mem>>) src(%dma_wait3A_98 : memref<10000x128xf32, #tpu.memory_space<hbm>>) dst(%arg12 : memref<80x128xf32, #tpu.memory_space<vmem>>)
      %add3A_99 = arith.constant 2 : i32
      %add3A_100 = arith.addi %add3A_53, %add3A_99 : i32
      "tpu.region"() ({
        %run_scoped3A_110 = tpu.sem_alloc : memref<!tpu.dma_semaphore, #tpu.memory_space<semaphore_mem>>
        %dma_start3A_111 = arith.constant 0 : i32
        %dma_start3A_112 = tpu.memref_slice %arg8[%add3A_100, %dma_start3A_111] : memref<125x80xi32, #tpu.memory_space<vmem>> -> memref<1x80xi32, #tpu.memory_space<vmem>>
        %dma_start3A_113 = tpu.memref_squeeze %dma_start3A_112 : memref<1x80xi32, #tpu.memory_space<vmem>> -> memref<80xi32, #tpu.memory_space<vmem>>
        %dma_start3A_114 = arith.constant 0 : i32
        %dma_start3A_115 = arith.constant 0 : i32
        %dma_start3A_116 = tpu.memref_slice %arg9[%dma_start3A_114, %dma_start3A_115] : memref<10008x128xf32, #tpu.memory_space<vmem_shared>> -> memref<10008x128xf32, #tpu.memory_space<vmem_shared>>
        tpu.enqueue_indirect_dma source(%arg12 : memref<80x128xf32, #tpu.memory_space<vmem>>) target(%dma_start3A_116 : memref<10008x128xf32, #tpu.memory_space<vmem_shared>>) offsets(%dma_start3A_113 : memref<80xi32, #tpu.memory_space<vmem>>) semaphore(%run_scoped3A_110 : memref<!tpu.dma_semaphore, #tpu.memory_space<semaphore_mem>>) {add = true}
        %dma_wait3A_117 = arith.constant 0 : i32
        %dma_wait3A_118 = tpu.memref_slice %arg8[%add3A_100, %dma_wait3A_117] : memref<125x80xi32, #tpu.memory_space<vmem>> -> memref<1x80xi32, #tpu.memory_space<vmem>>
        %dma_wait3A_119 = tpu.memref_squeeze %dma_wait3A_118 : memref<1x80xi32, #tpu.memory_space<vmem>> -> memref<80xi32, #tpu.memory_space<vmem>>
        %dma_wait3A_120 = arith.constant 0 : i32
        %dma_wait3A_121 = arith.constant 0 : i32
        %dma_wait3A_122 = tpu.memref_slice %arg9[%dma_wait3A_120, %dma_wait3A_121] : memref<10008x128xf32, #tpu.memory_space<vmem_shared>> -> memref<10008x128xf32, #tpu.memory_space<vmem_shared>>
        tpu.wait_indirect_dma semaphore(%run_scoped3A_110 : memref<!tpu.dma_semaphore, #tpu.memory_space<semaphore_mem>>) src(%arg12 : memref<80x128xf32, #tpu.memory_space<vmem>>) dst(%dma_wait3A_122 : memref<10008x128xf32, #tpu.memory_space<vmem_shared>>)
        tpu.yield
      }) : () -> ()
      %add3A_101 = arith.constant 2 : i32
      %add3A_102 = arith.addi %add3A_53, %add3A_101 : i32
      %add3A_103 = arith.constant 3 : i32
      %add3A_104 = arith.addi %add3A_102, %add3A_103 : i32
      %lt3A_105 = arith.constant 125 : i32
      %lt3A_106 = arith.cmpi slt, %add3A_104, %lt3A_105 : i32
      %convert_element_type3A_107 = arith.extui %lt3A_106 : i1 to i32
      %cond3A_108 = arith.constant 0 : i32
      %cond3A_109 = arith.cmpi ne, %convert_element_type3A_107, %cond3A_108 : i32
      scf.if %cond3A_109 {
        %add3A_110 = arith.constant 2 : i32
        %add3A_111 = arith.addi %add3A_53, %add3A_110 : i32
        %add3A_112 = arith.constant 3 : i32
        %add3A_113 = arith.addi %add3A_111, %add3A_112 : i32
        %dma_start3A_114 = arith.constant 0 : i32
        %dma_start3A_115 = tpu.memref_slice %arg7[%add3A_113, %dma_start3A_114] : memref<125x80xi32, #tpu.memory_space<vmem>> -> memref<1x80xi32, #tpu.memory_space<vmem>>
        %dma_start3A_116 = tpu.memref_squeeze %dma_start3A_115 : memref<1x80xi32, #tpu.memory_space<vmem>> -> memref<80xi32, #tpu.memory_space<vmem>>
        %dma_start3A_117 = arith.constant 0 : i32
        %dma_start3A_118 = arith.constant 0 : i32
        %dma_start3A_119 = tpu.memref_slice %arg2[%dma_start3A_117, %dma_start3A_118] : memref<10000x128xf32, #tpu.memory_space<hbm>> -> memref<10000x128xf32, #tpu.memory_space<hbm>>
        tpu.enqueue_indirect_dma source(%dma_start3A_119 : memref<10000x128xf32, #tpu.memory_space<hbm>>) target(%arg12 : memref<80x128xf32, #tpu.memory_space<vmem>>) offsets(%dma_start3A_116 : memref<80xi32, #tpu.memory_space<vmem>>) semaphore(%arg15 : memref<!tpu.dma_semaphore, #tpu.memory_space<semaphore_mem>>)
      } else {
      }
    }
    %scan3A_28 = arith.constant 41 : i32
    %dma_wait3A = arith.constant 123 : i32
    %dma_wait3A_29 = arith.constant 0 : i32
    %dma_wait3A_30 = tpu.memref_slice %arg7[%dma_wait3A, %dma_wait3A_29] : memref<125x80xi32, #tpu.memory_space<vmem>> -> memref<1x80xi32, #tpu.memory_space<vmem>>
    %dma_wait3A_31 = tpu.memref_squeeze %dma_wait3A_30 : memref<1x80xi32, #tpu.memory_space<vmem>> -> memref<80xi32, #tpu.memory_space<vmem>>
    %dma_wait3A_32 = arith.constant 0 : i32
    %dma_wait3A_33 = arith.constant 0 : i32
    %dma_wait3A_34 = tpu.memref_slice %arg2[%dma_wait3A_32, %dma_wait3A_33] : memref<10000x128xf32, #tpu.memory_space<hbm>> -> memref<10000x128xf32, #tpu.memory_space<hbm>>
    tpu.wait_indirect_dma semaphore(%arg13 : memref<!tpu.dma_semaphore, #tpu.memory_space<semaphore_mem>>) src(%dma_wait3A_34 : memref<10000x128xf32, #tpu.memory_space<hbm>>) dst(%arg10 : memref<80x128xf32, #tpu.memory_space<vmem>>)
    %run_scoped3A = arith.constant 123 : i32
    "tpu.region"() ({
      %run_scoped3A_49 = tpu.sem_alloc : memref<!tpu.dma_semaphore, #tpu.memory_space<semaphore_mem>>
      %dma_start3A_50 = arith.constant 0 : i32
      %dma_start3A_51 = tpu.memref_slice %arg8[%run_scoped3A, %dma_start3A_50] : memref<125x80xi32, #tpu.memory_space<vmem>> -> memref<1x80xi32, #tpu.memory_space<vmem>>
      %dma_start3A_52 = tpu.memref_squeeze %dma_start3A_51 : memref<1x80xi32, #tpu.memory_space<vmem>> -> memref<80xi32, #tpu.memory_space<vmem>>
      %dma_start3A_53 = arith.constant 0 : i32
      %dma_start3A_54 = arith.constant 0 : i32
      %dma_start3A_55 = tpu.memref_slice %arg9[%dma_start3A_53, %dma_start3A_54] : memref<10008x128xf32, #tpu.memory_space<vmem_shared>> -> memref<10008x128xf32, #tpu.memory_space<vmem_shared>>
      tpu.enqueue_indirect_dma source(%arg10 : memref<80x128xf32, #tpu.memory_space<vmem>>) target(%dma_start3A_55 : memref<10008x128xf32, #tpu.memory_space<vmem_shared>>) offsets(%dma_start3A_52 : memref<80xi32, #tpu.memory_space<vmem>>) semaphore(%run_scoped3A_49 : memref<!tpu.dma_semaphore, #tpu.memory_space<semaphore_mem>>) {add = true}
      %dma_wait3A_56 = arith.constant 0 : i32
      %dma_wait3A_57 = tpu.memref_slice %arg8[%run_scoped3A, %dma_wait3A_56] : memref<125x80xi32, #tpu.memory_space<vmem>> -> memref<1x80xi32, #tpu.memory_space<vmem>>
      %dma_wait3A_58 = tpu.memref_squeeze %dma_wait3A_57 : memref<1x80xi32, #tpu.memory_space<vmem>> -> memref<80xi32, #tpu.memory_space<vmem>>
      %dma_wait3A_59 = arith.constant 0 : i32
      %dma_wait3A_60 = arith.constant 0 : i32
      %dma_wait3A_61 = tpu.memref_slice %arg9[%dma_wait3A_59, %dma_wait3A_60] : memref<10008x128xf32, #tpu.memory_space<vmem_shared>> -> memref<10008x128xf32, #tpu.memory_space<vmem_shared>>
      tpu.wait_indirect_dma semaphore(%run_scoped3A_49 : memref<!tpu.dma_semaphore, #tpu.memory_space<semaphore_mem>>) src(%arg10 : memref<80x128xf32, #tpu.memory_space<vmem>>) dst(%dma_wait3A_61 : memref<10008x128xf32, #tpu.memory_space<vmem_shared>>)
      tpu.yield
    }) : () -> ()
    %dma_wait3A_35 = arith.constant 124 : i32
    %dma_wait3A_36 = arith.constant 0 : i32
    %dma_wait3A_37 = tpu.memref_slice %arg7[%dma_wait3A_35, %dma_wait3A_36] : memref<125x80xi32, #tpu.memory_space<vmem>> -> memref<1x80xi32, #tpu.memory_space<vmem>>
    %dma_wait3A_38 = tpu.memref_squeeze %dma_wait3A_37 : memref<1x80xi32, #tpu.memory_space<vmem>> -> memref<80xi32, #tpu.memory_space<vmem>>
    %dma_wait3A_39 = arith.constant 0 : i32
    %dma_wait3A_40 = arith.constant 0 : i32
    %dma_wait3A_41 = tpu.memref_slice %arg2[%dma_wait3A_39, %dma_wait3A_40] : memref<10000x128xf32, #tpu.memory_space<hbm>> -> memref<10000x128xf32, #tpu.memory_space<hbm>>
    tpu.wait_indirect_dma semaphore(%arg14 : memref<!tpu.dma_semaphore, #tpu.memory_space<semaphore_mem>>) src(%dma_wait3A_41 : memref<10000x128xf32, #tpu.memory_space<hbm>>) dst(%arg11 : memref<80x128xf32, #tpu.memory_space<vmem>>)
    %run_scoped3A_42 = arith.constant 124 : i32
    "tpu.region"() ({
      %run_scoped3A_49 = tpu.sem_alloc : memref<!tpu.dma_semaphore, #tpu.memory_space<semaphore_mem>>
      %dma_start3A_50 = arith.constant 0 : i32
      %dma_start3A_51 = tpu.memref_slice %arg8[%run_scoped3A_42, %dma_start3A_50] : memref<125x80xi32, #tpu.memory_space<vmem>> -> memref<1x80xi32, #tpu.memory_space<vmem>>
      %dma_start3A_52 = tpu.memref_squeeze %dma_start3A_51 : memref<1x80xi32, #tpu.memory_space<vmem>> -> memref<80xi32, #tpu.memory_space<vmem>>
      %dma_start3A_53 = arith.constant 0 : i32
      %dma_start3A_54 = arith.constant 0 : i32
      %dma_start3A_55 = tpu.memref_slice %arg9[%dma_start3A_53, %dma_start3A_54] : memref<10008x128xf32, #tpu.memory_space<vmem_shared>> -> memref<10008x128xf32, #tpu.memory_space<vmem_shared>>
      tpu.enqueue_indirect_dma source(%arg11 : memref<80x128xf32, #tpu.memory_space<vmem>>) target(%dma_start3A_55 : memref<10008x128xf32, #tpu.memory_space<vmem_shared>>) offsets(%dma_start3A_52 : memref<80xi32, #tpu.memory_space<vmem>>) semaphore(%run_scoped3A_49 : memref<!tpu.dma_semaphore, #tpu.memory_space<semaphore_mem>>) {add = true}
      %dma_wait3A_56 = arith.constant 0 : i32
      %dma_wait3A_57 = tpu.memref_slice %arg8[%run_scoped3A_42, %dma_wait3A_56] : memref<125x80xi32, #tpu.memory_space<vmem>> -> memref<1x80xi32, #tpu.memory_space<vmem>>
      %dma_wait3A_58 = tpu.memref_squeeze %dma_wait3A_57 : memref<1x80xi32, #tpu.memory_space<vmem>> -> memref<80xi32, #tpu.memory_space<vmem>>
      %dma_wait3A_59 = arith.constant 0 : i32
      %dma_wait3A_60 = arith.constant 0 : i32
      %dma_wait3A_61 = tpu.memref_slice %arg9[%dma_wait3A_59, %dma_wait3A_60] : memref<10008x128xf32, #tpu.memory_space<vmem_shared>> -> memref<10008x128xf32, #tpu.memory_space<vmem_shared>>
      tpu.wait_indirect_dma semaphore(%run_scoped3A_49 : memref<!tpu.dma_semaphore, #tpu.memory_space<semaphore_mem>>) src(%arg11 : memref<80x128xf32, #tpu.memory_space<vmem>>) dst(%dma_wait3A_61 : memref<10008x128xf32, #tpu.memory_space<vmem_shared>>)
      tpu.yield
    }) : () -> ()
    %barrier3A_43 = arith.constant 0 : index
    tpu.barrier barrier_id(%barrier3A_43)
    "tpu.region"() ({
      %run_scoped3A_49 = tpu.sem_alloc : memref<!tpu.dma_semaphore, #tpu.memory_space<semaphore_mem>>
      %dma_start3A_50 = arith.constant 0 : i32
      %dma_start3A_51 = tpu.memref_slice %arg6[%arg0, %mul3A_2, %dma_start3A_50] : memref<2x10008x128xf32, #tpu.memory_space<hbm>> -> memref<1x624x128xf32, #tpu.memory_space<hbm>>
      %dma_start3A_52 = tpu.memref_squeeze %dma_start3A_51 : memref<1x624x128xf32, #tpu.memory_space<hbm>> -> memref<624x128xf32, #tpu.memory_space<hbm>>
      %dma_start3A_53 = arith.constant 0 : i32
      %dma_start3A_54 = tpu.memref_slice %arg9[%mul3A_2, %dma_start3A_53] : memref<10008x128xf32, #tpu.memory_space<vmem_shared>> -> memref<624x128xf32, #tpu.memory_space<vmem_shared>>
      tpu.enqueue_dma source(%dma_start3A_54 : memref<624x128xf32, #tpu.memory_space<vmem_shared>>) target(%dma_start3A_52 : memref<624x128xf32, #tpu.memory_space<hbm>>) target_semaphore(%run_scoped3A_49 : memref<!tpu.dma_semaphore, #tpu.memory_space<semaphore_mem>>)
      %dma_wait3A_55 = arith.constant 0 : i32
      %dma_wait3A_56 = tpu.memref_slice %arg6[%arg0, %mul3A_2, %dma_wait3A_55] : memref<2x10008x128xf32, #tpu.memory_space<hbm>> -> memref<1x624x128xf32, #tpu.memory_space<hbm>>
      %dma_wait3A_57 = tpu.memref_squeeze %dma_wait3A_56 : memref<1x624x128xf32, #tpu.memory_space<hbm>> -> memref<624x128xf32, #tpu.memory_space<hbm>>
      %dma_wait3A_58 = arith.constant 0 : i32
      %dma_wait3A_59 = tpu.memref_slice %arg9[%mul3A_2, %dma_wait3A_58] : memref<10008x128xf32, #tpu.memory_space<vmem_shared>> -> memref<624x128xf32, #tpu.memory_space<vmem_shared>>
      tpu.wait_dma2 semaphore(%run_scoped3A_49 : memref<!tpu.dma_semaphore, #tpu.memory_space<semaphore_mem>>) src(%dma_wait3A_59 : memref<624x128xf32, #tpu.memory_space<vmem_shared>>) dst(%dma_wait3A_57 : memref<624x128xf32, #tpu.memory_space<hbm>>)
      tpu.yield
    }) : () -> ()
    %eq3A_44 = arith.constant 0 : i32
    %eq3A_45 = arith.cmpi eq, %arg1, %eq3A_44 : i32
    %convert_element_type3A_46 = arith.extui %eq3A_45 : i1 to i32
    %cond3A_47 = arith.constant 0 : i32
    %cond3A_48 = arith.cmpi ne, %convert_element_type3A_46, %cond3A_47 : i32
    scf.if %cond3A_48 {
      "tpu.region"() ({
        %run_scoped3A_49 = tpu.sem_alloc : memref<!tpu.dma_semaphore, #tpu.memory_space<semaphore_mem>>
        %dma_start3A_50 = arith.constant 9984 : i32
        %dma_start3A_51 = arith.constant 0 : i32
        %dma_start3A_52 = tpu.memref_slice %arg6[%arg0, %dma_start3A_50, %dma_start3A_51] : memref<2x10008x128xf32, #tpu.memory_space<hbm>> -> memref<1x24x128xf32, #tpu.memory_space<hbm>>
        %dma_start3A_53 = tpu.memref_squeeze %dma_start3A_52 : memref<1x24x128xf32, #tpu.memory_space<hbm>> -> memref<24x128xf32, #tpu.memory_space<hbm>>
        %dma_start3A_54 = arith.constant 9984 : i32
        %dma_start3A_55 = arith.constant 0 : i32
        %dma_start3A_56 = tpu.memref_slice %arg9[%dma_start3A_54, %dma_start3A_55] : memref<10008x128xf32, #tpu.memory_space<vmem_shared>> -> memref<24x128xf32, #tpu.memory_space<vmem_shared>>
        tpu.enqueue_dma source(%dma_start3A_56 : memref<24x128xf32, #tpu.memory_space<vmem_shared>>) target(%dma_start3A_53 : memref<24x128xf32, #tpu.memory_space<hbm>>) target_semaphore(%run_scoped3A_49 : memref<!tpu.dma_semaphore, #tpu.memory_space<semaphore_mem>>)
        %dma_wait3A_57 = arith.constant 9984 : i32
        %dma_wait3A_58 = arith.constant 0 : i32
        %dma_wait3A_59 = tpu.memref_slice %arg6[%arg0, %dma_wait3A_57, %dma_wait3A_58] : memref<2x10008x128xf32, #tpu.memory_space<hbm>> -> memref<1x24x128xf32, #tpu.memory_space<hbm>>
        %dma_wait3A_60 = tpu.memref_squeeze %dma_wait3A_59 : memref<1x24x128xf32, #tpu.memory_space<hbm>> -> memref<24x128xf32, #tpu.memory_space<hbm>>
        %dma_wait3A_61 = arith.constant 9984 : i32
        %dma_wait3A_62 = arith.constant 0 : i32
        %dma_wait3A_63 = tpu.memref_slice %arg9[%dma_wait3A_61, %dma_wait3A_62] : memref<10008x128xf32, #tpu.memory_space<vmem_shared>> -> memref<24x128xf32, #tpu.memory_space<vmem_shared>>
        tpu.wait_dma2 semaphore(%run_scoped3A_49 : memref<!tpu.dma_semaphore, #tpu.memory_space<semaphore_mem>>) src(%dma_wait3A_63 : memref<24x128xf32, #tpu.memory_space<vmem_shared>>) dst(%dma_wait3A_60 : memref<24x128xf32, #tpu.memory_space<hbm>>)
        tpu.yield
      }) : () -> ()
    } else {
    }
    return
  }
}

#map = affine_map<(d0, d1) -> (0, 0)>
#map1 = affine_map<(d0, d1) -> (0, 0, 0)>
module attributes {stable_mosaic.version = 14 : i64} {
  func.func @degree(%arg0: i32, %arg1: i32, %arg2: memref<80x16xf32, #tpu.memory_space<hbm>>, %arg3: memref<32x125x80xi32, #tpu.memory_space<hbm>>, %arg4: memref<10008x16xf32, #tpu.memory_space<hbm>>, %arg5: memref<10008x128xf32, #tpu.memory_space<hbm>>, %arg6: memref<125x80xi32, #tpu.memory_space<vmem>>, %arg7: memref<80x16xf32, #tpu.memory_space<vmem>>, %arg8: memref<10008x16xf32, #tpu.memory_space<vmem_shared>>, %arg9: memref<!tpu.dma_semaphore, #tpu.memory_space<semaphore_mem>>) attributes {dimension_semantics = [#tpu.dimension_semantics<core_parallel>, #tpu.dimension_semantics<subcore_parallel>], iteration_bounds = array<i64: 2, 16>, scalar_prefetch = 0 : i64, scratch_operands = 4 : i64, tpu.core_type = #tpu.core_type<sc_vector_subcore>, window_params = [{transform_indices = #map}, {transform_indices = #map1}, {transform_indices = #map}, {transform_indices = #map}]} {
    %mul3A = arith.constant 16 : i32
    %mul3A_0 = arith.muli %arg0, %mul3A : i32
    %add3A = arith.addi %mul3A_0, %arg1 : i32
    "tpu.region"() ({
      %run_scoped3A = tpu.sem_alloc : memref<!tpu.dma_semaphore, #tpu.memory_space<semaphore_mem>>
      %dma_start3A = arith.constant 0 : i32
      %dma_start3A_17 = arith.constant 0 : i32
      %dma_start3A_18 = tpu.memref_slice %arg3[%add3A, %dma_start3A, %dma_start3A_17] : memref<32x125x80xi32, #tpu.memory_space<hbm>> -> memref<1x125x80xi32, #tpu.memory_space<hbm>>
      %dma_start3A_19 = tpu.memref_squeeze %dma_start3A_18 : memref<1x125x80xi32, #tpu.memory_space<hbm>> -> memref<125x80xi32, #tpu.memory_space<hbm>>
      %dma_start3A_20 = arith.constant 0 : i32
      %dma_start3A_21 = arith.constant 0 : i32
      %dma_start3A_22 = tpu.memref_slice %arg3[%add3A, %dma_start3A_20, %dma_start3A_21] : memref<32x125x80xi32, #tpu.memory_space<hbm>> -> memref<1x125x80xi32, #tpu.memory_space<hbm>>
      %dma_start3A_23 = tpu.memref_squeeze %dma_start3A_22 : memref<1x125x80xi32, #tpu.memory_space<hbm>> -> memref<125x80xi32, #tpu.memory_space<hbm>>
      tpu.enqueue_dma source(%dma_start3A_23 : memref<125x80xi32, #tpu.memory_space<hbm>>) target(%arg6 : memref<125x80xi32, #tpu.memory_space<vmem>>) target_semaphore(%run_scoped3A : memref<!tpu.dma_semaphore, #tpu.memory_space<semaphore_mem>>)
      %dma_wait3A = arith.constant 0 : i32
      %dma_wait3A_24 = arith.constant 0 : i32
      %dma_wait3A_25 = tpu.memref_slice %arg3[%add3A, %dma_wait3A, %dma_wait3A_24] : memref<32x125x80xi32, #tpu.memory_space<hbm>> -> memref<1x125x80xi32, #tpu.memory_space<hbm>>
      %dma_wait3A_26 = tpu.memref_squeeze %dma_wait3A_25 : memref<1x125x80xi32, #tpu.memory_space<hbm>> -> memref<125x80xi32, #tpu.memory_space<hbm>>
      %dma_wait3A_27 = arith.constant 0 : i32
      %dma_wait3A_28 = arith.constant 0 : i32
      %dma_wait3A_29 = tpu.memref_slice %arg3[%add3A, %dma_wait3A_27, %dma_wait3A_28] : memref<32x125x80xi32, #tpu.memory_space<hbm>> -> memref<1x125x80xi32, #tpu.memory_space<hbm>>
      %dma_wait3A_30 = tpu.memref_squeeze %dma_wait3A_29 : memref<1x125x80xi32, #tpu.memory_space<hbm>> -> memref<125x80xi32, #tpu.memory_space<hbm>>
      tpu.wait_dma2 semaphore(%run_scoped3A : memref<!tpu.dma_semaphore, #tpu.memory_space<semaphore_mem>>) src(%dma_wait3A_30 : memref<125x80xi32, #tpu.memory_space<hbm>>) dst(%arg6 : memref<125x80xi32, #tpu.memory_space<vmem>>)
      tpu.yield
    }) : () -> ()
    "tpu.region"() ({
      %run_scoped3A = tpu.sem_alloc : memref<!tpu.dma_semaphore, #tpu.memory_space<semaphore_mem>>
      tpu.enqueue_dma source(%arg2 : memref<80x16xf32, #tpu.memory_space<hbm>>) target(%arg7 : memref<80x16xf32, #tpu.memory_space<vmem>>) target_semaphore(%run_scoped3A : memref<!tpu.dma_semaphore, #tpu.memory_space<semaphore_mem>>)
      tpu.wait_dma2 semaphore(%run_scoped3A : memref<!tpu.dma_semaphore, #tpu.memory_space<semaphore_mem>>) src(%arg2 : memref<80x16xf32, #tpu.memory_space<hbm>>) dst(%arg7 : memref<80x16xf32, #tpu.memory_space<vmem>>)
      tpu.yield
    }) : () -> ()
    %mul3A_1 = arith.constant 624 : i32
    %mul3A_2 = arith.muli %arg1, %mul3A_1 : i32
    "tpu.region"() ({
      %run_scoped3A = tpu.sem_alloc : memref<!tpu.dma_semaphore, #tpu.memory_space<semaphore_mem>>
      %dma_start3A = arith.constant 0 : i32
      %dma_start3A_17 = tpu.memref_slice %arg8[%mul3A_2, %dma_start3A] : memref<10008x16xf32, #tpu.memory_space<vmem_shared>> -> memref<624x16xf32, #tpu.memory_space<vmem_shared>>
      %dma_start3A_18 = arith.constant 0 : i32
      %dma_start3A_19 = tpu.memref_slice %arg4[%mul3A_2, %dma_start3A_18] : memref<10008x16xf32, #tpu.memory_space<hbm>> -> memref<624x16xf32, #tpu.memory_space<hbm>>
      tpu.enqueue_dma source(%dma_start3A_19 : memref<624x16xf32, #tpu.memory_space<hbm>>) target(%dma_start3A_17 : memref<624x16xf32, #tpu.memory_space<vmem_shared>>) target_semaphore(%run_scoped3A : memref<!tpu.dma_semaphore, #tpu.memory_space<semaphore_mem>>)
      %dma_wait3A = arith.constant 0 : i32
      %dma_wait3A_20 = tpu.memref_slice %arg8[%mul3A_2, %dma_wait3A] : memref<10008x16xf32, #tpu.memory_space<vmem_shared>> -> memref<624x16xf32, #tpu.memory_space<vmem_shared>>
      %dma_wait3A_21 = arith.constant 0 : i32
      %dma_wait3A_22 = tpu.memref_slice %arg4[%mul3A_2, %dma_wait3A_21] : memref<10008x16xf32, #tpu.memory_space<hbm>> -> memref<624x16xf32, #tpu.memory_space<hbm>>
      tpu.wait_dma2 semaphore(%run_scoped3A : memref<!tpu.dma_semaphore, #tpu.memory_space<semaphore_mem>>) src(%dma_wait3A_22 : memref<624x16xf32, #tpu.memory_space<hbm>>) dst(%dma_wait3A_20 : memref<624x16xf32, #tpu.memory_space<vmem_shared>>)
      tpu.yield
    }) : () -> ()
    %eq3A = arith.constant 0 : i32
    %eq3A_3 = arith.cmpi eq, %arg1, %eq3A : i32
    %convert_element_type3A = arith.extui %eq3A_3 : i1 to i32
    %cond3A = arith.constant 0 : i32
    %cond3A_4 = arith.cmpi ne, %convert_element_type3A, %cond3A : i32
    scf.if %cond3A_4 {
      "tpu.region"() ({
        %run_scoped3A = tpu.sem_alloc : memref<!tpu.dma_semaphore, #tpu.memory_space<semaphore_mem>>
        %dma_start3A = arith.constant 9984 : i32
        %dma_start3A_17 = arith.constant 0 : i32
        %dma_start3A_18 = tpu.memref_slice %arg8[%dma_start3A, %dma_start3A_17] : memref<10008x16xf32, #tpu.memory_space<vmem_shared>> -> memref<24x16xf32, #tpu.memory_space<vmem_shared>>
        %dma_start3A_19 = arith.constant 9984 : i32
        %dma_start3A_20 = arith.constant 0 : i32
        %dma_start3A_21 = tpu.memref_slice %arg4[%dma_start3A_19, %dma_start3A_20] : memref<10008x16xf32, #tpu.memory_space<hbm>> -> memref<24x16xf32, #tpu.memory_space<hbm>>
        tpu.enqueue_dma source(%dma_start3A_21 : memref<24x16xf32, #tpu.memory_space<hbm>>) target(%dma_start3A_18 : memref<24x16xf32, #tpu.memory_space<vmem_shared>>) target_semaphore(%run_scoped3A : memref<!tpu.dma_semaphore, #tpu.memory_space<semaphore_mem>>)
        %dma_wait3A = arith.constant 9984 : i32
        %dma_wait3A_22 = arith.constant 0 : i32
        %dma_wait3A_23 = tpu.memref_slice %arg8[%dma_wait3A, %dma_wait3A_22] : memref<10008x16xf32, #tpu.memory_space<vmem_shared>> -> memref<24x16xf32, #tpu.memory_space<vmem_shared>>
        %dma_wait3A_24 = arith.constant 9984 : i32
        %dma_wait3A_25 = arith.constant 0 : i32
        %dma_wait3A_26 = tpu.memref_slice %arg4[%dma_wait3A_24, %dma_wait3A_25] : memref<10008x16xf32, #tpu.memory_space<hbm>> -> memref<24x16xf32, #tpu.memory_space<hbm>>
        tpu.wait_dma2 semaphore(%run_scoped3A : memref<!tpu.dma_semaphore, #tpu.memory_space<semaphore_mem>>) src(%dma_wait3A_26 : memref<24x16xf32, #tpu.memory_space<hbm>>) dst(%dma_wait3A_23 : memref<24x16xf32, #tpu.memory_space<vmem_shared>>)
        tpu.yield
      }) : () -> ()
    } else {
    }
    %barrier3A = arith.constant 0 : index
    tpu.barrier barrier_id(%barrier3A)
    %scan3A = arith.constant 0 : i32
    %scan3A_5 = arith.constant 25 : i32
    %scan3A_6 = arith.addi %scan3A, %scan3A_5 : i32
    %scan3A_7 = arith.constant 1 : i32
    scf.for %scan3A_17 = %scan3A to %scan3A_6 step %scan3A_7  : i32 {
      %mul3A_18 = arith.constant 5 : i32
      %mul3A_19 = arith.muli %scan3A_17, %mul3A_18 : i32
      %add3A_20 = arith.constant 0 : i32
      %add3A_21 = arith.addi %add3A_20, %mul3A_19 : i32
      %add3A_22 = arith.constant 0 : i32
      %add3A_23 = arith.addi %add3A_21, %add3A_22 : i32
      %dma_start3A = arith.constant 0 : i32
      %dma_start3A_24 = tpu.memref_slice %arg6[%add3A_23, %dma_start3A] : memref<125x80xi32, #tpu.memory_space<vmem>> -> memref<1x80xi32, #tpu.memory_space<vmem>>
      %dma_start3A_25 = tpu.memref_squeeze %dma_start3A_24 : memref<1x80xi32, #tpu.memory_space<vmem>> -> memref<80xi32, #tpu.memory_space<vmem>>
      %dma_start3A_26 = arith.constant 0 : i32
      %dma_start3A_27 = arith.constant 0 : i32
      %dma_start3A_28 = tpu.memref_slice %arg8[%dma_start3A_26, %dma_start3A_27] : memref<10008x16xf32, #tpu.memory_space<vmem_shared>> -> memref<10008x16xf32, #tpu.memory_space<vmem_shared>>
      tpu.enqueue_indirect_dma source(%arg7 : memref<80x16xf32, #tpu.memory_space<vmem>>) target(%dma_start3A_28 : memref<10008x16xf32, #tpu.memory_space<vmem_shared>>) offsets(%dma_start3A_25 : memref<80xi32, #tpu.memory_space<vmem>>) semaphore(%arg9 : memref<!tpu.dma_semaphore, #tpu.memory_space<semaphore_mem>>) {add = true}
      %add3A_29 = arith.constant 1 : i32
      %add3A_30 = arith.addi %add3A_21, %add3A_29 : i32
      %dma_start3A_31 = arith.constant 0 : i32
      %dma_start3A_32 = tpu.memref_slice %arg6[%add3A_30, %dma_start3A_31] : memref<125x80xi32, #tpu.memory_space<vmem>> -> memref<1x80xi32, #tpu.memory_space<vmem>>
      %dma_start3A_33 = tpu.memref_squeeze %dma_start3A_32 : memref<1x80xi32, #tpu.memory_space<vmem>> -> memref<80xi32, #tpu.memory_space<vmem>>
      %dma_start3A_34 = arith.constant 0 : i32
      %dma_start3A_35 = arith.constant 0 : i32
      %dma_start3A_36 = tpu.memref_slice %arg8[%dma_start3A_34, %dma_start3A_35] : memref<10008x16xf32, #tpu.memory_space<vmem_shared>> -> memref<10008x16xf32, #tpu.memory_space<vmem_shared>>
      tpu.enqueue_indirect_dma source(%arg7 : memref<80x16xf32, #tpu.memory_space<vmem>>) target(%dma_start3A_36 : memref<10008x16xf32, #tpu.memory_space<vmem_shared>>) offsets(%dma_start3A_33 : memref<80xi32, #tpu.memory_space<vmem>>) semaphore(%arg9 : memref<!tpu.dma_semaphore, #tpu.memory_space<semaphore_mem>>) {add = true}
      %add3A_37 = arith.constant 2 : i32
      %add3A_38 = arith.addi %add3A_21, %add3A_37 : i32
      %dma_start3A_39 = arith.constant 0 : i32
      %dma_start3A_40 = tpu.memref_slice %arg6[%add3A_38, %dma_start3A_39] : memref<125x80xi32, #tpu.memory_space<vmem>> -> memref<1x80xi32, #tpu.memory_space<vmem>>
      %dma_start3A_41 = tpu.memref_squeeze %dma_start3A_40 : memref<1x80xi32, #tpu.memory_space<vmem>> -> memref<80xi32, #tpu.memory_space<vmem>>
      %dma_start3A_42 = arith.constant 0 : i32
      %dma_start3A_43 = arith.constant 0 : i32
      %dma_start3A_44 = tpu.memref_slice %arg8[%dma_start3A_42, %dma_start3A_43] : memref<10008x16xf32, #tpu.memory_space<vmem_shared>> -> memref<10008x16xf32, #tpu.memory_space<vmem_shared>>
      tpu.enqueue_indirect_dma source(%arg7 : memref<80x16xf32, #tpu.memory_space<vmem>>) target(%dma_start3A_44 : memref<10008x16xf32, #tpu.memory_space<vmem_shared>>) offsets(%dma_start3A_41 : memref<80xi32, #tpu.memory_space<vmem>>) semaphore(%arg9 : memref<!tpu.dma_semaphore, #tpu.memory_space<semaphore_mem>>) {add = true}
      %add3A_45 = arith.constant 3 : i32
      %add3A_46 = arith.addi %add3A_21, %add3A_45 : i32
      %dma_start3A_47 = arith.constant 0 : i32
      %dma_start3A_48 = tpu.memref_slice %arg6[%add3A_46, %dma_start3A_47] : memref<125x80xi32, #tpu.memory_space<vmem>> -> memref<1x80xi32, #tpu.memory_space<vmem>>
      %dma_start3A_49 = tpu.memref_squeeze %dma_start3A_48 : memref<1x80xi32, #tpu.memory_space<vmem>> -> memref<80xi32, #tpu.memory_space<vmem>>
      %dma_start3A_50 = arith.constant 0 : i32
      %dma_start3A_51 = arith.constant 0 : i32
      %dma_start3A_52 = tpu.memref_slice %arg8[%dma_start3A_50, %dma_start3A_51] : memref<10008x16xf32, #tpu.memory_space<vmem_shared>> -> memref<10008x16xf32, #tpu.memory_space<vmem_shared>>
      tpu.enqueue_indirect_dma source(%arg7 : memref<80x16xf32, #tpu.memory_space<vmem>>) target(%dma_start3A_52 : memref<10008x16xf32, #tpu.memory_space<vmem_shared>>) offsets(%dma_start3A_49 : memref<80xi32, #tpu.memory_space<vmem>>) semaphore(%arg9 : memref<!tpu.dma_semaphore, #tpu.memory_space<semaphore_mem>>) {add = true}
      %add3A_53 = arith.constant 4 : i32
      %add3A_54 = arith.addi %add3A_21, %add3A_53 : i32
      %dma_start3A_55 = arith.constant 0 : i32
      %dma_start3A_56 = tpu.memref_slice %arg6[%add3A_54, %dma_start3A_55] : memref<125x80xi32, #tpu.memory_space<vmem>> -> memref<1x80xi32, #tpu.memory_space<vmem>>
      %dma_start3A_57 = tpu.memref_squeeze %dma_start3A_56 : memref<1x80xi32, #tpu.memory_space<vmem>> -> memref<80xi32, #tpu.memory_space<vmem>>
      %dma_start3A_58 = arith.constant 0 : i32
      %dma_start3A_59 = arith.constant 0 : i32
      %dma_start3A_60 = tpu.memref_slice %arg8[%dma_start3A_58, %dma_start3A_59] : memref<10008x16xf32, #tpu.memory_space<vmem_shared>> -> memref<10008x16xf32, #tpu.memory_space<vmem_shared>>
      tpu.enqueue_indirect_dma source(%arg7 : memref<80x16xf32, #tpu.memory_space<vmem>>) target(%dma_start3A_60 : memref<10008x16xf32, #tpu.memory_space<vmem_shared>>) offsets(%dma_start3A_57 : memref<80xi32, #tpu.memory_space<vmem>>) semaphore(%arg9 : memref<!tpu.dma_semaphore, #tpu.memory_space<semaphore_mem>>) {add = true}
      %add3A_61 = arith.constant 0 : i32
      %add3A_62 = arith.addi %add3A_21, %add3A_61 : i32
      %dma_wait3A = arith.constant 0 : i32
      %dma_wait3A_63 = tpu.memref_slice %arg6[%add3A_62, %dma_wait3A] : memref<125x80xi32, #tpu.memory_space<vmem>> -> memref<1x80xi32, #tpu.memory_space<vmem>>
      %dma_wait3A_64 = tpu.memref_squeeze %dma_wait3A_63 : memref<1x80xi32, #tpu.memory_space<vmem>> -> memref<80xi32, #tpu.memory_space<vmem>>
      %dma_wait3A_65 = arith.constant 0 : i32
      %dma_wait3A_66 = arith.constant 0 : i32
      %dma_wait3A_67 = tpu.memref_slice %arg8[%dma_wait3A_65, %dma_wait3A_66] : memref<10008x16xf32, #tpu.memory_space<vmem_shared>> -> memref<10008x16xf32, #tpu.memory_space<vmem_shared>>
      tpu.wait_indirect_dma semaphore(%arg9 : memref<!tpu.dma_semaphore, #tpu.memory_space<semaphore_mem>>) src(%arg7 : memref<80x16xf32, #tpu.memory_space<vmem>>) dst(%dma_wait3A_67 : memref<10008x16xf32, #tpu.memory_space<vmem_shared>>)
      %add3A_68 = arith.constant 1 : i32
      %add3A_69 = arith.addi %add3A_21, %add3A_68 : i32
      %dma_wait3A_70 = arith.constant 0 : i32
      %dma_wait3A_71 = tpu.memref_slice %arg6[%add3A_69, %dma_wait3A_70] : memref<125x80xi32, #tpu.memory_space<vmem>> -> memref<1x80xi32, #tpu.memory_space<vmem>>
      %dma_wait3A_72 = tpu.memref_squeeze %dma_wait3A_71 : memref<1x80xi32, #tpu.memory_space<vmem>> -> memref<80xi32, #tpu.memory_space<vmem>>
      %dma_wait3A_73 = arith.constant 0 : i32
      %dma_wait3A_74 = arith.constant 0 : i32
      %dma_wait3A_75 = tpu.memref_slice %arg8[%dma_wait3A_73, %dma_wait3A_74] : memref<10008x16xf32, #tpu.memory_space<vmem_shared>> -> memref<10008x16xf32, #tpu.memory_space<vmem_shared>>
      tpu.wait_indirect_dma semaphore(%arg9 : memref<!tpu.dma_semaphore, #tpu.memory_space<semaphore_mem>>) src(%arg7 : memref<80x16xf32, #tpu.memory_space<vmem>>) dst(%dma_wait3A_75 : memref<10008x16xf32, #tpu.memory_space<vmem_shared>>)
      %add3A_76 = arith.constant 2 : i32
      %add3A_77 = arith.addi %add3A_21, %add3A_76 : i32
      %dma_wait3A_78 = arith.constant 0 : i32
      %dma_wait3A_79 = tpu.memref_slice %arg6[%add3A_77, %dma_wait3A_78] : memref<125x80xi32, #tpu.memory_space<vmem>> -> memref<1x80xi32, #tpu.memory_space<vmem>>
      %dma_wait3A_80 = tpu.memref_squeeze %dma_wait3A_79 : memref<1x80xi32, #tpu.memory_space<vmem>> -> memref<80xi32, #tpu.memory_space<vmem>>
      %dma_wait3A_81 = arith.constant 0 : i32
      %dma_wait3A_82 = arith.constant 0 : i32
      %dma_wait3A_83 = tpu.memref_slice %arg8[%dma_wait3A_81, %dma_wait3A_82] : memref<10008x16xf32, #tpu.memory_space<vmem_shared>> -> memref<10008x16xf32, #tpu.memory_space<vmem_shared>>
      tpu.wait_indirect_dma semaphore(%arg9 : memref<!tpu.dma_semaphore, #tpu.memory_space<semaphore_mem>>) src(%arg7 : memref<80x16xf32, #tpu.memory_space<vmem>>) dst(%dma_wait3A_83 : memref<10008x16xf32, #tpu.memory_space<vmem_shared>>)
      %add3A_84 = arith.constant 3 : i32
      %add3A_85 = arith.addi %add3A_21, %add3A_84 : i32
      %dma_wait3A_86 = arith.constant 0 : i32
      %dma_wait3A_87 = tpu.memref_slice %arg6[%add3A_85, %dma_wait3A_86] : memref<125x80xi32, #tpu.memory_space<vmem>> -> memref<1x80xi32, #tpu.memory_space<vmem>>
      %dma_wait3A_88 = tpu.memref_squeeze %dma_wait3A_87 : memref<1x80xi32, #tpu.memory_space<vmem>> -> memref<80xi32, #tpu.memory_space<vmem>>
      %dma_wait3A_89 = arith.constant 0 : i32
      %dma_wait3A_90 = arith.constant 0 : i32
      %dma_wait3A_91 = tpu.memref_slice %arg8[%dma_wait3A_89, %dma_wait3A_90] : memref<10008x16xf32, #tpu.memory_space<vmem_shared>> -> memref<10008x16xf32, #tpu.memory_space<vmem_shared>>
      tpu.wait_indirect_dma semaphore(%arg9 : memref<!tpu.dma_semaphore, #tpu.memory_space<semaphore_mem>>) src(%arg7 : memref<80x16xf32, #tpu.memory_space<vmem>>) dst(%dma_wait3A_91 : memref<10008x16xf32, #tpu.memory_space<vmem_shared>>)
      %add3A_92 = arith.constant 4 : i32
      %add3A_93 = arith.addi %add3A_21, %add3A_92 : i32
      %dma_wait3A_94 = arith.constant 0 : i32
      %dma_wait3A_95 = tpu.memref_slice %arg6[%add3A_93, %dma_wait3A_94] : memref<125x80xi32, #tpu.memory_space<vmem>> -> memref<1x80xi32, #tpu.memory_space<vmem>>
      %dma_wait3A_96 = tpu.memref_squeeze %dma_wait3A_95 : memref<1x80xi32, #tpu.memory_space<vmem>> -> memref<80xi32, #tpu.memory_space<vmem>>
      %dma_wait3A_97 = arith.constant 0 : i32
      %dma_wait3A_98 = arith.constant 0 : i32
      %dma_wait3A_99 = tpu.memref_slice %arg8[%dma_wait3A_97, %dma_wait3A_98] : memref<10008x16xf32, #tpu.memory_space<vmem_shared>> -> memref<10008x16xf32, #tpu.memory_space<vmem_shared>>
      tpu.wait_indirect_dma semaphore(%arg9 : memref<!tpu.dma_semaphore, #tpu.memory_space<semaphore_mem>>) src(%arg7 : memref<80x16xf32, #tpu.memory_space<vmem>>) dst(%dma_wait3A_99 : memref<10008x16xf32, #tpu.memory_space<vmem_shared>>)
    }
    %scan3A_8 = arith.constant 25 : i32
    %barrier3A_9 = arith.constant 0 : index
    tpu.barrier barrier_id(%barrier3A_9)
    %mul3A_10 = arith.constant 16 : i32
    %mul3A_11 = arith.muli %arg0, %mul3A_10 : i32
    "tpu.region"() ({
      %run_scoped3A = tpu.sem_alloc : memref<!tpu.dma_semaphore, #tpu.memory_space<semaphore_mem>>
      %dma_start3A = tpu.memref_slice %arg5[%mul3A_2, %mul3A_11] : memref<10008x128xf32, #tpu.memory_space<hbm>> -> memref<624x16xf32, #tpu.memory_space<hbm>>
      %dma_start3A_17 = arith.constant 0 : i32
      %dma_start3A_18 = tpu.memref_slice %arg8[%mul3A_2, %dma_start3A_17] : memref<10008x16xf32, #tpu.memory_space<vmem_shared>> -> memref<624x16xf32, #tpu.memory_space<vmem_shared>>
      tpu.enqueue_dma source(%dma_start3A_18 : memref<624x16xf32, #tpu.memory_space<vmem_shared>>) target(%dma_start3A : memref<624x16xf32, #tpu.memory_space<hbm>>) target_semaphore(%run_scoped3A : memref<!tpu.dma_semaphore, #tpu.memory_space<semaphore_mem>>)
      %dma_wait3A = tpu.memref_slice %arg5[%mul3A_2, %mul3A_11] : memref<10008x128xf32, #tpu.memory_space<hbm>> -> memref<624x16xf32, #tpu.memory_space<hbm>>
      %dma_wait3A_19 = arith.constant 0 : i32
      %dma_wait3A_20 = tpu.memref_slice %arg8[%mul3A_2, %dma_wait3A_19] : memref<10008x16xf32, #tpu.memory_space<vmem_shared>> -> memref<624x16xf32, #tpu.memory_space<vmem_shared>>
      tpu.wait_dma2 semaphore(%run_scoped3A : memref<!tpu.dma_semaphore, #tpu.memory_space<semaphore_mem>>) src(%dma_wait3A_20 : memref<624x16xf32, #tpu.memory_space<vmem_shared>>) dst(%dma_wait3A : memref<624x16xf32, #tpu.memory_space<hbm>>)
      tpu.yield
    }) : () -> ()
    %eq3A_12 = arith.constant 0 : i32
    %eq3A_13 = arith.cmpi eq, %arg1, %eq3A_12 : i32
    %convert_element_type3A_14 = arith.extui %eq3A_13 : i1 to i32
    %cond3A_15 = arith.constant 0 : i32
    %cond3A_16 = arith.cmpi ne, %convert_element_type3A_14, %cond3A_15 : i32
    scf.if %cond3A_16 {
      %mul3A_17 = arith.constant 16 : i32
      %mul3A_18 = arith.muli %arg0, %mul3A_17 : i32
      "tpu.region"() ({
        %run_scoped3A = tpu.sem_alloc : memref<!tpu.dma_semaphore, #tpu.memory_space<semaphore_mem>>
        %dma_start3A = arith.constant 9984 : i32
        %dma_start3A_19 = tpu.memref_slice %arg5[%dma_start3A, %mul3A_18] : memref<10008x128xf32, #tpu.memory_space<hbm>> -> memref<24x16xf32, #tpu.memory_space<hbm>>
        %dma_start3A_20 = arith.constant 9984 : i32
        %dma_start3A_21 = arith.constant 0 : i32
        %dma_start3A_22 = tpu.memref_slice %arg8[%dma_start3A_20, %dma_start3A_21] : memref<10008x16xf32, #tpu.memory_space<vmem_shared>> -> memref<24x16xf32, #tpu.memory_space<vmem_shared>>
        tpu.enqueue_dma source(%dma_start3A_22 : memref<24x16xf32, #tpu.memory_space<vmem_shared>>) target(%dma_start3A_19 : memref<24x16xf32, #tpu.memory_space<hbm>>) target_semaphore(%run_scoped3A : memref<!tpu.dma_semaphore, #tpu.memory_space<semaphore_mem>>)
        %dma_wait3A = arith.constant 9984 : i32
        %dma_wait3A_23 = tpu.memref_slice %arg5[%dma_wait3A, %mul3A_18] : memref<10008x128xf32, #tpu.memory_space<hbm>> -> memref<24x16xf32, #tpu.memory_space<hbm>>
        %dma_wait3A_24 = arith.constant 9984 : i32
        %dma_wait3A_25 = arith.constant 0 : i32
        %dma_wait3A_26 = tpu.memref_slice %arg8[%dma_wait3A_24, %dma_wait3A_25] : memref<10008x16xf32, #tpu.memory_space<vmem_shared>> -> memref<24x16xf32, #tpu.memory_space<vmem_shared>>
        tpu.wait_dma2 semaphore(%run_scoped3A : memref<!tpu.dma_semaphore, #tpu.memory_space<semaphore_mem>>) src(%dma_wait3A_26 : memref<24x16xf32, #tpu.memory_space<vmem_shared>>) dst(%dma_wait3A_23 : memref<24x16xf32, #tpu.memory_space<hbm>>)
        tpu.yield
      }) : () -> ()
    } else {
    }
    return
  }
}

#map = affine_map<(d0, d1) -> (0, 0)>
#map1 = affine_map<(d0, d1) -> (0, 0, 0)>
module attributes {stable_mosaic.version = 14 : i64} {
  func.func @propagate(%arg0: i32, %arg1: i32, %arg2: memref<10128x64xf32, #tpu.memory_space<hbm>>, %arg3: memref<32x79x128xi32, #tpu.memory_space<hbm>>, %arg4: memref<32x79x128xi32, #tpu.memory_space<hbm>>, %arg5: memref<10008x64xf32, #tpu.memory_space<hbm>>, %arg6: memref<10008x128xf32, #tpu.memory_space<hbm>>, %arg7: memref<79x128xi32, #tpu.memory_space<vmem>>, %arg8: memref<79x128xi32, #tpu.memory_space<vmem>>, %arg9: memref<10008x64xf32, #tpu.memory_space<vmem_shared>>, %arg10: memref<128x64xf32, #tpu.memory_space<vmem>>, %arg11: memref<128x64xf32, #tpu.memory_space<vmem>>, %arg12: memref<128x64xf32, #tpu.memory_space<vmem>>, %arg13: memref<128x64xf32, #tpu.memory_space<vmem>>, %arg14: memref<!tpu.dma_semaphore, #tpu.memory_space<semaphore_mem>>, %arg15: memref<!tpu.dma_semaphore, #tpu.memory_space<semaphore_mem>>, %arg16: memref<!tpu.dma_semaphore, #tpu.memory_space<semaphore_mem>>, %arg17: memref<!tpu.dma_semaphore, #tpu.memory_space<semaphore_mem>>) attributes {dimension_semantics = [#tpu.dimension_semantics<core_parallel>, #tpu.dimension_semantics<subcore_parallel>], iteration_bounds = array<i64: 2, 16>, scalar_prefetch = 0 : i64, scratch_operands = 11 : i64, tpu.core_type = #tpu.core_type<sc_vector_subcore>, window_params = [{transform_indices = #map}, {transform_indices = #map1}, {transform_indices = #map1}, {transform_indices = #map}, {transform_indices = #map}]} {
    %mul3A = arith.constant 16 : i32
    %mul3A_0 = arith.muli %arg0, %mul3A : i32
    %add3A = arith.addi %mul3A_0, %arg1 : i32
    "tpu.region"() ({
      %run_scoped3A_66 = tpu.sem_alloc : memref<!tpu.dma_semaphore, #tpu.memory_space<semaphore_mem>>
      %dma_start3A_67 = arith.constant 0 : i32
      %dma_start3A_68 = arith.constant 0 : i32
      %dma_start3A_69 = tpu.memref_slice %arg3[%add3A, %dma_start3A_67, %dma_start3A_68] : memref<32x79x128xi32, #tpu.memory_space<hbm>> -> memref<1x79x128xi32, #tpu.memory_space<hbm>>
      %dma_start3A_70 = tpu.memref_squeeze %dma_start3A_69 : memref<1x79x128xi32, #tpu.memory_space<hbm>> -> memref<79x128xi32, #tpu.memory_space<hbm>>
      %dma_start3A_71 = arith.constant 0 : i32
      %dma_start3A_72 = arith.constant 0 : i32
      %dma_start3A_73 = tpu.memref_slice %arg3[%add3A, %dma_start3A_71, %dma_start3A_72] : memref<32x79x128xi32, #tpu.memory_space<hbm>> -> memref<1x79x128xi32, #tpu.memory_space<hbm>>
      %dma_start3A_74 = tpu.memref_squeeze %dma_start3A_73 : memref<1x79x128xi32, #tpu.memory_space<hbm>> -> memref<79x128xi32, #tpu.memory_space<hbm>>
      tpu.enqueue_dma source(%dma_start3A_74 : memref<79x128xi32, #tpu.memory_space<hbm>>) target(%arg7 : memref<79x128xi32, #tpu.memory_space<vmem>>) target_semaphore(%run_scoped3A_66 : memref<!tpu.dma_semaphore, #tpu.memory_space<semaphore_mem>>)
      %dma_wait3A_75 = arith.constant 0 : i32
      %dma_wait3A_76 = arith.constant 0 : i32
      %dma_wait3A_77 = tpu.memref_slice %arg3[%add3A, %dma_wait3A_75, %dma_wait3A_76] : memref<32x79x128xi32, #tpu.memory_space<hbm>> -> memref<1x79x128xi32, #tpu.memory_space<hbm>>
      %dma_wait3A_78 = tpu.memref_squeeze %dma_wait3A_77 : memref<1x79x128xi32, #tpu.memory_space<hbm>> -> memref<79x128xi32, #tpu.memory_space<hbm>>
      %dma_wait3A_79 = arith.constant 0 : i32
      %dma_wait3A_80 = arith.constant 0 : i32
      %dma_wait3A_81 = tpu.memref_slice %arg3[%add3A, %dma_wait3A_79, %dma_wait3A_80] : memref<32x79x128xi32, #tpu.memory_space<hbm>> -> memref<1x79x128xi32, #tpu.memory_space<hbm>>
      %dma_wait3A_82 = tpu.memref_squeeze %dma_wait3A_81 : memref<1x79x128xi32, #tpu.memory_space<hbm>> -> memref<79x128xi32, #tpu.memory_space<hbm>>
      tpu.wait_dma2 semaphore(%run_scoped3A_66 : memref<!tpu.dma_semaphore, #tpu.memory_space<semaphore_mem>>) src(%dma_wait3A_82 : memref<79x128xi32, #tpu.memory_space<hbm>>) dst(%arg7 : memref<79x128xi32, #tpu.memory_space<vmem>>)
      tpu.yield
    }) : () -> ()
    "tpu.region"() ({
      %run_scoped3A_66 = tpu.sem_alloc : memref<!tpu.dma_semaphore, #tpu.memory_space<semaphore_mem>>
      %dma_start3A_67 = arith.constant 0 : i32
      %dma_start3A_68 = arith.constant 0 : i32
      %dma_start3A_69 = tpu.memref_slice %arg4[%add3A, %dma_start3A_67, %dma_start3A_68] : memref<32x79x128xi32, #tpu.memory_space<hbm>> -> memref<1x79x128xi32, #tpu.memory_space<hbm>>
      %dma_start3A_70 = tpu.memref_squeeze %dma_start3A_69 : memref<1x79x128xi32, #tpu.memory_space<hbm>> -> memref<79x128xi32, #tpu.memory_space<hbm>>
      %dma_start3A_71 = arith.constant 0 : i32
      %dma_start3A_72 = arith.constant 0 : i32
      %dma_start3A_73 = tpu.memref_slice %arg4[%add3A, %dma_start3A_71, %dma_start3A_72] : memref<32x79x128xi32, #tpu.memory_space<hbm>> -> memref<1x79x128xi32, #tpu.memory_space<hbm>>
      %dma_start3A_74 = tpu.memref_squeeze %dma_start3A_73 : memref<1x79x128xi32, #tpu.memory_space<hbm>> -> memref<79x128xi32, #tpu.memory_space<hbm>>
      tpu.enqueue_dma source(%dma_start3A_74 : memref<79x128xi32, #tpu.memory_space<hbm>>) target(%arg8 : memref<79x128xi32, #tpu.memory_space<vmem>>) target_semaphore(%run_scoped3A_66 : memref<!tpu.dma_semaphore, #tpu.memory_space<semaphore_mem>>)
      %dma_wait3A_75 = arith.constant 0 : i32
      %dma_wait3A_76 = arith.constant 0 : i32
      %dma_wait3A_77 = tpu.memref_slice %arg4[%add3A, %dma_wait3A_75, %dma_wait3A_76] : memref<32x79x128xi32, #tpu.memory_space<hbm>> -> memref<1x79x128xi32, #tpu.memory_space<hbm>>
      %dma_wait3A_78 = tpu.memref_squeeze %dma_wait3A_77 : memref<1x79x128xi32, #tpu.memory_space<hbm>> -> memref<79x128xi32, #tpu.memory_space<hbm>>
      %dma_wait3A_79 = arith.constant 0 : i32
      %dma_wait3A_80 = arith.constant 0 : i32
      %dma_wait3A_81 = tpu.memref_slice %arg4[%add3A, %dma_wait3A_79, %dma_wait3A_80] : memref<32x79x128xi32, #tpu.memory_space<hbm>> -> memref<1x79x128xi32, #tpu.memory_space<hbm>>
      %dma_wait3A_82 = tpu.memref_squeeze %dma_wait3A_81 : memref<1x79x128xi32, #tpu.memory_space<hbm>> -> memref<79x128xi32, #tpu.memory_space<hbm>>
      tpu.wait_dma2 semaphore(%run_scoped3A_66 : memref<!tpu.dma_semaphore, #tpu.memory_space<semaphore_mem>>) src(%dma_wait3A_82 : memref<79x128xi32, #tpu.memory_space<hbm>>) dst(%arg8 : memref<79x128xi32, #tpu.memory_space<vmem>>)
      tpu.yield
    }) : () -> ()
    %mul3A_1 = arith.constant 624 : i32
    %mul3A_2 = arith.muli %arg1, %mul3A_1 : i32
    "tpu.region"() ({
      %run_scoped3A_66 = tpu.sem_alloc : memref<!tpu.dma_semaphore, #tpu.memory_space<semaphore_mem>>
      %dma_start3A_67 = arith.constant 0 : i32
      %dma_start3A_68 = tpu.memref_slice %arg9[%mul3A_2, %dma_start3A_67] : memref<10008x64xf32, #tpu.memory_space<vmem_shared>> -> memref<624x64xf32, #tpu.memory_space<vmem_shared>>
      %dma_start3A_69 = arith.constant 0 : i32
      %dma_start3A_70 = tpu.memref_slice %arg5[%mul3A_2, %dma_start3A_69] : memref<10008x64xf32, #tpu.memory_space<hbm>> -> memref<624x64xf32, #tpu.memory_space<hbm>>
      tpu.enqueue_dma source(%dma_start3A_70 : memref<624x64xf32, #tpu.memory_space<hbm>>) target(%dma_start3A_68 : memref<624x64xf32, #tpu.memory_space<vmem_shared>>) target_semaphore(%run_scoped3A_66 : memref<!tpu.dma_semaphore, #tpu.memory_space<semaphore_mem>>)
      %dma_wait3A_71 = arith.constant 0 : i32
      %dma_wait3A_72 = tpu.memref_slice %arg9[%mul3A_2, %dma_wait3A_71] : memref<10008x64xf32, #tpu.memory_space<vmem_shared>> -> memref<624x64xf32, #tpu.memory_space<vmem_shared>>
      %dma_wait3A_73 = arith.constant 0 : i32
      %dma_wait3A_74 = tpu.memref_slice %arg5[%mul3A_2, %dma_wait3A_73] : memref<10008x64xf32, #tpu.memory_space<hbm>> -> memref<624x64xf32, #tpu.memory_space<hbm>>
      tpu.wait_dma2 semaphore(%run_scoped3A_66 : memref<!tpu.dma_semaphore, #tpu.memory_space<semaphore_mem>>) src(%dma_wait3A_74 : memref<624x64xf32, #tpu.memory_space<hbm>>) dst(%dma_wait3A_72 : memref<624x64xf32, #tpu.memory_space<vmem_shared>>)
      tpu.yield
    }) : () -> ()
    %eq3A = arith.constant 0 : i32
    %eq3A_3 = arith.cmpi eq, %arg1, %eq3A : i32
    %convert_element_type3A = arith.extui %eq3A_3 : i1 to i32
    %cond3A = arith.constant 0 : i32
    %cond3A_4 = arith.cmpi ne, %convert_element_type3A, %cond3A : i32
    scf.if %cond3A_4 {
      "tpu.region"() ({
        %run_scoped3A_66 = tpu.sem_alloc : memref<!tpu.dma_semaphore, #tpu.memory_space<semaphore_mem>>
        %dma_start3A_67 = arith.constant 9984 : i32
        %dma_start3A_68 = arith.constant 0 : i32
        %dma_start3A_69 = tpu.memref_slice %arg9[%dma_start3A_67, %dma_start3A_68] : memref<10008x64xf32, #tpu.memory_space<vmem_shared>> -> memref<24x64xf32, #tpu.memory_space<vmem_shared>>
        %dma_start3A_70 = arith.constant 9984 : i32
        %dma_start3A_71 = arith.constant 0 : i32
        %dma_start3A_72 = tpu.memref_slice %arg5[%dma_start3A_70, %dma_start3A_71] : memref<10008x64xf32, #tpu.memory_space<hbm>> -> memref<24x64xf32, #tpu.memory_space<hbm>>
        tpu.enqueue_dma source(%dma_start3A_72 : memref<24x64xf32, #tpu.memory_space<hbm>>) target(%dma_start3A_69 : memref<24x64xf32, #tpu.memory_space<vmem_shared>>) target_semaphore(%run_scoped3A_66 : memref<!tpu.dma_semaphore, #tpu.memory_space<semaphore_mem>>)
        %dma_wait3A_73 = arith.constant 9984 : i32
        %dma_wait3A_74 = arith.constant 0 : i32
        %dma_wait3A_75 = tpu.memref_slice %arg9[%dma_wait3A_73, %dma_wait3A_74] : memref<10008x64xf32, #tpu.memory_space<vmem_shared>> -> memref<24x64xf32, #tpu.memory_space<vmem_shared>>
        %dma_wait3A_76 = arith.constant 9984 : i32
        %dma_wait3A_77 = arith.constant 0 : i32
        %dma_wait3A_78 = tpu.memref_slice %arg5[%dma_wait3A_76, %dma_wait3A_77] : memref<10008x64xf32, #tpu.memory_space<hbm>> -> memref<24x64xf32, #tpu.memory_space<hbm>>
        tpu.wait_dma2 semaphore(%run_scoped3A_66 : memref<!tpu.dma_semaphore, #tpu.memory_space<semaphore_mem>>) src(%dma_wait3A_78 : memref<24x64xf32, #tpu.memory_space<hbm>>) dst(%dma_wait3A_75 : memref<24x64xf32, #tpu.memory_space<vmem_shared>>)
        tpu.yield
      }) : () -> ()
    } else {
    }
    %barrier3A = arith.constant 0 : index
    tpu.barrier barrier_id(%barrier3A)
    %dma_start3A = arith.constant 0 : i32
    %dma_start3A_5 = arith.constant 0 : i32
    %dma_start3A_6 = tpu.memref_slice %arg7[%dma_start3A, %dma_start3A_5] : memref<79x128xi32, #tpu.memory_space<vmem>> -> memref<1x128xi32, #tpu.memory_space<vmem>>
    %dma_start3A_7 = tpu.memref_squeeze %dma_start3A_6 : memref<1x128xi32, #tpu.memory_space<vmem>> -> memref<128xi32, #tpu.memory_space<vmem>>
    %dma_start3A_8 = arith.constant 0 : i32
    %dma_start3A_9 = arith.constant 0 : i32
    %dma_start3A_10 = tpu.memref_slice %arg2[%dma_start3A_8, %dma_start3A_9] : memref<10128x64xf32, #tpu.memory_space<hbm>> -> memref<10128x64xf32, #tpu.memory_space<hbm>>
    tpu.enqueue_indirect_dma source(%dma_start3A_10 : memref<10128x64xf32, #tpu.memory_space<hbm>>) target(%arg10 : memref<128x64xf32, #tpu.memory_space<vmem>>) offsets(%dma_start3A_7 : memref<128xi32, #tpu.memory_space<vmem>>) semaphore(%arg14 : memref<!tpu.dma_semaphore, #tpu.memory_space<semaphore_mem>>)
    %dma_start3A_11 = arith.constant 1 : i32
    %dma_start3A_12 = arith.constant 0 : i32
    %dma_start3A_13 = tpu.memref_slice %arg7[%dma_start3A_11, %dma_start3A_12] : memref<79x128xi32, #tpu.memory_space<vmem>> -> memref<1x128xi32, #tpu.memory_space<vmem>>
    %dma_start3A_14 = tpu.memref_squeeze %dma_start3A_13 : memref<1x128xi32, #tpu.memory_space<vmem>> -> memref<128xi32, #tpu.memory_space<vmem>>
    %dma_start3A_15 = arith.constant 0 : i32
    %dma_start3A_16 = arith.constant 0 : i32
    %dma_start3A_17 = tpu.memref_slice %arg2[%dma_start3A_15, %dma_start3A_16] : memref<10128x64xf32, #tpu.memory_space<hbm>> -> memref<10128x64xf32, #tpu.memory_space<hbm>>
    tpu.enqueue_indirect_dma source(%dma_start3A_17 : memref<10128x64xf32, #tpu.memory_space<hbm>>) target(%arg11 : memref<128x64xf32, #tpu.memory_space<vmem>>) offsets(%dma_start3A_14 : memref<128xi32, #tpu.memory_space<vmem>>) semaphore(%arg15 : memref<!tpu.dma_semaphore, #tpu.memory_space<semaphore_mem>>)
    %dma_start3A_18 = arith.constant 2 : i32
    %dma_start3A_19 = arith.constant 0 : i32
    %dma_start3A_20 = tpu.memref_slice %arg7[%dma_start3A_18, %dma_start3A_19] : memref<79x128xi32, #tpu.memory_space<vmem>> -> memref<1x128xi32, #tpu.memory_space<vmem>>
    %dma_start3A_21 = tpu.memref_squeeze %dma_start3A_20 : memref<1x128xi32, #tpu.memory_space<vmem>> -> memref<128xi32, #tpu.memory_space<vmem>>
    %dma_start3A_22 = arith.constant 0 : i32
    %dma_start3A_23 = arith.constant 0 : i32
    %dma_start3A_24 = tpu.memref_slice %arg2[%dma_start3A_22, %dma_start3A_23] : memref<10128x64xf32, #tpu.memory_space<hbm>> -> memref<10128x64xf32, #tpu.memory_space<hbm>>
    tpu.enqueue_indirect_dma source(%dma_start3A_24 : memref<10128x64xf32, #tpu.memory_space<hbm>>) target(%arg12 : memref<128x64xf32, #tpu.memory_space<vmem>>) offsets(%dma_start3A_21 : memref<128xi32, #tpu.memory_space<vmem>>) semaphore(%arg16 : memref<!tpu.dma_semaphore, #tpu.memory_space<semaphore_mem>>)
    %dma_start3A_25 = arith.constant 3 : i32
    %dma_start3A_26 = arith.constant 0 : i32
    %dma_start3A_27 = tpu.memref_slice %arg7[%dma_start3A_25, %dma_start3A_26] : memref<79x128xi32, #tpu.memory_space<vmem>> -> memref<1x128xi32, #tpu.memory_space<vmem>>
    %dma_start3A_28 = tpu.memref_squeeze %dma_start3A_27 : memref<1x128xi32, #tpu.memory_space<vmem>> -> memref<128xi32, #tpu.memory_space<vmem>>
    %dma_start3A_29 = arith.constant 0 : i32
    %dma_start3A_30 = arith.constant 0 : i32
    %dma_start3A_31 = tpu.memref_slice %arg2[%dma_start3A_29, %dma_start3A_30] : memref<10128x64xf32, #tpu.memory_space<hbm>> -> memref<10128x64xf32, #tpu.memory_space<hbm>>
    tpu.enqueue_indirect_dma source(%dma_start3A_31 : memref<10128x64xf32, #tpu.memory_space<hbm>>) target(%arg13 : memref<128x64xf32, #tpu.memory_space<vmem>>) offsets(%dma_start3A_28 : memref<128xi32, #tpu.memory_space<vmem>>) semaphore(%arg17 : memref<!tpu.dma_semaphore, #tpu.memory_space<semaphore_mem>>)
    %scan3A = arith.constant 0 : i32
    %scan3A_32 = arith.constant 19 : i32
    %scan3A_33 = arith.addi %scan3A, %scan3A_32 : i32
    %scan3A_34 = arith.constant 1 : i32
    scf.for %scan3A_66 = %scan3A to %scan3A_33 step %scan3A_34  : i32 {
      %mul3A_67 = arith.constant 4 : i32
      %mul3A_68 = arith.muli %scan3A_66, %mul3A_67 : i32
      %add3A_69 = arith.constant 0 : i32
      %add3A_70 = arith.addi %add3A_69, %mul3A_68 : i32
      %add3A_71 = arith.constant 0 : i32
      %add3A_72 = arith.addi %add3A_70, %add3A_71 : i32
      %dma_wait3A_73 = arith.constant 0 : i32
      %dma_wait3A_74 = tpu.memref_slice %arg7[%add3A_72, %dma_wait3A_73] : memref<79x128xi32, #tpu.memory_space<vmem>> -> memref<1x128xi32, #tpu.memory_space<vmem>>
      %dma_wait3A_75 = tpu.memref_squeeze %dma_wait3A_74 : memref<1x128xi32, #tpu.memory_space<vmem>> -> memref<128xi32, #tpu.memory_space<vmem>>
      %dma_wait3A_76 = arith.constant 0 : i32
      %dma_wait3A_77 = arith.constant 0 : i32
      %dma_wait3A_78 = tpu.memref_slice %arg2[%dma_wait3A_76, %dma_wait3A_77] : memref<10128x64xf32, #tpu.memory_space<hbm>> -> memref<10128x64xf32, #tpu.memory_space<hbm>>
      tpu.wait_indirect_dma semaphore(%arg14 : memref<!tpu.dma_semaphore, #tpu.memory_space<semaphore_mem>>) src(%dma_wait3A_78 : memref<10128x64xf32, #tpu.memory_space<hbm>>) dst(%arg10 : memref<128x64xf32, #tpu.memory_space<vmem>>)
      %add3A_79 = arith.constant 0 : i32
      %add3A_80 = arith.addi %add3A_70, %add3A_79 : i32
      "tpu.region"() ({
        %run_scoped3A_146 = tpu.sem_alloc : memref<!tpu.dma_semaphore, #tpu.memory_space<semaphore_mem>>
        %dma_start3A_147 = arith.constant 0 : i32
        %dma_start3A_148 = tpu.memref_slice %arg8[%add3A_80, %dma_start3A_147] : memref<79x128xi32, #tpu.memory_space<vmem>> -> memref<1x128xi32, #tpu.memory_space<vmem>>
        %dma_start3A_149 = tpu.memref_squeeze %dma_start3A_148 : memref<1x128xi32, #tpu.memory_space<vmem>> -> memref<128xi32, #tpu.memory_space<vmem>>
        %dma_start3A_150 = arith.constant 0 : i32
        %dma_start3A_151 = arith.constant 0 : i32
        %dma_start3A_152 = tpu.memref_slice %arg9[%dma_start3A_150, %dma_start3A_151] : memref<10008x64xf32, #tpu.memory_space<vmem_shared>> -> memref<10008x64xf32, #tpu.memory_space<vmem_shared>>
        tpu.enqueue_indirect_dma source(%arg10 : memref<128x64xf32, #tpu.memory_space<vmem>>) target(%dma_start3A_152 : memref<10008x64xf32, #tpu.memory_space<vmem_shared>>) offsets(%dma_start3A_149 : memref<128xi32, #tpu.memory_space<vmem>>) semaphore(%run_scoped3A_146 : memref<!tpu.dma_semaphore, #tpu.memory_space<semaphore_mem>>) {add = true}
        %dma_wait3A_153 = arith.constant 0 : i32
        %dma_wait3A_154 = tpu.memref_slice %arg8[%add3A_80, %dma_wait3A_153] : memref<79x128xi32, #tpu.memory_space<vmem>> -> memref<1x128xi32, #tpu.memory_space<vmem>>
        %dma_wait3A_155 = tpu.memref_squeeze %dma_wait3A_154 : memref<1x128xi32, #tpu.memory_space<vmem>> -> memref<128xi32, #tpu.memory_space<vmem>>
        %dma_wait3A_156 = arith.constant 0 : i32
        %dma_wait3A_157 = arith.constant 0 : i32
        %dma_wait3A_158 = tpu.memref_slice %arg9[%dma_wait3A_156, %dma_wait3A_157] : memref<10008x64xf32, #tpu.memory_space<vmem_shared>> -> memref<10008x64xf32, #tpu.memory_space<vmem_shared>>
        tpu.wait_indirect_dma semaphore(%run_scoped3A_146 : memref<!tpu.dma_semaphore, #tpu.memory_space<semaphore_mem>>) src(%arg10 : memref<128x64xf32, #tpu.memory_space<vmem>>) dst(%dma_wait3A_158 : memref<10008x64xf32, #tpu.memory_space<vmem_shared>>)
        tpu.yield
      }) : () -> ()
      %add3A_81 = arith.constant 0 : i32
      %add3A_82 = arith.addi %add3A_70, %add3A_81 : i32
      %add3A_83 = arith.constant 4 : i32
      %add3A_84 = arith.addi %add3A_82, %add3A_83 : i32
      %lt3A = arith.constant 79 : i32
      %lt3A_85 = arith.cmpi slt, %add3A_84, %lt3A : i32
      %convert_element_type3A_86 = arith.extui %lt3A_85 : i1 to i32
      %cond3A_87 = arith.constant 0 : i32
      %cond3A_88 = arith.cmpi ne, %convert_element_type3A_86, %cond3A_87 : i32
      scf.if %cond3A_88 {
        %add3A_146 = arith.constant 0 : i32
        %add3A_147 = arith.addi %add3A_70, %add3A_146 : i32
        %add3A_148 = arith.constant 4 : i32
        %add3A_149 = arith.addi %add3A_147, %add3A_148 : i32
        %dma_start3A_150 = arith.constant 0 : i32
        %dma_start3A_151 = tpu.memref_slice %arg7[%add3A_149, %dma_start3A_150] : memref<79x128xi32, #tpu.memory_space<vmem>> -> memref<1x128xi32, #tpu.memory_space<vmem>>
        %dma_start3A_152 = tpu.memref_squeeze %dma_start3A_151 : memref<1x128xi32, #tpu.memory_space<vmem>> -> memref<128xi32, #tpu.memory_space<vmem>>
        %dma_start3A_153 = arith.constant 0 : i32
        %dma_start3A_154 = arith.constant 0 : i32
        %dma_start3A_155 = tpu.memref_slice %arg2[%dma_start3A_153, %dma_start3A_154] : memref<10128x64xf32, #tpu.memory_space<hbm>> -> memref<10128x64xf32, #tpu.memory_space<hbm>>
        tpu.enqueue_indirect_dma source(%dma_start3A_155 : memref<10128x64xf32, #tpu.memory_space<hbm>>) target(%arg10 : memref<128x64xf32, #tpu.memory_space<vmem>>) offsets(%dma_start3A_152 : memref<128xi32, #tpu.memory_space<vmem>>) semaphore(%arg14 : memref<!tpu.dma_semaphore, #tpu.memory_space<semaphore_mem>>)
      } else {
      }
      %add3A_89 = arith.constant 1 : i32
      %add3A_90 = arith.addi %add3A_70, %add3A_89 : i32
      %dma_wait3A_91 = arith.constant 0 : i32
      %dma_wait3A_92 = tpu.memref_slice %arg7[%add3A_90, %dma_wait3A_91] : memref<79x128xi32, #tpu.memory_space<vmem>> -> memref<1x128xi32, #tpu.memory_space<vmem>>
      %dma_wait3A_93 = tpu.memref_squeeze %dma_wait3A_92 : memref<1x128xi32, #tpu.memory_space<vmem>> -> memref<128xi32, #tpu.memory_space<vmem>>
      %dma_wait3A_94 = arith.constant 0 : i32
      %dma_wait3A_95 = arith.constant 0 : i32
      %dma_wait3A_96 = tpu.memref_slice %arg2[%dma_wait3A_94, %dma_wait3A_95] : memref<10128x64xf32, #tpu.memory_space<hbm>> -> memref<10128x64xf32, #tpu.memory_space<hbm>>
      tpu.wait_indirect_dma semaphore(%arg15 : memref<!tpu.dma_semaphore, #tpu.memory_space<semaphore_mem>>) src(%dma_wait3A_96 : memref<10128x64xf32, #tpu.memory_space<hbm>>) dst(%arg11 : memref<128x64xf32, #tpu.memory_space<vmem>>)
      %add3A_97 = arith.constant 1 : i32
      %add3A_98 = arith.addi %add3A_70, %add3A_97 : i32
      "tpu.region"() ({
        %run_scoped3A_146 = tpu.sem_alloc : memref<!tpu.dma_semaphore, #tpu.memory_space<semaphore_mem>>
        %dma_start3A_147 = arith.constant 0 : i32
        %dma_start3A_148 = tpu.memref_slice %arg8[%add3A_98, %dma_start3A_147] : memref<79x128xi32, #tpu.memory_space<vmem>> -> memref<1x128xi32, #tpu.memory_space<vmem>>
        %dma_start3A_149 = tpu.memref_squeeze %dma_start3A_148 : memref<1x128xi32, #tpu.memory_space<vmem>> -> memref<128xi32, #tpu.memory_space<vmem>>
        %dma_start3A_150 = arith.constant 0 : i32
        %dma_start3A_151 = arith.constant 0 : i32
        %dma_start3A_152 = tpu.memref_slice %arg9[%dma_start3A_150, %dma_start3A_151] : memref<10008x64xf32, #tpu.memory_space<vmem_shared>> -> memref<10008x64xf32, #tpu.memory_space<vmem_shared>>
        tpu.enqueue_indirect_dma source(%arg11 : memref<128x64xf32, #tpu.memory_space<vmem>>) target(%dma_start3A_152 : memref<10008x64xf32, #tpu.memory_space<vmem_shared>>) offsets(%dma_start3A_149 : memref<128xi32, #tpu.memory_space<vmem>>) semaphore(%run_scoped3A_146 : memref<!tpu.dma_semaphore, #tpu.memory_space<semaphore_mem>>) {add = true}
        %dma_wait3A_153 = arith.constant 0 : i32
        %dma_wait3A_154 = tpu.memref_slice %arg8[%add3A_98, %dma_wait3A_153] : memref<79x128xi32, #tpu.memory_space<vmem>> -> memref<1x128xi32, #tpu.memory_space<vmem>>
        %dma_wait3A_155 = tpu.memref_squeeze %dma_wait3A_154 : memref<1x128xi32, #tpu.memory_space<vmem>> -> memref<128xi32, #tpu.memory_space<vmem>>
        %dma_wait3A_156 = arith.constant 0 : i32
        %dma_wait3A_157 = arith.constant 0 : i32
        %dma_wait3A_158 = tpu.memref_slice %arg9[%dma_wait3A_156, %dma_wait3A_157] : memref<10008x64xf32, #tpu.memory_space<vmem_shared>> -> memref<10008x64xf32, #tpu.memory_space<vmem_shared>>
        tpu.wait_indirect_dma semaphore(%run_scoped3A_146 : memref<!tpu.dma_semaphore, #tpu.memory_space<semaphore_mem>>) src(%arg11 : memref<128x64xf32, #tpu.memory_space<vmem>>) dst(%dma_wait3A_158 : memref<10008x64xf32, #tpu.memory_space<vmem_shared>>)
        tpu.yield
      }) : () -> ()
      %add3A_99 = arith.constant 1 : i32
      %add3A_100 = arith.addi %add3A_70, %add3A_99 : i32
      %add3A_101 = arith.constant 4 : i32
      %add3A_102 = arith.addi %add3A_100, %add3A_101 : i32
      %lt3A_103 = arith.constant 79 : i32
      %lt3A_104 = arith.cmpi slt, %add3A_102, %lt3A_103 : i32
      %convert_element_type3A_105 = arith.extui %lt3A_104 : i1 to i32
      %cond3A_106 = arith.constant 0 : i32
      %cond3A_107 = arith.cmpi ne, %convert_element_type3A_105, %cond3A_106 : i32
      scf.if %cond3A_107 {
        %add3A_146 = arith.constant 1 : i32
        %add3A_147 = arith.addi %add3A_70, %add3A_146 : i32
        %add3A_148 = arith.constant 4 : i32
        %add3A_149 = arith.addi %add3A_147, %add3A_148 : i32
        %dma_start3A_150 = arith.constant 0 : i32
        %dma_start3A_151 = tpu.memref_slice %arg7[%add3A_149, %dma_start3A_150] : memref<79x128xi32, #tpu.memory_space<vmem>> -> memref<1x128xi32, #tpu.memory_space<vmem>>
        %dma_start3A_152 = tpu.memref_squeeze %dma_start3A_151 : memref<1x128xi32, #tpu.memory_space<vmem>> -> memref<128xi32, #tpu.memory_space<vmem>>
        %dma_start3A_153 = arith.constant 0 : i32
        %dma_start3A_154 = arith.constant 0 : i32
        %dma_start3A_155 = tpu.memref_slice %arg2[%dma_start3A_153, %dma_start3A_154] : memref<10128x64xf32, #tpu.memory_space<hbm>> -> memref<10128x64xf32, #tpu.memory_space<hbm>>
        tpu.enqueue_indirect_dma source(%dma_start3A_155 : memref<10128x64xf32, #tpu.memory_space<hbm>>) target(%arg11 : memref<128x64xf32, #tpu.memory_space<vmem>>) offsets(%dma_start3A_152 : memref<128xi32, #tpu.memory_space<vmem>>) semaphore(%arg15 : memref<!tpu.dma_semaphore, #tpu.memory_space<semaphore_mem>>)
      } else {
      }
      %add3A_108 = arith.constant 2 : i32
      %add3A_109 = arith.addi %add3A_70, %add3A_108 : i32
      %dma_wait3A_110 = arith.constant 0 : i32
      %dma_wait3A_111 = tpu.memref_slice %arg7[%add3A_109, %dma_wait3A_110] : memref<79x128xi32, #tpu.memory_space<vmem>> -> memref<1x128xi32, #tpu.memory_space<vmem>>
      %dma_wait3A_112 = tpu.memref_squeeze %dma_wait3A_111 : memref<1x128xi32, #tpu.memory_space<vmem>> -> memref<128xi32, #tpu.memory_space<vmem>>
      %dma_wait3A_113 = arith.constant 0 : i32
      %dma_wait3A_114 = arith.constant 0 : i32
      %dma_wait3A_115 = tpu.memref_slice %arg2[%dma_wait3A_113, %dma_wait3A_114] : memref<10128x64xf32, #tpu.memory_space<hbm>> -> memref<10128x64xf32, #tpu.memory_space<hbm>>
      tpu.wait_indirect_dma semaphore(%arg16 : memref<!tpu.dma_semaphore, #tpu.memory_space<semaphore_mem>>) src(%dma_wait3A_115 : memref<10128x64xf32, #tpu.memory_space<hbm>>) dst(%arg12 : memref<128x64xf32, #tpu.memory_space<vmem>>)
      %add3A_116 = arith.constant 2 : i32
      %add3A_117 = arith.addi %add3A_70, %add3A_116 : i32
      "tpu.region"() ({
        %run_scoped3A_146 = tpu.sem_alloc : memref<!tpu.dma_semaphore, #tpu.memory_space<semaphore_mem>>
        %dma_start3A_147 = arith.constant 0 : i32
        %dma_start3A_148 = tpu.memref_slice %arg8[%add3A_117, %dma_start3A_147] : memref<79x128xi32, #tpu.memory_space<vmem>> -> memref<1x128xi32, #tpu.memory_space<vmem>>
        %dma_start3A_149 = tpu.memref_squeeze %dma_start3A_148 : memref<1x128xi32, #tpu.memory_space<vmem>> -> memref<128xi32, #tpu.memory_space<vmem>>
        %dma_start3A_150 = arith.constant 0 : i32
        %dma_start3A_151 = arith.constant 0 : i32
        %dma_start3A_152 = tpu.memref_slice %arg9[%dma_start3A_150, %dma_start3A_151] : memref<10008x64xf32, #tpu.memory_space<vmem_shared>> -> memref<10008x64xf32, #tpu.memory_space<vmem_shared>>
        tpu.enqueue_indirect_dma source(%arg12 : memref<128x64xf32, #tpu.memory_space<vmem>>) target(%dma_start3A_152 : memref<10008x64xf32, #tpu.memory_space<vmem_shared>>) offsets(%dma_start3A_149 : memref<128xi32, #tpu.memory_space<vmem>>) semaphore(%run_scoped3A_146 : memref<!tpu.dma_semaphore, #tpu.memory_space<semaphore_mem>>) {add = true}
        %dma_wait3A_153 = arith.constant 0 : i32
        %dma_wait3A_154 = tpu.memref_slice %arg8[%add3A_117, %dma_wait3A_153] : memref<79x128xi32, #tpu.memory_space<vmem>> -> memref<1x128xi32, #tpu.memory_space<vmem>>
        %dma_wait3A_155 = tpu.memref_squeeze %dma_wait3A_154 : memref<1x128xi32, #tpu.memory_space<vmem>> -> memref<128xi32, #tpu.memory_space<vmem>>
        %dma_wait3A_156 = arith.constant 0 : i32
        %dma_wait3A_157 = arith.constant 0 : i32
        %dma_wait3A_158 = tpu.memref_slice %arg9[%dma_wait3A_156, %dma_wait3A_157] : memref<10008x64xf32, #tpu.memory_space<vmem_shared>> -> memref<10008x64xf32, #tpu.memory_space<vmem_shared>>
        tpu.wait_indirect_dma semaphore(%run_scoped3A_146 : memref<!tpu.dma_semaphore, #tpu.memory_space<semaphore_mem>>) src(%arg12 : memref<128x64xf32, #tpu.memory_space<vmem>>) dst(%dma_wait3A_158 : memref<10008x64xf32, #tpu.memory_space<vmem_shared>>)
        tpu.yield
      }) : () -> ()
      %add3A_118 = arith.constant 2 : i32
      %add3A_119 = arith.addi %add3A_70, %add3A_118 : i32
      %add3A_120 = arith.constant 4 : i32
      %add3A_121 = arith.addi %add3A_119, %add3A_120 : i32
      %lt3A_122 = arith.constant 79 : i32
      %lt3A_123 = arith.cmpi slt, %add3A_121, %lt3A_122 : i32
      %convert_element_type3A_124 = arith.extui %lt3A_123 : i1 to i32
      %cond3A_125 = arith.constant 0 : i32
      %cond3A_126 = arith.cmpi ne, %convert_element_type3A_124, %cond3A_125 : i32
      scf.if %cond3A_126 {
        %add3A_146 = arith.constant 2 : i32
        %add3A_147 = arith.addi %add3A_70, %add3A_146 : i32
        %add3A_148 = arith.constant 4 : i32
        %add3A_149 = arith.addi %add3A_147, %add3A_148 : i32
        %dma_start3A_150 = arith.constant 0 : i32
        %dma_start3A_151 = tpu.memref_slice %arg7[%add3A_149, %dma_start3A_150] : memref<79x128xi32, #tpu.memory_space<vmem>> -> memref<1x128xi32, #tpu.memory_space<vmem>>
        %dma_start3A_152 = tpu.memref_squeeze %dma_start3A_151 : memref<1x128xi32, #tpu.memory_space<vmem>> -> memref<128xi32, #tpu.memory_space<vmem>>
        %dma_start3A_153 = arith.constant 0 : i32
        %dma_start3A_154 = arith.constant 0 : i32
        %dma_start3A_155 = tpu.memref_slice %arg2[%dma_start3A_153, %dma_start3A_154] : memref<10128x64xf32, #tpu.memory_space<hbm>> -> memref<10128x64xf32, #tpu.memory_space<hbm>>
        tpu.enqueue_indirect_dma source(%dma_start3A_155 : memref<10128x64xf32, #tpu.memory_space<hbm>>) target(%arg12 : memref<128x64xf32, #tpu.memory_space<vmem>>) offsets(%dma_start3A_152 : memref<128xi32, #tpu.memory_space<vmem>>) semaphore(%arg16 : memref<!tpu.dma_semaphore, #tpu.memory_space<semaphore_mem>>)
      } else {
      }
      %add3A_127 = arith.constant 3 : i32
      %add3A_128 = arith.addi %add3A_70, %add3A_127 : i32
      %dma_wait3A_129 = arith.constant 0 : i32
      %dma_wait3A_130 = tpu.memref_slice %arg7[%add3A_128, %dma_wait3A_129] : memref<79x128xi32, #tpu.memory_space<vmem>> -> memref<1x128xi32, #tpu.memory_space<vmem>>
      %dma_wait3A_131 = tpu.memref_squeeze %dma_wait3A_130 : memref<1x128xi32, #tpu.memory_space<vmem>> -> memref<128xi32, #tpu.memory_space<vmem>>
      %dma_wait3A_132 = arith.constant 0 : i32
      %dma_wait3A_133 = arith.constant 0 : i32
      %dma_wait3A_134 = tpu.memref_slice %arg2[%dma_wait3A_132, %dma_wait3A_133] : memref<10128x64xf32, #tpu.memory_space<hbm>> -> memref<10128x64xf32, #tpu.memory_space<hbm>>
      tpu.wait_indirect_dma semaphore(%arg17 : memref<!tpu.dma_semaphore, #tpu.memory_space<semaphore_mem>>) src(%dma_wait3A_134 : memref<10128x64xf32, #tpu.memory_space<hbm>>) dst(%arg13 : memref<128x64xf32, #tpu.memory_space<vmem>>)
      %add3A_135 = arith.constant 3 : i32
      %add3A_136 = arith.addi %add3A_70, %add3A_135 : i32
      "tpu.region"() ({
        %run_scoped3A_146 = tpu.sem_alloc : memref<!tpu.dma_semaphore, #tpu.memory_space<semaphore_mem>>
        %dma_start3A_147 = arith.constant 0 : i32
        %dma_start3A_148 = tpu.memref_slice %arg8[%add3A_136, %dma_start3A_147] : memref<79x128xi32, #tpu.memory_space<vmem>> -> memref<1x128xi32, #tpu.memory_space<vmem>>
        %dma_start3A_149 = tpu.memref_squeeze %dma_start3A_148 : memref<1x128xi32, #tpu.memory_space<vmem>> -> memref<128xi32, #tpu.memory_space<vmem>>
        %dma_start3A_150 = arith.constant 0 : i32
        %dma_start3A_151 = arith.constant 0 : i32
        %dma_start3A_152 = tpu.memref_slice %arg9[%dma_start3A_150, %dma_start3A_151] : memref<10008x64xf32, #tpu.memory_space<vmem_shared>> -> memref<10008x64xf32, #tpu.memory_space<vmem_shared>>
        tpu.enqueue_indirect_dma source(%arg13 : memref<128x64xf32, #tpu.memory_space<vmem>>) target(%dma_start3A_152 : memref<10008x64xf32, #tpu.memory_space<vmem_shared>>) offsets(%dma_start3A_149 : memref<128xi32, #tpu.memory_space<vmem>>) semaphore(%run_scoped3A_146 : memref<!tpu.dma_semaphore, #tpu.memory_space<semaphore_mem>>) {add = true}
        %dma_wait3A_153 = arith.constant 0 : i32
        %dma_wait3A_154 = tpu.memref_slice %arg8[%add3A_136, %dma_wait3A_153] : memref<79x128xi32, #tpu.memory_space<vmem>> -> memref<1x128xi32, #tpu.memory_space<vmem>>
        %dma_wait3A_155 = tpu.memref_squeeze %dma_wait3A_154 : memref<1x128xi32, #tpu.memory_space<vmem>> -> memref<128xi32, #tpu.memory_space<vmem>>
        %dma_wait3A_156 = arith.constant 0 : i32
        %dma_wait3A_157 = arith.constant 0 : i32
        %dma_wait3A_158 = tpu.memref_slice %arg9[%dma_wait3A_156, %dma_wait3A_157] : memref<10008x64xf32, #tpu.memory_space<vmem_shared>> -> memref<10008x64xf32, #tpu.memory_space<vmem_shared>>
        tpu.wait_indirect_dma semaphore(%run_scoped3A_146 : memref<!tpu.dma_semaphore, #tpu.memory_space<semaphore_mem>>) src(%arg13 : memref<128x64xf32, #tpu.memory_space<vmem>>) dst(%dma_wait3A_158 : memref<10008x64xf32, #tpu.memory_space<vmem_shared>>)
        tpu.yield
      }) : () -> ()
      %add3A_137 = arith.constant 3 : i32
      %add3A_138 = arith.addi %add3A_70, %add3A_137 : i32
      %add3A_139 = arith.constant 4 : i32
      %add3A_140 = arith.addi %add3A_138, %add3A_139 : i32
      %lt3A_141 = arith.constant 79 : i32
      %lt3A_142 = arith.cmpi slt, %add3A_140, %lt3A_141 : i32
      %convert_element_type3A_143 = arith.extui %lt3A_142 : i1 to i32
      %cond3A_144 = arith.constant 0 : i32
      %cond3A_145 = arith.cmpi ne, %convert_element_type3A_143, %cond3A_144 : i32
      scf.if %cond3A_145 {
        %add3A_146 = arith.constant 3 : i32
        %add3A_147 = arith.addi %add3A_70, %add3A_146 : i32
        %add3A_148 = arith.constant 4 : i32
        %add3A_149 = arith.addi %add3A_147, %add3A_148 : i32
        %dma_start3A_150 = arith.constant 0 : i32
        %dma_start3A_151 = tpu.memref_slice %arg7[%add3A_149, %dma_start3A_150] : memref<79x128xi32, #tpu.memory_space<vmem>> -> memref<1x128xi32, #tpu.memory_space<vmem>>
        %dma_start3A_152 = tpu.memref_squeeze %dma_start3A_151 : memref<1x128xi32, #tpu.memory_space<vmem>> -> memref<128xi32, #tpu.memory_space<vmem>>
        %dma_start3A_153 = arith.constant 0 : i32
        %dma_start3A_154 = arith.constant 0 : i32
        %dma_start3A_155 = tpu.memref_slice %arg2[%dma_start3A_153, %dma_start3A_154] : memref<10128x64xf32, #tpu.memory_space<hbm>> -> memref<10128x64xf32, #tpu.memory_space<hbm>>
        tpu.enqueue_indirect_dma source(%dma_start3A_155 : memref<10128x64xf32, #tpu.memory_space<hbm>>) target(%arg13 : memref<128x64xf32, #tpu.memory_space<vmem>>) offsets(%dma_start3A_152 : memref<128xi32, #tpu.memory_space<vmem>>) semaphore(%arg17 : memref<!tpu.dma_semaphore, #tpu.memory_space<semaphore_mem>>)
      } else {
      }
    }
    %scan3A_35 = arith.constant 19 : i32
    %dma_wait3A = arith.constant 76 : i32
    %dma_wait3A_36 = arith.constant 0 : i32
    %dma_wait3A_37 = tpu.memref_slice %arg7[%dma_wait3A, %dma_wait3A_36] : memref<79x128xi32, #tpu.memory_space<vmem>> -> memref<1x128xi32, #tpu.memory_space<vmem>>
    %dma_wait3A_38 = tpu.memref_squeeze %dma_wait3A_37 : memref<1x128xi32, #tpu.memory_space<vmem>> -> memref<128xi32, #tpu.memory_space<vmem>>
    %dma_wait3A_39 = arith.constant 0 : i32
    %dma_wait3A_40 = arith.constant 0 : i32
    %dma_wait3A_41 = tpu.memref_slice %arg2[%dma_wait3A_39, %dma_wait3A_40] : memref<10128x64xf32, #tpu.memory_space<hbm>> -> memref<10128x64xf32, #tpu.memory_space<hbm>>
    tpu.wait_indirect_dma semaphore(%arg14 : memref<!tpu.dma_semaphore, #tpu.memory_space<semaphore_mem>>) src(%dma_wait3A_41 : memref<10128x64xf32, #tpu.memory_space<hbm>>) dst(%arg10 : memref<128x64xf32, #tpu.memory_space<vmem>>)
    %run_scoped3A = arith.constant 76 : i32
    "tpu.region"() ({
      %run_scoped3A_66 = tpu.sem_alloc : memref<!tpu.dma_semaphore, #tpu.memory_space<semaphore_mem>>
      %dma_start3A_67 = arith.constant 0 : i32
      %dma_start3A_68 = tpu.memref_slice %arg8[%run_scoped3A, %dma_start3A_67] : memref<79x128xi32, #tpu.memory_space<vmem>> -> memref<1x128xi32, #tpu.memory_space<vmem>>
      %dma_start3A_69 = tpu.memref_squeeze %dma_start3A_68 : memref<1x128xi32, #tpu.memory_space<vmem>> -> memref<128xi32, #tpu.memory_space<vmem>>
      %dma_start3A_70 = arith.constant 0 : i32
      %dma_start3A_71 = arith.constant 0 : i32
      %dma_start3A_72 = tpu.memref_slice %arg9[%dma_start3A_70, %dma_start3A_71] : memref<10008x64xf32, #tpu.memory_space<vmem_shared>> -> memref<10008x64xf32, #tpu.memory_space<vmem_shared>>
      tpu.enqueue_indirect_dma source(%arg10 : memref<128x64xf32, #tpu.memory_space<vmem>>) target(%dma_start3A_72 : memref<10008x64xf32, #tpu.memory_space<vmem_shared>>) offsets(%dma_start3A_69 : memref<128xi32, #tpu.memory_space<vmem>>) semaphore(%run_scoped3A_66 : memref<!tpu.dma_semaphore, #tpu.memory_space<semaphore_mem>>) {add = true}
      %dma_wait3A_73 = arith.constant 0 : i32
      %dma_wait3A_74 = tpu.memref_slice %arg8[%run_scoped3A, %dma_wait3A_73] : memref<79x128xi32, #tpu.memory_space<vmem>> -> memref<1x128xi32, #tpu.memory_space<vmem>>
      %dma_wait3A_75 = tpu.memref_squeeze %dma_wait3A_74 : memref<1x128xi32, #tpu.memory_space<vmem>> -> memref<128xi32, #tpu.memory_space<vmem>>
      %dma_wait3A_76 = arith.constant 0 : i32
      %dma_wait3A_77 = arith.constant 0 : i32
      %dma_wait3A_78 = tpu.memref_slice %arg9[%dma_wait3A_76, %dma_wait3A_77] : memref<10008x64xf32, #tpu.memory_space<vmem_shared>> -> memref<10008x64xf32, #tpu.memory_space<vmem_shared>>
      tpu.wait_indirect_dma semaphore(%run_scoped3A_66 : memref<!tpu.dma_semaphore, #tpu.memory_space<semaphore_mem>>) src(%arg10 : memref<128x64xf32, #tpu.memory_space<vmem>>) dst(%dma_wait3A_78 : memref<10008x64xf32, #tpu.memory_space<vmem_shared>>)
      tpu.yield
    }) : () -> ()
    %dma_wait3A_42 = arith.constant 77 : i32
    %dma_wait3A_43 = arith.constant 0 : i32
    %dma_wait3A_44 = tpu.memref_slice %arg7[%dma_wait3A_42, %dma_wait3A_43] : memref<79x128xi32, #tpu.memory_space<vmem>> -> memref<1x128xi32, #tpu.memory_space<vmem>>
    %dma_wait3A_45 = tpu.memref_squeeze %dma_wait3A_44 : memref<1x128xi32, #tpu.memory_space<vmem>> -> memref<128xi32, #tpu.memory_space<vmem>>
    %dma_wait3A_46 = arith.constant 0 : i32
    %dma_wait3A_47 = arith.constant 0 : i32
    %dma_wait3A_48 = tpu.memref_slice %arg2[%dma_wait3A_46, %dma_wait3A_47] : memref<10128x64xf32, #tpu.memory_space<hbm>> -> memref<10128x64xf32, #tpu.memory_space<hbm>>
    tpu.wait_indirect_dma semaphore(%arg15 : memref<!tpu.dma_semaphore, #tpu.memory_space<semaphore_mem>>) src(%dma_wait3A_48 : memref<10128x64xf32, #tpu.memory_space<hbm>>) dst(%arg11 : memref<128x64xf32, #tpu.memory_space<vmem>>)
    %run_scoped3A_49 = arith.constant 77 : i32
    "tpu.region"() ({
      %run_scoped3A_66 = tpu.sem_alloc : memref<!tpu.dma_semaphore, #tpu.memory_space<semaphore_mem>>
      %dma_start3A_67 = arith.constant 0 : i32
      %dma_start3A_68 = tpu.memref_slice %arg8[%run_scoped3A_49, %dma_start3A_67] : memref<79x128xi32, #tpu.memory_space<vmem>> -> memref<1x128xi32, #tpu.memory_space<vmem>>
      %dma_start3A_69 = tpu.memref_squeeze %dma_start3A_68 : memref<1x128xi32, #tpu.memory_space<vmem>> -> memref<128xi32, #tpu.memory_space<vmem>>
      %dma_start3A_70 = arith.constant 0 : i32
      %dma_start3A_71 = arith.constant 0 : i32
      %dma_start3A_72 = tpu.memref_slice %arg9[%dma_start3A_70, %dma_start3A_71] : memref<10008x64xf32, #tpu.memory_space<vmem_shared>> -> memref<10008x64xf32, #tpu.memory_space<vmem_shared>>
      tpu.enqueue_indirect_dma source(%arg11 : memref<128x64xf32, #tpu.memory_space<vmem>>) target(%dma_start3A_72 : memref<10008x64xf32, #tpu.memory_space<vmem_shared>>) offsets(%dma_start3A_69 : memref<128xi32, #tpu.memory_space<vmem>>) semaphore(%run_scoped3A_66 : memref<!tpu.dma_semaphore, #tpu.memory_space<semaphore_mem>>) {add = true}
      %dma_wait3A_73 = arith.constant 0 : i32
      %dma_wait3A_74 = tpu.memref_slice %arg8[%run_scoped3A_49, %dma_wait3A_73] : memref<79x128xi32, #tpu.memory_space<vmem>> -> memref<1x128xi32, #tpu.memory_space<vmem>>
      %dma_wait3A_75 = tpu.memref_squeeze %dma_wait3A_74 : memref<1x128xi32, #tpu.memory_space<vmem>> -> memref<128xi32, #tpu.memory_space<vmem>>
      %dma_wait3A_76 = arith.constant 0 : i32
      %dma_wait3A_77 = arith.constant 0 : i32
      %dma_wait3A_78 = tpu.memref_slice %arg9[%dma_wait3A_76, %dma_wait3A_77] : memref<10008x64xf32, #tpu.memory_space<vmem_shared>> -> memref<10008x64xf32, #tpu.memory_space<vmem_shared>>
      tpu.wait_indirect_dma semaphore(%run_scoped3A_66 : memref<!tpu.dma_semaphore, #tpu.memory_space<semaphore_mem>>) src(%arg11 : memref<128x64xf32, #tpu.memory_space<vmem>>) dst(%dma_wait3A_78 : memref<10008x64xf32, #tpu.memory_space<vmem_shared>>)
      tpu.yield
    }) : () -> ()
    %dma_wait3A_50 = arith.constant 78 : i32
    %dma_wait3A_51 = arith.constant 0 : i32
    %dma_wait3A_52 = tpu.memref_slice %arg7[%dma_wait3A_50, %dma_wait3A_51] : memref<79x128xi32, #tpu.memory_space<vmem>> -> memref<1x128xi32, #tpu.memory_space<vmem>>
    %dma_wait3A_53 = tpu.memref_squeeze %dma_wait3A_52 : memref<1x128xi32, #tpu.memory_space<vmem>> -> memref<128xi32, #tpu.memory_space<vmem>>
    %dma_wait3A_54 = arith.constant 0 : i32
    %dma_wait3A_55 = arith.constant 0 : i32
    %dma_wait3A_56 = tpu.memref_slice %arg2[%dma_wait3A_54, %dma_wait3A_55] : memref<10128x64xf32, #tpu.memory_space<hbm>> -> memref<10128x64xf32, #tpu.memory_space<hbm>>
    tpu.wait_indirect_dma semaphore(%arg16 : memref<!tpu.dma_semaphore, #tpu.memory_space<semaphore_mem>>) src(%dma_wait3A_56 : memref<10128x64xf32, #tpu.memory_space<hbm>>) dst(%arg12 : memref<128x64xf32, #tpu.memory_space<vmem>>)
    %run_scoped3A_57 = arith.constant 78 : i32
    "tpu.region"() ({
      %run_scoped3A_66 = tpu.sem_alloc : memref<!tpu.dma_semaphore, #tpu.memory_space<semaphore_mem>>
      %dma_start3A_67 = arith.constant 0 : i32
      %dma_start3A_68 = tpu.memref_slice %arg8[%run_scoped3A_57, %dma_start3A_67] : memref<79x128xi32, #tpu.memory_space<vmem>> -> memref<1x128xi32, #tpu.memory_space<vmem>>
      %dma_start3A_69 = tpu.memref_squeeze %dma_start3A_68 : memref<1x128xi32, #tpu.memory_space<vmem>> -> memref<128xi32, #tpu.memory_space<vmem>>
      %dma_start3A_70 = arith.constant 0 : i32
      %dma_start3A_71 = arith.constant 0 : i32
      %dma_start3A_72 = tpu.memref_slice %arg9[%dma_start3A_70, %dma_start3A_71] : memref<10008x64xf32, #tpu.memory_space<vmem_shared>> -> memref<10008x64xf32, #tpu.memory_space<vmem_shared>>
      tpu.enqueue_indirect_dma source(%arg12 : memref<128x64xf32, #tpu.memory_space<vmem>>) target(%dma_start3A_72 : memref<10008x64xf32, #tpu.memory_space<vmem_shared>>) offsets(%dma_start3A_69 : memref<128xi32, #tpu.memory_space<vmem>>) semaphore(%run_scoped3A_66 : memref<!tpu.dma_semaphore, #tpu.memory_space<semaphore_mem>>) {add = true}
      %dma_wait3A_73 = arith.constant 0 : i32
      %dma_wait3A_74 = tpu.memref_slice %arg8[%run_scoped3A_57, %dma_wait3A_73] : memref<79x128xi32, #tpu.memory_space<vmem>> -> memref<1x128xi32, #tpu.memory_space<vmem>>
      %dma_wait3A_75 = tpu.memref_squeeze %dma_wait3A_74 : memref<1x128xi32, #tpu.memory_space<vmem>> -> memref<128xi32, #tpu.memory_space<vmem>>
      %dma_wait3A_76 = arith.constant 0 : i32
      %dma_wait3A_77 = arith.constant 0 : i32
      %dma_wait3A_78 = tpu.memref_slice %arg9[%dma_wait3A_76, %dma_wait3A_77] : memref<10008x64xf32, #tpu.memory_space<vmem_shared>> -> memref<10008x64xf32, #tpu.memory_space<vmem_shared>>
      tpu.wait_indirect_dma semaphore(%run_scoped3A_66 : memref<!tpu.dma_semaphore, #tpu.memory_space<semaphore_mem>>) src(%arg12 : memref<128x64xf32, #tpu.memory_space<vmem>>) dst(%dma_wait3A_78 : memref<10008x64xf32, #tpu.memory_space<vmem_shared>>)
      tpu.yield
    }) : () -> ()
    %barrier3A_58 = arith.constant 0 : index
    tpu.barrier barrier_id(%barrier3A_58)
    %mul3A_59 = arith.constant 64 : i32
    %mul3A_60 = arith.muli %arg0, %mul3A_59 : i32
    "tpu.region"() ({
      %run_scoped3A_66 = tpu.sem_alloc : memref<!tpu.dma_semaphore, #tpu.memory_space<semaphore_mem>>
      %dma_start3A_67 = tpu.memref_slice %arg6[%mul3A_2, %mul3A_60] : memref<10008x128xf32, #tpu.memory_space<hbm>> -> memref<624x64xf32, #tpu.memory_space<hbm>>
      %dma_start3A_68 = arith.constant 0 : i32
      %dma_start3A_69 = tpu.memref_slice %arg9[%mul3A_2, %dma_start3A_68] : memref<10008x64xf32, #tpu.memory_space<vmem_shared>> -> memref<624x64xf32, #tpu.memory_space<vmem_shared>>
      tpu.enqueue_dma source(%dma_start3A_69 : memref<624x64xf32, #tpu.memory_space<vmem_shared>>) target(%dma_start3A_67 : memref<624x64xf32, #tpu.memory_space<hbm>>) target_semaphore(%run_scoped3A_66 : memref<!tpu.dma_semaphore, #tpu.memory_space<semaphore_mem>>)
      %dma_wait3A_70 = tpu.memref_slice %arg6[%mul3A_2, %mul3A_60] : memref<10008x128xf32, #tpu.memory_space<hbm>> -> memref<624x64xf32, #tpu.memory_space<hbm>>
      %dma_wait3A_71 = arith.constant 0 : i32
      %dma_wait3A_72 = tpu.memref_slice %arg9[%mul3A_2, %dma_wait3A_71] : memref<10008x64xf32, #tpu.memory_space<vmem_shared>> -> memref<624x64xf32, #tpu.memory_space<vmem_shared>>
      tpu.wait_dma2 semaphore(%run_scoped3A_66 : memref<!tpu.dma_semaphore, #tpu.memory_space<semaphore_mem>>) src(%dma_wait3A_72 : memref<624x64xf32, #tpu.memory_space<vmem_shared>>) dst(%dma_wait3A_70 : memref<624x64xf32, #tpu.memory_space<hbm>>)
      tpu.yield
    }) : () -> ()
    %eq3A_61 = arith.constant 0 : i32
    %eq3A_62 = arith.cmpi eq, %arg1, %eq3A_61 : i32
    %convert_element_type3A_63 = arith.extui %eq3A_62 : i1 to i32
    %cond3A_64 = arith.constant 0 : i32
    %cond3A_65 = arith.cmpi ne, %convert_element_type3A_63, %cond3A_64 : i32
    scf.if %cond3A_65 {
      %mul3A_66 = arith.constant 64 : i32
      %mul3A_67 = arith.muli %arg0, %mul3A_66 : i32
      "tpu.region"() ({
        %run_scoped3A_68 = tpu.sem_alloc : memref<!tpu.dma_semaphore, #tpu.memory_space<semaphore_mem>>
        %dma_start3A_69 = arith.constant 9984 : i32
        %dma_start3A_70 = tpu.memref_slice %arg6[%dma_start3A_69, %mul3A_67] : memref<10008x128xf32, #tpu.memory_space<hbm>> -> memref<24x64xf32, #tpu.memory_space<hbm>>
        %dma_start3A_71 = arith.constant 9984 : i32
        %dma_start3A_72 = arith.constant 0 : i32
        %dma_start3A_73 = tpu.memref_slice %arg9[%dma_start3A_71, %dma_start3A_72] : memref<10008x64xf32, #tpu.memory_space<vmem_shared>> -> memref<24x64xf32, #tpu.memory_space<vmem_shared>>
        tpu.enqueue_dma source(%dma_start3A_73 : memref<24x64xf32, #tpu.memory_space<vmem_shared>>) target(%dma_start3A_70 : memref<24x64xf32, #tpu.memory_space<hbm>>) target_semaphore(%run_scoped3A_68 : memref<!tpu.dma_semaphore, #tpu.memory_space<semaphore_mem>>)
        %dma_wait3A_74 = arith.constant 9984 : i32
        %dma_wait3A_75 = tpu.memref_slice %arg6[%dma_wait3A_74, %mul3A_67] : memref<10008x128xf32, #tpu.memory_space<hbm>> -> memref<24x64xf32, #tpu.memory_space<hbm>>
        %dma_wait3A_76 = arith.constant 9984 : i32
        %dma_wait3A_77 = arith.constant 0 : i32
        %dma_wait3A_78 = tpu.memref_slice %arg9[%dma_wait3A_76, %dma_wait3A_77] : memref<10008x64xf32, #tpu.memory_space<vmem_shared>> -> memref<24x64xf32, #tpu.memory_space<vmem_shared>>
        tpu.wait_dma2 semaphore(%run_scoped3A_68 : memref<!tpu.dma_semaphore, #tpu.memory_space<semaphore_mem>>) src(%dma_wait3A_78 : memref<24x64xf32, #tpu.memory_space<vmem_shared>>) dst(%dma_wait3A_75 : memref<24x64xf32, #tpu.memory_space<hbm>>)
        tpu.yield
      }) : () -> ()
    } else {
    }
    return
  }
}

#map = affine_map<(d0, d1) -> (0, 0)>
#map1 = affine_map<(d0, d1) -> (0, 0, 0)>
module attributes {stable_mosaic.version = 14 : i64} {
  func.func @propagate(%arg0: i32, %arg1: i32, %arg2: memref<10000x128xf32, #tpu.memory_space<hbm>>, %arg3: memref<32x125x80xi32, #tpu.memory_space<hbm>>, %arg4: memref<32x125x80xi32, #tpu.memory_space<hbm>>, %arg5: memref<10008x128xf32, #tpu.memory_space<hbm>>, %arg6: memref<2x10008x128xf32, #tpu.memory_space<hbm>>, %arg7: memref<125x80xi32, #tpu.memory_space<vmem>>, %arg8: memref<125x80xi32, #tpu.memory_space<vmem>>, %arg9: memref<10008x128xf32, #tpu.memory_space<vmem_shared>>, %arg10: memref<80x128xf32, #tpu.memory_space<vmem>>, %arg11: memref<80x128xf32, #tpu.memory_space<vmem>>, %arg12: memref<80x128xf32, #tpu.memory_space<vmem>>, %arg13: memref<!tpu.dma_semaphore, #tpu.memory_space<semaphore_mem>>, %arg14: memref<!tpu.dma_semaphore, #tpu.memory_space<semaphore_mem>>, %arg15: memref<!tpu.dma_semaphore, #tpu.memory_space<semaphore_mem>>) attributes {dimension_semantics = [#tpu.dimension_semantics<core_parallel>, #tpu.dimension_semantics<subcore_parallel>], iteration_bounds = array<i64: 2, 16>, scalar_prefetch = 0 : i64, scratch_operands = 9 : i64, tpu.core_type = #tpu.core_type<sc_vector_subcore>, window_params = [{transform_indices = #map}, {transform_indices = #map1}, {transform_indices = #map1}, {transform_indices = #map}, {transform_indices = #map1}]} {
    %mul3A = arith.constant 16 : i32
    %mul3A_0 = arith.muli %arg0, %mul3A : i32
    %add3A = arith.addi %mul3A_0, %arg1 : i32
    "tpu.region"() ({
      %run_scoped3A_49 = tpu.sem_alloc : memref<!tpu.dma_semaphore, #tpu.memory_space<semaphore_mem>>
      %dma_start3A_50 = arith.constant 0 : i32
      %dma_start3A_51 = arith.constant 0 : i32
      %dma_start3A_52 = tpu.memref_slice %arg3[%add3A, %dma_start3A_50, %dma_start3A_51] : memref<32x125x80xi32, #tpu.memory_space<hbm>> -> memref<1x125x80xi32, #tpu.memory_space<hbm>>
      %dma_start3A_53 = tpu.memref_squeeze %dma_start3A_52 : memref<1x125x80xi32, #tpu.memory_space<hbm>> -> memref<125x80xi32, #tpu.memory_space<hbm>>
      %dma_start3A_54 = arith.constant 0 : i32
      %dma_start3A_55 = arith.constant 0 : i32
      %dma_start3A_56 = tpu.memref_slice %arg3[%add3A, %dma_start3A_54, %dma_start3A_55] : memref<32x125x80xi32, #tpu.memory_space<hbm>> -> memref<1x125x80xi32, #tpu.memory_space<hbm>>
      %dma_start3A_57 = tpu.memref_squeeze %dma_start3A_56 : memref<1x125x80xi32, #tpu.memory_space<hbm>> -> memref<125x80xi32, #tpu.memory_space<hbm>>
      tpu.enqueue_dma source(%dma_start3A_57 : memref<125x80xi32, #tpu.memory_space<hbm>>) target(%arg7 : memref<125x80xi32, #tpu.memory_space<vmem>>) target_semaphore(%run_scoped3A_49 : memref<!tpu.dma_semaphore, #tpu.memory_space<semaphore_mem>>)
      %dma_wait3A_58 = arith.constant 0 : i32
      %dma_wait3A_59 = arith.constant 0 : i32
      %dma_wait3A_60 = tpu.memref_slice %arg3[%add3A, %dma_wait3A_58, %dma_wait3A_59] : memref<32x125x80xi32, #tpu.memory_space<hbm>> -> memref<1x125x80xi32, #tpu.memory_space<hbm>>
      %dma_wait3A_61 = tpu.memref_squeeze %dma_wait3A_60 : memref<1x125x80xi32, #tpu.memory_space<hbm>> -> memref<125x80xi32, #tpu.memory_space<hbm>>
      %dma_wait3A_62 = arith.constant 0 : i32
      %dma_wait3A_63 = arith.constant 0 : i32
      %dma_wait3A_64 = tpu.memref_slice %arg3[%add3A, %dma_wait3A_62, %dma_wait3A_63] : memref<32x125x80xi32, #tpu.memory_space<hbm>> -> memref<1x125x80xi32, #tpu.memory_space<hbm>>
      %dma_wait3A_65 = tpu.memref_squeeze %dma_wait3A_64 : memref<1x125x80xi32, #tpu.memory_space<hbm>> -> memref<125x80xi32, #tpu.memory_space<hbm>>
      tpu.wait_dma2 semaphore(%run_scoped3A_49 : memref<!tpu.dma_semaphore, #tpu.memory_space<semaphore_mem>>) src(%dma_wait3A_65 : memref<125x80xi32, #tpu.memory_space<hbm>>) dst(%arg7 : memref<125x80xi32, #tpu.memory_space<vmem>>)
      tpu.yield
    }) : () -> ()
    "tpu.region"() ({
      %run_scoped3A_49 = tpu.sem_alloc : memref<!tpu.dma_semaphore, #tpu.memory_space<semaphore_mem>>
      %dma_start3A_50 = arith.constant 0 : i32
      %dma_start3A_51 = arith.constant 0 : i32
      %dma_start3A_52 = tpu.memref_slice %arg4[%add3A, %dma_start3A_50, %dma_start3A_51] : memref<32x125x80xi32, #tpu.memory_space<hbm>> -> memref<1x125x80xi32, #tpu.memory_space<hbm>>
      %dma_start3A_53 = tpu.memref_squeeze %dma_start3A_52 : memref<1x125x80xi32, #tpu.memory_space<hbm>> -> memref<125x80xi32, #tpu.memory_space<hbm>>
      %dma_start3A_54 = arith.constant 0 : i32
      %dma_start3A_55 = arith.constant 0 : i32
      %dma_start3A_56 = tpu.memref_slice %arg4[%add3A, %dma_start3A_54, %dma_start3A_55] : memref<32x125x80xi32, #tpu.memory_space<hbm>> -> memref<1x125x80xi32, #tpu.memory_space<hbm>>
      %dma_start3A_57 = tpu.memref_squeeze %dma_start3A_56 : memref<1x125x80xi32, #tpu.memory_space<hbm>> -> memref<125x80xi32, #tpu.memory_space<hbm>>
      tpu.enqueue_dma source(%dma_start3A_57 : memref<125x80xi32, #tpu.memory_space<hbm>>) target(%arg8 : memref<125x80xi32, #tpu.memory_space<vmem>>) target_semaphore(%run_scoped3A_49 : memref<!tpu.dma_semaphore, #tpu.memory_space<semaphore_mem>>)
      %dma_wait3A_58 = arith.constant 0 : i32
      %dma_wait3A_59 = arith.constant 0 : i32
      %dma_wait3A_60 = tpu.memref_slice %arg4[%add3A, %dma_wait3A_58, %dma_wait3A_59] : memref<32x125x80xi32, #tpu.memory_space<hbm>> -> memref<1x125x80xi32, #tpu.memory_space<hbm>>
      %dma_wait3A_61 = tpu.memref_squeeze %dma_wait3A_60 : memref<1x125x80xi32, #tpu.memory_space<hbm>> -> memref<125x80xi32, #tpu.memory_space<hbm>>
      %dma_wait3A_62 = arith.constant 0 : i32
      %dma_wait3A_63 = arith.constant 0 : i32
      %dma_wait3A_64 = tpu.memref_slice %arg4[%add3A, %dma_wait3A_62, %dma_wait3A_63] : memref<32x125x80xi32, #tpu.memory_space<hbm>> -> memref<1x125x80xi32, #tpu.memory_space<hbm>>
      %dma_wait3A_65 = tpu.memref_squeeze %dma_wait3A_64 : memref<1x125x80xi32, #tpu.memory_space<hbm>> -> memref<125x80xi32, #tpu.memory_space<hbm>>
      tpu.wait_dma2 semaphore(%run_scoped3A_49 : memref<!tpu.dma_semaphore, #tpu.memory_space<semaphore_mem>>) src(%dma_wait3A_65 : memref<125x80xi32, #tpu.memory_space<hbm>>) dst(%arg8 : memref<125x80xi32, #tpu.memory_space<vmem>>)
      tpu.yield
    }) : () -> ()
    %mul3A_1 = arith.constant 624 : i32
    %mul3A_2 = arith.muli %arg1, %mul3A_1 : i32
    "tpu.region"() ({
      %run_scoped3A_49 = tpu.sem_alloc : memref<!tpu.dma_semaphore, #tpu.memory_space<semaphore_mem>>
      %dma_start3A_50 = arith.constant 0 : i32
      %dma_start3A_51 = tpu.memref_slice %arg9[%mul3A_2, %dma_start3A_50] : memref<10008x128xf32, #tpu.memory_space<vmem_shared>> -> memref<624x128xf32, #tpu.memory_space<vmem_shared>>
      %dma_start3A_52 = arith.constant 0 : i32
      %dma_start3A_53 = tpu.memref_slice %arg5[%mul3A_2, %dma_start3A_52] : memref<10008x128xf32, #tpu.memory_space<hbm>> -> memref<624x128xf32, #tpu.memory_space<hbm>>
      tpu.enqueue_dma source(%dma_start3A_53 : memref<624x128xf32, #tpu.memory_space<hbm>>) target(%dma_start3A_51 : memref<624x128xf32, #tpu.memory_space<vmem_shared>>) target_semaphore(%run_scoped3A_49 : memref<!tpu.dma_semaphore, #tpu.memory_space<semaphore_mem>>)
      %dma_wait3A_54 = arith.constant 0 : i32
      %dma_wait3A_55 = tpu.memref_slice %arg9[%mul3A_2, %dma_wait3A_54] : memref<10008x128xf32, #tpu.memory_space<vmem_shared>> -> memref<624x128xf32, #tpu.memory_space<vmem_shared>>
      %dma_wait3A_56 = arith.constant 0 : i32
      %dma_wait3A_57 = tpu.memref_slice %arg5[%mul3A_2, %dma_wait3A_56] : memref<10008x128xf32, #tpu.memory_space<hbm>> -> memref<624x128xf32, #tpu.memory_space<hbm>>
      tpu.wait_dma2 semaphore(%run_scoped3A_49 : memref<!tpu.dma_semaphore, #tpu.memory_space<semaphore_mem>>) src(%dma_wait3A_57 : memref<624x128xf32, #tpu.memory_space<hbm>>) dst(%dma_wait3A_55 : memref<624x128xf32, #tpu.memory_space<vmem_shared>>)
      tpu.yield
    }) : () -> ()
    %eq3A = arith.constant 0 : i32
    %eq3A_3 = arith.cmpi eq, %arg1, %eq3A : i32
    %convert_element_type3A = arith.extui %eq3A_3 : i1 to i32
    %cond3A = arith.constant 0 : i32
    %cond3A_4 = arith.cmpi ne, %convert_element_type3A, %cond3A : i32
    scf.if %cond3A_4 {
      "tpu.region"() ({
        %run_scoped3A_49 = tpu.sem_alloc : memref<!tpu.dma_semaphore, #tpu.memory_space<semaphore_mem>>
        %dma_start3A_50 = arith.constant 9984 : i32
        %dma_start3A_51 = arith.constant 0 : i32
        %dma_start3A_52 = tpu.memref_slice %arg9[%dma_start3A_50, %dma_start3A_51] : memref<10008x128xf32, #tpu.memory_space<vmem_shared>> -> memref<24x128xf32, #tpu.memory_space<vmem_shared>>
        %dma_start3A_53 = arith.constant 9984 : i32
        %dma_start3A_54 = arith.constant 0 : i32
        %dma_start3A_55 = tpu.memref_slice %arg5[%dma_start3A_53, %dma_start3A_54] : memref<10008x128xf32, #tpu.memory_space<hbm>> -> memref<24x128xf32, #tpu.memory_space<hbm>>
        tpu.enqueue_dma source(%dma_start3A_55 : memref<24x128xf32, #tpu.memory_space<hbm>>) target(%dma_start3A_52 : memref<24x128xf32, #tpu.memory_space<vmem_shared>>) target_semaphore(%run_scoped3A_49 : memref<!tpu.dma_semaphore, #tpu.memory_space<semaphore_mem>>)
        %dma_wait3A_56 = arith.constant 9984 : i32
        %dma_wait3A_57 = arith.constant 0 : i32
        %dma_wait3A_58 = tpu.memref_slice %arg9[%dma_wait3A_56, %dma_wait3A_57] : memref<10008x128xf32, #tpu.memory_space<vmem_shared>> -> memref<24x128xf32, #tpu.memory_space<vmem_shared>>
        %dma_wait3A_59 = arith.constant 9984 : i32
        %dma_wait3A_60 = arith.constant 0 : i32
        %dma_wait3A_61 = tpu.memref_slice %arg5[%dma_wait3A_59, %dma_wait3A_60] : memref<10008x128xf32, #tpu.memory_space<hbm>> -> memref<24x128xf32, #tpu.memory_space<hbm>>
        tpu.wait_dma2 semaphore(%run_scoped3A_49 : memref<!tpu.dma_semaphore, #tpu.memory_space<semaphore_mem>>) src(%dma_wait3A_61 : memref<24x128xf32, #tpu.memory_space<hbm>>) dst(%dma_wait3A_58 : memref<24x128xf32, #tpu.memory_space<vmem_shared>>)
        tpu.yield
      }) : () -> ()
    } else {
    }
    %barrier3A = arith.constant 0 : index
    tpu.barrier barrier_id(%barrier3A)
    %dma_start3A = arith.constant 0 : i32
    %dma_start3A_5 = arith.constant 0 : i32
    %dma_start3A_6 = tpu.memref_slice %arg7[%dma_start3A, %dma_start3A_5] : memref<125x80xi32, #tpu.memory_space<vmem>> -> memref<1x80xi32, #tpu.memory_space<vmem>>
    %dma_start3A_7 = tpu.memref_squeeze %dma_start3A_6 : memref<1x80xi32, #tpu.memory_space<vmem>> -> memref<80xi32, #tpu.memory_space<vmem>>
    %dma_start3A_8 = arith.constant 0 : i32
    %dma_start3A_9 = arith.constant 0 : i32
    %dma_start3A_10 = tpu.memref_slice %arg2[%dma_start3A_8, %dma_start3A_9] : memref<10000x128xf32, #tpu.memory_space<hbm>> -> memref<10000x128xf32, #tpu.memory_space<hbm>>
    tpu.enqueue_indirect_dma source(%dma_start3A_10 : memref<10000x128xf32, #tpu.memory_space<hbm>>) target(%arg10 : memref<80x128xf32, #tpu.memory_space<vmem>>) offsets(%dma_start3A_7 : memref<80xi32, #tpu.memory_space<vmem>>) semaphore(%arg13 : memref<!tpu.dma_semaphore, #tpu.memory_space<semaphore_mem>>)
    %dma_start3A_11 = arith.constant 1 : i32
    %dma_start3A_12 = arith.constant 0 : i32
    %dma_start3A_13 = tpu.memref_slice %arg7[%dma_start3A_11, %dma_start3A_12] : memref<125x80xi32, #tpu.memory_space<vmem>> -> memref<1x80xi32, #tpu.memory_space<vmem>>
    %dma_start3A_14 = tpu.memref_squeeze %dma_start3A_13 : memref<1x80xi32, #tpu.memory_space<vmem>> -> memref<80xi32, #tpu.memory_space<vmem>>
    %dma_start3A_15 = arith.constant 0 : i32
    %dma_start3A_16 = arith.constant 0 : i32
    %dma_start3A_17 = tpu.memref_slice %arg2[%dma_start3A_15, %dma_start3A_16] : memref<10000x128xf32, #tpu.memory_space<hbm>> -> memref<10000x128xf32, #tpu.memory_space<hbm>>
    tpu.enqueue_indirect_dma source(%dma_start3A_17 : memref<10000x128xf32, #tpu.memory_space<hbm>>) target(%arg11 : memref<80x128xf32, #tpu.memory_space<vmem>>) offsets(%dma_start3A_14 : memref<80xi32, #tpu.memory_space<vmem>>) semaphore(%arg14 : memref<!tpu.dma_semaphore, #tpu.memory_space<semaphore_mem>>)
    %dma_start3A_18 = arith.constant 2 : i32
    %dma_start3A_19 = arith.constant 0 : i32
    %dma_start3A_20 = tpu.memref_slice %arg7[%dma_start3A_18, %dma_start3A_19] : memref<125x80xi32, #tpu.memory_space<vmem>> -> memref<1x80xi32, #tpu.memory_space<vmem>>
    %dma_start3A_21 = tpu.memref_squeeze %dma_start3A_20 : memref<1x80xi32, #tpu.memory_space<vmem>> -> memref<80xi32, #tpu.memory_space<vmem>>
    %dma_start3A_22 = arith.constant 0 : i32
    %dma_start3A_23 = arith.constant 0 : i32
    %dma_start3A_24 = tpu.memref_slice %arg2[%dma_start3A_22, %dma_start3A_23] : memref<10000x128xf32, #tpu.memory_space<hbm>> -> memref<10000x128xf32, #tpu.memory_space<hbm>>
    tpu.enqueue_indirect_dma source(%dma_start3A_24 : memref<10000x128xf32, #tpu.memory_space<hbm>>) target(%arg12 : memref<80x128xf32, #tpu.memory_space<vmem>>) offsets(%dma_start3A_21 : memref<80xi32, #tpu.memory_space<vmem>>) semaphore(%arg15 : memref<!tpu.dma_semaphore, #tpu.memory_space<semaphore_mem>>)
    %scan3A = arith.constant 0 : i32
    %scan3A_25 = arith.constant 41 : i32
    %scan3A_26 = arith.addi %scan3A, %scan3A_25 : i32
    %scan3A_27 = arith.constant 1 : i32
    scf.for %scan3A_49 = %scan3A to %scan3A_26 step %scan3A_27  : i32 {
      %mul3A_50 = arith.constant 3 : i32
      %mul3A_51 = arith.muli %scan3A_49, %mul3A_50 : i32
      %add3A_52 = arith.constant 0 : i32
      %add3A_53 = arith.addi %add3A_52, %mul3A_51 : i32
      %add3A_54 = arith.constant 0 : i32
      %add3A_55 = arith.addi %add3A_53, %add3A_54 : i32
      %dma_wait3A_56 = arith.constant 0 : i32
      %dma_wait3A_57 = tpu.memref_slice %arg7[%add3A_55, %dma_wait3A_56] : memref<125x80xi32, #tpu.memory_space<vmem>> -> memref<1x80xi32, #tpu.memory_space<vmem>>
      %dma_wait3A_58 = tpu.memref_squeeze %dma_wait3A_57 : memref<1x80xi32, #tpu.memory_space<vmem>> -> memref<80xi32, #tpu.memory_space<vmem>>
      %dma_wait3A_59 = arith.constant 0 : i32
      %dma_wait3A_60 = arith.constant 0 : i32
      %dma_wait3A_61 = tpu.memref_slice %arg2[%dma_wait3A_59, %dma_wait3A_60] : memref<10000x128xf32, #tpu.memory_space<hbm>> -> memref<10000x128xf32, #tpu.memory_space<hbm>>
      tpu.wait_indirect_dma semaphore(%arg13 : memref<!tpu.dma_semaphore, #tpu.memory_space<semaphore_mem>>) src(%dma_wait3A_61 : memref<10000x128xf32, #tpu.memory_space<hbm>>) dst(%arg10 : memref<80x128xf32, #tpu.memory_space<vmem>>)
      %add3A_62 = arith.constant 0 : i32
      %add3A_63 = arith.addi %add3A_53, %add3A_62 : i32
      "tpu.region"() ({
        %run_scoped3A_110 = tpu.sem_alloc : memref<!tpu.dma_semaphore, #tpu.memory_space<semaphore_mem>>
        %dma_start3A_111 = arith.constant 0 : i32
        %dma_start3A_112 = tpu.memref_slice %arg8[%add3A_63, %dma_start3A_111] : memref<125x80xi32, #tpu.memory_space<vmem>> -> memref<1x80xi32, #tpu.memory_space<vmem>>
        %dma_start3A_113 = tpu.memref_squeeze %dma_start3A_112 : memref<1x80xi32, #tpu.memory_space<vmem>> -> memref<80xi32, #tpu.memory_space<vmem>>
        %dma_start3A_114 = arith.constant 0 : i32
        %dma_start3A_115 = arith.constant 0 : i32
        %dma_start3A_116 = tpu.memref_slice %arg9[%dma_start3A_114, %dma_start3A_115] : memref<10008x128xf32, #tpu.memory_space<vmem_shared>> -> memref<10008x128xf32, #tpu.memory_space<vmem_shared>>
        tpu.enqueue_indirect_dma source(%arg10 : memref<80x128xf32, #tpu.memory_space<vmem>>) target(%dma_start3A_116 : memref<10008x128xf32, #tpu.memory_space<vmem_shared>>) offsets(%dma_start3A_113 : memref<80xi32, #tpu.memory_space<vmem>>) semaphore(%run_scoped3A_110 : memref<!tpu.dma_semaphore, #tpu.memory_space<semaphore_mem>>) {add = true}
        %dma_wait3A_117 = arith.constant 0 : i32
        %dma_wait3A_118 = tpu.memref_slice %arg8[%add3A_63, %dma_wait3A_117] : memref<125x80xi32, #tpu.memory_space<vmem>> -> memref<1x80xi32, #tpu.memory_space<vmem>>
        %dma_wait3A_119 = tpu.memref_squeeze %dma_wait3A_118 : memref<1x80xi32, #tpu.memory_space<vmem>> -> memref<80xi32, #tpu.memory_space<vmem>>
        %dma_wait3A_120 = arith.constant 0 : i32
        %dma_wait3A_121 = arith.constant 0 : i32
        %dma_wait3A_122 = tpu.memref_slice %arg9[%dma_wait3A_120, %dma_wait3A_121] : memref<10008x128xf32, #tpu.memory_space<vmem_shared>> -> memref<10008x128xf32, #tpu.memory_space<vmem_shared>>
        tpu.wait_indirect_dma semaphore(%run_scoped3A_110 : memref<!tpu.dma_semaphore, #tpu.memory_space<semaphore_mem>>) src(%arg10 : memref<80x128xf32, #tpu.memory_space<vmem>>) dst(%dma_wait3A_122 : memref<10008x128xf32, #tpu.memory_space<vmem_shared>>)
        tpu.yield
      }) : () -> ()
      %add3A_64 = arith.constant 0 : i32
      %add3A_65 = arith.addi %add3A_53, %add3A_64 : i32
      %add3A_66 = arith.constant 3 : i32
      %add3A_67 = arith.addi %add3A_65, %add3A_66 : i32
      %lt3A = arith.constant 125 : i32
      %lt3A_68 = arith.cmpi slt, %add3A_67, %lt3A : i32
      %convert_element_type3A_69 = arith.extui %lt3A_68 : i1 to i32
      %cond3A_70 = arith.constant 0 : i32
      %cond3A_71 = arith.cmpi ne, %convert_element_type3A_69, %cond3A_70 : i32
      scf.if %cond3A_71 {
        %add3A_110 = arith.constant 0 : i32
        %add3A_111 = arith.addi %add3A_53, %add3A_110 : i32
        %add3A_112 = arith.constant 3 : i32
        %add3A_113 = arith.addi %add3A_111, %add3A_112 : i32
        %dma_start3A_114 = arith.constant 0 : i32
        %dma_start3A_115 = tpu.memref_slice %arg7[%add3A_113, %dma_start3A_114] : memref<125x80xi32, #tpu.memory_space<vmem>> -> memref<1x80xi32, #tpu.memory_space<vmem>>
        %dma_start3A_116 = tpu.memref_squeeze %dma_start3A_115 : memref<1x80xi32, #tpu.memory_space<vmem>> -> memref<80xi32, #tpu.memory_space<vmem>>
        %dma_start3A_117 = arith.constant 0 : i32
        %dma_start3A_118 = arith.constant 0 : i32
        %dma_start3A_119 = tpu.memref_slice %arg2[%dma_start3A_117, %dma_start3A_118] : memref<10000x128xf32, #tpu.memory_space<hbm>> -> memref<10000x128xf32, #tpu.memory_space<hbm>>
        tpu.enqueue_indirect_dma source(%dma_start3A_119 : memref<10000x128xf32, #tpu.memory_space<hbm>>) target(%arg10 : memref<80x128xf32, #tpu.memory_space<vmem>>) offsets(%dma_start3A_116 : memref<80xi32, #tpu.memory_space<vmem>>) semaphore(%arg13 : memref<!tpu.dma_semaphore, #tpu.memory_space<semaphore_mem>>)
      } else {
      }
      %add3A_72 = arith.constant 1 : i32
      %add3A_73 = arith.addi %add3A_53, %add3A_72 : i32
      %dma_wait3A_74 = arith.constant 0 : i32
      %dma_wait3A_75 = tpu.memref_slice %arg7[%add3A_73, %dma_wait3A_74] : memref<125x80xi32, #tpu.memory_space<vmem>> -> memref<1x80xi32, #tpu.memory_space<vmem>>
      %dma_wait3A_76 = tpu.memref_squeeze %dma_wait3A_75 : memref<1x80xi32, #tpu.memory_space<vmem>> -> memref<80xi32, #tpu.memory_space<vmem>>
      %dma_wait3A_77 = arith.constant 0 : i32
      %dma_wait3A_78 = arith.constant 0 : i32
      %dma_wait3A_79 = tpu.memref_slice %arg2[%dma_wait3A_77, %dma_wait3A_78] : memref<10000x128xf32, #tpu.memory_space<hbm>> -> memref<10000x128xf32, #tpu.memory_space<hbm>>
      tpu.wait_indirect_dma semaphore(%arg14 : memref<!tpu.dma_semaphore, #tpu.memory_space<semaphore_mem>>) src(%dma_wait3A_79 : memref<10000x128xf32, #tpu.memory_space<hbm>>) dst(%arg11 : memref<80x128xf32, #tpu.memory_space<vmem>>)
      %add3A_80 = arith.constant 1 : i32
      %add3A_81 = arith.addi %add3A_53, %add3A_80 : i32
      "tpu.region"() ({
        %run_scoped3A_110 = tpu.sem_alloc : memref<!tpu.dma_semaphore, #tpu.memory_space<semaphore_mem>>
        %dma_start3A_111 = arith.constant 0 : i32
        %dma_start3A_112 = tpu.memref_slice %arg8[%add3A_81, %dma_start3A_111] : memref<125x80xi32, #tpu.memory_space<vmem>> -> memref<1x80xi32, #tpu.memory_space<vmem>>
        %dma_start3A_113 = tpu.memref_squeeze %dma_start3A_112 : memref<1x80xi32, #tpu.memory_space<vmem>> -> memref<80xi32, #tpu.memory_space<vmem>>
        %dma_start3A_114 = arith.constant 0 : i32
        %dma_start3A_115 = arith.constant 0 : i32
        %dma_start3A_116 = tpu.memref_slice %arg9[%dma_start3A_114, %dma_start3A_115] : memref<10008x128xf32, #tpu.memory_space<vmem_shared>> -> memref<10008x128xf32, #tpu.memory_space<vmem_shared>>
        tpu.enqueue_indirect_dma source(%arg11 : memref<80x128xf32, #tpu.memory_space<vmem>>) target(%dma_start3A_116 : memref<10008x128xf32, #tpu.memory_space<vmem_shared>>) offsets(%dma_start3A_113 : memref<80xi32, #tpu.memory_space<vmem>>) semaphore(%run_scoped3A_110 : memref<!tpu.dma_semaphore, #tpu.memory_space<semaphore_mem>>) {add = true}
        %dma_wait3A_117 = arith.constant 0 : i32
        %dma_wait3A_118 = tpu.memref_slice %arg8[%add3A_81, %dma_wait3A_117] : memref<125x80xi32, #tpu.memory_space<vmem>> -> memref<1x80xi32, #tpu.memory_space<vmem>>
        %dma_wait3A_119 = tpu.memref_squeeze %dma_wait3A_118 : memref<1x80xi32, #tpu.memory_space<vmem>> -> memref<80xi32, #tpu.memory_space<vmem>>
        %dma_wait3A_120 = arith.constant 0 : i32
        %dma_wait3A_121 = arith.constant 0 : i32
        %dma_wait3A_122 = tpu.memref_slice %arg9[%dma_wait3A_120, %dma_wait3A_121] : memref<10008x128xf32, #tpu.memory_space<vmem_shared>> -> memref<10008x128xf32, #tpu.memory_space<vmem_shared>>
        tpu.wait_indirect_dma semaphore(%run_scoped3A_110 : memref<!tpu.dma_semaphore, #tpu.memory_space<semaphore_mem>>) src(%arg11 : memref<80x128xf32, #tpu.memory_space<vmem>>) dst(%dma_wait3A_122 : memref<10008x128xf32, #tpu.memory_space<vmem_shared>>)
        tpu.yield
      }) : () -> ()
      %add3A_82 = arith.constant 1 : i32
      %add3A_83 = arith.addi %add3A_53, %add3A_82 : i32
      %add3A_84 = arith.constant 3 : i32
      %add3A_85 = arith.addi %add3A_83, %add3A_84 : i32
      %lt3A_86 = arith.constant 125 : i32
      %lt3A_87 = arith.cmpi slt, %add3A_85, %lt3A_86 : i32
      %convert_element_type3A_88 = arith.extui %lt3A_87 : i1 to i32
      %cond3A_89 = arith.constant 0 : i32
      %cond3A_90 = arith.cmpi ne, %convert_element_type3A_88, %cond3A_89 : i32
      scf.if %cond3A_90 {
        %add3A_110 = arith.constant 1 : i32
        %add3A_111 = arith.addi %add3A_53, %add3A_110 : i32
        %add3A_112 = arith.constant 3 : i32
        %add3A_113 = arith.addi %add3A_111, %add3A_112 : i32
        %dma_start3A_114 = arith.constant 0 : i32
        %dma_start3A_115 = tpu.memref_slice %arg7[%add3A_113, %dma_start3A_114] : memref<125x80xi32, #tpu.memory_space<vmem>> -> memref<1x80xi32, #tpu.memory_space<vmem>>
        %dma_start3A_116 = tpu.memref_squeeze %dma_start3A_115 : memref<1x80xi32, #tpu.memory_space<vmem>> -> memref<80xi32, #tpu.memory_space<vmem>>
        %dma_start3A_117 = arith.constant 0 : i32
        %dma_start3A_118 = arith.constant 0 : i32
        %dma_start3A_119 = tpu.memref_slice %arg2[%dma_start3A_117, %dma_start3A_118] : memref<10000x128xf32, #tpu.memory_space<hbm>> -> memref<10000x128xf32, #tpu.memory_space<hbm>>
        tpu.enqueue_indirect_dma source(%dma_start3A_119 : memref<10000x128xf32, #tpu.memory_space<hbm>>) target(%arg11 : memref<80x128xf32, #tpu.memory_space<vmem>>) offsets(%dma_start3A_116 : memref<80xi32, #tpu.memory_space<vmem>>) semaphore(%arg14 : memref<!tpu.dma_semaphore, #tpu.memory_space<semaphore_mem>>)
      } else {
      }
      %add3A_91 = arith.constant 2 : i32
      %add3A_92 = arith.addi %add3A_53, %add3A_91 : i32
      %dma_wait3A_93 = arith.constant 0 : i32
      %dma_wait3A_94 = tpu.memref_slice %arg7[%add3A_92, %dma_wait3A_93] : memref<125x80xi32, #tpu.memory_space<vmem>> -> memref<1x80xi32, #tpu.memory_space<vmem>>
      %dma_wait3A_95 = tpu.memref_squeeze %dma_wait3A_94 : memref<1x80xi32, #tpu.memory_space<vmem>> -> memref<80xi32, #tpu.memory_space<vmem>>
      %dma_wait3A_96 = arith.constant 0 : i32
      %dma_wait3A_97 = arith.constant 0 : i32
      %dma_wait3A_98 = tpu.memref_slice %arg2[%dma_wait3A_96, %dma_wait3A_97] : memref<10000x128xf32, #tpu.memory_space<hbm>> -> memref<10000x128xf32, #tpu.memory_space<hbm>>
      tpu.wait_indirect_dma semaphore(%arg15 : memref<!tpu.dma_semaphore, #tpu.memory_space<semaphore_mem>>) src(%dma_wait3A_98 : memref<10000x128xf32, #tpu.memory_space<hbm>>) dst(%arg12 : memref<80x128xf32, #tpu.memory_space<vmem>>)
      %add3A_99 = arith.constant 2 : i32
      %add3A_100 = arith.addi %add3A_53, %add3A_99 : i32
      "tpu.region"() ({
        %run_scoped3A_110 = tpu.sem_alloc : memref<!tpu.dma_semaphore, #tpu.memory_space<semaphore_mem>>
        %dma_start3A_111 = arith.constant 0 : i32
        %dma_start3A_112 = tpu.memref_slice %arg8[%add3A_100, %dma_start3A_111] : memref<125x80xi32, #tpu.memory_space<vmem>> -> memref<1x80xi32, #tpu.memory_space<vmem>>
        %dma_start3A_113 = tpu.memref_squeeze %dma_start3A_112 : memref<1x80xi32, #tpu.memory_space<vmem>> -> memref<80xi32, #tpu.memory_space<vmem>>
        %dma_start3A_114 = arith.constant 0 : i32
        %dma_start3A_115 = arith.constant 0 : i32
        %dma_start3A_116 = tpu.memref_slice %arg9[%dma_start3A_114, %dma_start3A_115] : memref<10008x128xf32, #tpu.memory_space<vmem_shared>> -> memref<10008x128xf32, #tpu.memory_space<vmem_shared>>
        tpu.enqueue_indirect_dma source(%arg12 : memref<80x128xf32, #tpu.memory_space<vmem>>) target(%dma_start3A_116 : memref<10008x128xf32, #tpu.memory_space<vmem_shared>>) offsets(%dma_start3A_113 : memref<80xi32, #tpu.memory_space<vmem>>) semaphore(%run_scoped3A_110 : memref<!tpu.dma_semaphore, #tpu.memory_space<semaphore_mem>>) {add = true}
        %dma_wait3A_117 = arith.constant 0 : i32
        %dma_wait3A_118 = tpu.memref_slice %arg8[%add3A_100, %dma_wait3A_117] : memref<125x80xi32, #tpu.memory_space<vmem>> -> memref<1x80xi32, #tpu.memory_space<vmem>>
        %dma_wait3A_119 = tpu.memref_squeeze %dma_wait3A_118 : memref<1x80xi32, #tpu.memory_space<vmem>> -> memref<80xi32, #tpu.memory_space<vmem>>
        %dma_wait3A_120 = arith.constant 0 : i32
        %dma_wait3A_121 = arith.constant 0 : i32
        %dma_wait3A_122 = tpu.memref_slice %arg9[%dma_wait3A_120, %dma_wait3A_121] : memref<10008x128xf32, #tpu.memory_space<vmem_shared>> -> memref<10008x128xf32, #tpu.memory_space<vmem_shared>>
        tpu.wait_indirect_dma semaphore(%run_scoped3A_110 : memref<!tpu.dma_semaphore, #tpu.memory_space<semaphore_mem>>) src(%arg12 : memref<80x128xf32, #tpu.memory_space<vmem>>) dst(%dma_wait3A_122 : memref<10008x128xf32, #tpu.memory_space<vmem_shared>>)
        tpu.yield
      }) : () -> ()
      %add3A_101 = arith.constant 2 : i32
      %add3A_102 = arith.addi %add3A_53, %add3A_101 : i32
      %add3A_103 = arith.constant 3 : i32
      %add3A_104 = arith.addi %add3A_102, %add3A_103 : i32
      %lt3A_105 = arith.constant 125 : i32
      %lt3A_106 = arith.cmpi slt, %add3A_104, %lt3A_105 : i32
      %convert_element_type3A_107 = arith.extui %lt3A_106 : i1 to i32
      %cond3A_108 = arith.constant 0 : i32
      %cond3A_109 = arith.cmpi ne, %convert_element_type3A_107, %cond3A_108 : i32
      scf.if %cond3A_109 {
        %add3A_110 = arith.constant 2 : i32
        %add3A_111 = arith.addi %add3A_53, %add3A_110 : i32
        %add3A_112 = arith.constant 3 : i32
        %add3A_113 = arith.addi %add3A_111, %add3A_112 : i32
        %dma_start3A_114 = arith.constant 0 : i32
        %dma_start3A_115 = tpu.memref_slice %arg7[%add3A_113, %dma_start3A_114] : memref<125x80xi32, #tpu.memory_space<vmem>> -> memref<1x80xi32, #tpu.memory_space<vmem>>
        %dma_start3A_116 = tpu.memref_squeeze %dma_start3A_115 : memref<1x80xi32, #tpu.memory_space<vmem>> -> memref<80xi32, #tpu.memory_space<vmem>>
        %dma_start3A_117 = arith.constant 0 : i32
        %dma_start3A_118 = arith.constant 0 : i32
        %dma_start3A_119 = tpu.memref_slice %arg2[%dma_start3A_117, %dma_start3A_118] : memref<10000x128xf32, #tpu.memory_space<hbm>> -> memref<10000x128xf32, #tpu.memory_space<hbm>>
        tpu.enqueue_indirect_dma source(%dma_start3A_119 : memref<10000x128xf32, #tpu.memory_space<hbm>>) target(%arg12 : memref<80x128xf32, #tpu.memory_space<vmem>>) offsets(%dma_start3A_116 : memref<80xi32, #tpu.memory_space<vmem>>) semaphore(%arg15 : memref<!tpu.dma_semaphore, #tpu.memory_space<semaphore_mem>>)
      } else {
      }
    }
    %scan3A_28 = arith.constant 41 : i32
    %dma_wait3A = arith.constant 123 : i32
    %dma_wait3A_29 = arith.constant 0 : i32
    %dma_wait3A_30 = tpu.memref_slice %arg7[%dma_wait3A, %dma_wait3A_29] : memref<125x80xi32, #tpu.memory_space<vmem>> -> memref<1x80xi32, #tpu.memory_space<vmem>>
    %dma_wait3A_31 = tpu.memref_squeeze %dma_wait3A_30 : memref<1x80xi32, #tpu.memory_space<vmem>> -> memref<80xi32, #tpu.memory_space<vmem>>
    %dma_wait3A_32 = arith.constant 0 : i32
    %dma_wait3A_33 = arith.constant 0 : i32
    %dma_wait3A_34 = tpu.memref_slice %arg2[%dma_wait3A_32, %dma_wait3A_33] : memref<10000x128xf32, #tpu.memory_space<hbm>> -> memref<10000x128xf32, #tpu.memory_space<hbm>>
    tpu.wait_indirect_dma semaphore(%arg13 : memref<!tpu.dma_semaphore, #tpu.memory_space<semaphore_mem>>) src(%dma_wait3A_34 : memref<10000x128xf32, #tpu.memory_space<hbm>>) dst(%arg10 : memref<80x128xf32, #tpu.memory_space<vmem>>)
    %run_scoped3A = arith.constant 123 : i32
    "tpu.region"() ({
      %run_scoped3A_49 = tpu.sem_alloc : memref<!tpu.dma_semaphore, #tpu.memory_space<semaphore_mem>>
      %dma_start3A_50 = arith.constant 0 : i32
      %dma_start3A_51 = tpu.memref_slice %arg8[%run_scoped3A, %dma_start3A_50] : memref<125x80xi32, #tpu.memory_space<vmem>> -> memref<1x80xi32, #tpu.memory_space<vmem>>
      %dma_start3A_52 = tpu.memref_squeeze %dma_start3A_51 : memref<1x80xi32, #tpu.memory_space<vmem>> -> memref<80xi32, #tpu.memory_space<vmem>>
      %dma_start3A_53 = arith.constant 0 : i32
      %dma_start3A_54 = arith.constant 0 : i32
      %dma_start3A_55 = tpu.memref_slice %arg9[%dma_start3A_53, %dma_start3A_54] : memref<10008x128xf32, #tpu.memory_space<vmem_shared>> -> memref<10008x128xf32, #tpu.memory_space<vmem_shared>>
      tpu.enqueue_indirect_dma source(%arg10 : memref<80x128xf32, #tpu.memory_space<vmem>>) target(%dma_start3A_55 : memref<10008x128xf32, #tpu.memory_space<vmem_shared>>) offsets(%dma_start3A_52 : memref<80xi32, #tpu.memory_space<vmem>>) semaphore(%run_scoped3A_49 : memref<!tpu.dma_semaphore, #tpu.memory_space<semaphore_mem>>) {add = true}
      %dma_wait3A_56 = arith.constant 0 : i32
      %dma_wait3A_57 = tpu.memref_slice %arg8[%run_scoped3A, %dma_wait3A_56] : memref<125x80xi32, #tpu.memory_space<vmem>> -> memref<1x80xi32, #tpu.memory_space<vmem>>
      %dma_wait3A_58 = tpu.memref_squeeze %dma_wait3A_57 : memref<1x80xi32, #tpu.memory_space<vmem>> -> memref<80xi32, #tpu.memory_space<vmem>>
      %dma_wait3A_59 = arith.constant 0 : i32
      %dma_wait3A_60 = arith.constant 0 : i32
      %dma_wait3A_61 = tpu.memref_slice %arg9[%dma_wait3A_59, %dma_wait3A_60] : memref<10008x128xf32, #tpu.memory_space<vmem_shared>> -> memref<10008x128xf32, #tpu.memory_space<vmem_shared>>
      tpu.wait_indirect_dma semaphore(%run_scoped3A_49 : memref<!tpu.dma_semaphore, #tpu.memory_space<semaphore_mem>>) src(%arg10 : memref<80x128xf32, #tpu.memory_space<vmem>>) dst(%dma_wait3A_61 : memref<10008x128xf32, #tpu.memory_space<vmem_shared>>)
      tpu.yield
    }) : () -> ()
    %dma_wait3A_35 = arith.constant 124 : i32
    %dma_wait3A_36 = arith.constant 0 : i32
    %dma_wait3A_37 = tpu.memref_slice %arg7[%dma_wait3A_35, %dma_wait3A_36] : memref<125x80xi32, #tpu.memory_space<vmem>> -> memref<1x80xi32, #tpu.memory_space<vmem>>
    %dma_wait3A_38 = tpu.memref_squeeze %dma_wait3A_37 : memref<1x80xi32, #tpu.memory_space<vmem>> -> memref<80xi32, #tpu.memory_space<vmem>>
    %dma_wait3A_39 = arith.constant 0 : i32
    %dma_wait3A_40 = arith.constant 0 : i32
    %dma_wait3A_41 = tpu.memref_slice %arg2[%dma_wait3A_39, %dma_wait3A_40] : memref<10000x128xf32, #tpu.memory_space<hbm>> -> memref<10000x128xf32, #tpu.memory_space<hbm>>
    tpu.wait_indirect_dma semaphore(%arg14 : memref<!tpu.dma_semaphore, #tpu.memory_space<semaphore_mem>>) src(%dma_wait3A_41 : memref<10000x128xf32, #tpu.memory_space<hbm>>) dst(%arg11 : memref<80x128xf32, #tpu.memory_space<vmem>>)
    %run_scoped3A_42 = arith.constant 124 : i32
    "tpu.region"() ({
      %run_scoped3A_49 = tpu.sem_alloc : memref<!tpu.dma_semaphore, #tpu.memory_space<semaphore_mem>>
      %dma_start3A_50 = arith.constant 0 : i32
      %dma_start3A_51 = tpu.memref_slice %arg8[%run_scoped3A_42, %dma_start3A_50] : memref<125x80xi32, #tpu.memory_space<vmem>> -> memref<1x80xi32, #tpu.memory_space<vmem>>
      %dma_start3A_52 = tpu.memref_squeeze %dma_start3A_51 : memref<1x80xi32, #tpu.memory_space<vmem>> -> memref<80xi32, #tpu.memory_space<vmem>>
      %dma_start3A_53 = arith.constant 0 : i32
      %dma_start3A_54 = arith.constant 0 : i32
      %dma_start3A_55 = tpu.memref_slice %arg9[%dma_start3A_53, %dma_start3A_54] : memref<10008x128xf32, #tpu.memory_space<vmem_shared>> -> memref<10008x128xf32, #tpu.memory_space<vmem_shared>>
      tpu.enqueue_indirect_dma source(%arg11 : memref<80x128xf32, #tpu.memory_space<vmem>>) target(%dma_start3A_55 : memref<10008x128xf32, #tpu.memory_space<vmem_shared>>) offsets(%dma_start3A_52 : memref<80xi32, #tpu.memory_space<vmem>>) semaphore(%run_scoped3A_49 : memref<!tpu.dma_semaphore, #tpu.memory_space<semaphore_mem>>) {add = true}
      %dma_wait3A_56 = arith.constant 0 : i32
      %dma_wait3A_57 = tpu.memref_slice %arg8[%run_scoped3A_42, %dma_wait3A_56] : memref<125x80xi32, #tpu.memory_space<vmem>> -> memref<1x80xi32, #tpu.memory_space<vmem>>
      %dma_wait3A_58 = tpu.memref_squeeze %dma_wait3A_57 : memref<1x80xi32, #tpu.memory_space<vmem>> -> memref<80xi32, #tpu.memory_space<vmem>>
      %dma_wait3A_59 = arith.constant 0 : i32
      %dma_wait3A_60 = arith.constant 0 : i32
      %dma_wait3A_61 = tpu.memref_slice %arg9[%dma_wait3A_59, %dma_wait3A_60] : memref<10008x128xf32, #tpu.memory_space<vmem_shared>> -> memref<10008x128xf32, #tpu.memory_space<vmem_shared>>
      tpu.wait_indirect_dma semaphore(%run_scoped3A_49 : memref<!tpu.dma_semaphore, #tpu.memory_space<semaphore_mem>>) src(%arg11 : memref<80x128xf32, #tpu.memory_space<vmem>>) dst(%dma_wait3A_61 : memref<10008x128xf32, #tpu.memory_space<vmem_shared>>)
      tpu.yield
    }) : () -> ()
    %barrier3A_43 = arith.constant 0 : index
    tpu.barrier barrier_id(%barrier3A_43)
    "tpu.region"() ({
      %run_scoped3A_49 = tpu.sem_alloc : memref<!tpu.dma_semaphore, #tpu.memory_space<semaphore_mem>>
      %dma_start3A_50 = arith.constant 0 : i32
      %dma_start3A_51 = tpu.memref_slice %arg6[%arg0, %mul3A_2, %dma_start3A_50] : memref<2x10008x128xf32, #tpu.memory_space<hbm>> -> memref<1x624x128xf32, #tpu.memory_space<hbm>>
      %dma_start3A_52 = tpu.memref_squeeze %dma_start3A_51 : memref<1x624x128xf32, #tpu.memory_space<hbm>> -> memref<624x128xf32, #tpu.memory_space<hbm>>
      %dma_start3A_53 = arith.constant 0 : i32
      %dma_start3A_54 = tpu.memref_slice %arg9[%mul3A_2, %dma_start3A_53] : memref<10008x128xf32, #tpu.memory_space<vmem_shared>> -> memref<624x128xf32, #tpu.memory_space<vmem_shared>>
      tpu.enqueue_dma source(%dma_start3A_54 : memref<624x128xf32, #tpu.memory_space<vmem_shared>>) target(%dma_start3A_52 : memref<624x128xf32, #tpu.memory_space<hbm>>) target_semaphore(%run_scoped3A_49 : memref<!tpu.dma_semaphore, #tpu.memory_space<semaphore_mem>>)
      %dma_wait3A_55 = arith.constant 0 : i32
      %dma_wait3A_56 = tpu.memref_slice %arg6[%arg0, %mul3A_2, %dma_wait3A_55] : memref<2x10008x128xf32, #tpu.memory_space<hbm>> -> memref<1x624x128xf32, #tpu.memory_space<hbm>>
      %dma_wait3A_57 = tpu.memref_squeeze %dma_wait3A_56 : memref<1x624x128xf32, #tpu.memory_space<hbm>> -> memref<624x128xf32, #tpu.memory_space<hbm>>
      %dma_wait3A_58 = arith.constant 0 : i32
      %dma_wait3A_59 = tpu.memref_slice %arg9[%mul3A_2, %dma_wait3A_58] : memref<10008x128xf32, #tpu.memory_space<vmem_shared>> -> memref<624x128xf32, #tpu.memory_space<vmem_shared>>
      tpu.wait_dma2 semaphore(%run_scoped3A_49 : memref<!tpu.dma_semaphore, #tpu.memory_space<semaphore_mem>>) src(%dma_wait3A_59 : memref<624x128xf32, #tpu.memory_space<vmem_shared>>) dst(%dma_wait3A_57 : memref<624x128xf32, #tpu.memory_space<hbm>>)
      tpu.yield
    }) : () -> ()
    %eq3A_44 = arith.constant 0 : i32
    %eq3A_45 = arith.cmpi eq, %arg1, %eq3A_44 : i32
    %convert_element_type3A_46 = arith.extui %eq3A_45 : i1 to i32
    %cond3A_47 = arith.constant 0 : i32
    %cond3A_48 = arith.cmpi ne, %convert_element_type3A_46, %cond3A_47 : i32
    scf.if %cond3A_48 {
      "tpu.region"() ({
        %run_scoped3A_49 = tpu.sem_alloc : memref<!tpu.dma_semaphore, #tpu.memory_space<semaphore_mem>>
        %dma_start3A_50 = arith.constant 9984 : i32
        %dma_start3A_51 = arith.constant 0 : i32
        %dma_start3A_52 = tpu.memref_slice %arg6[%arg0, %dma_start3A_50, %dma_start3A_51] : memref<2x10008x128xf32, #tpu.memory_space<hbm>> -> memref<1x24x128xf32, #tpu.memory_space<hbm>>
        %dma_start3A_53 = tpu.memref_squeeze %dma_start3A_52 : memref<1x24x128xf32, #tpu.memory_space<hbm>> -> memref<24x128xf32, #tpu.memory_space<hbm>>
        %dma_start3A_54 = arith.constant 9984 : i32
        %dma_start3A_55 = arith.constant 0 : i32
        %dma_start3A_56 = tpu.memref_slice %arg9[%dma_start3A_54, %dma_start3A_55] : memref<10008x128xf32, #tpu.memory_space<vmem_shared>> -> memref<24x128xf32, #tpu.memory_space<vmem_shared>>
        tpu.enqueue_dma source(%dma_start3A_56 : memref<24x128xf32, #tpu.memory_space<vmem_shared>>) target(%dma_start3A_53 : memref<24x128xf32, #tpu.memory_space<hbm>>) target_semaphore(%run_scoped3A_49 : memref<!tpu.dma_semaphore, #tpu.memory_space<semaphore_mem>>)
        %dma_wait3A_57 = arith.constant 9984 : i32
        %dma_wait3A_58 = arith.constant 0 : i32
        %dma_wait3A_59 = tpu.memref_slice %arg6[%arg0, %dma_wait3A_57, %dma_wait3A_58] : memref<2x10008x128xf32, #tpu.memory_space<hbm>> -> memref<1x24x128xf32, #tpu.memory_space<hbm>>
        %dma_wait3A_60 = tpu.memref_squeeze %dma_wait3A_59 : memref<1x24x128xf32, #tpu.memory_space<hbm>> -> memref<24x128xf32, #tpu.memory_space<hbm>>
        %dma_wait3A_61 = arith.constant 9984 : i32
        %dma_wait3A_62 = arith.constant 0 : i32
        %dma_wait3A_63 = tpu.memref_slice %arg9[%dma_wait3A_61, %dma_wait3A_62] : memref<10008x128xf32, #tpu.memory_space<vmem_shared>> -> memref<24x128xf32, #tpu.memory_space<vmem_shared>>
        tpu.wait_dma2 semaphore(%run_scoped3A_49 : memref<!tpu.dma_semaphore, #tpu.memory_space<semaphore_mem>>) src(%dma_wait3A_63 : memref<24x128xf32, #tpu.memory_space<vmem_shared>>) dst(%dma_wait3A_60 : memref<24x128xf32, #tpu.memory_space<hbm>>)
        tpu.yield
      }) : () -> ()
    } else {
    }
    return
  }
}

#map = affine_map<(d0, d1) -> (0, 0)>
#map1 = affine_map<(d0, d1) -> (0, 0, 0)>
module attributes {stable_mosaic.version = 14 : i64} {
  func.func @propagate(%arg0: i32, %arg1: i32, %arg2: memref<10128x48xf32, #tpu.memory_space<hbm>>, %arg3: memref<32x79x128xi32, #tpu.memory_space<hbm>>, %arg4: memref<32x79x128xi32, #tpu.memory_space<hbm>>, %arg5: memref<10008x48xf32, #tpu.memory_space<hbm>>, %arg6: memref<10008x128xf32, #tpu.memory_space<hbm>>, %arg7: memref<79x128xi32, #tpu.memory_space<vmem>>, %arg8: memref<79x128xi32, #tpu.memory_space<vmem>>, %arg9: memref<10008x48xf32, #tpu.memory_space<vmem_shared>>, %arg10: memref<128x48xf32, #tpu.memory_space<vmem>>, %arg11: memref<128x48xf32, #tpu.memory_space<vmem>>, %arg12: memref<128x48xf32, #tpu.memory_space<vmem>>, %arg13: memref<128x48xf32, #tpu.memory_space<vmem>>, %arg14: memref<!tpu.dma_semaphore, #tpu.memory_space<semaphore_mem>>, %arg15: memref<!tpu.dma_semaphore, #tpu.memory_space<semaphore_mem>>, %arg16: memref<!tpu.dma_semaphore, #tpu.memory_space<semaphore_mem>>, %arg17: memref<!tpu.dma_semaphore, #tpu.memory_space<semaphore_mem>>) attributes {dimension_semantics = [#tpu.dimension_semantics<core_parallel>, #tpu.dimension_semantics<subcore_parallel>], iteration_bounds = array<i64: 2, 16>, scalar_prefetch = 0 : i64, scratch_operands = 11 : i64, tpu.core_type = #tpu.core_type<sc_vector_subcore>, window_params = [{transform_indices = #map}, {transform_indices = #map1}, {transform_indices = #map1}, {transform_indices = #map}, {transform_indices = #map}]} {
    %mul3A = arith.constant 16 : i32
    %mul3A_0 = arith.muli %arg0, %mul3A : i32
    %add3A = arith.addi %mul3A_0, %arg1 : i32
    "tpu.region"() ({
      %run_scoped3A_66 = tpu.sem_alloc : memref<!tpu.dma_semaphore, #tpu.memory_space<semaphore_mem>>
      %dma_start3A_67 = arith.constant 0 : i32
      %dma_start3A_68 = arith.constant 0 : i32
      %dma_start3A_69 = tpu.memref_slice %arg3[%add3A, %dma_start3A_67, %dma_start3A_68] : memref<32x79x128xi32, #tpu.memory_space<hbm>> -> memref<1x79x128xi32, #tpu.memory_space<hbm>>
      %dma_start3A_70 = tpu.memref_squeeze %dma_start3A_69 : memref<1x79x128xi32, #tpu.memory_space<hbm>> -> memref<79x128xi32, #tpu.memory_space<hbm>>
      %dma_start3A_71 = arith.constant 0 : i32
      %dma_start3A_72 = arith.constant 0 : i32
      %dma_start3A_73 = tpu.memref_slice %arg3[%add3A, %dma_start3A_71, %dma_start3A_72] : memref<32x79x128xi32, #tpu.memory_space<hbm>> -> memref<1x79x128xi32, #tpu.memory_space<hbm>>
      %dma_start3A_74 = tpu.memref_squeeze %dma_start3A_73 : memref<1x79x128xi32, #tpu.memory_space<hbm>> -> memref<79x128xi32, #tpu.memory_space<hbm>>
      tpu.enqueue_dma source(%dma_start3A_74 : memref<79x128xi32, #tpu.memory_space<hbm>>) target(%arg7 : memref<79x128xi32, #tpu.memory_space<vmem>>) target_semaphore(%run_scoped3A_66 : memref<!tpu.dma_semaphore, #tpu.memory_space<semaphore_mem>>)
      %dma_wait3A_75 = arith.constant 0 : i32
      %dma_wait3A_76 = arith.constant 0 : i32
      %dma_wait3A_77 = tpu.memref_slice %arg3[%add3A, %dma_wait3A_75, %dma_wait3A_76] : memref<32x79x128xi32, #tpu.memory_space<hbm>> -> memref<1x79x128xi32, #tpu.memory_space<hbm>>
      %dma_wait3A_78 = tpu.memref_squeeze %dma_wait3A_77 : memref<1x79x128xi32, #tpu.memory_space<hbm>> -> memref<79x128xi32, #tpu.memory_space<hbm>>
      %dma_wait3A_79 = arith.constant 0 : i32
      %dma_wait3A_80 = arith.constant 0 : i32
      %dma_wait3A_81 = tpu.memref_slice %arg3[%add3A, %dma_wait3A_79, %dma_wait3A_80] : memref<32x79x128xi32, #tpu.memory_space<hbm>> -> memref<1x79x128xi32, #tpu.memory_space<hbm>>
      %dma_wait3A_82 = tpu.memref_squeeze %dma_wait3A_81 : memref<1x79x128xi32, #tpu.memory_space<hbm>> -> memref<79x128xi32, #tpu.memory_space<hbm>>
      tpu.wait_dma2 semaphore(%run_scoped3A_66 : memref<!tpu.dma_semaphore, #tpu.memory_space<semaphore_mem>>) src(%dma_wait3A_82 : memref<79x128xi32, #tpu.memory_space<hbm>>) dst(%arg7 : memref<79x128xi32, #tpu.memory_space<vmem>>)
      tpu.yield
    }) : () -> ()
    "tpu.region"() ({
      %run_scoped3A_66 = tpu.sem_alloc : memref<!tpu.dma_semaphore, #tpu.memory_space<semaphore_mem>>
      %dma_start3A_67 = arith.constant 0 : i32
      %dma_start3A_68 = arith.constant 0 : i32
      %dma_start3A_69 = tpu.memref_slice %arg4[%add3A, %dma_start3A_67, %dma_start3A_68] : memref<32x79x128xi32, #tpu.memory_space<hbm>> -> memref<1x79x128xi32, #tpu.memory_space<hbm>>
      %dma_start3A_70 = tpu.memref_squeeze %dma_start3A_69 : memref<1x79x128xi32, #tpu.memory_space<hbm>> -> memref<79x128xi32, #tpu.memory_space<hbm>>
      %dma_start3A_71 = arith.constant 0 : i32
      %dma_start3A_72 = arith.constant 0 : i32
      %dma_start3A_73 = tpu.memref_slice %arg4[%add3A, %dma_start3A_71, %dma_start3A_72] : memref<32x79x128xi32, #tpu.memory_space<hbm>> -> memref<1x79x128xi32, #tpu.memory_space<hbm>>
      %dma_start3A_74 = tpu.memref_squeeze %dma_start3A_73 : memref<1x79x128xi32, #tpu.memory_space<hbm>> -> memref<79x128xi32, #tpu.memory_space<hbm>>
      tpu.enqueue_dma source(%dma_start3A_74 : memref<79x128xi32, #tpu.memory_space<hbm>>) target(%arg8 : memref<79x128xi32, #tpu.memory_space<vmem>>) target_semaphore(%run_scoped3A_66 : memref<!tpu.dma_semaphore, #tpu.memory_space<semaphore_mem>>)
      %dma_wait3A_75 = arith.constant 0 : i32
      %dma_wait3A_76 = arith.constant 0 : i32
      %dma_wait3A_77 = tpu.memref_slice %arg4[%add3A, %dma_wait3A_75, %dma_wait3A_76] : memref<32x79x128xi32, #tpu.memory_space<hbm>> -> memref<1x79x128xi32, #tpu.memory_space<hbm>>
      %dma_wait3A_78 = tpu.memref_squeeze %dma_wait3A_77 : memref<1x79x128xi32, #tpu.memory_space<hbm>> -> memref<79x128xi32, #tpu.memory_space<hbm>>
      %dma_wait3A_79 = arith.constant 0 : i32
      %dma_wait3A_80 = arith.constant 0 : i32
      %dma_wait3A_81 = tpu.memref_slice %arg4[%add3A, %dma_wait3A_79, %dma_wait3A_80] : memref<32x79x128xi32, #tpu.memory_space<hbm>> -> memref<1x79x128xi32, #tpu.memory_space<hbm>>
      %dma_wait3A_82 = tpu.memref_squeeze %dma_wait3A_81 : memref<1x79x128xi32, #tpu.memory_space<hbm>> -> memref<79x128xi32, #tpu.memory_space<hbm>>
      tpu.wait_dma2 semaphore(%run_scoped3A_66 : memref<!tpu.dma_semaphore, #tpu.memory_space<semaphore_mem>>) src(%dma_wait3A_82 : memref<79x128xi32, #tpu.memory_space<hbm>>) dst(%arg8 : memref<79x128xi32, #tpu.memory_space<vmem>>)
      tpu.yield
    }) : () -> ()
    %mul3A_1 = arith.constant 624 : i32
    %mul3A_2 = arith.muli %arg1, %mul3A_1 : i32
    "tpu.region"() ({
      %run_scoped3A_66 = tpu.sem_alloc : memref<!tpu.dma_semaphore, #tpu.memory_space<semaphore_mem>>
      %dma_start3A_67 = arith.constant 0 : i32
      %dma_start3A_68 = tpu.memref_slice %arg9[%mul3A_2, %dma_start3A_67] : memref<10008x48xf32, #tpu.memory_space<vmem_shared>> -> memref<624x48xf32, #tpu.memory_space<vmem_shared>>
      %dma_start3A_69 = arith.constant 0 : i32
      %dma_start3A_70 = tpu.memref_slice %arg5[%mul3A_2, %dma_start3A_69] : memref<10008x48xf32, #tpu.memory_space<hbm>> -> memref<624x48xf32, #tpu.memory_space<hbm>>
      tpu.enqueue_dma source(%dma_start3A_70 : memref<624x48xf32, #tpu.memory_space<hbm>>) target(%dma_start3A_68 : memref<624x48xf32, #tpu.memory_space<vmem_shared>>) target_semaphore(%run_scoped3A_66 : memref<!tpu.dma_semaphore, #tpu.memory_space<semaphore_mem>>)
      %dma_wait3A_71 = arith.constant 0 : i32
      %dma_wait3A_72 = tpu.memref_slice %arg9[%mul3A_2, %dma_wait3A_71] : memref<10008x48xf32, #tpu.memory_space<vmem_shared>> -> memref<624x48xf32, #tpu.memory_space<vmem_shared>>
      %dma_wait3A_73 = arith.constant 0 : i32
      %dma_wait3A_74 = tpu.memref_slice %arg5[%mul3A_2, %dma_wait3A_73] : memref<10008x48xf32, #tpu.memory_space<hbm>> -> memref<624x48xf32, #tpu.memory_space<hbm>>
      tpu.wait_dma2 semaphore(%run_scoped3A_66 : memref<!tpu.dma_semaphore, #tpu.memory_space<semaphore_mem>>) src(%dma_wait3A_74 : memref<624x48xf32, #tpu.memory_space<hbm>>) dst(%dma_wait3A_72 : memref<624x48xf32, #tpu.memory_space<vmem_shared>>)
      tpu.yield
    }) : () -> ()
    %eq3A = arith.constant 0 : i32
    %eq3A_3 = arith.cmpi eq, %arg1, %eq3A : i32
    %convert_element_type3A = arith.extui %eq3A_3 : i1 to i32
    %cond3A = arith.constant 0 : i32
    %cond3A_4 = arith.cmpi ne, %convert_element_type3A, %cond3A : i32
    scf.if %cond3A_4 {
      "tpu.region"() ({
        %run_scoped3A_66 = tpu.sem_alloc : memref<!tpu.dma_semaphore, #tpu.memory_space<semaphore_mem>>
        %dma_start3A_67 = arith.constant 9984 : i32
        %dma_start3A_68 = arith.constant 0 : i32
        %dma_start3A_69 = tpu.memref_slice %arg9[%dma_start3A_67, %dma_start3A_68] : memref<10008x48xf32, #tpu.memory_space<vmem_shared>> -> memref<24x48xf32, #tpu.memory_space<vmem_shared>>
        %dma_start3A_70 = arith.constant 9984 : i32
        %dma_start3A_71 = arith.constant 0 : i32
        %dma_start3A_72 = tpu.memref_slice %arg5[%dma_start3A_70, %dma_start3A_71] : memref<10008x48xf32, #tpu.memory_space<hbm>> -> memref<24x48xf32, #tpu.memory_space<hbm>>
        tpu.enqueue_dma source(%dma_start3A_72 : memref<24x48xf32, #tpu.memory_space<hbm>>) target(%dma_start3A_69 : memref<24x48xf32, #tpu.memory_space<vmem_shared>>) target_semaphore(%run_scoped3A_66 : memref<!tpu.dma_semaphore, #tpu.memory_space<semaphore_mem>>)
        %dma_wait3A_73 = arith.constant 9984 : i32
        %dma_wait3A_74 = arith.constant 0 : i32
        %dma_wait3A_75 = tpu.memref_slice %arg9[%dma_wait3A_73, %dma_wait3A_74] : memref<10008x48xf32, #tpu.memory_space<vmem_shared>> -> memref<24x48xf32, #tpu.memory_space<vmem_shared>>
        %dma_wait3A_76 = arith.constant 9984 : i32
        %dma_wait3A_77 = arith.constant 0 : i32
        %dma_wait3A_78 = tpu.memref_slice %arg5[%dma_wait3A_76, %dma_wait3A_77] : memref<10008x48xf32, #tpu.memory_space<hbm>> -> memref<24x48xf32, #tpu.memory_space<hbm>>
        tpu.wait_dma2 semaphore(%run_scoped3A_66 : memref<!tpu.dma_semaphore, #tpu.memory_space<semaphore_mem>>) src(%dma_wait3A_78 : memref<24x48xf32, #tpu.memory_space<hbm>>) dst(%dma_wait3A_75 : memref<24x48xf32, #tpu.memory_space<vmem_shared>>)
        tpu.yield
      }) : () -> ()
    } else {
    }
    %barrier3A = arith.constant 0 : index
    tpu.barrier barrier_id(%barrier3A)
    %dma_start3A = arith.constant 0 : i32
    %dma_start3A_5 = arith.constant 0 : i32
    %dma_start3A_6 = tpu.memref_slice %arg7[%dma_start3A, %dma_start3A_5] : memref<79x128xi32, #tpu.memory_space<vmem>> -> memref<1x128xi32, #tpu.memory_space<vmem>>
    %dma_start3A_7 = tpu.memref_squeeze %dma_start3A_6 : memref<1x128xi32, #tpu.memory_space<vmem>> -> memref<128xi32, #tpu.memory_space<vmem>>
    %dma_start3A_8 = arith.constant 0 : i32
    %dma_start3A_9 = arith.constant 0 : i32
    %dma_start3A_10 = tpu.memref_slice %arg2[%dma_start3A_8, %dma_start3A_9] : memref<10128x48xf32, #tpu.memory_space<hbm>> -> memref<10128x48xf32, #tpu.memory_space<hbm>>
    tpu.enqueue_indirect_dma source(%dma_start3A_10 : memref<10128x48xf32, #tpu.memory_space<hbm>>) target(%arg10 : memref<128x48xf32, #tpu.memory_space<vmem>>) offsets(%dma_start3A_7 : memref<128xi32, #tpu.memory_space<vmem>>) semaphore(%arg14 : memref<!tpu.dma_semaphore, #tpu.memory_space<semaphore_mem>>)
    %dma_start3A_11 = arith.constant 1 : i32
    %dma_start3A_12 = arith.constant 0 : i32
    %dma_start3A_13 = tpu.memref_slice %arg7[%dma_start3A_11, %dma_start3A_12] : memref<79x128xi32, #tpu.memory_space<vmem>> -> memref<1x128xi32, #tpu.memory_space<vmem>>
    %dma_start3A_14 = tpu.memref_squeeze %dma_start3A_13 : memref<1x128xi32, #tpu.memory_space<vmem>> -> memref<128xi32, #tpu.memory_space<vmem>>
    %dma_start3A_15 = arith.constant 0 : i32
    %dma_start3A_16 = arith.constant 0 : i32
    %dma_start3A_17 = tpu.memref_slice %arg2[%dma_start3A_15, %dma_start3A_16] : memref<10128x48xf32, #tpu.memory_space<hbm>> -> memref<10128x48xf32, #tpu.memory_space<hbm>>
    tpu.enqueue_indirect_dma source(%dma_start3A_17 : memref<10128x48xf32, #tpu.memory_space<hbm>>) target(%arg11 : memref<128x48xf32, #tpu.memory_space<vmem>>) offsets(%dma_start3A_14 : memref<128xi32, #tpu.memory_space<vmem>>) semaphore(%arg15 : memref<!tpu.dma_semaphore, #tpu.memory_space<semaphore_mem>>)
    %dma_start3A_18 = arith.constant 2 : i32
    %dma_start3A_19 = arith.constant 0 : i32
    %dma_start3A_20 = tpu.memref_slice %arg7[%dma_start3A_18, %dma_start3A_19] : memref<79x128xi32, #tpu.memory_space<vmem>> -> memref<1x128xi32, #tpu.memory_space<vmem>>
    %dma_start3A_21 = tpu.memref_squeeze %dma_start3A_20 : memref<1x128xi32, #tpu.memory_space<vmem>> -> memref<128xi32, #tpu.memory_space<vmem>>
    %dma_start3A_22 = arith.constant 0 : i32
    %dma_start3A_23 = arith.constant 0 : i32
    %dma_start3A_24 = tpu.memref_slice %arg2[%dma_start3A_22, %dma_start3A_23] : memref<10128x48xf32, #tpu.memory_space<hbm>> -> memref<10128x48xf32, #tpu.memory_space<hbm>>
    tpu.enqueue_indirect_dma source(%dma_start3A_24 : memref<10128x48xf32, #tpu.memory_space<hbm>>) target(%arg12 : memref<128x48xf32, #tpu.memory_space<vmem>>) offsets(%dma_start3A_21 : memref<128xi32, #tpu.memory_space<vmem>>) semaphore(%arg16 : memref<!tpu.dma_semaphore, #tpu.memory_space<semaphore_mem>>)
    %dma_start3A_25 = arith.constant 3 : i32
    %dma_start3A_26 = arith.constant 0 : i32
    %dma_start3A_27 = tpu.memref_slice %arg7[%dma_start3A_25, %dma_start3A_26] : memref<79x128xi32, #tpu.memory_space<vmem>> -> memref<1x128xi32, #tpu.memory_space<vmem>>
    %dma_start3A_28 = tpu.memref_squeeze %dma_start3A_27 : memref<1x128xi32, #tpu.memory_space<vmem>> -> memref<128xi32, #tpu.memory_space<vmem>>
    %dma_start3A_29 = arith.constant 0 : i32
    %dma_start3A_30 = arith.constant 0 : i32
    %dma_start3A_31 = tpu.memref_slice %arg2[%dma_start3A_29, %dma_start3A_30] : memref<10128x48xf32, #tpu.memory_space<hbm>> -> memref<10128x48xf32, #tpu.memory_space<hbm>>
    tpu.enqueue_indirect_dma source(%dma_start3A_31 : memref<10128x48xf32, #tpu.memory_space<hbm>>) target(%arg13 : memref<128x48xf32, #tpu.memory_space<vmem>>) offsets(%dma_start3A_28 : memref<128xi32, #tpu.memory_space<vmem>>) semaphore(%arg17 : memref<!tpu.dma_semaphore, #tpu.memory_space<semaphore_mem>>)
    %scan3A = arith.constant 0 : i32
    %scan3A_32 = arith.constant 19 : i32
    %scan3A_33 = arith.addi %scan3A, %scan3A_32 : i32
    %scan3A_34 = arith.constant 1 : i32
    scf.for %scan3A_66 = %scan3A to %scan3A_33 step %scan3A_34  : i32 {
      %mul3A_67 = arith.constant 4 : i32
      %mul3A_68 = arith.muli %scan3A_66, %mul3A_67 : i32
      %add3A_69 = arith.constant 0 : i32
      %add3A_70 = arith.addi %add3A_69, %mul3A_68 : i32
      %add3A_71 = arith.constant 0 : i32
      %add3A_72 = arith.addi %add3A_70, %add3A_71 : i32
      %dma_wait3A_73 = arith.constant 0 : i32
      %dma_wait3A_74 = tpu.memref_slice %arg7[%add3A_72, %dma_wait3A_73] : memref<79x128xi32, #tpu.memory_space<vmem>> -> memref<1x128xi32, #tpu.memory_space<vmem>>
      %dma_wait3A_75 = tpu.memref_squeeze %dma_wait3A_74 : memref<1x128xi32, #tpu.memory_space<vmem>> -> memref<128xi32, #tpu.memory_space<vmem>>
      %dma_wait3A_76 = arith.constant 0 : i32
      %dma_wait3A_77 = arith.constant 0 : i32
      %dma_wait3A_78 = tpu.memref_slice %arg2[%dma_wait3A_76, %dma_wait3A_77] : memref<10128x48xf32, #tpu.memory_space<hbm>> -> memref<10128x48xf32, #tpu.memory_space<hbm>>
      tpu.wait_indirect_dma semaphore(%arg14 : memref<!tpu.dma_semaphore, #tpu.memory_space<semaphore_mem>>) src(%dma_wait3A_78 : memref<10128x48xf32, #tpu.memory_space<hbm>>) dst(%arg10 : memref<128x48xf32, #tpu.memory_space<vmem>>)
      %add3A_79 = arith.constant 0 : i32
      %add3A_80 = arith.addi %add3A_70, %add3A_79 : i32
      "tpu.region"() ({
        %run_scoped3A_146 = tpu.sem_alloc : memref<!tpu.dma_semaphore, #tpu.memory_space<semaphore_mem>>
        %dma_start3A_147 = arith.constant 0 : i32
        %dma_start3A_148 = tpu.memref_slice %arg8[%add3A_80, %dma_start3A_147] : memref<79x128xi32, #tpu.memory_space<vmem>> -> memref<1x128xi32, #tpu.memory_space<vmem>>
        %dma_start3A_149 = tpu.memref_squeeze %dma_start3A_148 : memref<1x128xi32, #tpu.memory_space<vmem>> -> memref<128xi32, #tpu.memory_space<vmem>>
        %dma_start3A_150 = arith.constant 0 : i32
        %dma_start3A_151 = arith.constant 0 : i32
        %dma_start3A_152 = tpu.memref_slice %arg9[%dma_start3A_150, %dma_start3A_151] : memref<10008x48xf32, #tpu.memory_space<vmem_shared>> -> memref<10008x48xf32, #tpu.memory_space<vmem_shared>>
        tpu.enqueue_indirect_dma source(%arg10 : memref<128x48xf32, #tpu.memory_space<vmem>>) target(%dma_start3A_152 : memref<10008x48xf32, #tpu.memory_space<vmem_shared>>) offsets(%dma_start3A_149 : memref<128xi32, #tpu.memory_space<vmem>>) semaphore(%run_scoped3A_146 : memref<!tpu.dma_semaphore, #tpu.memory_space<semaphore_mem>>) {add = true}
        %dma_wait3A_153 = arith.constant 0 : i32
        %dma_wait3A_154 = tpu.memref_slice %arg8[%add3A_80, %dma_wait3A_153] : memref<79x128xi32, #tpu.memory_space<vmem>> -> memref<1x128xi32, #tpu.memory_space<vmem>>
        %dma_wait3A_155 = tpu.memref_squeeze %dma_wait3A_154 : memref<1x128xi32, #tpu.memory_space<vmem>> -> memref<128xi32, #tpu.memory_space<vmem>>
        %dma_wait3A_156 = arith.constant 0 : i32
        %dma_wait3A_157 = arith.constant 0 : i32
        %dma_wait3A_158 = tpu.memref_slice %arg9[%dma_wait3A_156, %dma_wait3A_157] : memref<10008x48xf32, #tpu.memory_space<vmem_shared>> -> memref<10008x48xf32, #tpu.memory_space<vmem_shared>>
        tpu.wait_indirect_dma semaphore(%run_scoped3A_146 : memref<!tpu.dma_semaphore, #tpu.memory_space<semaphore_mem>>) src(%arg10 : memref<128x48xf32, #tpu.memory_space<vmem>>) dst(%dma_wait3A_158 : memref<10008x48xf32, #tpu.memory_space<vmem_shared>>)
        tpu.yield
      }) : () -> ()
      %add3A_81 = arith.constant 0 : i32
      %add3A_82 = arith.addi %add3A_70, %add3A_81 : i32
      %add3A_83 = arith.constant 4 : i32
      %add3A_84 = arith.addi %add3A_82, %add3A_83 : i32
      %lt3A = arith.constant 79 : i32
      %lt3A_85 = arith.cmpi slt, %add3A_84, %lt3A : i32
      %convert_element_type3A_86 = arith.extui %lt3A_85 : i1 to i32
      %cond3A_87 = arith.constant 0 : i32
      %cond3A_88 = arith.cmpi ne, %convert_element_type3A_86, %cond3A_87 : i32
      scf.if %cond3A_88 {
        %add3A_146 = arith.constant 0 : i32
        %add3A_147 = arith.addi %add3A_70, %add3A_146 : i32
        %add3A_148 = arith.constant 4 : i32
        %add3A_149 = arith.addi %add3A_147, %add3A_148 : i32
        %dma_start3A_150 = arith.constant 0 : i32
        %dma_start3A_151 = tpu.memref_slice %arg7[%add3A_149, %dma_start3A_150] : memref<79x128xi32, #tpu.memory_space<vmem>> -> memref<1x128xi32, #tpu.memory_space<vmem>>
        %dma_start3A_152 = tpu.memref_squeeze %dma_start3A_151 : memref<1x128xi32, #tpu.memory_space<vmem>> -> memref<128xi32, #tpu.memory_space<vmem>>
        %dma_start3A_153 = arith.constant 0 : i32
        %dma_start3A_154 = arith.constant 0 : i32
        %dma_start3A_155 = tpu.memref_slice %arg2[%dma_start3A_153, %dma_start3A_154] : memref<10128x48xf32, #tpu.memory_space<hbm>> -> memref<10128x48xf32, #tpu.memory_space<hbm>>
        tpu.enqueue_indirect_dma source(%dma_start3A_155 : memref<10128x48xf32, #tpu.memory_space<hbm>>) target(%arg10 : memref<128x48xf32, #tpu.memory_space<vmem>>) offsets(%dma_start3A_152 : memref<128xi32, #tpu.memory_space<vmem>>) semaphore(%arg14 : memref<!tpu.dma_semaphore, #tpu.memory_space<semaphore_mem>>)
      } else {
      }
      %add3A_89 = arith.constant 1 : i32
      %add3A_90 = arith.addi %add3A_70, %add3A_89 : i32
      %dma_wait3A_91 = arith.constant 0 : i32
      %dma_wait3A_92 = tpu.memref_slice %arg7[%add3A_90, %dma_wait3A_91] : memref<79x128xi32, #tpu.memory_space<vmem>> -> memref<1x128xi32, #tpu.memory_space<vmem>>
      %dma_wait3A_93 = tpu.memref_squeeze %dma_wait3A_92 : memref<1x128xi32, #tpu.memory_space<vmem>> -> memref<128xi32, #tpu.memory_space<vmem>>
      %dma_wait3A_94 = arith.constant 0 : i32
      %dma_wait3A_95 = arith.constant 0 : i32
      %dma_wait3A_96 = tpu.memref_slice %arg2[%dma_wait3A_94, %dma_wait3A_95] : memref<10128x48xf32, #tpu.memory_space<hbm>> -> memref<10128x48xf32, #tpu.memory_space<hbm>>
      tpu.wait_indirect_dma semaphore(%arg15 : memref<!tpu.dma_semaphore, #tpu.memory_space<semaphore_mem>>) src(%dma_wait3A_96 : memref<10128x48xf32, #tpu.memory_space<hbm>>) dst(%arg11 : memref<128x48xf32, #tpu.memory_space<vmem>>)
      %add3A_97 = arith.constant 1 : i32
      %add3A_98 = arith.addi %add3A_70, %add3A_97 : i32
      "tpu.region"() ({
        %run_scoped3A_146 = tpu.sem_alloc : memref<!tpu.dma_semaphore, #tpu.memory_space<semaphore_mem>>
        %dma_start3A_147 = arith.constant 0 : i32
        %dma_start3A_148 = tpu.memref_slice %arg8[%add3A_98, %dma_start3A_147] : memref<79x128xi32, #tpu.memory_space<vmem>> -> memref<1x128xi32, #tpu.memory_space<vmem>>
        %dma_start3A_149 = tpu.memref_squeeze %dma_start3A_148 : memref<1x128xi32, #tpu.memory_space<vmem>> -> memref<128xi32, #tpu.memory_space<vmem>>
        %dma_start3A_150 = arith.constant 0 : i32
        %dma_start3A_151 = arith.constant 0 : i32
        %dma_start3A_152 = tpu.memref_slice %arg9[%dma_start3A_150, %dma_start3A_151] : memref<10008x48xf32, #tpu.memory_space<vmem_shared>> -> memref<10008x48xf32, #tpu.memory_space<vmem_shared>>
        tpu.enqueue_indirect_dma source(%arg11 : memref<128x48xf32, #tpu.memory_space<vmem>>) target(%dma_start3A_152 : memref<10008x48xf32, #tpu.memory_space<vmem_shared>>) offsets(%dma_start3A_149 : memref<128xi32, #tpu.memory_space<vmem>>) semaphore(%run_scoped3A_146 : memref<!tpu.dma_semaphore, #tpu.memory_space<semaphore_mem>>) {add = true}
        %dma_wait3A_153 = arith.constant 0 : i32
        %dma_wait3A_154 = tpu.memref_slice %arg8[%add3A_98, %dma_wait3A_153] : memref<79x128xi32, #tpu.memory_space<vmem>> -> memref<1x128xi32, #tpu.memory_space<vmem>>
        %dma_wait3A_155 = tpu.memref_squeeze %dma_wait3A_154 : memref<1x128xi32, #tpu.memory_space<vmem>> -> memref<128xi32, #tpu.memory_space<vmem>>
        %dma_wait3A_156 = arith.constant 0 : i32
        %dma_wait3A_157 = arith.constant 0 : i32
        %dma_wait3A_158 = tpu.memref_slice %arg9[%dma_wait3A_156, %dma_wait3A_157] : memref<10008x48xf32, #tpu.memory_space<vmem_shared>> -> memref<10008x48xf32, #tpu.memory_space<vmem_shared>>
        tpu.wait_indirect_dma semaphore(%run_scoped3A_146 : memref<!tpu.dma_semaphore, #tpu.memory_space<semaphore_mem>>) src(%arg11 : memref<128x48xf32, #tpu.memory_space<vmem>>) dst(%dma_wait3A_158 : memref<10008x48xf32, #tpu.memory_space<vmem_shared>>)
        tpu.yield
      }) : () -> ()
      %add3A_99 = arith.constant 1 : i32
      %add3A_100 = arith.addi %add3A_70, %add3A_99 : i32
      %add3A_101 = arith.constant 4 : i32
      %add3A_102 = arith.addi %add3A_100, %add3A_101 : i32
      %lt3A_103 = arith.constant 79 : i32
      %lt3A_104 = arith.cmpi slt, %add3A_102, %lt3A_103 : i32
      %convert_element_type3A_105 = arith.extui %lt3A_104 : i1 to i32
      %cond3A_106 = arith.constant 0 : i32
      %cond3A_107 = arith.cmpi ne, %convert_element_type3A_105, %cond3A_106 : i32
      scf.if %cond3A_107 {
        %add3A_146 = arith.constant 1 : i32
        %add3A_147 = arith.addi %add3A_70, %add3A_146 : i32
        %add3A_148 = arith.constant 4 : i32
        %add3A_149 = arith.addi %add3A_147, %add3A_148 : i32
        %dma_start3A_150 = arith.constant 0 : i32
        %dma_start3A_151 = tpu.memref_slice %arg7[%add3A_149, %dma_start3A_150] : memref<79x128xi32, #tpu.memory_space<vmem>> -> memref<1x128xi32, #tpu.memory_space<vmem>>
        %dma_start3A_152 = tpu.memref_squeeze %dma_start3A_151 : memref<1x128xi32, #tpu.memory_space<vmem>> -> memref<128xi32, #tpu.memory_space<vmem>>
        %dma_start3A_153 = arith.constant 0 : i32
        %dma_start3A_154 = arith.constant 0 : i32
        %dma_start3A_155 = tpu.memref_slice %arg2[%dma_start3A_153, %dma_start3A_154] : memref<10128x48xf32, #tpu.memory_space<hbm>> -> memref<10128x48xf32, #tpu.memory_space<hbm>>
        tpu.enqueue_indirect_dma source(%dma_start3A_155 : memref<10128x48xf32, #tpu.memory_space<hbm>>) target(%arg11 : memref<128x48xf32, #tpu.memory_space<vmem>>) offsets(%dma_start3A_152 : memref<128xi32, #tpu.memory_space<vmem>>) semaphore(%arg15 : memref<!tpu.dma_semaphore, #tpu.memory_space<semaphore_mem>>)
      } else {
      }
      %add3A_108 = arith.constant 2 : i32
      %add3A_109 = arith.addi %add3A_70, %add3A_108 : i32
      %dma_wait3A_110 = arith.constant 0 : i32
      %dma_wait3A_111 = tpu.memref_slice %arg7[%add3A_109, %dma_wait3A_110] : memref<79x128xi32, #tpu.memory_space<vmem>> -> memref<1x128xi32, #tpu.memory_space<vmem>>
      %dma_wait3A_112 = tpu.memref_squeeze %dma_wait3A_111 : memref<1x128xi32, #tpu.memory_space<vmem>> -> memref<128xi32, #tpu.memory_space<vmem>>
      %dma_wait3A_113 = arith.constant 0 : i32
      %dma_wait3A_114 = arith.constant 0 : i32
      %dma_wait3A_115 = tpu.memref_slice %arg2[%dma_wait3A_113, %dma_wait3A_114] : memref<10128x48xf32, #tpu.memory_space<hbm>> -> memref<10128x48xf32, #tpu.memory_space<hbm>>
      tpu.wait_indirect_dma semaphore(%arg16 : memref<!tpu.dma_semaphore, #tpu.memory_space<semaphore_mem>>) src(%dma_wait3A_115 : memref<10128x48xf32, #tpu.memory_space<hbm>>) dst(%arg12 : memref<128x48xf32, #tpu.memory_space<vmem>>)
      %add3A_116 = arith.constant 2 : i32
      %add3A_117 = arith.addi %add3A_70, %add3A_116 : i32
      "tpu.region"() ({
        %run_scoped3A_146 = tpu.sem_alloc : memref<!tpu.dma_semaphore, #tpu.memory_space<semaphore_mem>>
        %dma_start3A_147 = arith.constant 0 : i32
        %dma_start3A_148 = tpu.memref_slice %arg8[%add3A_117, %dma_start3A_147] : memref<79x128xi32, #tpu.memory_space<vmem>> -> memref<1x128xi32, #tpu.memory_space<vmem>>
        %dma_start3A_149 = tpu.memref_squeeze %dma_start3A_148 : memref<1x128xi32, #tpu.memory_space<vmem>> -> memref<128xi32, #tpu.memory_space<vmem>>
        %dma_start3A_150 = arith.constant 0 : i32
        %dma_start3A_151 = arith.constant 0 : i32
        %dma_start3A_152 = tpu.memref_slice %arg9[%dma_start3A_150, %dma_start3A_151] : memref<10008x48xf32, #tpu.memory_space<vmem_shared>> -> memref<10008x48xf32, #tpu.memory_space<vmem_shared>>
        tpu.enqueue_indirect_dma source(%arg12 : memref<128x48xf32, #tpu.memory_space<vmem>>) target(%dma_start3A_152 : memref<10008x48xf32, #tpu.memory_space<vmem_shared>>) offsets(%dma_start3A_149 : memref<128xi32, #tpu.memory_space<vmem>>) semaphore(%run_scoped3A_146 : memref<!tpu.dma_semaphore, #tpu.memory_space<semaphore_mem>>) {add = true}
        %dma_wait3A_153 = arith.constant 0 : i32
        %dma_wait3A_154 = tpu.memref_slice %arg8[%add3A_117, %dma_wait3A_153] : memref<79x128xi32, #tpu.memory_space<vmem>> -> memref<1x128xi32, #tpu.memory_space<vmem>>
        %dma_wait3A_155 = tpu.memref_squeeze %dma_wait3A_154 : memref<1x128xi32, #tpu.memory_space<vmem>> -> memref<128xi32, #tpu.memory_space<vmem>>
        %dma_wait3A_156 = arith.constant 0 : i32
        %dma_wait3A_157 = arith.constant 0 : i32
        %dma_wait3A_158 = tpu.memref_slice %arg9[%dma_wait3A_156, %dma_wait3A_157] : memref<10008x48xf32, #tpu.memory_space<vmem_shared>> -> memref<10008x48xf32, #tpu.memory_space<vmem_shared>>
        tpu.wait_indirect_dma semaphore(%run_scoped3A_146 : memref<!tpu.dma_semaphore, #tpu.memory_space<semaphore_mem>>) src(%arg12 : memref<128x48xf32, #tpu.memory_space<vmem>>) dst(%dma_wait3A_158 : memref<10008x48xf32, #tpu.memory_space<vmem_shared>>)
        tpu.yield
      }) : () -> ()
      %add3A_118 = arith.constant 2 : i32
      %add3A_119 = arith.addi %add3A_70, %add3A_118 : i32
      %add3A_120 = arith.constant 4 : i32
      %add3A_121 = arith.addi %add3A_119, %add3A_120 : i32
      %lt3A_122 = arith.constant 79 : i32
      %lt3A_123 = arith.cmpi slt, %add3A_121, %lt3A_122 : i32
      %convert_element_type3A_124 = arith.extui %lt3A_123 : i1 to i32
      %cond3A_125 = arith.constant 0 : i32
      %cond3A_126 = arith.cmpi ne, %convert_element_type3A_124, %cond3A_125 : i32
      scf.if %cond3A_126 {
        %add3A_146 = arith.constant 2 : i32
        %add3A_147 = arith.addi %add3A_70, %add3A_146 : i32
        %add3A_148 = arith.constant 4 : i32
        %add3A_149 = arith.addi %add3A_147, %add3A_148 : i32
        %dma_start3A_150 = arith.constant 0 : i32
        %dma_start3A_151 = tpu.memref_slice %arg7[%add3A_149, %dma_start3A_150] : memref<79x128xi32, #tpu.memory_space<vmem>> -> memref<1x128xi32, #tpu.memory_space<vmem>>
        %dma_start3A_152 = tpu.memref_squeeze %dma_start3A_151 : memref<1x128xi32, #tpu.memory_space<vmem>> -> memref<128xi32, #tpu.memory_space<vmem>>
        %dma_start3A_153 = arith.constant 0 : i32
        %dma_start3A_154 = arith.constant 0 : i32
        %dma_start3A_155 = tpu.memref_slice %arg2[%dma_start3A_153, %dma_start3A_154] : memref<10128x48xf32, #tpu.memory_space<hbm>> -> memref<10128x48xf32, #tpu.memory_space<hbm>>
        tpu.enqueue_indirect_dma source(%dma_start3A_155 : memref<10128x48xf32, #tpu.memory_space<hbm>>) target(%arg12 : memref<128x48xf32, #tpu.memory_space<vmem>>) offsets(%dma_start3A_152 : memref<128xi32, #tpu.memory_space<vmem>>) semaphore(%arg16 : memref<!tpu.dma_semaphore, #tpu.memory_space<semaphore_mem>>)
      } else {
      }
      %add3A_127 = arith.constant 3 : i32
      %add3A_128 = arith.addi %add3A_70, %add3A_127 : i32
      %dma_wait3A_129 = arith.constant 0 : i32
      %dma_wait3A_130 = tpu.memref_slice %arg7[%add3A_128, %dma_wait3A_129] : memref<79x128xi32, #tpu.memory_space<vmem>> -> memref<1x128xi32, #tpu.memory_space<vmem>>
      %dma_wait3A_131 = tpu.memref_squeeze %dma_wait3A_130 : memref<1x128xi32, #tpu.memory_space<vmem>> -> memref<128xi32, #tpu.memory_space<vmem>>
      %dma_wait3A_132 = arith.constant 0 : i32
      %dma_wait3A_133 = arith.constant 0 : i32
      %dma_wait3A_134 = tpu.memref_slice %arg2[%dma_wait3A_132, %dma_wait3A_133] : memref<10128x48xf32, #tpu.memory_space<hbm>> -> memref<10128x48xf32, #tpu.memory_space<hbm>>
      tpu.wait_indirect_dma semaphore(%arg17 : memref<!tpu.dma_semaphore, #tpu.memory_space<semaphore_mem>>) src(%dma_wait3A_134 : memref<10128x48xf32, #tpu.memory_space<hbm>>) dst(%arg13 : memref<128x48xf32, #tpu.memory_space<vmem>>)
      %add3A_135 = arith.constant 3 : i32
      %add3A_136 = arith.addi %add3A_70, %add3A_135 : i32
      "tpu.region"() ({
        %run_scoped3A_146 = tpu.sem_alloc : memref<!tpu.dma_semaphore, #tpu.memory_space<semaphore_mem>>
        %dma_start3A_147 = arith.constant 0 : i32
        %dma_start3A_148 = tpu.memref_slice %arg8[%add3A_136, %dma_start3A_147] : memref<79x128xi32, #tpu.memory_space<vmem>> -> memref<1x128xi32, #tpu.memory_space<vmem>>
        %dma_start3A_149 = tpu.memref_squeeze %dma_start3A_148 : memref<1x128xi32, #tpu.memory_space<vmem>> -> memref<128xi32, #tpu.memory_space<vmem>>
        %dma_start3A_150 = arith.constant 0 : i32
        %dma_start3A_151 = arith.constant 0 : i32
        %dma_start3A_152 = tpu.memref_slice %arg9[%dma_start3A_150, %dma_start3A_151] : memref<10008x48xf32, #tpu.memory_space<vmem_shared>> -> memref<10008x48xf32, #tpu.memory_space<vmem_shared>>
        tpu.enqueue_indirect_dma source(%arg13 : memref<128x48xf32, #tpu.memory_space<vmem>>) target(%dma_start3A_152 : memref<10008x48xf32, #tpu.memory_space<vmem_shared>>) offsets(%dma_start3A_149 : memref<128xi32, #tpu.memory_space<vmem>>) semaphore(%run_scoped3A_146 : memref<!tpu.dma_semaphore, #tpu.memory_space<semaphore_mem>>) {add = true}
        %dma_wait3A_153 = arith.constant 0 : i32
        %dma_wait3A_154 = tpu.memref_slice %arg8[%add3A_136, %dma_wait3A_153] : memref<79x128xi32, #tpu.memory_space<vmem>> -> memref<1x128xi32, #tpu.memory_space<vmem>>
        %dma_wait3A_155 = tpu.memref_squeeze %dma_wait3A_154 : memref<1x128xi32, #tpu.memory_space<vmem>> -> memref<128xi32, #tpu.memory_space<vmem>>
        %dma_wait3A_156 = arith.constant 0 : i32
        %dma_wait3A_157 = arith.constant 0 : i32
        %dma_wait3A_158 = tpu.memref_slice %arg9[%dma_wait3A_156, %dma_wait3A_157] : memref<10008x48xf32, #tpu.memory_space<vmem_shared>> -> memref<10008x48xf32, #tpu.memory_space<vmem_shared>>
        tpu.wait_indirect_dma semaphore(%run_scoped3A_146 : memref<!tpu.dma_semaphore, #tpu.memory_space<semaphore_mem>>) src(%arg13 : memref<128x48xf32, #tpu.memory_space<vmem>>) dst(%dma_wait3A_158 : memref<10008x48xf32, #tpu.memory_space<vmem_shared>>)
        tpu.yield
      }) : () -> ()
      %add3A_137 = arith.constant 3 : i32
      %add3A_138 = arith.addi %add3A_70, %add3A_137 : i32
      %add3A_139 = arith.constant 4 : i32
      %add3A_140 = arith.addi %add3A_138, %add3A_139 : i32
      %lt3A_141 = arith.constant 79 : i32
      %lt3A_142 = arith.cmpi slt, %add3A_140, %lt3A_141 : i32
      %convert_element_type3A_143 = arith.extui %lt3A_142 : i1 to i32
      %cond3A_144 = arith.constant 0 : i32
      %cond3A_145 = arith.cmpi ne, %convert_element_type3A_143, %cond3A_144 : i32
      scf.if %cond3A_145 {
        %add3A_146 = arith.constant 3 : i32
        %add3A_147 = arith.addi %add3A_70, %add3A_146 : i32
        %add3A_148 = arith.constant 4 : i32
        %add3A_149 = arith.addi %add3A_147, %add3A_148 : i32
        %dma_start3A_150 = arith.constant 0 : i32
        %dma_start3A_151 = tpu.memref_slice %arg7[%add3A_149, %dma_start3A_150] : memref<79x128xi32, #tpu.memory_space<vmem>> -> memref<1x128xi32, #tpu.memory_space<vmem>>
        %dma_start3A_152 = tpu.memref_squeeze %dma_start3A_151 : memref<1x128xi32, #tpu.memory_space<vmem>> -> memref<128xi32, #tpu.memory_space<vmem>>
        %dma_start3A_153 = arith.constant 0 : i32
        %dma_start3A_154 = arith.constant 0 : i32
        %dma_start3A_155 = tpu.memref_slice %arg2[%dma_start3A_153, %dma_start3A_154] : memref<10128x48xf32, #tpu.memory_space<hbm>> -> memref<10128x48xf32, #tpu.memory_space<hbm>>
        tpu.enqueue_indirect_dma source(%dma_start3A_155 : memref<10128x48xf32, #tpu.memory_space<hbm>>) target(%arg13 : memref<128x48xf32, #tpu.memory_space<vmem>>) offsets(%dma_start3A_152 : memref<128xi32, #tpu.memory_space<vmem>>) semaphore(%arg17 : memref<!tpu.dma_semaphore, #tpu.memory_space<semaphore_mem>>)
      } else {
      }
    }
    %scan3A_35 = arith.constant 19 : i32
    %dma_wait3A = arith.constant 76 : i32
    %dma_wait3A_36 = arith.constant 0 : i32
    %dma_wait3A_37 = tpu.memref_slice %arg7[%dma_wait3A, %dma_wait3A_36] : memref<79x128xi32, #tpu.memory_space<vmem>> -> memref<1x128xi32, #tpu.memory_space<vmem>>
    %dma_wait3A_38 = tpu.memref_squeeze %dma_wait3A_37 : memref<1x128xi32, #tpu.memory_space<vmem>> -> memref<128xi32, #tpu.memory_space<vmem>>
    %dma_wait3A_39 = arith.constant 0 : i32
    %dma_wait3A_40 = arith.constant 0 : i32
    %dma_wait3A_41 = tpu.memref_slice %arg2[%dma_wait3A_39, %dma_wait3A_40] : memref<10128x48xf32, #tpu.memory_space<hbm>> -> memref<10128x48xf32, #tpu.memory_space<hbm>>
    tpu.wait_indirect_dma semaphore(%arg14 : memref<!tpu.dma_semaphore, #tpu.memory_space<semaphore_mem>>) src(%dma_wait3A_41 : memref<10128x48xf32, #tpu.memory_space<hbm>>) dst(%arg10 : memref<128x48xf32, #tpu.memory_space<vmem>>)
    %run_scoped3A = arith.constant 76 : i32
    "tpu.region"() ({
      %run_scoped3A_66 = tpu.sem_alloc : memref<!tpu.dma_semaphore, #tpu.memory_space<semaphore_mem>>
      %dma_start3A_67 = arith.constant 0 : i32
      %dma_start3A_68 = tpu.memref_slice %arg8[%run_scoped3A, %dma_start3A_67] : memref<79x128xi32, #tpu.memory_space<vmem>> -> memref<1x128xi32, #tpu.memory_space<vmem>>
      %dma_start3A_69 = tpu.memref_squeeze %dma_start3A_68 : memref<1x128xi32, #tpu.memory_space<vmem>> -> memref<128xi32, #tpu.memory_space<vmem>>
      %dma_start3A_70 = arith.constant 0 : i32
      %dma_start3A_71 = arith.constant 0 : i32
      %dma_start3A_72 = tpu.memref_slice %arg9[%dma_start3A_70, %dma_start3A_71] : memref<10008x48xf32, #tpu.memory_space<vmem_shared>> -> memref<10008x48xf32, #tpu.memory_space<vmem_shared>>
      tpu.enqueue_indirect_dma source(%arg10 : memref<128x48xf32, #tpu.memory_space<vmem>>) target(%dma_start3A_72 : memref<10008x48xf32, #tpu.memory_space<vmem_shared>>) offsets(%dma_start3A_69 : memref<128xi32, #tpu.memory_space<vmem>>) semaphore(%run_scoped3A_66 : memref<!tpu.dma_semaphore, #tpu.memory_space<semaphore_mem>>) {add = true}
      %dma_wait3A_73 = arith.constant 0 : i32
      %dma_wait3A_74 = tpu.memref_slice %arg8[%run_scoped3A, %dma_wait3A_73] : memref<79x128xi32, #tpu.memory_space<vmem>> -> memref<1x128xi32, #tpu.memory_space<vmem>>
      %dma_wait3A_75 = tpu.memref_squeeze %dma_wait3A_74 : memref<1x128xi32, #tpu.memory_space<vmem>> -> memref<128xi32, #tpu.memory_space<vmem>>
      %dma_wait3A_76 = arith.constant 0 : i32
      %dma_wait3A_77 = arith.constant 0 : i32
      %dma_wait3A_78 = tpu.memref_slice %arg9[%dma_wait3A_76, %dma_wait3A_77] : memref<10008x48xf32, #tpu.memory_space<vmem_shared>> -> memref<10008x48xf32, #tpu.memory_space<vmem_shared>>
      tpu.wait_indirect_dma semaphore(%run_scoped3A_66 : memref<!tpu.dma_semaphore, #tpu.memory_space<semaphore_mem>>) src(%arg10 : memref<128x48xf32, #tpu.memory_space<vmem>>) dst(%dma_wait3A_78 : memref<10008x48xf32, #tpu.memory_space<vmem_shared>>)
      tpu.yield
    }) : () -> ()
    %dma_wait3A_42 = arith.constant 77 : i32
    %dma_wait3A_43 = arith.constant 0 : i32
    %dma_wait3A_44 = tpu.memref_slice %arg7[%dma_wait3A_42, %dma_wait3A_43] : memref<79x128xi32, #tpu.memory_space<vmem>> -> memref<1x128xi32, #tpu.memory_space<vmem>>
    %dma_wait3A_45 = tpu.memref_squeeze %dma_wait3A_44 : memref<1x128xi32, #tpu.memory_space<vmem>> -> memref<128xi32, #tpu.memory_space<vmem>>
    %dma_wait3A_46 = arith.constant 0 : i32
    %dma_wait3A_47 = arith.constant 0 : i32
    %dma_wait3A_48 = tpu.memref_slice %arg2[%dma_wait3A_46, %dma_wait3A_47] : memref<10128x48xf32, #tpu.memory_space<hbm>> -> memref<10128x48xf32, #tpu.memory_space<hbm>>
    tpu.wait_indirect_dma semaphore(%arg15 : memref<!tpu.dma_semaphore, #tpu.memory_space<semaphore_mem>>) src(%dma_wait3A_48 : memref<10128x48xf32, #tpu.memory_space<hbm>>) dst(%arg11 : memref<128x48xf32, #tpu.memory_space<vmem>>)
    %run_scoped3A_49 = arith.constant 77 : i32
    "tpu.region"() ({
      %run_scoped3A_66 = tpu.sem_alloc : memref<!tpu.dma_semaphore, #tpu.memory_space<semaphore_mem>>
      %dma_start3A_67 = arith.constant 0 : i32
      %dma_start3A_68 = tpu.memref_slice %arg8[%run_scoped3A_49, %dma_start3A_67] : memref<79x128xi32, #tpu.memory_space<vmem>> -> memref<1x128xi32, #tpu.memory_space<vmem>>
      %dma_start3A_69 = tpu.memref_squeeze %dma_start3A_68 : memref<1x128xi32, #tpu.memory_space<vmem>> -> memref<128xi32, #tpu.memory_space<vmem>>
      %dma_start3A_70 = arith.constant 0 : i32
      %dma_start3A_71 = arith.constant 0 : i32
      %dma_start3A_72 = tpu.memref_slice %arg9[%dma_start3A_70, %dma_start3A_71] : memref<10008x48xf32, #tpu.memory_space<vmem_shared>> -> memref<10008x48xf32, #tpu.memory_space<vmem_shared>>
      tpu.enqueue_indirect_dma source(%arg11 : memref<128x48xf32, #tpu.memory_space<vmem>>) target(%dma_start3A_72 : memref<10008x48xf32, #tpu.memory_space<vmem_shared>>) offsets(%dma_start3A_69 : memref<128xi32, #tpu.memory_space<vmem>>) semaphore(%run_scoped3A_66 : memref<!tpu.dma_semaphore, #tpu.memory_space<semaphore_mem>>) {add = true}
      %dma_wait3A_73 = arith.constant 0 : i32
      %dma_wait3A_74 = tpu.memref_slice %arg8[%run_scoped3A_49, %dma_wait3A_73] : memref<79x128xi32, #tpu.memory_space<vmem>> -> memref<1x128xi32, #tpu.memory_space<vmem>>
      %dma_wait3A_75 = tpu.memref_squeeze %dma_wait3A_74 : memref<1x128xi32, #tpu.memory_space<vmem>> -> memref<128xi32, #tpu.memory_space<vmem>>
      %dma_wait3A_76 = arith.constant 0 : i32
      %dma_wait3A_77 = arith.constant 0 : i32
      %dma_wait3A_78 = tpu.memref_slice %arg9[%dma_wait3A_76, %dma_wait3A_77] : memref<10008x48xf32, #tpu.memory_space<vmem_shared>> -> memref<10008x48xf32, #tpu.memory_space<vmem_shared>>
      tpu.wait_indirect_dma semaphore(%run_scoped3A_66 : memref<!tpu.dma_semaphore, #tpu.memory_space<semaphore_mem>>) src(%arg11 : memref<128x48xf32, #tpu.memory_space<vmem>>) dst(%dma_wait3A_78 : memref<10008x48xf32, #tpu.memory_space<vmem_shared>>)
      tpu.yield
    }) : () -> ()
    %dma_wait3A_50 = arith.constant 78 : i32
    %dma_wait3A_51 = arith.constant 0 : i32
    %dma_wait3A_52 = tpu.memref_slice %arg7[%dma_wait3A_50, %dma_wait3A_51] : memref<79x128xi32, #tpu.memory_space<vmem>> -> memref<1x128xi32, #tpu.memory_space<vmem>>
    %dma_wait3A_53 = tpu.memref_squeeze %dma_wait3A_52 : memref<1x128xi32, #tpu.memory_space<vmem>> -> memref<128xi32, #tpu.memory_space<vmem>>
    %dma_wait3A_54 = arith.constant 0 : i32
    %dma_wait3A_55 = arith.constant 0 : i32
    %dma_wait3A_56 = tpu.memref_slice %arg2[%dma_wait3A_54, %dma_wait3A_55] : memref<10128x48xf32, #tpu.memory_space<hbm>> -> memref<10128x48xf32, #tpu.memory_space<hbm>>
    tpu.wait_indirect_dma semaphore(%arg16 : memref<!tpu.dma_semaphore, #tpu.memory_space<semaphore_mem>>) src(%dma_wait3A_56 : memref<10128x48xf32, #tpu.memory_space<hbm>>) dst(%arg12 : memref<128x48xf32, #tpu.memory_space<vmem>>)
    %run_scoped3A_57 = arith.constant 78 : i32
    "tpu.region"() ({
      %run_scoped3A_66 = tpu.sem_alloc : memref<!tpu.dma_semaphore, #tpu.memory_space<semaphore_mem>>
      %dma_start3A_67 = arith.constant 0 : i32
      %dma_start3A_68 = tpu.memref_slice %arg8[%run_scoped3A_57, %dma_start3A_67] : memref<79x128xi32, #tpu.memory_space<vmem>> -> memref<1x128xi32, #tpu.memory_space<vmem>>
      %dma_start3A_69 = tpu.memref_squeeze %dma_start3A_68 : memref<1x128xi32, #tpu.memory_space<vmem>> -> memref<128xi32, #tpu.memory_space<vmem>>
      %dma_start3A_70 = arith.constant 0 : i32
      %dma_start3A_71 = arith.constant 0 : i32
      %dma_start3A_72 = tpu.memref_slice %arg9[%dma_start3A_70, %dma_start3A_71] : memref<10008x48xf32, #tpu.memory_space<vmem_shared>> -> memref<10008x48xf32, #tpu.memory_space<vmem_shared>>
      tpu.enqueue_indirect_dma source(%arg12 : memref<128x48xf32, #tpu.memory_space<vmem>>) target(%dma_start3A_72 : memref<10008x48xf32, #tpu.memory_space<vmem_shared>>) offsets(%dma_start3A_69 : memref<128xi32, #tpu.memory_space<vmem>>) semaphore(%run_scoped3A_66 : memref<!tpu.dma_semaphore, #tpu.memory_space<semaphore_mem>>) {add = true}
      %dma_wait3A_73 = arith.constant 0 : i32
      %dma_wait3A_74 = tpu.memref_slice %arg8[%run_scoped3A_57, %dma_wait3A_73] : memref<79x128xi32, #tpu.memory_space<vmem>> -> memref<1x128xi32, #tpu.memory_space<vmem>>
      %dma_wait3A_75 = tpu.memref_squeeze %dma_wait3A_74 : memref<1x128xi32, #tpu.memory_space<vmem>> -> memref<128xi32, #tpu.memory_space<vmem>>
      %dma_wait3A_76 = arith.constant 0 : i32
      %dma_wait3A_77 = arith.constant 0 : i32
      %dma_wait3A_78 = tpu.memref_slice %arg9[%dma_wait3A_76, %dma_wait3A_77] : memref<10008x48xf32, #tpu.memory_space<vmem_shared>> -> memref<10008x48xf32, #tpu.memory_space<vmem_shared>>
      tpu.wait_indirect_dma semaphore(%run_scoped3A_66 : memref<!tpu.dma_semaphore, #tpu.memory_space<semaphore_mem>>) src(%arg12 : memref<128x48xf32, #tpu.memory_space<vmem>>) dst(%dma_wait3A_78 : memref<10008x48xf32, #tpu.memory_space<vmem_shared>>)
      tpu.yield
    }) : () -> ()
    %barrier3A_58 = arith.constant 0 : index
    tpu.barrier barrier_id(%barrier3A_58)
    %mul3A_59 = arith.constant 48 : i32
    %mul3A_60 = arith.muli %arg0, %mul3A_59 : i32
    "tpu.region"() ({
      %run_scoped3A_66 = tpu.sem_alloc : memref<!tpu.dma_semaphore, #tpu.memory_space<semaphore_mem>>
      %dma_start3A_67 = tpu.memref_slice %arg6[%mul3A_2, %mul3A_60] : memref<10008x128xf32, #tpu.memory_space<hbm>> -> memref<624x48xf32, #tpu.memory_space<hbm>>
      %dma_start3A_68 = arith.constant 0 : i32
      %dma_start3A_69 = tpu.memref_slice %arg9[%mul3A_2, %dma_start3A_68] : memref<10008x48xf32, #tpu.memory_space<vmem_shared>> -> memref<624x48xf32, #tpu.memory_space<vmem_shared>>
      tpu.enqueue_dma source(%dma_start3A_69 : memref<624x48xf32, #tpu.memory_space<vmem_shared>>) target(%dma_start3A_67 : memref<624x48xf32, #tpu.memory_space<hbm>>) target_semaphore(%run_scoped3A_66 : memref<!tpu.dma_semaphore, #tpu.memory_space<semaphore_mem>>)
      %dma_wait3A_70 = tpu.memref_slice %arg6[%mul3A_2, %mul3A_60] : memref<10008x128xf32, #tpu.memory_space<hbm>> -> memref<624x48xf32, #tpu.memory_space<hbm>>
      %dma_wait3A_71 = arith.constant 0 : i32
      %dma_wait3A_72 = tpu.memref_slice %arg9[%mul3A_2, %dma_wait3A_71] : memref<10008x48xf32, #tpu.memory_space<vmem_shared>> -> memref<624x48xf32, #tpu.memory_space<vmem_shared>>
      tpu.wait_dma2 semaphore(%run_scoped3A_66 : memref<!tpu.dma_semaphore, #tpu.memory_space<semaphore_mem>>) src(%dma_wait3A_72 : memref<624x48xf32, #tpu.memory_space<vmem_shared>>) dst(%dma_wait3A_70 : memref<624x48xf32, #tpu.memory_space<hbm>>)
      tpu.yield
    }) : () -> ()
    %eq3A_61 = arith.constant 0 : i32
    %eq3A_62 = arith.cmpi eq, %arg1, %eq3A_61 : i32
    %convert_element_type3A_63 = arith.extui %eq3A_62 : i1 to i32
    %cond3A_64 = arith.constant 0 : i32
    %cond3A_65 = arith.cmpi ne, %convert_element_type3A_63, %cond3A_64 : i32
    scf.if %cond3A_65 {
      %mul3A_66 = arith.constant 48 : i32
      %mul3A_67 = arith.muli %arg0, %mul3A_66 : i32
      "tpu.region"() ({
        %run_scoped3A_68 = tpu.sem_alloc : memref<!tpu.dma_semaphore, #tpu.memory_space<semaphore_mem>>
        %dma_start3A_69 = arith.constant 9984 : i32
        %dma_start3A_70 = tpu.memref_slice %arg6[%dma_start3A_69, %mul3A_67] : memref<10008x128xf32, #tpu.memory_space<hbm>> -> memref<24x48xf32, #tpu.memory_space<hbm>>
        %dma_start3A_71 = arith.constant 9984 : i32
        %dma_start3A_72 = arith.constant 0 : i32
        %dma_start3A_73 = tpu.memref_slice %arg9[%dma_start3A_71, %dma_start3A_72] : memref<10008x48xf32, #tpu.memory_space<vmem_shared>> -> memref<24x48xf32, #tpu.memory_space<vmem_shared>>
        tpu.enqueue_dma source(%dma_start3A_73 : memref<24x48xf32, #tpu.memory_space<vmem_shared>>) target(%dma_start3A_70 : memref<24x48xf32, #tpu.memory_space<hbm>>) target_semaphore(%run_scoped3A_68 : memref<!tpu.dma_semaphore, #tpu.memory_space<semaphore_mem>>)
        %dma_wait3A_74 = arith.constant 9984 : i32
        %dma_wait3A_75 = tpu.memref_slice %arg6[%dma_wait3A_74, %mul3A_67] : memref<10008x128xf32, #tpu.memory_space<hbm>> -> memref<24x48xf32, #tpu.memory_space<hbm>>
        %dma_wait3A_76 = arith.constant 9984 : i32
        %dma_wait3A_77 = arith.constant 0 : i32
        %dma_wait3A_78 = tpu.memref_slice %arg9[%dma_wait3A_76, %dma_wait3A_77] : memref<10008x48xf32, #tpu.memory_space<vmem_shared>> -> memref<24x48xf32, #tpu.memory_space<vmem_shared>>
        tpu.wait_dma2 semaphore(%run_scoped3A_68 : memref<!tpu.dma_semaphore, #tpu.memory_space<semaphore_mem>>) src(%dma_wait3A_78 : memref<24x48xf32, #tpu.memory_space<vmem_shared>>) dst(%dma_wait3A_75 : memref<24x48xf32, #tpu.memory_space<hbm>>)
        tpu.yield
      }) : () -> ()
    } else {
    }
    return
  }
}

module attributes {stable_mosaic.version = 14 : i64} {
  func.func @_deg_scale_body(%arg0: memref<10008x128xf32, #tpu.memory_space<vmem>>, %arg1: memref<10000x128xf32, #tpu.memory_space<vmem>>, %arg2: memref<10000x1xf32, #tpu.memory_space<vmem>>, %arg3: memref<10000x128xf32, #tpu.memory_space<vmem>>) attributes {dimension_semantics = [], scalar_prefetch = 0 : i64, scratch_operands = 0 : i64, tpu.core_type = #tpu.core_type<tc>} {
    %get3A = arith.constant 0 : index
    %get3A_0 = arith.constant 0 : index
    %get3A_1 = vector.load %arg0[%get3A, %get3A_0] : memref<10008x128xf32, #tpu.memory_space<vmem>>, vector<10000x1xf32>
    %get3A_2 = arith.constant 0 : index
    %get3A_3 = arith.constant 16 : index
    %get3A_4 = vector.load %arg0[%get3A_2, %get3A_3] : memref<10008x128xf32, #tpu.memory_space<vmem>>, vector<10000x1xf32>
    %add3A = arith.addf %get3A_1, %get3A_4 : vector<10000x1xf32>
    %add3A_5 = arith.constant 2.000000e+00 : f32
    %add3A_6 = vector.broadcast %add3A_5 : f32 to vector<10000x1xf32>
    %add3A_7 = arith.addf %add3A, %add3A_6 : vector<10000x1xf32>
    %rsqrt3A = math.rsqrt %add3A_7 : vector<10000x1xf32>
    %swap3A = arith.constant 0 : index
    %swap3A_8 = arith.constant 0 : index
    %swap3A_9 = vector.load %arg2[%swap3A, %swap3A_8] : memref<10000x1xf32, #tpu.memory_space<vmem>>, vector<10000x1xf32>
    tpu.vector_store %arg2[%swap3A, %swap3A_8], %rsqrt3A {strides = array<i32>} : memref<10000x1xf32, #tpu.memory_space<vmem>>, vector<10000x1xf32>,
    %get3A_10 = arith.constant 0 : index
    %get3A_11 = arith.constant 0 : index
    %get3A_12 = vector.load %arg1[%get3A_10, %get3A_11] : memref<10000x128xf32, #tpu.memory_space<vmem>>, vector<10000x128xf32>
    %mul3A = vector.broadcast %rsqrt3A : vector<10000x1xf32> to vector<10000x128xf32>
    %mul3A_13 = arith.mulf %get3A_12, %mul3A : vector<10000x128xf32>
    %swap3A_14 = arith.constant 0 : index
    %swap3A_15 = arith.constant 0 : index
    %swap3A_16 = vector.load %arg3[%swap3A_14, %swap3A_15] : memref<10000x128xf32, #tpu.memory_space<vmem>>, vector<10000x128xf32>
    tpu.vector_store %arg3[%swap3A_14, %swap3A_15], %mul3A_13 {strides = array<i32>} : memref<10000x128xf32, #tpu.memory_space<vmem>>, vector<10000x128xf32>,
    return
  }
}

module attributes {stable_mosaic.version = 14 : i64} {
  func.func @_layer_relu_mm_body(%arg0: memref<2x10008x128xf32, #tpu.memory_space<vmem>>, %arg1: memref<10000x128xf32, #tpu.memory_space<vmem>>, %arg2: memref<10000x1xf32, #tpu.memory_space<vmem>>, %arg3: memref<128x256xf32, #tpu.memory_space<vmem>>, %arg4: memref<1x256xf32, #tpu.memory_space<vmem>>, %arg5: memref<256x128xf32, #tpu.memory_space<vmem>>, %arg6: memref<10000x128xf32, #tpu.memory_space<vmem>>) attributes {dimension_semantics = [], scalar_prefetch = 0 : i64, scratch_operands = 0 : i64, tpu.core_type = #tpu.core_type<tc>} {
    %get3A = arith.constant 0 : index
    %get3A_0 = arith.constant 0 : index
    %get3A_1 = vector.load %arg2[%get3A, %get3A_0] : memref<10000x1xf32, #tpu.memory_space<vmem>>, vector<10000x1xf32>
    %get3A_2 = arith.constant 0 : index
    %get3A_3 = arith.constant 0 : index
    %get3A_4 = arith.constant 0 : index
    %get3A_5 = vector.load %arg0[%get3A_2, %get3A_3, %get3A_4] : memref<2x10008x128xf32, #tpu.memory_space<vmem>>, vector<1x10000x128xf32>
    %get3A_6 = vector.shape_cast %get3A_5 : vector<1x10000x128xf32> to vector<10000x128xf32>
    %get3A_7 = arith.constant 1 : index
    %get3A_8 = arith.constant 0 : index
    %get3A_9 = arith.constant 0 : index
    %get3A_10 = vector.load %arg0[%get3A_7, %get3A_8, %get3A_9] : memref<2x10008x128xf32, #tpu.memory_space<vmem>>, vector<1x10000x128xf32>
    %get3A_11 = vector.shape_cast %get3A_10 : vector<1x10000x128xf32> to vector<10000x128xf32>
    %add3A = arith.addf %get3A_6, %get3A_11 : vector<10000x128xf32>
    %get3A_12 = arith.constant 0 : index
    %get3A_13 = arith.constant 0 : index
    %get3A_14 = vector.load %arg1[%get3A_12, %get3A_13] : memref<10000x128xf32, #tpu.memory_space<vmem>>, vector<10000x128xf32>
    %mul3A = arith.constant 2.000000e+00 : f32
    %mul3A_15 = vector.broadcast %mul3A : f32 to vector<10000x128xf32>
    %mul3A_16 = arith.mulf %mul3A_15, %get3A_14 : vector<10000x128xf32>
    %add3A_17 = arith.addf %add3A, %mul3A_16 : vector<10000x128xf32>
    %mul3A_18 = vector.broadcast %get3A_1 : vector<10000x1xf32> to vector<10000x128xf32>
    %mul3A_19 = arith.mulf %mul3A_18, %add3A_17 : vector<10000x128xf32>
    %get3A_20 = arith.constant 0 : index
    %get3A_21 = arith.constant 0 : index
    %get3A_22 = vector.load %arg3[%get3A_20, %get3A_21] : memref<128x256xf32, #tpu.memory_space<vmem>>, vector<128x256xf32>
    %dot_general3A = arith.constant dense<0.000000e+00> : vector<10000x256xf32>
    %dot_general3A_23 = tpu.matmul %mul3A_19, %get3A_22, %dot_general3A {dimension_numbers = #tpu.dot_dimension_numbers<[1], [0], [0], [1], [0, 0, 1, 1], [], []>, transpose_lhs_hint = false} : vector<10000x128xf32>, vector<128x256xf32>, vector<10000x256xf32> -> vector<10000x256xf32>
    %get3A_24 = arith.constant 0 : index
    %get3A_25 = arith.constant 0 : index
    %get3A_26 = vector.load %arg4[%get3A_24, %get3A_25] : memref<1x256xf32, #tpu.memory_space<vmem>>, vector<1x256xf32>
    %add3A_27 = vector.broadcast %get3A_26 : vector<1x256xf32> to vector<10000x256xf32>
    %add3A_28 = arith.addf %dot_general3A_23, %add3A_27 : vector<10000x256xf32>
    %max3A = arith.constant 0.000000e+00 : f32
    %max3A_29 = vector.broadcast %max3A : f32 to vector<10000x256xf32>
    %max3A_30 = arith.maximumf %add3A_28, %max3A_29 : vector<10000x256xf32>
    %get3A_31 = arith.constant 0 : index
    %get3A_32 = arith.constant 0 : index
    %get3A_33 = vector.load %arg2[%get3A_31, %get3A_32] : memref<10000x1xf32, #tpu.memory_space<vmem>>, vector<10000x1xf32>
    %get3A_34 = arith.constant 0 : index
    %get3A_35 = arith.constant 0 : index
    %get3A_36 = vector.load %arg5[%get3A_34, %get3A_35] : memref<256x128xf32, #tpu.memory_space<vmem>>, vector<256x128xf32>
    %dot_general3A_37 = arith.constant dense<0.000000e+00> : vector<10000x128xf32>
    %dot_general3A_38 = tpu.matmul %max3A_30, %get3A_36, %dot_general3A_37 {dimension_numbers = #tpu.dot_dimension_numbers<[1], [0], [0], [1], [0, 0, 1, 1], [], []>, transpose_lhs_hint = false} : vector<10000x256xf32>, vector<256x128xf32>, vector<10000x128xf32> -> vector<10000x128xf32>
    %mul3A_39 = vector.broadcast %get3A_33 : vector<10000x1xf32> to vector<10000x128xf32>
    %mul3A_40 = arith.mulf %mul3A_39, %dot_general3A_38 : vector<10000x128xf32>
    %swap3A = arith.constant 0 : index
    %swap3A_41 = arith.constant 0 : index
    %swap3A_42 = vector.load %arg6[%swap3A, %swap3A_41] : memref<10000x128xf32, #tpu.memory_space<vmem>>, vector<10000x128xf32>
    tpu.vector_store %arg6[%swap3A, %swap3A_41], %mul3A_40 {strides = array<i32>} : memref<10000x128xf32, #tpu.memory_space<vmem>>, vector<10000x128xf32>,
    return
  }
}

module attributes {stable_mosaic.version = 14 : i64} {
  func.func @_layer_relu_ew_mm_body(%arg0: memref<2x10008x128xf32, #tpu.memory_space<vmem>>, %arg1: memref<10000x128xf32, #tpu.memory_space<vmem>>, %arg2: memref<10000x1xf32, #tpu.memory_space<vmem>>, %arg3: memref<1x128xf32, #tpu.memory_space<vmem>>, %arg4: memref<128x64xf32, #tpu.memory_space<vmem>>, %arg5: memref<10128x64xf32, #tpu.memory_space<vmem>>) attributes {dimension_semantics = [], scalar_prefetch = 0 : i64, scratch_operands = 0 : i64, tpu.core_type = #tpu.core_type<tc>} {
    %get3A = arith.constant 0 : index
    %get3A_0 = arith.constant 0 : index
    %get3A_1 = vector.load %arg2[%get3A, %get3A_0] : memref<10000x1xf32, #tpu.memory_space<vmem>>, vector<10000x1xf32>
    %get3A_2 = arith.constant 0 : index
    %get3A_3 = arith.constant 0 : index
    %get3A_4 = arith.constant 0 : index
    %get3A_5 = vector.load %arg0[%get3A_2, %get3A_3, %get3A_4] : memref<2x10008x128xf32, #tpu.memory_space<vmem>>, vector<1x10000x128xf32>
    %get3A_6 = vector.shape_cast %get3A_5 : vector<1x10000x128xf32> to vector<10000x128xf32>
    %get3A_7 = arith.constant 1 : index
    %get3A_8 = arith.constant 0 : index
    %get3A_9 = arith.constant 0 : index
    %get3A_10 = vector.load %arg0[%get3A_7, %get3A_8, %get3A_9] : memref<2x10008x128xf32, #tpu.memory_space<vmem>>, vector<1x10000x128xf32>
    %get3A_11 = vector.shape_cast %get3A_10 : vector<1x10000x128xf32> to vector<10000x128xf32>
    %add3A = arith.addf %get3A_6, %get3A_11 : vector<10000x128xf32>
    %get3A_12 = arith.constant 0 : index
    %get3A_13 = arith.constant 0 : index
    %get3A_14 = vector.load %arg1[%get3A_12, %get3A_13] : memref<10000x128xf32, #tpu.memory_space<vmem>>, vector<10000x128xf32>
    %mul3A = arith.constant 2.000000e+00 : f32
    %mul3A_15 = vector.broadcast %mul3A : f32 to vector<10000x128xf32>
    %mul3A_16 = arith.mulf %mul3A_15, %get3A_14 : vector<10000x128xf32>
    %add3A_17 = arith.addf %add3A, %mul3A_16 : vector<10000x128xf32>
    %mul3A_18 = vector.broadcast %get3A_1 : vector<10000x1xf32> to vector<10000x128xf32>
    %mul3A_19 = arith.mulf %mul3A_18, %add3A_17 : vector<10000x128xf32>
    %get3A_20 = arith.constant 0 : index
    %get3A_21 = arith.constant 0 : index
    %get3A_22 = vector.load %arg3[%get3A_20, %get3A_21] : memref<1x128xf32, #tpu.memory_space<vmem>>, vector<1x128xf32>
    %add3A_23 = vector.broadcast %get3A_22 : vector<1x128xf32> to vector<10000x128xf32>
    %add3A_24 = arith.addf %mul3A_19, %add3A_23 : vector<10000x128xf32>
    %max3A = arith.constant 0.000000e+00 : f32
    %max3A_25 = vector.broadcast %max3A : f32 to vector<10000x128xf32>
    %max3A_26 = arith.maximumf %add3A_24, %max3A_25 : vector<10000x128xf32>
    %get3A_27 = arith.constant 0 : index
    %get3A_28 = arith.constant 0 : index
    %get3A_29 = vector.load %arg2[%get3A_27, %get3A_28] : memref<10000x1xf32, #tpu.memory_space<vmem>>, vector<10000x1xf32>
    %get3A_30 = arith.constant 0 : index
    %get3A_31 = arith.constant 0 : index
    %get3A_32 = vector.load %arg4[%get3A_30, %get3A_31] : memref<128x64xf32, #tpu.memory_space<vmem>>, vector<128x64xf32>
    %dot_general3A = arith.constant dense<0.000000e+00> : vector<10000x64xf32>
    %dot_general3A_33 = tpu.matmul %max3A_26, %get3A_32, %dot_general3A {dimension_numbers = #tpu.dot_dimension_numbers<[1], [0], [0], [1], [0, 0, 1, 1], [], []>, transpose_lhs_hint = false} : vector<10000x128xf32>, vector<128x64xf32>, vector<10000x64xf32> -> vector<10000x64xf32>
    %mul3A_34 = vector.broadcast %get3A_29 : vector<10000x1xf32> to vector<10000x64xf32>
    %mul3A_35 = arith.mulf %mul3A_34, %dot_general3A_33 : vector<10000x64xf32>
    %swap3A = arith.constant 0 : index
    %swap3A_36 = arith.constant 0 : index
    %swap3A_37 = vector.load %arg5[%swap3A, %swap3A_36] : memref<10128x64xf32, #tpu.memory_space<vmem>>, vector<10000x64xf32>
    tpu.vector_store %arg5[%swap3A, %swap3A_36], %mul3A_35 {strides = array<i32>} : memref<10128x64xf32, #tpu.memory_space<vmem>>, vector<10000x64xf32>,
    %broadcast_in_dim3A = arith.constant 0.000000e+00 : f32
    %broadcast_in_dim3A_38 = vector.broadcast %broadcast_in_dim3A : f32 to vector<128x64xf32>
    %swap3A_39 = arith.constant 10000 : index
    %swap3A_40 = arith.constant 0 : index
    %swap3A_41 = vector.load %arg5[%swap3A_39, %swap3A_40] : memref<10128x64xf32, #tpu.memory_space<vmem>>, vector<128x64xf32>
    tpu.vector_store %arg5[%swap3A_39, %swap3A_40], %broadcast_in_dim3A_38 {strides = array<i32>} : memref<10128x64xf32, #tpu.memory_space<vmem>>, vector<128x64xf32>,
    return
  }
}

module attributes {stable_mosaic.version = 14 : i64} {
  func.func @_layer_lin_mm_body(%arg0: memref<10008x128xf32, #tpu.memory_space<vmem>>, %arg1: memref<10128x64xf32, #tpu.memory_space<vmem>>, %arg2: memref<10000x1xf32, #tpu.memory_space<vmem>>, %arg3: memref<1x64xf32, #tpu.memory_space<vmem>>, %arg4: memref<64x48xf32, #tpu.memory_space<vmem>>, %arg5: memref<10128x48xf32, #tpu.memory_space<vmem>>) attributes {dimension_semantics = [], scalar_prefetch = 0 : i64, scratch_operands = 0 : i64, tpu.core_type = #tpu.core_type<tc>} {
    %get3A = arith.constant 0 : index
    %get3A_0 = arith.constant 0 : index
    %get3A_1 = vector.load %arg2[%get3A, %get3A_0] : memref<10000x1xf32, #tpu.memory_space<vmem>>, vector<10000x1xf32>
    %get3A_2 = arith.constant 0 : index
    %get3A_3 = arith.constant 0 : index
    %get3A_4 = vector.load %arg0[%get3A_2, %get3A_3] : memref<10008x128xf32, #tpu.memory_space<vmem>>, vector<10000x64xf32>
    %get3A_5 = arith.constant 0 : index
    %get3A_6 = arith.constant 64 : index
    %get3A_7 = vector.load %arg0[%get3A_5, %get3A_6] : memref<10008x128xf32, #tpu.memory_space<vmem>>, vector<10000x64xf32>
    %add3A = arith.addf %get3A_4, %get3A_7 : vector<10000x64xf32>
    %get3A_8 = arith.constant 0 : index
    %get3A_9 = arith.constant 0 : index
    %get3A_10 = vector.load %arg1[%get3A_8, %get3A_9] : memref<10128x64xf32, #tpu.memory_space<vmem>>, vector<10000x64xf32>
    %mul3A = arith.constant 2.000000e+00 : f32
    %mul3A_11 = vector.broadcast %mul3A : f32 to vector<10000x64xf32>
    %mul3A_12 = arith.mulf %mul3A_11, %get3A_10 : vector<10000x64xf32>
    %add3A_13 = arith.addf %add3A, %mul3A_12 : vector<10000x64xf32>
    %mul3A_14 = vector.broadcast %get3A_1 : vector<10000x1xf32> to vector<10000x64xf32>
    %mul3A_15 = arith.mulf %mul3A_14, %add3A_13 : vector<10000x64xf32>
    %get3A_16 = arith.constant 0 : index
    %get3A_17 = arith.constant 0 : index
    %get3A_18 = vector.load %arg3[%get3A_16, %get3A_17] : memref<1x64xf32, #tpu.memory_space<vmem>>, vector<1x64xf32>
    %add3A_19 = vector.broadcast %get3A_18 : vector<1x64xf32> to vector<10000x64xf32>
    %add3A_20 = arith.addf %mul3A_15, %add3A_19 : vector<10000x64xf32>
    %get3A_21 = arith.constant 0 : index
    %get3A_22 = arith.constant 0 : index
    %get3A_23 = vector.load %arg2[%get3A_21, %get3A_22] : memref<10000x1xf32, #tpu.memory_space<vmem>>, vector<10000x1xf32>
    %get3A_24 = arith.constant 0 : index
    %get3A_25 = arith.constant 0 : index
    %get3A_26 = vector.load %arg4[%get3A_24, %get3A_25] : memref<64x48xf32, #tpu.memory_space<vmem>>, vector<64x48xf32>
    %dot_general3A = arith.constant dense<0.000000e+00> : vector<10000x48xf32>
    %dot_general3A_27 = tpu.matmul %add3A_20, %get3A_26, %dot_general3A {dimension_numbers = #tpu.dot_dimension_numbers<[1], [0], [0], [1], [0, 0, 1, 1], [], []>, transpose_lhs_hint = false} : vector<10000x64xf32>, vector<64x48xf32>, vector<10000x48xf32> -> vector<10000x48xf32>
    %mul3A_28 = vector.broadcast %get3A_23 : vector<10000x1xf32> to vector<10000x48xf32>
    %mul3A_29 = arith.mulf %mul3A_28, %dot_general3A_27 : vector<10000x48xf32>
    %swap3A = arith.constant 0 : index
    %swap3A_30 = arith.constant 0 : index
    %swap3A_31 = vector.load %arg5[%swap3A, %swap3A_30] : memref<10128x48xf32, #tpu.memory_space<vmem>>, vector<10000x48xf32>
    tpu.vector_store %arg5[%swap3A, %swap3A_30], %mul3A_29 {strides = array<i32>} : memref<10128x48xf32, #tpu.memory_space<vmem>>, vector<10000x48xf32>,
    %broadcast_in_dim3A = arith.constant 0.000000e+00 : f32
    %broadcast_in_dim3A_32 = vector.broadcast %broadcast_in_dim3A : f32 to vector<128x48xf32>
    %swap3A_33 = arith.constant 10000 : index
    %swap3A_34 = arith.constant 0 : index
    %swap3A_35 = vector.load %arg5[%swap3A_33, %swap3A_34] : memref<10128x48xf32, #tpu.memory_space<vmem>>, vector<128x48xf32>
    tpu.vector_store %arg5[%swap3A_33, %swap3A_34], %broadcast_in_dim3A_32 {strides = array<i32>} : memref<10128x48xf32, #tpu.memory_space<vmem>>, vector<128x48xf32>,
    return
  }
}

module attributes {stable_mosaic.version = 14 : i64} {
  func.func @_final_body(%arg0: memref<10008x128xf32, #tpu.memory_space<vmem>>, %arg1: memref<10128x48xf32, #tpu.memory_space<vmem>>, %arg2: memref<10000x1xf32, #tpu.memory_space<vmem>>, %arg3: memref<1x48xf32, #tpu.memory_space<vmem>>, %arg4: memref<10000x40xf32, #tpu.memory_space<vmem>>) attributes {dimension_semantics = [], scalar_prefetch = 0 : i64, scratch_operands = 0 : i64, tpu.core_type = #tpu.core_type<tc>} {
    %get3A = arith.constant 0 : index
    %get3A_0 = arith.constant 0 : index
    %get3A_1 = vector.load %arg2[%get3A, %get3A_0] : memref<10000x1xf32, #tpu.memory_space<vmem>>, vector<10000x1xf32>
    %get3A_2 = arith.constant 0 : index
    %get3A_3 = arith.constant 0 : index
    %get3A_4 = vector.load %arg0[%get3A_2, %get3A_3] : memref<10008x128xf32, #tpu.memory_space<vmem>>, vector<10000x48xf32>
    %get3A_5 = arith.constant 0 : index
    %get3A_6 = arith.constant 48 : index
    %get3A_7 = vector.load %arg0[%get3A_5, %get3A_6] : memref<10008x128xf32, #tpu.memory_space<vmem>>, vector<10000x48xf32>
    %add3A = arith.addf %get3A_4, %get3A_7 : vector<10000x48xf32>
    %get3A_8 = arith.constant 0 : index
    %get3A_9 = arith.constant 0 : index
    %get3A_10 = vector.load %arg1[%get3A_8, %get3A_9] : memref<10128x48xf32, #tpu.memory_space<vmem>>, vector<10000x48xf32>
    %mul3A = arith.constant 2.000000e+00 : f32
    %mul3A_11 = vector.broadcast %mul3A : f32 to vector<10000x48xf32>
    %mul3A_12 = arith.mulf %mul3A_11, %get3A_10 : vector<10000x48xf32>
    %add3A_13 = arith.addf %add3A, %mul3A_12 : vector<10000x48xf32>
    %mul3A_14 = vector.broadcast %get3A_1 : vector<10000x1xf32> to vector<10000x48xf32>
    %mul3A_15 = arith.mulf %mul3A_14, %add3A_13 : vector<10000x48xf32>
    %get3A_16 = arith.constant 0 : index
    %get3A_17 = arith.constant 0 : index
    %get3A_18 = vector.load %arg3[%get3A_16, %get3A_17] : memref<1x48xf32, #tpu.memory_space<vmem>>, vector<1x48xf32>
    %add3A_19 = vector.broadcast %get3A_18 : vector<1x48xf32> to vector<10000x48xf32>
    %add3A_20 = arith.addf %mul3A_15, %add3A_19 : vector<10000x48xf32>
    %slice3A = vector.extract_strided_slice %add3A_20 {offsets = [0, 0], sizes = [10000, 40], strides = [1, 1]} : vector<10000x48xf32> to vector<10000x40xf32>
    %swap3A = arith.constant 0 : index
    %swap3A_21 = arith.constant 0 : index
    %swap3A_22 = vector.load %arg4[%swap3A, %swap3A_21] : memref<10000x40xf32, #tpu.memory_space<vmem>>, vector<10000x40xf32>
    tpu.vector_store %arg4[%swap3A, %swap3A_21], %slice3A {strides = array<i32>} : memref<10000x40xf32, #tpu.memory_space<vmem>>, vector<10000x40xf32>,
    return
  }
}

</mosaic_0001>

<sc_bundles>
// kernel: kernel.12.cloned.1.call-start
scs
__scs_entry_jumppad:
0x0: {  	(pc) =	sbr.rel $0x88, $3  }
0x1: {  	(tag) =	ssettag $0x0;
	lr =	simm.s32 $0x1  }
0x2: {  	[smem:$0x3F97] =	sst lr;
	_ =	strace $0xD0000000  }
0x3: {  	_ = 	snop  }
0x4: {  	_ = 	snop  }
0x5: {  	_ = 	snop  }
0x6: {  	_ = 	snop  }
0x7: {  	_ = 	snop  }
__scs_overlays_trampoline_lowered:
0x8: {  	[smem:$0x3FA6] =	sst s0  }
0x9: {  	[smem:$0x3FA7] =	sst s1  }
0xa: {  	[smem:$0x3FA8] =	sst s2  }
0xb: {  	[smem:$0x3FA9] =	sst s3  }
0xc: {  	[smem:$0x3FAA] =	sst s4  }
0xd: {  	[smem:$0x3FAB] =	sst s5  }
0xe: {  	[smem:$0x3FAC] =	sst s6  }
0xf: {  	[smem:$0x3FAD] =	sst s7  }
0x10: {  	[smem:$0x3FAE] =	sst s8  }
0x11: {  	[smem:$0x3FAF] =	sst s9;
	s0 =	simm.s32 @!p0 $0x0  }
0x12: {  	s1 =	sld [smem:$0x3F95];
	s0 =	simm.s32 @p0 $0x1  }
0x13: {  	[smem:$0x3FB0] =	sst s0;
	s0 =	simm.s32 @!p1 $0x0  }
0x14: {  	s2 =	sld [smem:$0x3F94];
	s0 =	simm.s32 @p1 $0x1  }
0x15: {  	[smem:$0x3FB1] =	sst s0;
	s0 =	simm.s32 @!p2 $0x0  }
0x16: {  	s3 =	sld [smem:$0x3FDB];
	s0 =	simm.s32 @p2 $0x1  }
0x17: {  	s4 =	simm.s32 $0x1BF5;
	[smem:$0x3FB3] =	sst s0  }
0x18: {  	s0 =	sld [smem:$0x3F96];
	_ =	swait.ge [sflag:s4], $0x0  }
0x19: {  	s7 =	sld [smem:$0x3F97]  }
0x1a: {  	s8 =	sadd.s32 $0xFFFFE003, lr  }
0x1b: {  	s9 =	sadd.s32 $0xFFFFFEF7, lr;
	s5 =	simm.s32 $0xFFFFFFFF;
	p2 =	slt.u32 s8, $0xFFFFF086  }
0x1c: {  	p1 =	slt.u32 s9, $0xF7A;
	s5 =	simm.s32 @!p2 $0x0  }
0x1d: {  	s5 =	simm.s32 @p1 $0x1;
	p0 =	seq.s32 s7, s2  }
0x1e: {  	s7 =	smul.u32 @!p0 $0xF7A, s2;
	p2 =	seq.s32 @!p0 s5, $0x0  }
0x1f: {  	s9 =	smul.u32 $0xF7A, s1;
	s8 =	simm.s32 @!p0 $0x1BF5;
	p2 =	por !p2, p0  }
0x20: {  	[sflag:s8] =	ssyncset.s32 @!p0 $0xFFFFF086;
	s6 =	sadd.s32 @!p0 s3, s7;
	s7 =	simm.s32 @!p0 $0x108  }
0x21: {  	s3 =	sadd.s32 s3, s9;
	s6 =	sadd.s32 @!p0 $0x88, s6;
	s7 =	simm.s32 @p2 $0x1082  }
0x22: {  	[simem:s7], [sflag:s8] =	dma.local @!p0 [hbm:s6], $0xF7A  }
0x23: {  	s9 =	sor.u32 $0xD0000000, s2;
	s6 =	simm.s32 $0x108;
	_ =	swait.ge @!p0 [sflag:s8], $0x0  }
0x24: {  	s3 =	sadd.s32 $0x88, s3;
	s6 =	simm.s32 @!p1 $0x1082;
	[sflag:s4] =	ssyncset.s32 $0xFFFFF086  }
0x25: {  	[simem:s6], [sflag:s4] =	dma.local [hbm:s3], $0xF7A  }
0x26: {  	[smem:$0x3F97] =	sst s1;
	(tag) =	ssettag s2;
	_ =	strace s9  }
0x27: {  	s1 =	sld [smem:$0x3FA7]  }
0x28: {  	s2 =	sld [smem:$0x3FA8]  }
0x29: {  	s4 =	sld [smem:$0x3FAA]  }
0x2a: {  	p0 =	seq.s32 s5, $0x0;
	s5 =	sld [smem:$0x3FAB]  }
0x2b: {  	s6 =	sld [smem:$0x3FAC]  }
0x2c: {  	s7 =	sld [smem:$0x3FAD]  }
0x2d: {  	s3 =	simm.s32 $0x108;
	s8 =	sld [smem:$0x3FAE]  }
0x2e: {  	s3 =	simm.s32 @!p0 $0x1082;
	s9 =	sld [smem:$0x3FAF]  }
0x2f: {  	lr =	sadd.s32 s0, s3;
	s0 =	sld [smem:$0x3FA6]  }
0x30: {  	s3 =	sld [smem:$0x3FA9]  }
0x31: {  	[smem:$0x3FB2] =	sst s10  }
0x32: {  	s10 =	sld [smem:$0x3FB0];
	_ =	sdelay $0x3  }
0x33: {  	p0 =	seq.s32 s10, $0x1;
	s10 =	sld [smem:$0x3FB2];
	_ =	sdelay $0x3  }
0x34: {  	[smem:$0x3FB2] =	sst s10  }
0x35: {  	s10 =	sld [smem:$0x3FB1];
	_ =	sdelay $0x3  }
0x36: {  	p1 =	seq.s32 s10, $0x1;
	s10 =	sld [smem:$0x3FB2];
	_ =	sdelay $0x3  }
0x37: {  	[smem:$0x3FB2] =	sst s10  }
0x38: {  	s10 =	sld [smem:$0x3FB3]  }
0x39: {  	_ = 	snop;
	(pc) =	sbr.ind lr, $3  }
0x3a: {  	_ = 	snop  }
0x3b: {  	_ = 	snop  }
0x3c: {  	p2 =	seq.s32 s10, $0x1;
	s10 =	sld [smem:$0x3FB2]  }
0x3d: {  	_ =	shalt  }
0x3e: {  	_ =	shalt  }
0x3f: {  	_ =	shalt  }
0x40: {  	_ =	shalt  }
0x41: {  	_ =	shalt  }
0x42: {  	_ =	shalt  }
0x43: {  	_ =	shalt  }
0x44: {  	_ =	shalt  }
0x45: {  	_ =	shalt  }
0x46: {  	_ =	shalt  }
0x47: {  	_ =	shalt  }
0x48: {  	_ =	shalt  }
0x49: {  	_ =	shalt  }
0x4a: {  	_ =	shalt  }
0x4b: {  	_ =	shalt  }
0x4c: {  	_ =	shalt  }
0x4d: {  	_ =	shalt  }
0x4e: {  	_ =	shalt  }
0x4f: {  	_ =	shalt  }
0x50: {  	_ =	shalt  }
0x51: {  	_ =	shalt  }
0x52: {  	_ =	shalt  }
0x53: {  	_ =	shalt  }
0x54: {  	_ =	shalt  }
0x55: {  	_ =	shalt  }
0x56: {  	_ =	shalt  }
0x57: {  	_ =	shalt  }
0x58: {  	_ =	shalt  }
0x59: {  	_ =	shalt  }
0x5a: {  	_ =	shalt  }
0x5b: {  	_ =	shalt  }
0x5c: {  	_ =	shalt  }
0x5d: {  	_ =	shalt  }
0x5e: {  	_ =	shalt  }
0x5f: {  	_ =	shalt  }
0x60: {  	_ =	shalt  }
0x61: {  	_ =	shalt  }
0x62: {  	_ =	shalt  }
0x63: {  	_ =	shalt  }
0x64: {  	_ =	shalt  }
0x65: {  	_ =	shalt  }
0x66: {  	_ =	shalt  }
0x67: {  	_ =	shalt  }
0x68: {  	_ =	shalt  }
0x69: {  	_ =	shalt  }
0x6a: {  	_ =	shalt  }
0x6b: {  	_ =	shalt  }
0x6c: {  	_ =	shalt  }
0x6d: {  	_ =	shalt  }
0x6e: {  	_ =	shalt  }
0x6f: {  	_ =	shalt  }
0x70: {  	_ =	shalt  }
0x71: {  	_ =	shalt  }
0x72: {  	_ =	shalt  }
0x73: {  	_ =	shalt  }
0x74: {  	_ =	shalt  }
0x75: {  	_ =	shalt  }
0x76: {  	_ =	shalt  }
0x77: {  	_ =	shalt  }
0x78: {  	_ =	shalt  }
0x79: {  	_ =	shalt  }
0x7a: {  	_ =	shalt  }
0x7b: {  	_ =	shalt  }
0x7c: {  	_ =	shalt  }
0x7d: {  	_ =	shalt  }
0x7e: {  	_ =	shalt  }
0x7f: {  	_ =	shalt  }
0x80: {  	_ =	shalt  }
0x81: {  	_ =	shalt  }
0x82: {  	_ =	shalt  }
0x83: {  	_ =	shalt  }
0x84: {  	_ =	shalt  }
0x85: {  	_ =	shalt  }
0x86: {  	_ =	shalt  }
0x87: {  	_ =	shalt  }
.Lfunc_end0:
.L_simem_size_0:
called_computation_lowered:
.L_overlay_start_0:
0x88: {  	s2 =	sld [smem:$0x3FD9]  }
0x89: {  	s3 =	sld [smem:$0x3FFE];
	_ =	sdelay $0x1  }
0x8a: {  	s1 =	srdreg.scid  }
0x8b: {  	s0 =	sand.u32 $0x1, s1  }
0x8c: {  	s17 =	sshll.u32 s0, $0xA;
	s2 =	sadd.s32 s3, s2  }
0x8d: {  	s2 =	sadd.s32 s2, s17  }
0x8e: {  	[smem:$0x3FBE] =	sst s2  }
0x8f: {  	_ = 	snop  }
0x90: {  	s2 =	sld [smem:$0x3FD0];
	(tm) =	ssettm $0x1  }
0x91: {  	s18 =	sld [smem:$0x3FFB];
	_ =	sdelay $0x3  }
0x92: {  	_ =	strace s18  }
0x93: {  	s3 =	sld [smem:$0x3FFC];
	_ =	sdelay $0x3  }
0x94: {  	_ =	strace s3  }
0x95: {  	s3 =	sld [smem:$0x3FFD];
	_ =	sdelay $0x3  }
0x96: {  	_ =	strace s3  }
0x97: {  	_ =	strace $0x8FFFFFFF  }
0x98: {  	s19 =	sld [smem:$0x3FDB];
	_ =	sdelay $0x1  }
0x99: {  	s4 =	simm.s32 $_scs_section_size  }
0x9a: {  	s5 =	simm.s32 $_size__tile_overlayer_lowered;
	s6 =	simm.s32 $_tile_overlayer_lowered  }
0x9b: {  	s22 =	simm.s32 $0x1BFF;
	s21 =	sshll.u32 s6, $0x1;
	s3 =	sadd.s32 s4, s19  }
0x9c: {  	s7 =	simm.s32 $0x0;
	s20 =	sshll.u32 s5, $0x1;
	s5 =	sadd.s32 s21, s3  }
0x9d: {  	[timem:s7], [sflag:s22] =	dma.local [hbm:s5], s20  }
0x9e: {  	_ =	swait.ge [sflag:s22], s20  }
0x9f: {  	s4 =	ssub.s32 $0x0, s20;
	[sflag:s22] =	ssyncset.done $0x0  }
0xa0: {  	[sflag:s22] =	ssyncadd.s32 s4;
	_ =	sdelay $0x1  }
0xa1: {  	s23 =	simm.s32 $0x1B8B  }
0xa2: {  	_ =	swait.ge [sflag:s23], $0x1  }
0xa3: {  	[sflag:s23] =	ssyncset.done $0x0  }
0xa4: {  	s25 =	simm.s32 $0x1B8E;
	s24 =	sld [smem:$0x3FFE];
	[sflag:s23] =	ssyncadd.s32 $0xFFFFFFFF  }
0xa5: {  	s26 =	simm.s32 $execute0_lowered;
	[smem:$0x3FD2] =	sst s25  }
0xa6: {  	s5 =	sshll.u32 s26, $0x1;
	_ =	strace $0x80000046;
	[dreg:$0x1] =	wrdreg $0xFFFFFFFF  }
0xa7: {  	s28 =	simm.s32 $_size_execute0_lowered;
	s3 =	sadd.s32 s3, s5;
	[dreg:$0x0] =	wrdreg $0x0  }
0xa8: {  	s5 =	sshll.u32 s28, $0x1;
	[dreg:$0x2] =	wrdreg s3  }
0xa9: {  	[dreg:$0x3] =	wrdreg s5  }
0xaa: {  	[dreg:$0x4] =	wrdreg $0xC0  }
0xab: {  	_ =	task [dreg:s7], $0x5FFFF  }
0xac: {  	[dreg:$0x1] =	wrdreg $0xFFFFFFFF  }
0xad: {  	[dreg:$0x0] =	wrdreg $0x60  }
0xae: {  	[dreg:$0x2] =	wrdreg s24  }
0xaf: {  	[dreg:$0x3] =	wrdreg s2  }
0xb0: {  	[dreg:$0x4] =	wrdreg $0x2C100  }
0xb1: {  	[dreg:$0x5] =	wrdreg $0x9  }
0xb2: {  	_ =	task.clear_ibuf [dreg:s7], $0x6FFFF;
	_ =	strace $0x90000046  }
0xb3: {  	s29 =	simm.s32 $0x9;
	_ =	strace $0x80000048  }
0xb4: {  	_ =	swait.ge [sflag:s29], $0x1  }
0xb5: {  	[sflag:s29] =	ssyncadd.s32 $0xFFFFFFFF  }
0xb6: {  	_ =	strace $0x90000048  }
0xb7: {  	_ =	sfence  }
0xb8: {  	s30 =	sld [smem:$0x0];
	_ =	sdelay $0x2  }
0xb9: {  	s31 =	sshll.u32 s1, $0xD;
	s1 =	sshrl.u32 s1, $0x2  }
0xba: {  	s3 =	sand.u32 $0x4000, s31;
	s1 =	sadd.s32 s1, s30  }
0xbb: {  	s0 =	sor.u32 s3, s0;
	s1 =	sshll.u32 s1, $0x11  }
0xbc: {  	s0 =	sor.u32 s1, s0  }
0xbd: {  	s0 =	sadd.s32 $0x8F2B, s0  }
0xbe: {  	[sflag:s0] =	ssyncadd.remote.s32 $0x1  }
0xbf: {  	_ =	sfence.sel $0xFFFF  }
0xc0: {  	[dreg:$0x0] =	wrdreg $0xFFFFFFFF;
	(pc) =	sbr.abs _section_cstart, $3  }
0xc1: {  	[dreg:$0x1] =	wrdreg $0xFFFFFFFF  }
0xc2: {  	_ =	task.clear_ibuf [dreg:s7], $0x2FFFF;
	_ =	strace $0x9FFFFFFF  }
0xc3: {  	(tm) =	ssettm $0x7FFFFFFF  }
tec
execute0_lowered:
.L_overlay_start_1:
0x0: {  	(tag) =	ssettag $0x1  }
0x1: {  	s4 =	rddreg [dreg:$0x0]  }
0x2: {  	s0 =	srdreg.scid;
	s6 =	rddreg [dreg:$0x1]  }
0x3: {  	s1 =	rddreg [dreg:$0x2];
	s10 =	stileid.u32;
	s2 =	simm.s32 $0x0  }
0x4: {  	s16 =	simm.s32 $0x1;
	s17 =	simm.s32 $0x10;
	s18 =	simm.s32 $0x0  }
0x5: {  	s7 =	sand.u32 $0x1, s0;
	s0 =	rddreg [dreg:$0x3];
	s12 =	smul.u32 $0x2700, s10  }
0x6: {  	[smem:$0x7FF] =	sst s2;
	s13 =	sadd.s32 $0x18800, s4;
	s28 =	smul.u32 $0x13800, s10  }
0x7: {  	s15 =	sadd.s32 $0x27000, s1;
	p0 =	sne.s32 s10, $0x0;
	s31 =	sshll.u32 s10, $0x6  }
0x8: {  	s8 =	sshll.u32 s7, $0x4;
	_ =	strace $0x80000047;
	s9 =	ssub.s32 $0x2, s7  }
0x9: {  	s7 =	sshll.u32 s7, $0x1;
	s3 =	sor.u32 s10, s8;
	s11 =	sshrl.u32 s9, $0x1  }
0xa: {  	s14 =	sadd.s32 s12, s1;
	s29 =	sshrl.u32 s12, $0x3;
	s8 =	sor.u32 s8, s28  }
0xb: {  	s30 =	sadd.s32 s7, s13;
	s10 =	simm.s32 $0x2;
	s12 =	sor.u32 $0x1C02, s31  }
0xc: {  	s5 =	smul.u32 $0x4E2, s3;
	s3 =	sadd.s32 $0x18600, s4;
	s8 =	sshrl.u32 s8, $0x3  }
0xd: {  	s9 =	ssub.s32 s9, s11;
	s11 =	simm.s32 $0x2710;
	s7 =	sadd.s32 s13, s8  }
0xe: {  	s8 =	sadd.s32 $0x27000, s30;
	s9 =	smax.u32 s9, $0x1;
	s13 =	sshrl.u32 s14, $0x3  }
0xf: {  	s14 =	sshrl.u32 @!p0 s15, $0x3;
	s15 =	simm.s32 $0x50;
	s5 =	sadd.s32 s5, s4  }
0x10: {  	s4 =	sadd.s32 $0xE800, s5;
	s5 =	sadd.s32 s6, s29;
	s6 =	sadd.s32 $0x4E00, s6  }
.LBB2_1:
0x11: {  	[tilespmem:s2], [sflag:$0x2] =	stream.linear.gather [hbm4b:s4+s2], $0x2710, $0x38;
	[tilespmem:$0x5328] =	vst v63  }
0x12: {  	_ =	swait.ge [sflag:s10], $0x2710  }
0x13: {  	[sflag:s10] =	ssyncset.done $0x0  }
0x14: {  	[sflag:s10] =	ssyncadd.s32 $0xFFFFD8F0  }
0x15: {  	[tilespmem:s11], [sflag:$0x2] =	stream.linear.gather [hbm4b:s3+s2], $0x500, $0x38;
	[tilespmem:$0x5328] =	vst v63  }
0x16: {  	_ =	swait.ge [sflag:s10], $0x500  }
0x17: {  	[sflag:s10] =	ssyncset.done $0x0  }
0x18: {  	[sflag:s10] =	ssyncadd.s32 $0xFFFFFB00  }
0x19: {  	[spmem:s13], [sflag:s12] =	dma.local [hbm:s5], $0x4E0  }
0x1a: {  	_ =	swait.ge [sflag:s10], $0x4E0  }
0x1b: {  	[sflag:s10] =	ssyncset.done $0x0  }
0x1c: {  	s19 =	simm.s32 @!p0 $0x2;
	[sflag:s10] =	ssyncadd.s32 $0xFFFFFB20  }
0x1d: {  	[spmem:s14], [sflag:s12] =	dma.local @!p0 [hbm:s6], $0x30  }
0x1e: {  	_ =	swait.ge @!p0 [sflag:s19], $0x30  }
0x1f: {  	[sflag:s19] =	ssyncset.done @!p0 $0x0  }
0x20: {  	[sflag:s19] =	ssyncadd.s32 @!p0 $0xFFFFFFD0  }
0x21: {  	s26 =	simm.s32 $0x0;
	[bflag:$0x0] =	sbarrier.arrive $0xFFFF  }
0x22: {  	[spmem:s1] =	stream.indirect.scatter.add.f32 [tilespmem:s11], [sflag:$0x1], $0x10, s26, s15, $0xb8;
	[tilespmem:$0x5328] =	vst v63  }
0x23: {  	s28 =	simm.s32 $0x50  }
0x24: {  	[spmem:s1] =	stream.indirect.scatter.add.f32 [tilespmem:s11], [sflag:$0x1], $0x10, s28, s15, $0xb8;
	[tilespmem:$0x5328] =	vst v63  }
0x25: {  	s29 =	simm.s32 $0xA0  }
0x26: {  	[spmem:s1] =	stream.indirect.scatter.add.f32 [tilespmem:s11], [sflag:$0x1], $0x10, s29, s15, $0xb8;
	[tilespmem:$0x5328] =	vst v63  }
0x27: {  	s30 =	simm.s32 $0xF0  }
0x28: {  	[spmem:s1] =	stream.indirect.scatter.add.f32 [tilespmem:s11], [sflag:$0x1], $0x10, s30, s15, $0xb8;
	[tilespmem:$0x5328] =	vst v63  }
0x29: {  	s31 =	simm.s32 $0x140  }
0x2a: {  	[spmem:s1] =	stream.indirect.scatter.add.f32 [tilespmem:s11], [sflag:$0x1], $0x10, s31, s15, $0xb8;
	[tilespmem:$0x5328] =	vst v63  }
0x2b: {  	_ =	swait.ge [sflag:s16], $0x500  }
0x2c: {  	[sflag:s16] =	ssyncset.done $0x0  }
0x2d: {  	[sflag:s16] =	ssyncadd.s32 $0xFFFFFB00  }
0x2e: {  	_ =	swait.ge [sflag:s16], $0x500  }
0x2f: {  	[sflag:s16] =	ssyncset.done $0x0  }
0x30: {  	[sflag:s16] =	ssyncadd.s32 $0xFFFFFB00  }
0x31: {  	_ =	swait.ge [sflag:s16], $0x500  }
0x32: {  	[sflag:s16] =	ssyncset.done $0x0  }
0x33: {  	[sflag:s16] =	ssyncadd.s32 $0xFFFFFB00  }
0x34: {  	_ =	swait.ge [sflag:s16], $0x500  }
0x35: {  	[sflag:s16] =	ssyncset.done $0x0  }
0x36: {  	[sflag:s16] =	ssyncadd.s32 $0xFFFFFB00  }
0x37: {  	_ =	swait.ge [sflag:s16], $0x500  }
0x38: {  	s20 =	simm.s32 $0xC80;
	s19 =	simm.s32 $0x640;
	[sflag:s16] =	ssyncset.done $0x0  }
.LBB2_2:
0x39: {  	s21 =	sshra.s32 s19, $0x2  }
0x3a: {  	[sflag:s16] =	ssyncadd.s32 $0xFFFFFB00;
	s19 =	smov.u32 s20;
	s22 =	sadd.s32 $0x640, s20  }
0x3b: {  	[spmem:s1] =	stream.indirect.scatter.add.f32 [tilespmem:s11], [sflag:$0x1], $0x10, s21, s15, $0xb8;
	[tilespmem:$0x5328] =	vst v63  }
0x3c: {  	p1 =	sne.s32 s20, $0x9600;
	s20 =	sadd.s32 $0x50, s21  }
0x3d: {  	[spmem:s1] =	stream.indirect.scatter.add.f32 [tilespmem:s11], [sflag:$0x1], $0x10, s20, s15, $0xb8;
	[tilespmem:$0x5328] =	vst v63  }
0x3e: {  	s20 =	sadd.s32 $0xA0, s21  }
0x3f: {  	[spmem:s1] =	stream.indirect.scatter.add.f32 [tilespmem:s11], [sflag:$0x1], $0x10, s20, s15, $0xb8;
	[tilespmem:$0x5328] =	vst v63  }
0x40: {  	s20 =	sadd.s32 $0xF0, s21  }
0x41: {  	[spmem:s1] =	stream.indirect.scatter.add.f32 [tilespmem:s11], [sflag:$0x1], $0x10, s20, s15, $0xb8;
	[tilespmem:$0x5328] =	vst v63  }
0x42: {  	s20 =	sadd.s32 $0x140, s21  }
0x43: {  	[spmem:s1] =	stream.indirect.scatter.add.f32 [tilespmem:s11], [sflag:$0x1], $0x10, s20, s15, $0xb8;
	[tilespmem:$0x5328] =	vst v63  }
0x44: {  	_ =	swait.ge [sflag:s16], $0x500  }
0x45: {  	[sflag:s16] =	ssyncset.done $0x0  }
0x46: {  	[sflag:s16] =	ssyncadd.s32 $0xFFFFFB00  }
0x47: {  	_ =	swait.ge [sflag:s16], $0x500  }
0x48: {  	[sflag:s16] =	ssyncset.done $0x0  }
0x49: {  	[sflag:s16] =	ssyncadd.s32 $0xFFFFFB00  }
0x4a: {  	_ =	swait.ge [sflag:s16], $0x500  }
0x4b: {  	[sflag:s16] =	ssyncset.done $0x0  }
0x4c: {  	[sflag:s16] =	ssyncadd.s32 $0xFFFFFB00  }
.Ltmp0:
0x4d: {  	_ =	swait.ge [sflag:s16], $0x500;
	(pc) =	sbr.rel @p1 .LBB2_2-.Ltmp0, $4  }
0x4e: {  	[sflag:s16] =	ssyncset.done $0x0  }
0x4f: {  	[sflag:s16] =	ssyncadd.s32 $0xFFFFFB00  }
0x50: {  	_ =	swait.ge [sflag:s16], $0x500  }
0x51: {  	s20 =	smov.u32 s22;
	[sflag:s16] =	ssyncset.done $0x0  }
0x52: {  	s19 =	sshra.s32 s19, $0x2;
	[sflag:s16] =	ssyncadd.s32 $0xFFFFFB00  }
0x53: {  	[spmem:s1] =	stream.indirect.scatter.add.f32 [tilespmem:s11], [sflag:$0x1], $0x10, s19, s15, $0xb8;
	[tilespmem:$0x5328] =	vst v63  }
0x54: {  	s20 =	sadd.s32 $0x50, s19  }
0x55: {  	[spmem:s1] =	stream.indirect.scatter.add.f32 [tilespmem:s11], [sflag:$0x1], $0x10, s20, s15, $0xb8;
	[tilespmem:$0x5328] =	vst v63  }
0x56: {  	s30 =	sadd.s32 $0xA0, s19  }
0x57: {  	[spmem:s1] =	stream.indirect.scatter.add.f32 [tilespmem:s11], [sflag:$0x1], $0x10, s30, s15, $0xb8;
	[tilespmem:$0x5328] =	vst v63  }
0x58: {  	s31 =	sadd.s32 $0xF0, s19  }
0x59: {  	[spmem:s1] =	stream.indirect.scatter.add.f32 [tilespmem:s11], [sflag:$0x1], $0x10, s31, s15, $0xb8;
	[tilespmem:$0x5328] =	vst v63  }
0x5a: {  	s19 =	sadd.s32 $0x140, s19  }
0x5b: {  	[spmem:s1] =	stream.indirect.scatter.add.f32 [tilespmem:s11], [sflag:$0x1], $0x10, s19, s15, $0xb8;
	[tilespmem:$0x5328] =	vst v63  }
0x5c: {  	_ =	swait.ge [sflag:s16], $0x500  }
0x5d: {  	[sflag:s16] =	ssyncset.done $0x0  }
0x5e: {  	[sflag:s16] =	ssyncadd.s32 $0xFFFFFB00  }
0x5f: {  	_ =	swait.ge [sflag:s16], $0x500  }
0x60: {  	[sflag:s16] =	ssyncset.done $0x0  }
0x61: {  	[sflag:s16] =	ssyncadd.s32 $0xFFFFFB00  }
0x62: {  	_ =	swait.ge [sflag:s16], $0x500  }
0x63: {  	[sflag:s16] =	ssyncset.done $0x0  }
0x64: {  	[sflag:s16] =	ssyncadd.s32 $0xFFFFFB00  }
0x65: {  	_ =	swait.ge [sflag:s16], $0x500  }
0x66: {  	[sflag:s16] =	ssyncset.done $0x0  }
0x67: {  	[sflag:s16] =	ssyncadd.s32 $0xFFFFFB00  }
0x68: {  	_ =	swait.ge [sflag:s16], $0x500  }
0x69: {  	[sflag:s16] =	ssyncset.done $0x0  }
0x6a: {  	[sflag:s16] =	ssyncadd.s32 $0xFFFFFB00  }
0x6b: {  	[bflag:$0x0] =	sbarrier.arrive $0xFFFF  }
0x6c: {  	[hbm:s7@s17], [sflag:s12] =	dma.strided [spmem:s13@s10], $0x4E0, s16, $0x2   }
0x6d: {  	s21 =	simm.s32 @!p0 $0x2;
	s18 =	sadd.s32 $0x1, s18;
	_ =	swait.ge [sflag:s10], $0x4E0  }
0x6e: {  	p1 =	sne.s32 s18, s9;
	s20 =	simm.s32 @!p0 $0x10;
	[sflag:s10] =	ssyncset.done $0x0  }
.Ltmp1:
0x6f: {  	s19 =	simm.s32 @!p0 $0x1;
	[sflag:s10] =	ssyncadd.s32 $0xFFFFFB20;
	(pc) =	sbr.rel @p1 .LBB2_1-.Ltmp1, $4  }
0x70: {  	[hbm:s8@s20], [sflag:s12] =	dma.strided @!p0 [spmem:s14@s21], $0x30, s19, $0x2   }
0x71: {  	_ =	swait.ge @!p0 [sflag:s21], $0x30  }
0x72: {  	[sflag:s21] =	ssyncset.done @!p0 $0x0  }
0x73: {  	[sflag:s21] =	ssyncadd.s32 @!p0 $0xFFFFFFD0  }
0x74: {  	_ =	sfence.sel $0x180000  }
0x75: {  	[bflag:$0x0] =	sbarrier.arrive $0xFFFF  }
0x76: {  	_ =	strace $0x90000047  }
0x77: {  	s0 =	sadd.s32 @!p0 $0x100000, s0;
	[bflag:$0x2] =	sbarrier.arrive $0xFFFF  }
0x78: {  	[sflag:s0] =	ssyncadd.tile.s32 @!p0 $0x1;
	_ =	shalt  }
.Lfunc_end2:
_tile_overlayer_lowered:
.L_overlay_start_2:
0x79: {  	(tag) =	ssettag $0x2  }
0x7a: {  	s0 =	rddreg [dreg:$0x0];
	s2 =	stileid.u32  }
0x7b: {  	s1 =	rddreg [dreg:$0x1];
	p0 =	sne.s32 s2, $0x0  }
0x7c: {  	s3 =	rddreg [dreg:$0x2];
	[bflag:$0x3] =	sbarrier.arrive $0xFFFF;
	s2 =	simm.s32 @!p0 $0x1C02  }
0x7d: {  	[timem:s3], [sflag:s2] =	dma.local @!p0 [hbm:s0], s1  }
0x7e: {  	s0 =	simm.s32 @!p0 $0x2  }
0x7f: {  	_ =	swait.ge @!p0 [sflag:s0], s1  }
0x80: {  	s1 =	ssub.s32 @!p0 $0x0, s1;
	[sflag:s0] =	ssyncset.done @!p0 $0x0  }
0x81: {  	[sflag:s0] =	ssyncadd.s32 @!p0 s1  }
0x82: {  	[bflag:$0x3] =	sbarrier.arrive $0xFFFF  }
0x83: {  	_ =	shalt  }

// kernel: kernel.15.cloned.1.call-start
scs
__scs_entry_jumppad:
0x0: {  	(pc) =	sbr.rel $0x88, $3  }
0x1: {  	(tag) =	ssettag $0x0;
	lr =	simm.s32 $0x1  }
0x2: {  	[smem:$0x3F97] =	sst lr;
	_ =	strace $0xD0000000  }
0x3: {  	_ = 	snop  }
0x4: {  	_ = 	snop  }
0x5: {  	_ = 	snop  }
0x6: {  	_ = 	snop  }
0x7: {  	_ = 	snop  }
__scs_overlays_trampoline_lowered:
0x8: {  	[smem:$0x3FA6] =	sst s0  }
0x9: {  	[smem:$0x3FA7] =	sst s1  }
0xa: {  	[smem:$0x3FA8] =	sst s2  }
0xb: {  	[smem:$0x3FA9] =	sst s3  }
0xc: {  	[smem:$0x3FAA] =	sst s4  }
0xd: {  	[smem:$0x3FAB] =	sst s5  }
0xe: {  	[smem:$0x3FAC] =	sst s6  }
0xf: {  	[smem:$0x3FAD] =	sst s7  }
0x10: {  	[smem:$0x3FAE] =	sst s8  }
0x11: {  	[smem:$0x3FAF] =	sst s9;
	s0 =	simm.s32 @!p0 $0x0  }
0x12: {  	s1 =	sld [smem:$0x3F95];
	s0 =	simm.s32 @p0 $0x1  }
0x13: {  	[smem:$0x3FB0] =	sst s0;
	s0 =	simm.s32 @!p1 $0x0  }
0x14: {  	s2 =	sld [smem:$0x3F94];
	s0 =	simm.s32 @p1 $0x1  }
0x15: {  	[smem:$0x3FB1] =	sst s0;
	s0 =	simm.s32 @!p2 $0x0  }
0x16: {  	s3 =	sld [smem:$0x3FDB];
	s0 =	simm.s32 @p2 $0x1  }
0x17: {  	s4 =	simm.s32 $0x1BF5;
	[smem:$0x3FB3] =	sst s0  }
0x18: {  	s0 =	sld [smem:$0x3F96];
	_ =	swait.ge [sflag:s4], $0x0  }
0x19: {  	s7 =	sld [smem:$0x3F97]  }
0x1a: {  	s8 =	sadd.s32 $0xFFFFE003, lr  }
0x1b: {  	s9 =	sadd.s32 $0xFFFFFEF7, lr;
	s5 =	simm.s32 $0xFFFFFFFF;
	p2 =	slt.u32 s8, $0xFFFFF086  }
0x1c: {  	p1 =	slt.u32 s9, $0xF7A;
	s5 =	simm.s32 @!p2 $0x0  }
0x1d: {  	s5 =	simm.s32 @p1 $0x1;
	p0 =	seq.s32 s7, s2  }
0x1e: {  	s7 =	smul.u32 @!p0 $0xF7A, s2;
	p2 =	seq.s32 @!p0 s5, $0x0  }
0x1f: {  	s9 =	smul.u32 $0xF7A, s1;
	s8 =	simm.s32 @!p0 $0x1BF5;
	p2 =	por !p2, p0  }
0x20: {  	[sflag:s8] =	ssyncset.s32 @!p0 $0xFFFFF086;
	s6 =	sadd.s32 @!p0 s3, s7;
	s7 =	simm.s32 @!p0 $0x108  }
0x21: {  	s3 =	sadd.s32 s3, s9;
	s6 =	sadd.s32 @!p0 $0x88, s6;
	s7 =	simm.s32 @p2 $0x1082  }
0x22: {  	[simem:s7], [sflag:s8] =	dma.local @!p0 [hbm:s6], $0xF7A  }
0x23: {  	s9 =	sor.u32 $0xD0000000, s2;
	s6 =	simm.s32 $0x108;
	_ =	swait.ge @!p0 [sflag:s8], $0x0  }
0x24: {  	s3 =	sadd.s32 $0x88, s3;
	s6 =	simm.s32 @!p1 $0x1082;
	[sflag:s4] =	ssyncset.s32 $0xFFFFF086  }
0x25: {  	[simem:s6], [sflag:s4] =	dma.local [hbm:s3], $0xF7A  }
0x26: {  	[smem:$0x3F97] =	sst s1;
	(tag) =	ssettag s2;
	_ =	strace s9  }
0x27: {  	s1 =	sld [smem:$0x3FA7]  }
0x28: {  	s2 =	sld [smem:$0x3FA8]  }
0x29: {  	s4 =	sld [smem:$0x3FAA]  }
0x2a: {  	p0 =	seq.s32 s5, $0x0;
	s5 =	sld [smem:$0x3FAB]  }
0x2b: {  	s6 =	sld [smem:$0x3FAC]  }
0x2c: {  	s7 =	sld [smem:$0x3FAD]  }
0x2d: {  	s3 =	simm.s32 $0x108;
	s8 =	sld [smem:$0x3FAE]  }
0x2e: {  	s3 =	simm.s32 @!p0 $0x1082;
	s9 =	sld [smem:$0x3FAF]  }
0x2f: {  	lr =	sadd.s32 s0, s3;
	s0 =	sld [smem:$0x3FA6]  }
0x30: {  	s3 =	sld [smem:$0x3FA9]  }
0x31: {  	[smem:$0x3FB2] =	sst s10  }
0x32: {  	s10 =	sld [smem:$0x3FB0];
	_ =	sdelay $0x3  }
0x33: {  	p0 =	seq.s32 s10, $0x1;
	s10 =	sld [smem:$0x3FB2];
	_ =	sdelay $0x3  }
0x34: {  	[smem:$0x3FB2] =	sst s10  }
0x35: {  	s10 =	sld [smem:$0x3FB1];
	_ =	sdelay $0x3  }
0x36: {  	p1 =	seq.s32 s10, $0x1;
	s10 =	sld [smem:$0x3FB2];
	_ =	sdelay $0x3  }
0x37: {  	[smem:$0x3FB2] =	sst s10  }
0x38: {  	s10 =	sld [smem:$0x3FB3]  }
0x39: {  	_ = 	snop;
	(pc) =	sbr.ind lr, $3  }
0x3a: {  	_ = 	snop  }
0x3b: {  	_ = 	snop  }
0x3c: {  	p2 =	seq.s32 s10, $0x1;
	s10 =	sld [smem:$0x3FB2]  }
0x3d: {  	_ =	shalt  }
0x3e: {  	_ =	shalt  }
0x3f: {  	_ =	shalt  }
0x40: {  	_ =	shalt  }
0x41: {  	_ =	shalt  }
0x42: {  	_ =	shalt  }
0x43: {  	_ =	shalt  }
0x44: {  	_ =	shalt  }
0x45: {  	_ =	shalt  }
0x46: {  	_ =	shalt  }
0x47: {  	_ =	shalt  }
0x48: {  	_ =	shalt  }
0x49: {  	_ =	shalt  }
0x4a: {  	_ =	shalt  }
0x4b: {  	_ =	shalt  }
0x4c: {  	_ =	shalt  }
0x4d: {  	_ =	shalt  }
0x4e: {  	_ =	shalt  }
0x4f: {  	_ =	shalt  }
0x50: {  	_ =	shalt  }
0x51: {  	_ =	shalt  }
0x52: {  	_ =	shalt  }
0x53: {  	_ =	shalt  }
0x54: {  	_ =	shalt  }
0x55: {  	_ =	shalt  }
0x56: {  	_ =	shalt  }
0x57: {  	_ =	shalt  }
0x58: {  	_ =	shalt  }
0x59: {  	_ =	shalt  }
0x5a: {  	_ =	shalt  }
0x5b: {  	_ =	shalt  }
0x5c: {  	_ =	shalt  }
0x5d: {  	_ =	shalt  }
0x5e: {  	_ =	shalt  }
0x5f: {  	_ =	shalt  }
0x60: {  	_ =	shalt  }
0x61: {  	_ =	shalt  }
0x62: {  	_ =	shalt  }
0x63: {  	_ =	shalt  }
0x64: {  	_ =	shalt  }
0x65: {  	_ =	shalt  }
0x66: {  	_ =	shalt  }
0x67: {  	_ =	shalt  }
0x68: {  	_ =	shalt  }
0x69: {  	_ =	shalt  }
0x6a: {  	_ =	shalt  }
0x6b: {  	_ =	shalt  }
0x6c: {  	_ =	shalt  }
0x6d: {  	_ =	shalt  }
0x6e: {  	_ =	shalt  }
0x6f: {  	_ =	shalt  }
0x70: {  	_ =	shalt  }
0x71: {  	_ =	shalt  }
0x72: {  	_ =	shalt  }
0x73: {  	_ =	shalt  }
0x74: {  	_ =	shalt  }
0x75: {  	_ =	shalt  }
0x76: {  	_ =	shalt  }
0x77: {  	_ =	shalt  }
0x78: {  	_ =	shalt  }
0x79: {  	_ =	shalt  }
0x7a: {  	_ =	shalt  }
0x7b: {  	_ =	shalt  }
0x7c: {  	_ =	shalt  }
0x7d: {  	_ =	shalt  }
0x7e: {  	_ =	shalt  }
0x7f: {  	_ =	shalt  }
0x80: {  	_ =	shalt  }
0x81: {  	_ =	shalt  }
0x82: {  	_ =	shalt  }
0x83: {  	_ =	shalt  }
0x84: {  	_ =	shalt  }
0x85: {  	_ =	shalt  }
0x86: {  	_ =	shalt  }
0x87: {  	_ =	shalt  }
.Lfunc_end0:
.L_simem_size_0:
called_computation.1_lowered:
.L_overlay_start_0:
0x88: {  	s2 =	sld [smem:$0x3FD9]  }
0x89: {  	s3 =	sld [smem:$0x3FFE];
	_ =	sdelay $0x1  }
0x8a: {  	s1 =	srdreg.scid  }
0x8b: {  	s0 =	sand.u32 $0x1, s1  }
0x8c: {  	s16 =	sshll.u32 s0, $0xA;
	s2 =	sadd.s32 s3, s2  }
0x8d: {  	s2 =	sadd.s32 s2, s16  }
0x8e: {  	[smem:$0x3FBE] =	sst s2  }
0x8f: {  	_ = 	snop  }
0x90: {  	(tm) =	ssettm $0x1  }
0x91: {  	s17 =	sld [smem:$0x3FFB];
	_ =	sdelay $0x3  }
0x92: {  	_ =	strace s17  }
0x93: {  	s2 =	sld [smem:$0x3FFC];
	_ =	sdelay $0x3  }
0x94: {  	_ =	strace s2  }
0x95: {  	s2 =	sld [smem:$0x3FFD];
	_ =	sdelay $0x3  }
0x96: {  	_ =	strace s2  }
0x97: {  	_ =	strace $0x8FFFFFFF  }
0x98: {  	s18 =	sld [smem:$0x3FDB];
	_ =	sdelay $0x1  }
0x99: {  	s19 =	simm.s32 $_scs_section_size  }
0x9a: {  	s4 =	simm.s32 $_size__tile_overlayer_lowered;
	s5 =	simm.s32 $_tile_overlayer_lowered  }
0x9b: {  	s22 =	simm.s32 $0x1BFF;
	s21 =	sshll.u32 s5, $0x1;
	s2 =	sadd.s32 s19, s18  }
0x9c: {  	s6 =	simm.s32 $0x0;
	s20 =	sshll.u32 s4, $0x1;
	s4 =	sadd.s32 s21, s2  }
0x9d: {  	[timem:s6], [sflag:s22] =	dma.local [hbm:s4], s20  }
0x9e: {  	_ =	swait.ge [sflag:s22], s20  }
0x9f: {  	s3 =	ssub.s32 $0x0, s20;
	[sflag:s22] =	ssyncset.done $0x0  }
0xa0: {  	[sflag:s22] =	ssyncadd.s32 s3;
	_ =	sdelay $0x1  }
0xa1: {  	s23 =	simm.s32 $0x1B8B  }
0xa2: {  	_ =	swait.ge [sflag:s23], $0x1  }
0xa3: {  	[sflag:s23] =	ssyncset.done $0x0  }
0xa4: {  	s25 =	simm.s32 $0x1B8E;
	s24 =	sld [smem:$0x3FFE];
	[sflag:s23] =	ssyncadd.s32 $0xFFFFFFFF  }
0xa5: {  	s26 =	simm.s32 $execute0_lowered;
	[smem:$0x3FD2] =	sst s25  }
0xa6: {  	s4 =	sshll.u32 s26, $0x1;
	_ =	strace $0x80000049;
	[dreg:$0x1] =	wrdreg $0xFFFFFFFF  }
0xa7: {  	s28 =	simm.s32 $_size_execute0_lowered;
	s2 =	sadd.s32 s2, s4;
	[dreg:$0x0] =	wrdreg $0x0  }
0xa8: {  	s4 =	sshll.u32 s28, $0x1;
	[dreg:$0x2] =	wrdreg s2  }
0xa9: {  	[dreg:$0x3] =	wrdreg s4  }
0xaa: {  	[dreg:$0x4] =	wrdreg $0xC0  }
0xab: {  	_ =	task [dreg:s6], $0x5FFFF  }
0xac: {  	[dreg:$0x1] =	wrdreg $0xFFFFFFFF  }
0xad: {  	[dreg:$0x0] =	wrdreg $0x60  }
0xae: {  	[dreg:$0x2] =	wrdreg s24  }
0xaf: {  	[dreg:$0x3] =	wrdreg $0x4E200  }
0xb0: {  	[dreg:$0x4] =	wrdreg $0x9  }
0xb1: {  	_ =	task.clear_ibuf [dreg:s6], $0x5FFFF;
	_ =	strace $0x90000049  }
0xb2: {  	s29 =	simm.s32 $0x9;
	_ =	strace $0x8000004B  }
0xb3: {  	_ =	swait.ge [sflag:s29], $0x1  }
0xb4: {  	[sflag:s29] =	ssyncadd.s32 $0xFFFFFFFF  }
0xb5: {  	_ =	strace $0x9000004B  }
0xb6: {  	_ =	sfence  }
0xb7: {  	s30 =	sld [smem:$0x0];
	_ =	sdelay $0x2  }
0xb8: {  	s31 =	sshll.u32 s1, $0xD;
	s1 =	sshrl.u32 s1, $0x2  }
0xb9: {  	s3 =	sand.u32 $0x4000, s31;
	s1 =	sadd.s32 s1, s30  }
0xba: {  	s0 =	sor.u32 s3, s0;
	s1 =	sshll.u32 s1, $0x11  }
0xbb: {  	s0 =	sor.u32 s1, s0  }
0xbc: {  	s0 =	sadd.s32 $0x8F2B, s0  }
0xbd: {  	[sflag:s0] =	ssyncadd.remote.s32 $0x1  }
0xbe: {  	_ =	sfence.sel $0xFFFF  }
0xbf: {  	[dreg:$0x0] =	wrdreg $0xFFFFFFFF;
	(pc) =	sbr.abs _section_cstart, $3  }
0xc0: {  	[dreg:$0x1] =	wrdreg $0xFFFFFFFF  }
0xc1: {  	_ =	task.clear_ibuf [dreg:s6], $0x2FFFF;
	_ =	strace $0x9FFFFFFF  }
0xc2: {  	(tm) =	ssettm $0x7FFFFFFF  }
0xc3: {  	_ =	shalt  }
tec
execute0_lowered:
.L_overlay_start_1:
0x0: {  	(tag) =	ssettag $0x1  }
0x1: {  	s0 =	rddreg [dreg:$0x0]  }
0x2: {  	s1 =	rddreg [dreg:$0x1];
	s2 =	srdreg.scid  }
0x3: {  	s11 =	stileid.u32;
	s16 =	simm.s32 $0x50;
	s17 =	simm.s32 $0x186E0  }
0x4: {  	s18 =	simm.s32 $0x1AEE0;
	s20 =	simm.s32 $0x1D6E0;
	s21 =	simm.s32 $0x1  }
0x5: {  	s22 =	simm.s32 $0x2;
	s23 =	simm.s32 $0x3;
	s28 =	simm.s32 $0x26C0  }
0x6: {  	s29 =	simm.s32 $0x4D30;
	s30 =	simm.s32 $0x4D80;
	s31 =	simm.s32 $0x4DD0  }
0x7: {  	s4 =	sand.u32 $0x1, s2;
	s2 =	simm.s32 $0x0;
	s7 =	smul.u32 $0x13800, s11  }
0x8: {  	s10 =	sadd.s32 $0x66A00, s0;
	s15 =	sadd.s32 $0x138000, s1;
	p0 =	sne.s32 s11, $0x0  }
0x9: {  	s26 =	sshll.u32 s11, $0x6;
	s3 =	sshll.u32 s4, $0x4;
	[smem:$0x7FF] =	sst s2  }
0xa: {  	s8 =	ssub.s32 $0x2, s4;
	s24 =	smul.u32 $0x138C00, s4;
	s15 =	sshrl.u32 @!p0 s15, $0x3  }
0xb: {  	s3 =	sor.u32 s11, s3;
	_ =	strace $0x8000004A;
	s6 =	sshrl.u32 s7, $0x3  }
0xc: {  	s9 =	sshrl.u32 s8, $0x1;
	s14 =	sadd.s32 s7, s1;
	s11 =	simm.s32 $0x4  }
0xd: {  	s5 =	smul.u32 $0x4E2, s3;
	s3 =	sadd.s32 $0x18600, s0;
	s6 =	sadd.s32 s6, s0  }
0xe: {  	s12 =	ssub.s32 s8, s9;
	s7 =	sadd.s32 s7, s24;
	s8 =	sshrl.u32 s24, $0x3  }
0xf: {  	s14 =	sshrl.u32 s14, $0x3;
	s6 =	sadd.s32 $0x3F800, s6;
	s25 =	sshrl.u32 s7, $0x3  }
0x10: {  	s13 =	sadd.s32 s10, s8;
	s7 =	sadd.s32 $0x66800, s0;
	s5 =	sadd.s32 s5, s0  }
0x11: {  	s8 =	sadd.s32 s10, s25;
	s9 =	sadd.s32 $0x27000, s13;
	s10 =	smax.u32 s12, $0x1  }
0x12: {  	s13 =	sor.u32 $0x1C04, s26;
	s25 =	simm.s32 $0x2670;
	s26 =	simm.s32 $0x4CE0  }
0x13: {  	s0 =	simm.s32 $0x0;
	s4 =	sadd.s32 $0x4A00, s5;
	s5 =	sadd.s32 $0xE800, s5  }
.LBB2_1:
0x14: {  	[tilespmem:s2], [sflag:$0x4] =	stream.linear.gather [hbm4b:s4+s2], $0x2710, $0x38;
	[tilespmem:$0x1FEE0] =	vst v63  }
0x15: {  	_ =	swait.ge [sflag:s11], $0x2710  }
0x16: {  	[sflag:s11] =	ssyncset.done $0x0  }
0x17: {  	s12 =	simm.s32 $0x2710;
	[sflag:s11] =	ssyncadd.s32 $0xFFFFD8F0  }
0x18: {  	[tilespmem:s12], [sflag:$0x4] =	stream.linear.gather [hbm4b:s5+s2], $0x2710, $0x38;
	[tilespmem:$0x1FEE0] =	vst v63  }
0x19: {  	_ =	swait.ge [sflag:s11], $0x2710  }
0x1a: {  	[sflag:s11] =	ssyncset.done $0x0  }
0x1b: {  	[sflag:s11] =	ssyncadd.s32 $0xFFFFD8F0  }
0x1c: {  	[spmem:s14], [sflag:s13] =	dma.local [hbm:s6], $0x2700  }
0x1d: {  	_ =	swait.ge [sflag:s11], $0x2700  }
0x1e: {  	[sflag:s11] =	ssyncset.done $0x0  }
0x1f: {  	s12 =	simm.s32 @!p0 $0x4;
	[sflag:s11] =	ssyncadd.s32 $0xFFFFD900  }
0x20: {  	[spmem:s15], [sflag:s13] =	dma.local @!p0 [hbm:s7], $0x180  }
0x21: {  	_ =	swait.ge @!p0 [sflag:s12], $0x180  }
0x22: {  	[sflag:s12] =	ssyncset.done @!p0 $0x0  }
0x23: {  	[sflag:s12] =	ssyncadd.s32 @!p0 $0xFFFFFE80  }
0x24: {  	[bflag:$0x0] =	sbarrier.arrive $0xFFFF  }
0x25: {  	[tilespmem:s17], [sflag:$0x1] =	stream.indirect.gather [hbm4b:s3+s16], $0x80, s2, s16, $0xb8;
	[tilespmem:$0x1FEE0] =	vst v63  }
0x26: {  	_ = 	snop  }
0x27: {  	[tilespmem:s18], [sflag:$0x2] =	stream.indirect.gather [hbm4b:s3+s16], $0x80, s16, s16, $0xb8;
	[tilespmem:$0x1FEE0] =	vst v63  }
0x28: {  	s19 =	simm.s32 $0xA0  }
0x29: {  	[tilespmem:s20], [sflag:$0x3] =	stream.indirect.gather [hbm4b:s3+s16], $0x80, s19, s16, $0xb8;
	[tilespmem:$0x1FEE0] =	vst v63  }
0x2a: {  	_ =	swait.ge [sflag:s21], $0x2800  }
0x2b: {  	[sflag:s21] =	ssyncset.done $0x0  }
0x2c: {  	s24 =	simm.s32 $0x2710;
	[sflag:s21] =	ssyncadd.s32 $0xFFFFD800  }
0x2d: {  	[spmem:s1] =	stream.indirect.scatter.add.f32 [tilespmem:s17], [sflag:$0x4], $0x80, s24, s16, $0xb8;
	[tilespmem:$0x1FEE0] =	vst v63  }
0x2e: {  	_ =	swait.ge [sflag:s11], $0x2800  }
0x2f: {  	[sflag:s11] =	ssyncset.done $0x0  }
0x30: {  	s19 =	simm.s32 $0xF0;
	[sflag:s11] =	ssyncadd.s32 $0xFFFFD800  }
0x31: {  	[tilespmem:s17], [sflag:$0x1] =	stream.indirect.gather [hbm4b:s3+s16], $0x80, s19, s16, $0xb8;
	[tilespmem:$0x1FEE0] =	vst v63  }
0x32: {  	_ =	swait.ge [sflag:s22], $0x2800  }
0x33: {  	[sflag:s22] =	ssyncset.done $0x0  }
0x34: {  	s24 =	simm.s32 $0x2760;
	[sflag:s22] =	ssyncadd.s32 $0xFFFFD800  }
0x35: {  	[spmem:s1] =	stream.indirect.scatter.add.f32 [tilespmem:s18], [sflag:$0x4], $0x80, s24, s16, $0xb8;
	[tilespmem:$0x1FEE0] =	vst v63  }
0x36: {  	_ =	swait.ge [sflag:s11], $0x2800  }
0x37: {  	[sflag:s11] =	ssyncset.done $0x0  }
0x38: {  	s19 =	simm.s32 $0x140;
	[sflag:s11] =	ssyncadd.s32 $0xFFFFD800  }
0x39: {  	[tilespmem:s18], [sflag:$0x2] =	stream.indirect.gather [hbm4b:s3+s16], $0x80, s19, s16, $0xb8;
	[tilespmem:$0x1FEE0] =	vst v63  }
0x3a: {  	_ =	swait.ge [sflag:s23], $0x2800  }
0x3b: {  	[sflag:s23] =	ssyncset.done $0x0  }
0x3c: {  	s24 =	simm.s32 $0x27B0;
	[sflag:s23] =	ssyncadd.s32 $0xFFFFD800  }
0x3d: {  	[spmem:s1] =	stream.indirect.scatter.add.f32 [tilespmem:s20], [sflag:$0x4], $0x80, s24, s16, $0xb8;
	[tilespmem:$0x1FEE0] =	vst v63  }
0x3e: {  	_ =	swait.ge [sflag:s11], $0x2800  }
0x3f: {  	[sflag:s11] =	ssyncset.done $0x0  }
0x40: {  	s12 =	simm.s32 $0x3C0;
	s19 =	simm.s32 $0x190;
	[sflag:s11] =	ssyncadd.s32 $0xFFFFD800  }
.LBB2_2:
0x41: {  	[tilespmem:s20], [sflag:$0x3] =	stream.indirect.gather [hbm4b:s3+s16], $0x80, s19, s16, $0xb8;
	[tilespmem:$0x1FEE0] =	vst v63  }
0x42: {  	s19 =	smov.u32 s12  }
0x43: {  	p1 =	sne.s32 s12, $0x9240;
	s12 =	sadd.s32 $0x3C0, s12;
	_ =	swait.ge [sflag:s21], $0x2800  }
0x44: {  	s19 =	sshra.s32 s19, $0x2;
	[sflag:s21] =	ssyncset.done $0x0  }
0x45: {  	s24 =	sadd.s32 $0x2710, s19;
	[sflag:s21] =	ssyncadd.s32 $0xFFFFD800  }
0x46: {  	[spmem:s1] =	stream.indirect.scatter.add.f32 [tilespmem:s17], [sflag:$0x4], $0x80, s24, s16, $0xb8;
	[tilespmem:$0x1FEE0] =	vst v63  }
0x47: {  	_ =	swait.ge [sflag:s11], $0x2800  }
0x48: {  	[sflag:s11] =	ssyncset.done $0x0  }
0x49: {  	s24 =	sadd.s32 $0xF0, s19;
	[sflag:s11] =	ssyncadd.s32 $0xFFFFD800  }
0x4a: {  	[tilespmem:s17], [sflag:$0x1] =	stream.indirect.gather [hbm4b:s3+s16], $0x80, s24, s16, $0xb8;
	[tilespmem:$0x1FEE0] =	vst v63  }
0x4b: {  	_ =	swait.ge [sflag:s22], $0x2800  }
0x4c: {  	[sflag:s22] =	ssyncset.done $0x0  }
0x4d: {  	s24 =	sadd.s32 $0x2760, s19;
	[sflag:s22] =	ssyncadd.s32 $0xFFFFD800  }
0x4e: {  	[spmem:s1] =	stream.indirect.scatter.add.f32 [tilespmem:s18], [sflag:$0x4], $0x80, s24, s16, $0xb8;
	[tilespmem:$0x1FEE0] =	vst v63  }
0x4f: {  	_ =	swait.ge [sflag:s11], $0x2800  }
0x50: {  	[sflag:s11] =	ssyncset.done $0x0  }
0x51: {  	s24 =	sadd.s32 $0x140, s19;
	[sflag:s11] =	ssyncadd.s32 $0xFFFFD800  }
0x52: {  	[tilespmem:s18], [sflag:$0x2] =	stream.indirect.gather [hbm4b:s3+s16], $0x80, s24, s16, $0xb8;
	[tilespmem:$0x1FEE0] =	vst v63  }
0x53: {  	_ =	swait.ge [sflag:s23], $0x2800  }
0x54: {  	[sflag:s23] =	ssyncset.done $0x0  }
.Ltmp0:
0x55: {  	s24 =	sadd.s32 $0x27B0, s19;
	[sflag:s23] =	ssyncadd.s32 $0xFFFFD800;
	(pc) =	sbr.rel @p1 .LBB2_2-.Ltmp0, $4  }
0x56: {  	[spmem:s1] =	stream.indirect.scatter.add.f32 [tilespmem:s20], [sflag:$0x4], $0x80, s24, s16, $0xb8;
	[tilespmem:$0x1FEE0] =	vst v63  }
0x57: {  	_ =	swait.ge [sflag:s11], $0x2800  }
0x58: {  	[sflag:s11] =	ssyncset.done $0x0  }
0x59: {  	s19 =	sadd.s32 $0x190, s19;
	[sflag:s11] =	ssyncadd.s32 $0xFFFFD800  }
0x5a: {  	[tilespmem:s20], [sflag:$0x3] =	stream.indirect.gather [hbm4b:s3+s16], $0x80, s19, s16, $0xb8;
	[tilespmem:$0x1FEE0] =	vst v63  }
0x5b: {  	_ =	swait.ge [sflag:s21], $0x2800  }
0x5c: {  	[sflag:s21] =	ssyncset.done $0x0  }
0x5d: {  	s12 =	simm.s32 $0x4C90;
	[sflag:s21] =	ssyncadd.s32 $0xFFFFD800  }
0x5e: {  	[spmem:s1] =	stream.indirect.scatter.add.f32 [tilespmem:s17], [sflag:$0x4], $0x80, s12, s16, $0xb8;
	[tilespmem:$0x1FEE0] =	vst v63  }
0x5f: {  	_ =	swait.ge [sflag:s11], $0x2800  }
0x60: {  	[sflag:s11] =	ssyncset.done $0x0  }
0x61: {  	[sflag:s11] =	ssyncadd.s32 $0xFFFFD800  }
0x62: {  	[tilespmem:s17], [sflag:$0x1] =	stream.indirect.gather [hbm4b:s3+s16], $0x80, s25, s16, $0xb8;
	[tilespmem:$0x1FEE0] =	vst v63  }
0x63: {  	_ =	swait.ge [sflag:s22], $0x2800  }
0x64: {  	[sflag:s22] =	ssyncset.done $0x0  }
0x65: {  	[sflag:s22] =	ssyncadd.s32 $0xFFFFD800  }
0x66: {  	[spmem:s1] =	stream.indirect.scatter.add.f32 [tilespmem:s18], [sflag:$0x4], $0x80, s26, s16, $0xb8;
	[tilespmem:$0x1FEE0] =	vst v63  }
0x67: {  	_ =	swait.ge [sflag:s11], $0x2800  }
0x68: {  	[sflag:s11] =	ssyncset.done $0x0  }
0x69: {  	[sflag:s11] =	ssyncadd.s32 $0xFFFFD800  }
0x6a: {  	[tilespmem:s18], [sflag:$0x2] =	stream.indirect.gather [hbm4b:s3+s16], $0x80, s28, s16, $0xb8;
	[tilespmem:$0x1FEE0] =	vst v63  }
0x6b: {  	_ =	swait.ge [sflag:s23], $0x2800  }
0x6c: {  	[sflag:s23] =	ssyncset.done $0x0  }
0x6d: {  	[sflag:s23] =	ssyncadd.s32 $0xFFFFD800  }
0x6e: {  	[spmem:s1] =	stream.indirect.scatter.add.f32 [tilespmem:s20], [sflag:$0x4], $0x80, s29, s16, $0xb8;
	[tilespmem:$0x1FEE0] =	vst v63  }
0x6f: {  	_ =	swait.ge [sflag:s11], $0x2800  }
0x70: {  	[sflag:s11] =	ssyncset.done $0x0  }
0x71: {  	[sflag:s11] =	ssyncadd.s32 $0xFFFFD800  }
0x72: {  	_ =	swait.ge [sflag:s21], $0x2800  }
0x73: {  	[sflag:s21] =	ssyncset.done $0x0  }
0x74: {  	[sflag:s21] =	ssyncadd.s32 $0xFFFFD800  }
0x75: {  	[spmem:s1] =	stream.indirect.scatter.add.f32 [tilespmem:s17], [sflag:$0x4], $0x80, s30, s16, $0xb8;
	[tilespmem:$0x1FEE0] =	vst v63  }
0x76: {  	_ =	swait.ge [sflag:s11], $0x2800  }
0x77: {  	[sflag:s11] =	ssyncset.done $0x0  }
0x78: {  	[sflag:s11] =	ssyncadd.s32 $0xFFFFD800  }
0x79: {  	_ =	swait.ge [sflag:s22], $0x2800  }
0x7a: {  	[sflag:s22] =	ssyncset.done $0x0  }
0x7b: {  	[sflag:s22] =	ssyncadd.s32 $0xFFFFD800  }
0x7c: {  	[spmem:s1] =	stream.indirect.scatter.add.f32 [tilespmem:s18], [sflag:$0x4], $0x80, s31, s16, $0xb8;
	[tilespmem:$0x1FEE0] =	vst v63  }
0x7d: {  	_ =	swait.ge [sflag:s11], $0x2800  }
0x7e: {  	[sflag:s11] =	ssyncset.done $0x0  }
0x7f: {  	[sflag:s11] =	ssyncadd.s32 $0xFFFFD800  }
0x80: {  	[bflag:$0x0] =	sbarrier.arrive $0xFFFF  }
0x81: {  	[hbm:s8], [sflag:s13] =	dma.local [spmem:s14], $0x2700  }
0x82: {  	s0 =	sadd.s32 $0x1, s0;
	_ =	swait.ge [sflag:s11], $0x2700  }
0x83: {  	p1 =	sne.s32 s0, s10;
	[sflag:s11] =	ssyncset.done $0x0  }
.Ltmp1:
0x84: {  	s12 =	simm.s32 @!p0 $0x4;
	[sflag:s11] =	ssyncadd.s32 $0xFFFFD900;
	(pc) =	sbr.rel @p1 .LBB2_1-.Ltmp1, $4  }
0x85: {  	[hbm:s9], [sflag:s13] =	dma.local @!p0 [spmem:s15], $0x180  }
0x86: {  	_ =	swait.ge @!p0 [sflag:s12], $0x180  }
0x87: {  	[sflag:s12] =	ssyncset.done @!p0 $0x0  }
0x88: {  	[sflag:s12] =	ssyncadd.s32 @!p0 $0xFFFFFE80  }
0x89: {  	_ =	sfence.sel $0x180000  }
0x8a: {  	[bflag:$0x0] =	sbarrier.arrive $0xFFFF  }
0x8b: {  	_ =	strace $0x9000004A  }
0x8c: {  	[bflag:$0x2] =	sbarrier.arrive $0xFFFF  }
0x8d: {  	s0 =	rddreg [dreg:$0x2]  }
0x8e: {  	s0 =	sadd.s32 @!p0 $0x100000, s0  }
0x8f: {  	[sflag:s0] =	ssyncadd.tile.s32 @!p0 $0x1;
	_ =	shalt  }
.Lfunc_end2:
_tile_overlayer_lowered:
.L_overlay_start_2:
0x90: {  	(tag) =	ssettag $0x2  }
0x91: {  	s0 =	rddreg [dreg:$0x0];
	s2 =	stileid.u32  }
0x92: {  	s1 =	rddreg [dreg:$0x1];
	p0 =	sne.s32 s2, $0x0  }
0x93: {  	s3 =	rddreg [dreg:$0x2];
	[bflag:$0x3] =	sbarrier.arrive $0xFFFF;
	s2 =	simm.s32 @!p0 $0x1C04  }
0x94: {  	[timem:s3], [sflag:s2] =	dma.local @!p0 [hbm:s0], s1  }
0x95: {  	s0 =	simm.s32 @!p0 $0x4  }
0x96: {  	_ =	swait.ge @!p0 [sflag:s0], s1  }
0x97: {  	s1 =	ssub.s32 @!p0 $0x0, s1;
	[sflag:s0] =	ssyncset.done @!p0 $0x0  }
0x98: {  	[sflag:s0] =	ssyncadd.s32 @!p0 s1  }
0x99: {  	[bflag:$0x3] =	sbarrier.arrive $0xFFFF  }
0x9a: {  	_ =	shalt  }

// kernel: kernel.18.cloned.1.call-start
scs
__scs_entry_jumppad:
0x0: {  	(pc) =	sbr.rel $0x88, $3  }
0x1: {  	(tag) =	ssettag $0x0;
	lr =	simm.s32 $0x1  }
0x2: {  	[smem:$0x3F97] =	sst lr;
	_ =	strace $0xD0000000  }
0x3: {  	_ = 	snop  }
0x4: {  	_ = 	snop  }
0x5: {  	_ = 	snop  }
0x6: {  	_ = 	snop  }
0x7: {  	_ = 	snop  }
__scs_overlays_trampoline_lowered:
0x8: {  	[smem:$0x3FA6] =	sst s0  }
0x9: {  	[smem:$0x3FA7] =	sst s1  }
0xa: {  	[smem:$0x3FA8] =	sst s2  }
0xb: {  	[smem:$0x3FA9] =	sst s3  }
0xc: {  	[smem:$0x3FAA] =	sst s4  }
0xd: {  	[smem:$0x3FAB] =	sst s5  }
0xe: {  	[smem:$0x3FAC] =	sst s6  }
0xf: {  	[smem:$0x3FAD] =	sst s7  }
0x10: {  	[smem:$0x3FAE] =	sst s8  }
0x11: {  	[smem:$0x3FAF] =	sst s9;
	s0 =	simm.s32 @!p0 $0x0  }
0x12: {  	s1 =	sld [smem:$0x3F95];
	s0 =	simm.s32 @p0 $0x1  }
0x13: {  	[smem:$0x3FB0] =	sst s0;
	s0 =	simm.s32 @!p1 $0x0  }
0x14: {  	s2 =	sld [smem:$0x3F94];
	s0 =	simm.s32 @p1 $0x1  }
0x15: {  	[smem:$0x3FB1] =	sst s0;
	s0 =	simm.s32 @!p2 $0x0  }
0x16: {  	s3 =	sld [smem:$0x3FDB];
	s0 =	simm.s32 @p2 $0x1  }
0x17: {  	s4 =	simm.s32 $0x1BF5;
	[smem:$0x3FB3] =	sst s0  }
0x18: {  	s0 =	sld [smem:$0x3F96];
	_ =	swait.ge [sflag:s4], $0x0  }
0x19: {  	s7 =	sld [smem:$0x3F97]  }
0x1a: {  	s8 =	sadd.s32 $0xFFFFE003, lr  }
0x1b: {  	s9 =	sadd.s32 $0xFFFFFEF7, lr;
	s5 =	simm.s32 $0xFFFFFFFF;
	p2 =	slt.u32 s8, $0xFFFFF086  }
0x1c: {  	p1 =	slt.u32 s9, $0xF7A;
	s5 =	simm.s32 @!p2 $0x0  }
0x1d: {  	s5 =	simm.s32 @p1 $0x1;
	p0 =	seq.s32 s7, s2  }
0x1e: {  	s7 =	smul.u32 @!p0 $0xF7A, s2;
	p2 =	seq.s32 @!p0 s5, $0x0  }
0x1f: {  	s9 =	smul.u32 $0xF7A, s1;
	s8 =	simm.s32 @!p0 $0x1BF5;
	p2 =	por !p2, p0  }
0x20: {  	[sflag:s8] =	ssyncset.s32 @!p0 $0xFFFFF086;
	s6 =	sadd.s32 @!p0 s3, s7;
	s7 =	simm.s32 @!p0 $0x108  }
0x21: {  	s3 =	sadd.s32 s3, s9;
	s6 =	sadd.s32 @!p0 $0x88, s6;
	s7 =	simm.s32 @p2 $0x1082  }
0x22: {  	[simem:s7], [sflag:s8] =	dma.local @!p0 [hbm:s6], $0xF7A  }
0x23: {  	s9 =	sor.u32 $0xD0000000, s2;
	s6 =	simm.s32 $0x108;
	_ =	swait.ge @!p0 [sflag:s8], $0x0  }
0x24: {  	s3 =	sadd.s32 $0x88, s3;
	s6 =	simm.s32 @!p1 $0x1082;
	[sflag:s4] =	ssyncset.s32 $0xFFFFF086  }
0x25: {  	[simem:s6], [sflag:s4] =	dma.local [hbm:s3], $0xF7A  }
0x26: {  	[smem:$0x3F97] =	sst s1;
	(tag) =	ssettag s2;
	_ =	strace s9  }
0x27: {  	s1 =	sld [smem:$0x3FA7]  }
0x28: {  	s2 =	sld [smem:$0x3FA8]  }
0x29: {  	s4 =	sld [smem:$0x3FAA]  }
0x2a: {  	p0 =	seq.s32 s5, $0x0;
	s5 =	sld [smem:$0x3FAB]  }
0x2b: {  	s6 =	sld [smem:$0x3FAC]  }
0x2c: {  	s7 =	sld [smem:$0x3FAD]  }
0x2d: {  	s3 =	simm.s32 $0x108;
	s8 =	sld [smem:$0x3FAE]  }
0x2e: {  	s3 =	simm.s32 @!p0 $0x1082;
	s9 =	sld [smem:$0x3FAF]  }
0x2f: {  	lr =	sadd.s32 s0, s3;
	s0 =	sld [smem:$0x3FA6]  }
0x30: {  	s3 =	sld [smem:$0x3FA9]  }
0x31: {  	[smem:$0x3FB2] =	sst s10  }
0x32: {  	s10 =	sld [smem:$0x3FB0];
	_ =	sdelay $0x3  }
0x33: {  	p0 =	seq.s32 s10, $0x1;
	s10 =	sld [smem:$0x3FB2];
	_ =	sdelay $0x3  }
0x34: {  	[smem:$0x3FB2] =	sst s10  }
0x35: {  	s10 =	sld [smem:$0x3FB1];
	_ =	sdelay $0x3  }
0x36: {  	p1 =	seq.s32 s10, $0x1;
	s10 =	sld [smem:$0x3FB2];
	_ =	sdelay $0x3  }
0x37: {  	[smem:$0x3FB2] =	sst s10  }
0x38: {  	s10 =	sld [smem:$0x3FB3]  }
0x39: {  	_ = 	snop;
	(pc) =	sbr.ind lr, $3  }
0x3a: {  	_ = 	snop  }
0x3b: {  	_ = 	snop  }
0x3c: {  	p2 =	seq.s32 s10, $0x1;
	s10 =	sld [smem:$0x3FB2]  }
0x3d: {  	_ =	shalt  }
0x3e: {  	_ =	shalt  }
0x3f: {  	_ =	shalt  }
0x40: {  	_ =	shalt  }
0x41: {  	_ =	shalt  }
0x42: {  	_ =	shalt  }
0x43: {  	_ =	shalt  }
0x44: {  	_ =	shalt  }
0x45: {  	_ =	shalt  }
0x46: {  	_ =	shalt  }
0x47: {  	_ =	shalt  }
0x48: {  	_ =	shalt  }
0x49: {  	_ =	shalt  }
0x4a: {  	_ =	shalt  }
0x4b: {  	_ =	shalt  }
0x4c: {  	_ =	shalt  }
0x4d: {  	_ =	shalt  }
0x4e: {  	_ =	shalt  }
0x4f: {  	_ =	shalt  }
0x50: {  	_ =	shalt  }
0x51: {  	_ =	shalt  }
0x52: {  	_ =	shalt  }
0x53: {  	_ =	shalt  }
0x54: {  	_ =	shalt  }
0x55: {  	_ =	shalt  }
0x56: {  	_ =	shalt  }
0x57: {  	_ =	shalt  }
0x58: {  	_ =	shalt  }
0x59: {  	_ =	shalt  }
0x5a: {  	_ =	shalt  }
0x5b: {  	_ =	shalt  }
0x5c: {  	_ =	shalt  }
0x5d: {  	_ =	shalt  }
0x5e: {  	_ =	shalt  }
0x5f: {  	_ =	shalt  }
0x60: {  	_ =	shalt  }
0x61: {  	_ =	shalt  }
0x62: {  	_ =	shalt  }
0x63: {  	_ =	shalt  }
0x64: {  	_ =	shalt  }
0x65: {  	_ =	shalt  }
0x66: {  	_ =	shalt  }
0x67: {  	_ =	shalt  }
0x68: {  	_ =	shalt  }
0x69: {  	_ =	shalt  }
0x6a: {  	_ =	shalt  }
0x6b: {  	_ =	shalt  }
0x6c: {  	_ =	shalt  }
0x6d: {  	_ =	shalt  }
0x6e: {  	_ =	shalt  }
0x6f: {  	_ =	shalt  }
0x70: {  	_ =	shalt  }
0x71: {  	_ =	shalt  }
0x72: {  	_ =	shalt  }
0x73: {  	_ =	shalt  }
0x74: {  	_ =	shalt  }
0x75: {  	_ =	shalt  }
0x76: {  	_ =	shalt  }
0x77: {  	_ =	shalt  }
0x78: {  	_ =	shalt  }
0x79: {  	_ =	shalt  }
0x7a: {  	_ =	shalt  }
0x7b: {  	_ =	shalt  }
0x7c: {  	_ =	shalt  }
0x7d: {  	_ =	shalt  }
0x7e: {  	_ =	shalt  }
0x7f: {  	_ =	shalt  }
0x80: {  	_ =	shalt  }
0x81: {  	_ =	shalt  }
0x82: {  	_ =	shalt  }
0x83: {  	_ =	shalt  }
0x84: {  	_ =	shalt  }
0x85: {  	_ =	shalt  }
0x86: {  	_ =	shalt  }
0x87: {  	_ =	shalt  }
.Lfunc_end0:
.L_simem_size_0:
called_computation.2_lowered:
.L_overlay_start_0:
0x88: {  	s2 =	sld [smem:$0x3FD9]  }
0x89: {  	s3 =	sld [smem:$0x3FFE];
	_ =	sdelay $0x1  }
0x8a: {  	s1 =	srdreg.scid  }
0x8b: {  	s0 =	sand.u32 $0x1, s1  }
0x8c: {  	s16 =	sshll.u32 s0, $0xA;
	s2 =	sadd.s32 s3, s2  }
0x8d: {  	s2 =	sadd.s32 s2, s16  }
0x8e: {  	[smem:$0x3FBE] =	sst s2  }
0x8f: {  	_ = 	snop  }
0x90: {  	(tm) =	ssettm $0x1  }
0x91: {  	s17 =	sld [smem:$0x3FFB];
	_ =	sdelay $0x3  }
0x92: {  	_ =	strace s17  }
0x93: {  	s2 =	sld [smem:$0x3FFC];
	_ =	sdelay $0x3  }
0x94: {  	_ =	strace s2  }
0x95: {  	s2 =	sld [smem:$0x3FFD];
	_ =	sdelay $0x3  }
0x96: {  	_ =	strace s2  }
0x97: {  	_ =	strace $0x8FFFFFFF  }
0x98: {  	s18 =	sld [smem:$0x3FDB];
	_ =	sdelay $0x1  }
0x99: {  	s19 =	simm.s32 $_scs_section_size  }
0x9a: {  	s4 =	simm.s32 $_size__tile_overlayer_lowered;
	s5 =	simm.s32 $_tile_overlayer_lowered  }
0x9b: {  	s22 =	simm.s32 $0x1BFF;
	s21 =	sshll.u32 s5, $0x1;
	s2 =	sadd.s32 s19, s18  }
0x9c: {  	s6 =	simm.s32 $0x0;
	s20 =	sshll.u32 s4, $0x1;
	s4 =	sadd.s32 s21, s2  }
0x9d: {  	[timem:s6], [sflag:s22] =	dma.local [hbm:s4], s20  }
0x9e: {  	_ =	swait.ge [sflag:s22], s20  }
0x9f: {  	s3 =	ssub.s32 $0x0, s20;
	[sflag:s22] =	ssyncset.done $0x0  }
0xa0: {  	[sflag:s22] =	ssyncadd.s32 s3;
	_ =	sdelay $0x1  }
0xa1: {  	s23 =	simm.s32 $0x1B8B  }
0xa2: {  	_ =	swait.ge [sflag:s23], $0x1  }
0xa3: {  	[sflag:s23] =	ssyncset.done $0x0  }
0xa4: {  	s25 =	simm.s32 $0x1B8E;
	s24 =	sld [smem:$0x3FFE];
	[sflag:s23] =	ssyncadd.s32 $0xFFFFFFFF  }
0xa5: {  	s26 =	simm.s32 $execute0_lowered;
	[smem:$0x3FD2] =	sst s25  }
0xa6: {  	s4 =	sshll.u32 s26, $0x1;
	_ =	strace $0x8000004C;
	[dreg:$0x1] =	wrdreg $0xFFFFFFFF  }
0xa7: {  	s28 =	simm.s32 $_size_execute0_lowered;
	s2 =	sadd.s32 s2, s4;
	[dreg:$0x0] =	wrdreg $0x0  }
0xa8: {  	s4 =	sshll.u32 s28, $0x1;
	[dreg:$0x2] =	wrdreg s2  }
0xa9: {  	[dreg:$0x3] =	wrdreg s4  }
0xaa: {  	[dreg:$0x4] =	wrdreg $0xC0  }
0xab: {  	_ =	task [dreg:s6], $0x5FFFF  }
0xac: {  	[dreg:$0x1] =	wrdreg $0xFFFFFFFF  }
0xad: {  	[dreg:$0x0] =	wrdreg $0x60  }
0xae: {  	[dreg:$0x2] =	wrdreg s24  }
0xaf: {  	[dreg:$0x3] =	wrdreg $0x4E200  }
0xb0: {  	[dreg:$0x4] =	wrdreg $0x9  }
0xb1: {  	_ =	task.clear_ibuf [dreg:s6], $0x5FFFF;
	_ =	strace $0x9000004C  }
0xb2: {  	s29 =	simm.s32 $0x9;
	_ =	strace $0x8000004E  }
0xb3: {  	_ =	swait.ge [sflag:s29], $0x1  }
0xb4: {  	[sflag:s29] =	ssyncadd.s32 $0xFFFFFFFF  }
0xb5: {  	_ =	strace $0x9000004E  }
0xb6: {  	_ =	sfence  }
0xb7: {  	s30 =	sld [smem:$0x0];
	_ =	sdelay $0x2  }
0xb8: {  	s31 =	sshll.u32 s1, $0xD;
	s1 =	sshrl.u32 s1, $0x2  }
0xb9: {  	s3 =	sand.u32 $0x4000, s31;
	s1 =	sadd.s32 s1, s30  }
0xba: {  	s0 =	sor.u32 s3, s0;
	s1 =	sshll.u32 s1, $0x11  }
0xbb: {  	s0 =	sor.u32 s1, s0  }
0xbc: {  	s0 =	sadd.s32 $0x8F2B, s0  }
0xbd: {  	[sflag:s0] =	ssyncadd.remote.s32 $0x1  }
0xbe: {  	_ =	sfence.sel $0xFFFF  }
0xbf: {  	[dreg:$0x0] =	wrdreg $0xFFFFFFFF;
	(pc) =	sbr.abs _section_cstart, $3  }
0xc0: {  	[dreg:$0x1] =	wrdreg $0xFFFFFFFF  }
0xc1: {  	_ =	task.clear_ibuf [dreg:s6], $0x2FFFF;
	_ =	strace $0x9FFFFFFF  }
0xc2: {  	(tm) =	ssettm $0x7FFFFFFF  }
0xc3: {  	_ =	shalt  }
tec
execute0_lowered:
.L_overlay_start_1:
0x0: {  	(tag) =	ssettag $0x1  }
0x1: {  	s0 =	rddreg [dreg:$0x0]  }
0x2: {  	s1 =	rddreg [dreg:$0x1];
	s2 =	srdreg.scid  }
0x3: {  	s11 =	stileid.u32;
	s16 =	simm.s32 $0x50;
	s17 =	simm.s32 $0x186E0  }
0x4: {  	s18 =	simm.s32 $0x1AEE0;
	s20 =	simm.s32 $0x1D6E0;
	s21 =	simm.s32 $0x1  }
0x5: {  	s22 =	simm.s32 $0x2;
	s23 =	simm.s32 $0x3;
	s28 =	simm.s32 $0x26C0  }
0x6: {  	s29 =	simm.s32 $0x4D30;
	s30 =	simm.s32 $0x4D80;
	s31 =	simm.s32 $0x4DD0  }
0x7: {  	s4 =	sand.u32 $0x1, s2;
	s2 =	simm.s32 $0x0;
	s7 =	smul.u32 $0x13800, s11  }
0x8: {  	s10 =	sadd.s32 $0x66A00, s0;
	s15 =	sadd.s32 $0x138000, s1;
	p0 =	sne.s32 s11, $0x0  }
0x9: {  	s26 =	sshll.u32 s11, $0x6;
	s3 =	sshll.u32 s4, $0x4;
	[smem:$0x7FF] =	sst s2  }
0xa: {  	s8 =	ssub.s32 $0x2, s4;
	s24 =	smul.u32 $0x138C00, s4;
	s15 =	sshrl.u32 @!p0 s15, $0x3  }
0xb: {  	s3 =	sor.u32 s11, s3;
	_ =	strace $0x8000004D;
	s6 =	sshrl.u32 s7, $0x3  }
0xc: {  	s9 =	sshrl.u32 s8, $0x1;
	s14 =	sadd.s32 s7, s1;
	s11 =	simm.s32 $0x4  }
0xd: {  	s5 =	smul.u32 $0x4E2, s3;
	s3 =	sadd.s32 $0x18600, s0;
	s6 =	sadd.s32 s6, s0  }
0xe: {  	s12 =	ssub.s32 s8, s9;
	s7 =	sadd.s32 s7, s24;
	s8 =	sshrl.u32 s24, $0x3  }
0xf: {  	s14 =	sshrl.u32 s14, $0x3;
	s6 =	sadd.s32 $0x3F800, s6;
	s25 =	sshrl.u32 s7, $0x3  }
0x10: {  	s13 =	sadd.s32 s10, s8;
	s7 =	sadd.s32 $0x66800, s0;
	s5 =	sadd.s32 s5, s0  }
0x11: {  	s8 =	sadd.s32 s10, s25;
	s9 =	sadd.s32 $0x27000, s13;
	s10 =	smax.u32 s12, $0x1  }
0x12: {  	s13 =	sor.u32 $0x1C04, s26;
	s25 =	simm.s32 $0x2670;
	s26 =	simm.s32 $0x4CE0  }
0x13: {  	s0 =	simm.s32 $0x0;
	s4 =	sadd.s32 $0x4A00, s5;
	s5 =	sadd.s32 $0xE800, s5  }
.LBB2_1:
0x14: {  	[tilespmem:s2], [sflag:$0x4] =	stream.linear.gather [hbm4b:s4+s2], $0x2710, $0x38;
	[tilespmem:$0x1FEE0] =	vst v63  }
0x15: {  	_ =	swait.ge [sflag:s11], $0x2710  }
0x16: {  	[sflag:s11] =	ssyncset.done $0x0  }
0x17: {  	s12 =	simm.s32 $0x2710;
	[sflag:s11] =	ssyncadd.s32 $0xFFFFD8F0  }
0x18: {  	[tilespmem:s12], [sflag:$0x4] =	stream.linear.gather [hbm4b:s5+s2], $0x2710, $0x38;
	[tilespmem:$0x1FEE0] =	vst v63  }
0x19: {  	_ =	swait.ge [sflag:s11], $0x2710  }
0x1a: {  	[sflag:s11] =	ssyncset.done $0x0  }
0x1b: {  	[sflag:s11] =	ssyncadd.s32 $0xFFFFD8F0  }
0x1c: {  	[spmem:s14], [sflag:s13] =	dma.local [hbm:s6], $0x2700  }
0x1d: {  	_ =	swait.ge [sflag:s11], $0x2700  }
0x1e: {  	[sflag:s11] =	ssyncset.done $0x0  }
0x1f: {  	s12 =	simm.s32 @!p0 $0x4;
	[sflag:s11] =	ssyncadd.s32 $0xFFFFD900  }
0x20: {  	[spmem:s15], [sflag:s13] =	dma.local @!p0 [hbm:s7], $0x180  }
0x21: {  	_ =	swait.ge @!p0 [sflag:s12], $0x180  }
0x22: {  	[sflag:s12] =	ssyncset.done @!p0 $0x0  }
0x23: {  	[sflag:s12] =	ssyncadd.s32 @!p0 $0xFFFFFE80  }
0x24: {  	[bflag:$0x0] =	sbarrier.arrive $0xFFFF  }
0x25: {  	[tilespmem:s17], [sflag:$0x1] =	stream.indirect.gather [hbm4b:s3+s16], $0x80, s2, s16, $0xb8;
	[tilespmem:$0x1FEE0] =	vst v63  }
0x26: {  	_ = 	snop  }
0x27: {  	[tilespmem:s18], [sflag:$0x2] =	stream.indirect.gather [hbm4b:s3+s16], $0x80, s16, s16, $0xb8;
	[tilespmem:$0x1FEE0] =	vst v63  }
0x28: {  	s19 =	simm.s32 $0xA0  }
0x29: {  	[tilespmem:s20], [sflag:$0x3] =	stream.indirect.gather [hbm4b:s3+s16], $0x80, s19, s16, $0xb8;
	[tilespmem:$0x1FEE0] =	vst v63  }
0x2a: {  	_ =	swait.ge [sflag:s21], $0x2800  }
0x2b: {  	[sflag:s21] =	ssyncset.done $0x0  }
0x2c: {  	s24 =	simm.s32 $0x2710;
	[sflag:s21] =	ssyncadd.s32 $0xFFFFD800  }
0x2d: {  	[spmem:s1] =	stream.indirect.scatter.add.f32 [tilespmem:s17], [sflag:$0x4], $0x80, s24, s16, $0xb8;
	[tilespmem:$0x1FEE0] =	vst v63  }
0x2e: {  	_ =	swait.ge [sflag:s11], $0x2800  }
0x2f: {  	[sflag:s11] =	ssyncset.done $0x0  }
0x30: {  	s19 =	simm.s32 $0xF0;
	[sflag:s11] =	ssyncadd.s32 $0xFFFFD800  }
0x31: {  	[tilespmem:s17], [sflag:$0x1] =	stream.indirect.gather [hbm4b:s3+s16], $0x80, s19, s16, $0xb8;
	[tilespmem:$0x1FEE0] =	vst v63  }
0x32: {  	_ =	swait.ge [sflag:s22], $0x2800  }
0x33: {  	[sflag:s22] =	ssyncset.done $0x0  }
0x34: {  	s24 =	simm.s32 $0x2760;
	[sflag:s22] =	ssyncadd.s32 $0xFFFFD800  }
0x35: {  	[spmem:s1] =	stream.indirect.scatter.add.f32 [tilespmem:s18], [sflag:$0x4], $0x80, s24, s16, $0xb8;
	[tilespmem:$0x1FEE0] =	vst v63  }
0x36: {  	_ =	swait.ge [sflag:s11], $0x2800  }
0x37: {  	[sflag:s11] =	ssyncset.done $0x0  }
0x38: {  	s19 =	simm.s32 $0x140;
	[sflag:s11] =	ssyncadd.s32 $0xFFFFD800  }
0x39: {  	[tilespmem:s18], [sflag:$0x2] =	stream.indirect.gather [hbm4b:s3+s16], $0x80, s19, s16, $0xb8;
	[tilespmem:$0x1FEE0] =	vst v63  }
0x3a: {  	_ =	swait.ge [sflag:s23], $0x2800  }
0x3b: {  	[sflag:s23] =	ssyncset.done $0x0  }
0x3c: {  	s24 =	simm.s32 $0x27B0;
	[sflag:s23] =	ssyncadd.s32 $0xFFFFD800  }
0x3d: {  	[spmem:s1] =	stream.indirect.scatter.add.f32 [tilespmem:s20], [sflag:$0x4], $0x80, s24, s16, $0xb8;
	[tilespmem:$0x1FEE0] =	vst v63  }
0x3e: {  	_ =	swait.ge [sflag:s11], $0x2800  }
0x3f: {  	[sflag:s11] =	ssyncset.done $0x0  }
0x40: {  	s12 =	simm.s32 $0x3C0;
	s19 =	simm.s32 $0x190;
	[sflag:s11] =	ssyncadd.s32 $0xFFFFD800  }
.LBB2_2:
0x41: {  	[tilespmem:s20], [sflag:$0x3] =	stream.indirect.gather [hbm4b:s3+s16], $0x80, s19, s16, $0xb8;
	[tilespmem:$0x1FEE0] =	vst v63  }
0x42: {  	s19 =	smov.u32 s12  }
0x43: {  	p1 =	sne.s32 s12, $0x9240;
	s12 =	sadd.s32 $0x3C0, s12;
	_ =	swait.ge [sflag:s21], $0x2800  }
0x44: {  	s19 =	sshra.s32 s19, $0x2;
	[sflag:s21] =	ssyncset.done $0x0  }
0x45: {  	s24 =	sadd.s32 $0x2710, s19;
	[sflag:s21] =	ssyncadd.s32 $0xFFFFD800  }
0x46: {  	[spmem:s1] =	stream.indirect.scatter.add.f32 [tilespmem:s17], [sflag:$0x4], $0x80, s24, s16, $0xb8;
	[tilespmem:$0x1FEE0] =	vst v63  }
0x47: {  	_ =	swait.ge [sflag:s11], $0x2800  }
0x48: {  	[sflag:s11] =	ssyncset.done $0x0  }
0x49: {  	s24 =	sadd.s32 $0xF0, s19;
	[sflag:s11] =	ssyncadd.s32 $0xFFFFD800  }
0x4a: {  	[tilespmem:s17], [sflag:$0x1] =	stream.indirect.gather [hbm4b:s3+s16], $0x80, s24, s16, $0xb8;
	[tilespmem:$0x1FEE0] =	vst v63  }
0x4b: {  	_ =	swait.ge [sflag:s22], $0x2800  }
0x4c: {  	[sflag:s22] =	ssyncset.done $0x0  }
0x4d: {  	s24 =	sadd.s32 $0x2760, s19;
	[sflag:s22] =	ssyncadd.s32 $0xFFFFD800  }
0x4e: {  	[spmem:s1] =	stream.indirect.scatter.add.f32 [tilespmem:s18], [sflag:$0x4], $0x80, s24, s16, $0xb8;
	[tilespmem:$0x1FEE0] =	vst v63  }
0x4f: {  	_ =	swait.ge [sflag:s11], $0x2800  }
0x50: {  	[sflag:s11] =	ssyncset.done $0x0  }
0x51: {  	s24 =	sadd.s32 $0x140, s19;
	[sflag:s11] =	ssyncadd.s32 $0xFFFFD800  }
0x52: {  	[tilespmem:s18], [sflag:$0x2] =	stream.indirect.gather [hbm4b:s3+s16], $0x80, s24, s16, $0xb8;
	[tilespmem:$0x1FEE0] =	vst v63  }
0x53: {  	_ =	swait.ge [sflag:s23], $0x2800  }
0x54: {  	[sflag:s23] =	ssyncset.done $0x0  }
.Ltmp0:
0x55: {  	s24 =	sadd.s32 $0x27B0, s19;
	[sflag:s23] =	ssyncadd.s32 $0xFFFFD800;
	(pc) =	sbr.rel @p1 .LBB2_2-.Ltmp0, $4  }
0x56: {  	[spmem:s1] =	stream.indirect.scatter.add.f32 [tilespmem:s20], [sflag:$0x4], $0x80, s24, s16, $0xb8;
	[tilespmem:$0x1FEE0] =	vst v63  }
0x57: {  	_ =	swait.ge [sflag:s11], $0x2800  }
0x58: {  	[sflag:s11] =	ssyncset.done $0x0  }
0x59: {  	s19 =	sadd.s32 $0x190, s19;
	[sflag:s11] =	ssyncadd.s32 $0xFFFFD800  }
0x5a: {  	[tilespmem:s20], [sflag:$0x3] =	stream.indirect.gather [hbm4b:s3+s16], $0x80, s19, s16, $0xb8;
	[tilespmem:$0x1FEE0] =	vst v63  }
0x5b: {  	_ =	swait.ge [sflag:s21], $0x2800  }
0x5c: {  	[sflag:s21] =	ssyncset.done $0x0  }
0x5d: {  	s12 =	simm.s32 $0x4C90;
	[sflag:s21] =	ssyncadd.s32 $0xFFFFD800  }
0x5e: {  	[spmem:s1] =	stream.indirect.scatter.add.f32 [tilespmem:s17], [sflag:$0x4], $0x80, s12, s16, $0xb8;
	[tilespmem:$0x1FEE0] =	vst v63  }
0x5f: {  	_ =	swait.ge [sflag:s11], $0x2800  }
0x60: {  	[sflag:s11] =	ssyncset.done $0x0  }
0x61: {  	[sflag:s11] =	ssyncadd.s32 $0xFFFFD800  }
0x62: {  	[tilespmem:s17], [sflag:$0x1] =	stream.indirect.gather [hbm4b:s3+s16], $0x80, s25, s16, $0xb8;
	[tilespmem:$0x1FEE0] =	vst v63  }
0x63: {  	_ =	swait.ge [sflag:s22], $0x2800  }
0x64: {  	[sflag:s22] =	ssyncset.done $0x0  }
0x65: {  	[sflag:s22] =	ssyncadd.s32 $0xFFFFD800  }
0x66: {  	[spmem:s1] =	stream.indirect.scatter.add.f32 [tilespmem:s18], [sflag:$0x4], $0x80, s26, s16, $0xb8;
	[tilespmem:$0x1FEE0] =	vst v63  }
0x67: {  	_ =	swait.ge [sflag:s11], $0x2800  }
0x68: {  	[sflag:s11] =	ssyncset.done $0x0  }
0x69: {  	[sflag:s11] =	ssyncadd.s32 $0xFFFFD800  }
0x6a: {  	[tilespmem:s18], [sflag:$0x2] =	stream.indirect.gather [hbm4b:s3+s16], $0x80, s28, s16, $0xb8;
	[tilespmem:$0x1FEE0] =	vst v63  }
0x6b: {  	_ =	swait.ge [sflag:s23], $0x2800  }
0x6c: {  	[sflag:s23] =	ssyncset.done $0x0  }
0x6d: {  	[sflag:s23] =	ssyncadd.s32 $0xFFFFD800  }
0x6e: {  	[spmem:s1] =	stream.indirect.scatter.add.f32 [tilespmem:s20], [sflag:$0x4], $0x80, s29, s16, $0xb8;
	[tilespmem:$0x1FEE0] =	vst v63  }
0x6f: {  	_ =	swait.ge [sflag:s11], $0x2800  }
0x70: {  	[sflag:s11] =	ssyncset.done $0x0  }
0x71: {  	[sflag:s11] =	ssyncadd.s32 $0xFFFFD800  }
0x72: {  	_ =	swait.ge [sflag:s21], $0x2800  }
0x73: {  	[sflag:s21] =	ssyncset.done $0x0  }
0x74: {  	[sflag:s21] =	ssyncadd.s32 $0xFFFFD800  }
0x75: {  	[spmem:s1] =	stream.indirect.scatter.add.f32 [tilespmem:s17], [sflag:$0x4], $0x80, s30, s16, $0xb8;
	[tilespmem:$0x1FEE0] =	vst v63  }
0x76: {  	_ =	swait.ge [sflag:s11], $0x2800  }
0x77: {  	[sflag:s11] =	ssyncset.done $0x0  }
0x78: {  	[sflag:s11] =	ssyncadd.s32 $0xFFFFD800  }
0x79: {  	_ =	swait.ge [sflag:s22], $0x2800  }
0x7a: {  	[sflag:s22] =	ssyncset.done $0x0  }
0x7b: {  	[sflag:s22] =	ssyncadd.s32 $0xFFFFD800  }
0x7c: {  	[spmem:s1] =	stream.indirect.scatter.add.f32 [tilespmem:s18], [sflag:$0x4], $0x80, s31, s16, $0xb8;
	[tilespmem:$0x1FEE0] =	vst v63  }
0x7d: {  	_ =	swait.ge [sflag:s11], $0x2800  }
0x7e: {  	[sflag:s11] =	ssyncset.done $0x0  }
0x7f: {  	[sflag:s11] =	ssyncadd.s32 $0xFFFFD800  }
0x80: {  	[bflag:$0x0] =	sbarrier.arrive $0xFFFF  }
0x81: {  	[hbm:s8], [sflag:s13] =	dma.local [spmem:s14], $0x2700  }
0x82: {  	s0 =	sadd.s32 $0x1, s0;
	_ =	swait.ge [sflag:s11], $0x2700  }
0x83: {  	p1 =	sne.s32 s0, s10;
	[sflag:s11] =	ssyncset.done $0x0  }
.Ltmp1:
0x84: {  	s12 =	simm.s32 @!p0 $0x4;
	[sflag:s11] =	ssyncadd.s32 $0xFFFFD900;
	(pc) =	sbr.rel @p1 .LBB2_1-.Ltmp1, $4  }
0x85: {  	[hbm:s9], [sflag:s13] =	dma.local @!p0 [spmem:s15], $0x180  }
0x86: {  	_ =	swait.ge @!p0 [sflag:s12], $0x180  }
0x87: {  	[sflag:s12] =	ssyncset.done @!p0 $0x0  }
0x88: {  	[sflag:s12] =	ssyncadd.s32 @!p0 $0xFFFFFE80  }
0x89: {  	_ =	sfence.sel $0x180000  }
0x8a: {  	[bflag:$0x0] =	sbarrier.arrive $0xFFFF  }
0x8b: {  	_ =	strace $0x9000004D  }
0x8c: {  	[bflag:$0x2] =	sbarrier.arrive $0xFFFF  }
0x8d: {  	s0 =	rddreg [dreg:$0x2]  }
0x8e: {  	s0 =	sadd.s32 @!p0 $0x100000, s0  }
0x8f: {  	[sflag:s0] =	ssyncadd.tile.s32 @!p0 $0x1;
	_ =	shalt  }
.Lfunc_end2:
_tile_overlayer_lowered:
.L_overlay_start_2:
0x90: {  	(tag) =	ssettag $0x2  }
0x91: {  	s0 =	rddreg [dreg:$0x0];
	s2 =	stileid.u32  }
0x92: {  	s1 =	rddreg [dreg:$0x1];
	p0 =	sne.s32 s2, $0x0  }
0x93: {  	s3 =	rddreg [dreg:$0x2];
	[bflag:$0x3] =	sbarrier.arrive $0xFFFF;
	s2 =	simm.s32 @!p0 $0x1C04  }
0x94: {  	[timem:s3], [sflag:s2] =	dma.local @!p0 [hbm:s0], s1  }
0x95: {  	s0 =	simm.s32 @!p0 $0x4  }
0x96: {  	_ =	swait.ge @!p0 [sflag:s0], s1  }
0x97: {  	s1 =	ssub.s32 @!p0 $0x0, s1;
	[sflag:s0] =	ssyncset.done @!p0 $0x0  }
0x98: {  	[sflag:s0] =	ssyncadd.s32 @!p0 s1  }
0x99: {  	[bflag:$0x3] =	sbarrier.arrive $0xFFFF  }
0x9a: {  	_ =	shalt  }

// kernel: kernel.21.cloned.1.call-start
scs
__scs_entry_jumppad:
0x0: {  	(pc) =	sbr.rel $0x88, $3  }
0x1: {  	(tag) =	ssettag $0x0;
	lr =	simm.s32 $0x1  }
0x2: {  	[smem:$0x3F97] =	sst lr;
	_ =	strace $0xD0000000  }
0x3: {  	_ = 	snop  }
0x4: {  	_ = 	snop  }
0x5: {  	_ = 	snop  }
0x6: {  	_ = 	snop  }
0x7: {  	_ = 	snop  }
__scs_overlays_trampoline_lowered:
0x8: {  	[smem:$0x3FA6] =	sst s0  }
0x9: {  	[smem:$0x3FA7] =	sst s1  }
0xa: {  	[smem:$0x3FA8] =	sst s2  }
0xb: {  	[smem:$0x3FA9] =	sst s3  }
0xc: {  	[smem:$0x3FAA] =	sst s4  }
0xd: {  	[smem:$0x3FAB] =	sst s5  }
0xe: {  	[smem:$0x3FAC] =	sst s6  }
0xf: {  	[smem:$0x3FAD] =	sst s7  }
0x10: {  	[smem:$0x3FAE] =	sst s8  }
0x11: {  	[smem:$0x3FAF] =	sst s9;
	s0 =	simm.s32 @!p0 $0x0  }
0x12: {  	s1 =	sld [smem:$0x3F95];
	s0 =	simm.s32 @p0 $0x1  }
0x13: {  	[smem:$0x3FB0] =	sst s0;
	s0 =	simm.s32 @!p1 $0x0  }
0x14: {  	s2 =	sld [smem:$0x3F94];
	s0 =	simm.s32 @p1 $0x1  }
0x15: {  	[smem:$0x3FB1] =	sst s0;
	s0 =	simm.s32 @!p2 $0x0  }
0x16: {  	s3 =	sld [smem:$0x3FDB];
	s0 =	simm.s32 @p2 $0x1  }
0x17: {  	s4 =	simm.s32 $0x1BF5;
	[smem:$0x3FB3] =	sst s0  }
0x18: {  	s0 =	sld [smem:$0x3F96];
	_ =	swait.ge [sflag:s4], $0x0  }
0x19: {  	s7 =	sld [smem:$0x3F97]  }
0x1a: {  	s8 =	sadd.s32 $0xFFFFE003, lr  }
0x1b: {  	s9 =	sadd.s32 $0xFFFFFEF7, lr;
	s5 =	simm.s32 $0xFFFFFFFF;
	p2 =	slt.u32 s8, $0xFFFFF086  }
0x1c: {  	p1 =	slt.u32 s9, $0xF7A;
	s5 =	simm.s32 @!p2 $0x0  }
0x1d: {  	s5 =	simm.s32 @p1 $0x1;
	p0 =	seq.s32 s7, s2  }
0x1e: {  	s7 =	smul.u32 @!p0 $0xF7A, s2;
	p2 =	seq.s32 @!p0 s5, $0x0  }
0x1f: {  	s9 =	smul.u32 $0xF7A, s1;
	s8 =	simm.s32 @!p0 $0x1BF5;
	p2 =	por !p2, p0  }
0x20: {  	[sflag:s8] =	ssyncset.s32 @!p0 $0xFFFFF086;
	s6 =	sadd.s32 @!p0 s3, s7;
	s7 =	simm.s32 @!p0 $0x108  }
0x21: {  	s3 =	sadd.s32 s3, s9;
	s6 =	sadd.s32 @!p0 $0x88, s6;
	s7 =	simm.s32 @p2 $0x1082  }
0x22: {  	[simem:s7], [sflag:s8] =	dma.local @!p0 [hbm:s6], $0xF7A  }
0x23: {  	s9 =	sor.u32 $0xD0000000, s2;
	s6 =	simm.s32 $0x108;
	_ =	swait.ge @!p0 [sflag:s8], $0x0  }
0x24: {  	s3 =	sadd.s32 $0x88, s3;
	s6 =	simm.s32 @!p1 $0x1082;
	[sflag:s4] =	ssyncset.s32 $0xFFFFF086  }
0x25: {  	[simem:s6], [sflag:s4] =	dma.local [hbm:s3], $0xF7A  }
0x26: {  	[smem:$0x3F97] =	sst s1;
	(tag) =	ssettag s2;
	_ =	strace s9  }
0x27: {  	s1 =	sld [smem:$0x3FA7]  }
0x28: {  	s2 =	sld [smem:$0x3FA8]  }
0x29: {  	s4 =	sld [smem:$0x3FAA]  }
0x2a: {  	p0 =	seq.s32 s5, $0x0;
	s5 =	sld [smem:$0x3FAB]  }
0x2b: {  	s6 =	sld [smem:$0x3FAC]  }
0x2c: {  	s7 =	sld [smem:$0x3FAD]  }
0x2d: {  	s3 =	simm.s32 $0x108;
	s8 =	sld [smem:$0x3FAE]  }
0x2e: {  	s3 =	simm.s32 @!p0 $0x1082;
	s9 =	sld [smem:$0x3FAF]  }
0x2f: {  	lr =	sadd.s32 s0, s3;
	s0 =	sld [smem:$0x3FA6]  }
0x30: {  	s3 =	sld [smem:$0x3FA9]  }
0x31: {  	[smem:$0x3FB2] =	sst s10  }
0x32: {  	s10 =	sld [smem:$0x3FB0];
	_ =	sdelay $0x3  }
0x33: {  	p0 =	seq.s32 s10, $0x1;
	s10 =	sld [smem:$0x3FB2];
	_ =	sdelay $0x3  }
0x34: {  	[smem:$0x3FB2] =	sst s10  }
0x35: {  	s10 =	sld [smem:$0x3FB1];
	_ =	sdelay $0x3  }
0x36: {  	p1 =	seq.s32 s10, $0x1;
	s10 =	sld [smem:$0x3FB2];
	_ =	sdelay $0x3  }
0x37: {  	[smem:$0x3FB2] =	sst s10  }
0x38: {  	s10 =	sld [smem:$0x3FB3]  }
0x39: {  	_ = 	snop;
	(pc) =	sbr.ind lr, $3  }
0x3a: {  	_ = 	snop  }
0x3b: {  	_ = 	snop  }
0x3c: {  	p2 =	seq.s32 s10, $0x1;
	s10 =	sld [smem:$0x3FB2]  }
0x3d: {  	_ =	shalt  }
0x3e: {  	_ =	shalt  }
0x3f: {  	_ =	shalt  }
0x40: {  	_ =	shalt  }
0x41: {  	_ =	shalt  }
0x42: {  	_ =	shalt  }
0x43: {  	_ =	shalt  }
0x44: {  	_ =	shalt  }
0x45: {  	_ =	shalt  }
0x46: {  	_ =	shalt  }
0x47: {  	_ =	shalt  }
0x48: {  	_ =	shalt  }
0x49: {  	_ =	shalt  }
0x4a: {  	_ =	shalt  }
0x4b: {  	_ =	shalt  }
0x4c: {  	_ =	shalt  }
0x4d: {  	_ =	shalt  }
0x4e: {  	_ =	shalt  }
0x4f: {  	_ =	shalt  }
0x50: {  	_ =	shalt  }
0x51: {  	_ =	shalt  }
0x52: {  	_ =	shalt  }
0x53: {  	_ =	shalt  }
0x54: {  	_ =	shalt  }
0x55: {  	_ =	shalt  }
0x56: {  	_ =	shalt  }
0x57: {  	_ =	shalt  }
0x58: {  	_ =	shalt  }
0x59: {  	_ =	shalt  }
0x5a: {  	_ =	shalt  }
0x5b: {  	_ =	shalt  }
0x5c: {  	_ =	shalt  }
0x5d: {  	_ =	shalt  }
0x5e: {  	_ =	shalt  }
0x5f: {  	_ =	shalt  }
0x60: {  	_ =	shalt  }
0x61: {  	_ =	shalt  }
0x62: {  	_ =	shalt  }
0x63: {  	_ =	shalt  }
0x64: {  	_ =	shalt  }
0x65: {  	_ =	shalt  }
0x66: {  	_ =	shalt  }
0x67: {  	_ =	shalt  }
0x68: {  	_ =	shalt  }
0x69: {  	_ =	shalt  }
0x6a: {  	_ =	shalt  }
0x6b: {  	_ =	shalt  }
0x6c: {  	_ =	shalt  }
0x6d: {  	_ =	shalt  }
0x6e: {  	_ =	shalt  }
0x6f: {  	_ =	shalt  }
0x70: {  	_ =	shalt  }
0x71: {  	_ =	shalt  }
0x72: {  	_ =	shalt  }
0x73: {  	_ =	shalt  }
0x74: {  	_ =	shalt  }
0x75: {  	_ =	shalt  }
0x76: {  	_ =	shalt  }
0x77: {  	_ =	shalt  }
0x78: {  	_ =	shalt  }
0x79: {  	_ =	shalt  }
0x7a: {  	_ =	shalt  }
0x7b: {  	_ =	shalt  }
0x7c: {  	_ =	shalt  }
0x7d: {  	_ =	shalt  }
0x7e: {  	_ =	shalt  }
0x7f: {  	_ =	shalt  }
0x80: {  	_ =	shalt  }
0x81: {  	_ =	shalt  }
0x82: {  	_ =	shalt  }
0x83: {  	_ =	shalt  }
0x84: {  	_ =	shalt  }
0x85: {  	_ =	shalt  }
0x86: {  	_ =	shalt  }
0x87: {  	_ =	shalt  }
.Lfunc_end0:
.L_simem_size_0:
called_computation.3_lowered:
.L_overlay_start_0:
0x88: {  	s2 =	sld [smem:$0x3FD9]  }
0x89: {  	s3 =	sld [smem:$0x3FFE];
	_ =	sdelay $0x1  }
0x8a: {  	s1 =	srdreg.scid  }
0x8b: {  	s0 =	sand.u32 $0x1, s1  }
0x8c: {  	s17 =	sshll.u32 s0, $0xA;
	s2 =	sadd.s32 s3, s2  }
0x8d: {  	s2 =	sadd.s32 s2, s17  }
0x8e: {  	[smem:$0x3FBE] =	sst s2  }
0x8f: {  	_ = 	snop  }
0x90: {  	s2 =	sld [smem:$0x3FD0];
	(tm) =	ssettm $0x1  }
0x91: {  	s18 =	sld [smem:$0x3FFB];
	_ =	sdelay $0x3  }
0x92: {  	_ =	strace s18  }
0x93: {  	s3 =	sld [smem:$0x3FFC];
	_ =	sdelay $0x3  }
0x94: {  	_ =	strace s3  }
0x95: {  	s3 =	sld [smem:$0x3FFD];
	_ =	sdelay $0x3  }
0x96: {  	_ =	strace s3  }
0x97: {  	_ =	strace $0x8FFFFFFF  }
0x98: {  	s19 =	sld [smem:$0x3FDB];
	_ =	sdelay $0x1  }
0x99: {  	s4 =	simm.s32 $_scs_section_size  }
0x9a: {  	s5 =	simm.s32 $_size__tile_overlayer_lowered;
	s6 =	simm.s32 $_tile_overlayer_lowered  }
0x9b: {  	s22 =	simm.s32 $0x1BFF;
	s21 =	sshll.u32 s6, $0x1;
	s3 =	sadd.s32 s4, s19  }
0x9c: {  	s7 =	simm.s32 $0x0;
	s20 =	sshll.u32 s5, $0x1;
	s5 =	sadd.s32 s21, s3  }
0x9d: {  	[timem:s7], [sflag:s22] =	dma.local [hbm:s5], s20  }
0x9e: {  	_ =	swait.ge [sflag:s22], s20  }
0x9f: {  	s4 =	ssub.s32 $0x0, s20;
	[sflag:s22] =	ssyncset.done $0x0  }
0xa0: {  	[sflag:s22] =	ssyncadd.s32 s4;
	_ =	sdelay $0x1  }
0xa1: {  	s23 =	simm.s32 $0x1B8B  }
0xa2: {  	_ =	swait.ge [sflag:s23], $0x1  }
0xa3: {  	[sflag:s23] =	ssyncset.done $0x0  }
0xa4: {  	s25 =	simm.s32 $0x1B8E;
	s24 =	sld [smem:$0x3FFE];
	[sflag:s23] =	ssyncadd.s32 $0xFFFFFFFF  }
0xa5: {  	s26 =	simm.s32 $execute0_lowered;
	[smem:$0x3FD2] =	sst s25  }
0xa6: {  	s5 =	sshll.u32 s26, $0x1;
	_ =	strace $0x8000004F;
	[dreg:$0x1] =	wrdreg $0xFFFFFFFF  }
0xa7: {  	s28 =	simm.s32 $_size_execute0_lowered;
	s3 =	sadd.s32 s3, s5;
	[dreg:$0x0] =	wrdreg $0x0  }
0xa8: {  	s5 =	sshll.u32 s28, $0x1;
	[dreg:$0x2] =	wrdreg s3  }
0xa9: {  	[dreg:$0x3] =	wrdreg s5  }
0xaa: {  	[dreg:$0x4] =	wrdreg $0xC0  }
0xab: {  	_ =	task [dreg:s7], $0x5FFFF  }
0xac: {  	[dreg:$0x1] =	wrdreg $0xFFFFFFFF  }
0xad: {  	[dreg:$0x0] =	wrdreg $0x60  }
0xae: {  	[dreg:$0x2] =	wrdreg s24  }
0xaf: {  	[dreg:$0x3] =	wrdreg s2  }
0xb0: {  	[dreg:$0x4] =	wrdreg $0x4F000  }
0xb1: {  	[dreg:$0x5] =	wrdreg $0x9  }
0xb2: {  	_ =	task.clear_ibuf [dreg:s7], $0x6FFFF;
	_ =	strace $0x9000004F  }
0xb3: {  	s29 =	simm.s32 $0x9;
	_ =	strace $0x80000051  }
0xb4: {  	_ =	swait.ge [sflag:s29], $0x1  }
0xb5: {  	[sflag:s29] =	ssyncadd.s32 $0xFFFFFFFF  }
0xb6: {  	_ =	strace $0x90000051  }
0xb7: {  	_ =	sfence  }
0xb8: {  	s30 =	sld [smem:$0x0];
	_ =	sdelay $0x2  }
0xb9: {  	s31 =	sshll.u32 s1, $0xD;
	s1 =	sshrl.u32 s1, $0x2  }
0xba: {  	s3 =	sand.u32 $0x4000, s31;
	s1 =	sadd.s32 s1, s30  }
0xbb: {  	s0 =	sor.u32 s3, s0;
	s1 =	sshll.u32 s1, $0x11  }
0xbc: {  	s0 =	sor.u32 s1, s0  }
0xbd: {  	s0 =	sadd.s32 $0x8F2B, s0  }
0xbe: {  	[sflag:s0] =	ssyncadd.remote.s32 $0x1  }
0xbf: {  	_ =	sfence.sel $0xFFFF  }
0xc0: {  	[dreg:$0x0] =	wrdreg $0xFFFFFFFF;
	(pc) =	sbr.abs _section_cstart, $3  }
0xc1: {  	[dreg:$0x1] =	wrdreg $0xFFFFFFFF  }
0xc2: {  	_ =	task.clear_ibuf [dreg:s7], $0x2FFFF;
	_ =	strace $0x9FFFFFFF  }
0xc3: {  	(tm) =	ssettm $0x7FFFFFFF  }
tec
execute0_lowered:
.L_overlay_start_1:
0x0: {  	(tag) =	ssettag $0x1  }
0x1: {  	s0 =	rddreg [dreg:$0x0]  }
0x2: {  	s4 =	rddreg [dreg:$0x1]  }
0x3: {  	s1 =	rddreg [dreg:$0x2]  }
0x4: {  	s2 =	srdreg.scid;
	s12 =	stileid.u32  }
0x5: {  	s16 =	simm.s32 $0x80;
	s17 =	simm.s32 $0xEB60;
	s18 =	simm.s32 $0x10B60  }
0x6: {  	s20 =	simm.s32 $0x12B60;
	s28 =	simm.s32 $0x4E00;
	s29 =	simm.s32 $0x4E80  }
0x7: {  	s30 =	simm.s32 $0x10;
	s31 =	simm.s32 $0x8;
	s7 =	sand.u32 $0x1, s2  }
0x8: {  	s2 =	simm.s32 $0x0;
	s6 =	smul.u32 $0x9C00, s12;
	s13 =	sadd.s32 $0x2C200, s0  }
0x9: {  	s21 =	smul.u32 $0x13800, s12;
	s15 =	sadd.s32 $0x9C000, s1;
	p0 =	sne.s32 s12, $0x0  }
0xa: {  	s26 =	sshll.u32 s12, $0x6;
	s3 =	sshll.u32 s7, $0x4;
	[smem:$0x7FF] =	sst s2  }
0xb: {  	s9 =	ssub.s32 $0x2, s7;
	s22 =	sshll.u32 s7, $0x6;
	s24 =	sshll.u32 s7, $0x3  }
0xc: {  	s7 =	sadd.s32 $0x2C000, s0;
	s15 =	sshrl.u32 @!p0 s15, $0x3;
	s3 =	sor.u32 s12, s3  }
0xd: {  	_ =	strace $0x80000050;
	s8 =	sshrl.u32 s6, $0x3;
	s11 =	sshrl.u32 s9, $0x1  }
0xe: {  	s14 =	sadd.s32 s6, s1;
	s23 =	sor.u32 s22, s21;
	s25 =	sadd.s32 s24, s13  }
0xf: {  	s22 =	simm.s32 $0x14B60;
	s24 =	simm.s32 $0x2;
	s5 =	smul.u32 $0x4F0, s3  }
0x10: {  	s3 =	sadd.s32 $0x4A00, s0;
	s8 =	sadd.s32 s8, s0;
	s11 =	ssub.s32 s9, s11  }
0x11: {  	s9 =	sadd.s32 $0x27000, s25;
	s14 =	sshrl.u32 s14, $0x3;
	s25 =	simm.s32 $0x3  }
0x12: {  	s6 =	sadd.s32 $0x18800, s8;
	s8 =	sshrl.u32 s23, $0x3;
	s23 =	simm.s32 $0x1  }
0x13: {  	s10 =	sadd.s32 s5, s0;
	s4 =	sadd.s32 s4, s5;
	s8 =	sadd.s32 s13, s8  }
0x14: {  	s13 =	sor.u32 $0x1C05, s26;
	s26 =	simm.s32 $0x4;
	s0 =	simm.s32 $0x0  }
0x15: {  	s5 =	sadd.s32 $0xB4E00, s10;
	s10 =	smax.u32 s11, $0x1;
	s11 =	simm.s32 $0x5  }
.LBB2_1:
0x16: {  	[tilespmem:s2], [sflag:$0x5] =	stream.linear.gather [hbm4b:s4+s2], $0x2780, $0x38;
	[tilespmem:$0x16B60] =	vst v63  }
0x17: {  	_ =	swait.ge [sflag:s11], $0x2780  }
0x18: {  	[sflag:s11] =	ssyncset.done $0x0  }
0x19: {  	s12 =	simm.s32 $0x2780;
	[sflag:s11] =	ssyncadd.s32 $0xFFFFD880  }
0x1a: {  	[tilespmem:s12], [sflag:$0x5] =	stream.linear.gather [hbm4b:s5+s2], $0x2780, $0x38;
	[tilespmem:$0x16B60] =	vst v63  }
0x1b: {  	_ =	swait.ge [sflag:s11], $0x2780  }
0x1c: {  	[sflag:s11] =	ssyncset.done $0x0  }
0x1d: {  	[sflag:s11] =	ssyncadd.s32 $0xFFFFD880  }
0x1e: {  	[spmem:s14], [sflag:s13] =	dma.local [hbm:s6], $0x1380  }
0x1f: {  	_ =	swait.ge [sflag:s11], $0x1380  }
0x20: {  	[sflag:s11] =	ssyncset.done $0x0  }
0x21: {  	s12 =	simm.s32 @!p0 $0x5;
	[sflag:s11] =	ssyncadd.s32 $0xFFFFEC80  }
0x22: {  	[spmem:s15], [sflag:s13] =	dma.local @!p0 [hbm:s7], $0xC0  }
0x23: {  	_ =	swait.ge @!p0 [sflag:s12], $0xC0  }
0x24: {  	[sflag:s12] =	ssyncset.done @!p0 $0x0  }
0x25: {  	[sflag:s12] =	ssyncadd.s32 @!p0 $0xFFFFFF40  }
0x26: {  	[bflag:$0x0] =	sbarrier.arrive $0xFFFF  }
0x27: {  	[tilespmem:s17], [sflag:$0x1] =	stream.indirect.gather [hbm4b:s3+s16], $0x40, s2, s16, $0xb8;
	[tilespmem:$0x16B60] =	vst v63  }
0x28: {  	_ = 	snop  }
0x29: {  	[tilespmem:s18], [sflag:$0x2] =	stream.indirect.gather [hbm4b:s3+s16], $0x40, s16, s16, $0xb8;
	[tilespmem:$0x16B60] =	vst v63  }
0x2a: {  	s21 =	simm.s32 $0x100  }
0x2b: {  	[tilespmem:s20], [sflag:$0x3] =	stream.indirect.gather [hbm4b:s3+s16], $0x40, s21, s16, $0xb8;
	[tilespmem:$0x16B60] =	vst v63  }
0x2c: {  	s19 =	simm.s32 $0x180  }
0x2d: {  	[tilespmem:s22], [sflag:$0x4] =	stream.indirect.gather [hbm4b:s3+s16], $0x40, s19, s16, $0xb8;
	[tilespmem:$0x16B60] =	vst v63  }
0x2e: {  	_ =	swait.ge [sflag:s23], $0x2000  }
0x2f: {  	[sflag:s23] =	ssyncset.done $0x0  }
0x30: {  	s21 =	simm.s32 $0x2780;
	[sflag:s23] =	ssyncadd.s32 $0xFFFFE000  }
0x31: {  	[spmem:s1] =	stream.indirect.scatter.add.f32 [tilespmem:s17], [sflag:$0x5], $0x40, s21, s16, $0xb8;
	[tilespmem:$0x16B60] =	vst v63  }
0x32: {  	_ =	swait.ge [sflag:s11], $0x2000  }
0x33: {  	[sflag:s11] =	ssyncset.done $0x0  }
0x34: {  	s19 =	simm.s32 $0x200;
	[sflag:s11] =	ssyncadd.s32 $0xFFFFE000  }
0x35: {  	[tilespmem:s17], [sflag:$0x1] =	stream.indirect.gather [hbm4b:s3+s16], $0x40, s19, s16, $0xb8;
	[tilespmem:$0x16B60] =	vst v63  }
0x36: {  	_ =	swait.ge [sflag:s24], $0x2000  }
0x37: {  	[sflag:s24] =	ssyncset.done $0x0  }
0x38: {  	s21 =	simm.s32 $0x2800;
	[sflag:s24] =	ssyncadd.s32 $0xFFFFE000  }
0x39: {  	[spmem:s1] =	stream.indirect.scatter.add.f32 [tilespmem:s18], [sflag:$0x5], $0x40, s21, s16, $0xb8;
	[tilespmem:$0x16B60] =	vst v63  }
0x3a: {  	_ =	swait.ge [sflag:s11], $0x2000  }
0x3b: {  	[sflag:s11] =	ssyncset.done $0x0  }
0x3c: {  	s19 =	simm.s32 $0x280;
	[sflag:s11] =	ssyncadd.s32 $0xFFFFE000  }
0x3d: {  	[tilespmem:s18], [sflag:$0x2] =	stream.indirect.gather [hbm4b:s3+s16], $0x40, s19, s16, $0xb8;
	[tilespmem:$0x16B60] =	vst v63  }
0x3e: {  	_ =	swait.ge [sflag:s25], $0x2000  }
0x3f: {  	[sflag:s25] =	ssyncset.done $0x0  }
0x40: {  	s21 =	simm.s32 $0x2880;
	[sflag:s25] =	ssyncadd.s32 $0xFFFFE000  }
0x41: {  	[spmem:s1] =	stream.indirect.scatter.add.f32 [tilespmem:s20], [sflag:$0x5], $0x40, s21, s16, $0xb8;
	[tilespmem:$0x16B60] =	vst v63  }
0x42: {  	_ =	swait.ge [sflag:s11], $0x2000  }
0x43: {  	[sflag:s11] =	ssyncset.done $0x0  }
0x44: {  	s19 =	simm.s32 $0x300;
	[sflag:s11] =	ssyncadd.s32 $0xFFFFE000  }
0x45: {  	[tilespmem:s20], [sflag:$0x3] =	stream.indirect.gather [hbm4b:s3+s16], $0x40, s19, s16, $0xb8;
	[tilespmem:$0x16B60] =	vst v63  }
0x46: {  	_ =	swait.ge [sflag:s26], $0x2000  }
0x47: {  	[sflag:s26] =	ssyncset.done $0x0  }
0x48: {  	s21 =	simm.s32 $0x2900;
	[sflag:s26] =	ssyncadd.s32 $0xFFFFE000  }
0x49: {  	[spmem:s1] =	stream.indirect.scatter.add.f32 [tilespmem:s22], [sflag:$0x5], $0x40, s21, s16, $0xb8;
	[tilespmem:$0x16B60] =	vst v63  }
0x4a: {  	_ =	swait.ge [sflag:s11], $0x2000  }
0x4b: {  	[sflag:s11] =	ssyncset.done $0x0  }
0x4c: {  	s12 =	simm.s32 $0x800;
	s19 =	simm.s32 $0x380;
	[sflag:s11] =	ssyncadd.s32 $0xFFFFE000  }
.LBB2_2:
0x4d: {  	[tilespmem:s22], [sflag:$0x4] =	stream.indirect.gather [hbm4b:s3+s16], $0x40, s19, s16, $0xb8;
	[tilespmem:$0x16B60] =	vst v63  }
0x4e: {  	s19 =	smov.u32 s12  }
0x4f: {  	p1 =	sne.s32 s12, $0x8800;
	s12 =	sadd.s32 $0x800, s12;
	_ =	swait.ge [sflag:s23], $0x2000  }
0x50: {  	s19 =	sshra.s32 s19, $0x2;
	[sflag:s23] =	ssyncset.done $0x0  }
0x51: {  	s21 =	sadd.s32 $0x2780, s19;
	[sflag:s23] =	ssyncadd.s32 $0xFFFFE000  }
0x52: {  	[spmem:s1] =	stream.indirect.scatter.add.f32 [tilespmem:s17], [sflag:$0x5], $0x40, s21, s16, $0xb8;
	[tilespmem:$0x16B60] =	vst v63  }
0x53: {  	_ =	swait.ge [sflag:s11], $0x2000  }
0x54: {  	[sflag:s11] =	ssyncset.done $0x0  }
0x55: {  	s21 =	sadd.s32 $0x200, s19;
	[sflag:s11] =	ssyncadd.s32 $0xFFFFE000  }
0x56: {  	[tilespmem:s17], [sflag:$0x1] =	stream.indirect.gather [hbm4b:s3+s16], $0x40, s21, s16, $0xb8;
	[tilespmem:$0x16B60] =	vst v63  }
0x57: {  	_ =	swait.ge [sflag:s24], $0x2000  }
0x58: {  	[sflag:s24] =	ssyncset.done $0x0  }
0x59: {  	s21 =	sadd.s32 $0x2800, s19;
	[sflag:s24] =	ssyncadd.s32 $0xFFFFE000  }
0x5a: {  	[spmem:s1] =	stream.indirect.scatter.add.f32 [tilespmem:s18], [sflag:$0x5], $0x40, s21, s16, $0xb8;
	[tilespmem:$0x16B60] =	vst v63  }
0x5b: {  	_ =	swait.ge [sflag:s11], $0x2000  }
0x5c: {  	[sflag:s11] =	ssyncset.done $0x0  }
0x5d: {  	s21 =	sadd.s32 $0x280, s19;
	[sflag:s11] =	ssyncadd.s32 $0xFFFFE000  }
0x5e: {  	[tilespmem:s18], [sflag:$0x2] =	stream.indirect.gather [hbm4b:s3+s16], $0x40, s21, s16, $0xb8;
	[tilespmem:$0x16B60] =	vst v63  }
0x5f: {  	_ =	swait.ge [sflag:s25], $0x2000  }
0x60: {  	[sflag:s25] =	ssyncset.done $0x0  }
0x61: {  	s21 =	sadd.s32 $0x2880, s19;
	[sflag:s25] =	ssyncadd.s32 $0xFFFFE000  }
0x62: {  	[spmem:s1] =	stream.indirect.scatter.add.f32 [tilespmem:s20], [sflag:$0x5], $0x40, s21, s16, $0xb8;
	[tilespmem:$0x16B60] =	vst v63  }
0x63: {  	_ =	swait.ge [sflag:s11], $0x2000  }
0x64: {  	[sflag:s11] =	ssyncset.done $0x0  }
0x65: {  	s21 =	sadd.s32 $0x300, s19;
	[sflag:s11] =	ssyncadd.s32 $0xFFFFE000  }
0x66: {  	[tilespmem:s20], [sflag:$0x3] =	stream.indirect.gather [hbm4b:s3+s16], $0x40, s21, s16, $0xb8;
	[tilespmem:$0x16B60] =	vst v63  }
0x67: {  	_ =	swait.ge [sflag:s26], $0x2000  }
0x68: {  	[sflag:s26] =	ssyncset.done $0x0  }
.Ltmp0:
0x69: {  	s21 =	sadd.s32 $0x2900, s19;
	[sflag:s26] =	ssyncadd.s32 $0xFFFFE000;
	(pc) =	sbr.rel @p1 .LBB2_2-.Ltmp0, $4  }
0x6a: {  	[spmem:s1] =	stream.indirect.scatter.add.f32 [tilespmem:s22], [sflag:$0x5], $0x40, s21, s16, $0xb8;
	[tilespmem:$0x16B60] =	vst v63  }
0x6b: {  	_ =	swait.ge [sflag:s11], $0x2000  }
0x6c: {  	[sflag:s11] =	ssyncset.done $0x0  }
0x6d: {  	s19 =	sadd.s32 $0x380, s19;
	[sflag:s11] =	ssyncadd.s32 $0xFFFFE000  }
0x6e: {  	[tilespmem:s22], [sflag:$0x4] =	stream.indirect.gather [hbm4b:s3+s16], $0x40, s19, s16, $0xb8;
	[tilespmem:$0x16B60] =	vst v63  }
0x6f: {  	_ =	swait.ge [sflag:s23], $0x2000  }
0x70: {  	[sflag:s23] =	ssyncset.done $0x0  }
0x71: {  	s12 =	simm.s32 $0x4B80;
	[sflag:s23] =	ssyncadd.s32 $0xFFFFE000  }
0x72: {  	[spmem:s1] =	stream.indirect.scatter.add.f32 [tilespmem:s17], [sflag:$0x5], $0x40, s12, s16, $0xb8;
	[tilespmem:$0x16B60] =	vst v63  }
0x73: {  	_ =	swait.ge [sflag:s11], $0x2000  }
0x74: {  	[sflag:s11] =	ssyncset.done $0x0  }
0x75: {  	s21 =	simm.s32 $0x2600;
	[sflag:s11] =	ssyncadd.s32 $0xFFFFE000  }
0x76: {  	[tilespmem:s17], [sflag:$0x1] =	stream.indirect.gather [hbm4b:s3+s16], $0x40, s21, s16, $0xb8;
	[tilespmem:$0x16B60] =	vst v63  }
0x77: {  	_ =	swait.ge [sflag:s24], $0x2000  }
0x78: {  	[sflag:s24] =	ssyncset.done $0x0  }
0x79: {  	s19 =	simm.s32 $0x4C00;
	[sflag:s24] =	ssyncadd.s32 $0xFFFFE000  }
0x7a: {  	[spmem:s1] =	stream.indirect.scatter.add.f32 [tilespmem:s18], [sflag:$0x5], $0x40, s19, s16, $0xb8;
	[tilespmem:$0x16B60] =	vst v63  }
0x7b: {  	_ =	swait.ge [sflag:s11], $0x2000  }
0x7c: {  	[sflag:s11] =	ssyncset.done $0x0  }
0x7d: {  	s21 =	simm.s32 $0x2680;
	[sflag:s11] =	ssyncadd.s32 $0xFFFFE000  }
0x7e: {  	[tilespmem:s18], [sflag:$0x2] =	stream.indirect.gather [hbm4b:s3+s16], $0x40, s21, s16, $0xb8;
	[tilespmem:$0x16B60] =	vst v63  }
0x7f: {  	_ =	swait.ge [sflag:s25], $0x2000  }
0x80: {  	[sflag:s25] =	ssyncset.done $0x0  }
0x81: {  	s19 =	simm.s32 $0x4C80;
	[sflag:s25] =	ssyncadd.s32 $0xFFFFE000  }
0x82: {  	[spmem:s1] =	stream.indirect.scatter.add.f32 [tilespmem:s20], [sflag:$0x5], $0x40, s19, s16, $0xb8;
	[tilespmem:$0x16B60] =	vst v63  }
0x83: {  	_ =	swait.ge [sflag:s11], $0x2000  }
0x84: {  	[sflag:s11] =	ssyncset.done $0x0  }
0x85: {  	s21 =	simm.s32 $0x2700;
	[sflag:s11] =	ssyncadd.s32 $0xFFFFE000  }
0x86: {  	[tilespmem:s20], [sflag:$0x3] =	stream.indirect.gather [hbm4b:s3+s16], $0x40, s21, s16, $0xb8;
	[tilespmem:$0x16B60] =	vst v63  }
0x87: {  	_ =	swait.ge [sflag:s26], $0x2000  }
0x88: {  	[sflag:s26] =	ssyncset.done $0x0  }
0x89: {  	s19 =	simm.s32 $0x4D00;
	[sflag:s26] =	ssyncadd.s32 $0xFFFFE000  }
0x8a: {  	[spmem:s1] =	stream.indirect.scatter.add.f32 [tilespmem:s22], [sflag:$0x5], $0x40, s19, s16, $0xb8;
	[tilespmem:$0x16B60] =	vst v63  }
0x8b: {  	_ =	swait.ge [sflag:s11], $0x2000  }
0x8c: {  	[sflag:s11] =	ssyncset.done $0x0  }
0x8d: {  	[sflag:s11] =	ssyncadd.s32 $0xFFFFE000  }
0x8e: {  	_ =	swait.ge [sflag:s23], $0x2000  }
0x8f: {  	[sflag:s23] =	ssyncset.done $0x0  }
0x90: {  	s21 =	simm.s32 $0x4D80;
	[sflag:s23] =	ssyncadd.s32 $0xFFFFE000  }
0x91: {  	[spmem:s1] =	stream.indirect.scatter.add.f32 [tilespmem:s17], [sflag:$0x5], $0x40, s21, s16, $0xb8;
	[tilespmem:$0x16B60] =	vst v63  }
0x92: {  	_ =	swait.ge [sflag:s11], $0x2000  }
0x93: {  	[sflag:s11] =	ssyncset.done $0x0  }
0x94: {  	[sflag:s11] =	ssyncadd.s32 $0xFFFFE000  }
0x95: {  	_ =	swait.ge [sflag:s24], $0x2000  }
0x96: {  	[sflag:s24] =	ssyncset.done $0x0  }
0x97: {  	[sflag:s24] =	ssyncadd.s32 $0xFFFFE000  }
0x98: {  	[spmem:s1] =	stream.indirect.scatter.add.f32 [tilespmem:s18], [sflag:$0x5], $0x40, s28, s16, $0xb8;
	[tilespmem:$0x16B60] =	vst v63  }
0x99: {  	_ =	swait.ge [sflag:s11], $0x2000  }
0x9a: {  	[sflag:s11] =	ssyncset.done $0x0  }
0x9b: {  	[sflag:s11] =	ssyncadd.s32 $0xFFFFE000  }
0x9c: {  	_ =	swait.ge [sflag:s25], $0x2000  }
0x9d: {  	[sflag:s25] =	ssyncset.done $0x0  }
0x9e: {  	[sflag:s25] =	ssyncadd.s32 $0xFFFFE000  }
0x9f: {  	[spmem:s1] =	stream.indirect.scatter.add.f32 [tilespmem:s20], [sflag:$0x5], $0x40, s29, s16, $0xb8;
	[tilespmem:$0x16B60] =	vst v63  }
0xa0: {  	_ =	swait.ge [sflag:s11], $0x2000  }
0xa1: {  	[sflag:s11] =	ssyncset.done $0x0  }
0xa2: {  	[sflag:s11] =	ssyncadd.s32 $0xFFFFE000  }
0xa3: {  	[bflag:$0x0] =	sbarrier.arrive $0xFFFF  }
0xa4: {  	[hbm:s8@s30], [sflag:s13] =	dma.strided [spmem:s14@s31], $0x1380, s23, $0x8   }
0xa5: {  	s0 =	sadd.s32 $0x1, s0;
	_ =	swait.ge [sflag:s11], $0x1380  }
0xa6: {  	p1 =	sne.s32 s0, s10;
	s12 =	simm.s32 @!p0 $0x1;
	[sflag:s11] =	ssyncset.done $0x0  }
0xa7: {  	s19 =	simm.s32 @!p0 $0x10;
	s21 =	simm.s32 @!p0 $0x8;
	[sflag:s11] =	ssyncadd.s32 $0xFFFFEC80  }
0xa8: {  	[hbm:s9@s19], [sflag:s13] =	dma.strided @!p0 [spmem:s15@s21], $0xC0, s12, $0x8   }
.Ltmp1:
0xa9: {  	_ = 	snop;
	(pc) =	sbr.rel @p1 .LBB2_1-.Ltmp1, $4  }
0xaa: {  	s12 =	simm.s32 @!p0 $0x5  }
0xab: {  	_ =	swait.ge @!p0 [sflag:s12], $0xC0  }
0xac: {  	[sflag:s12] =	ssyncset.done @!p0 $0x0  }
0xad: {  	[sflag:s12] =	ssyncadd.s32 @!p0 $0xFFFFFF40  }
0xae: {  	_ =	sfence.sel $0x180000  }
0xaf: {  	[bflag:$0x0] =	sbarrier.arrive $0xFFFF  }
0xb0: {  	_ =	strace $0x90000050  }
0xb1: {  	[bflag:$0x2] =	sbarrier.arrive $0xFFFF  }
0xb2: {  	s0 =	rddreg [dreg:$0x3]  }
0xb3: {  	s0 =	sadd.s32 @!p0 $0x100000, s0  }
0xb4: {  	[sflag:s0] =	ssyncadd.tile.s32 @!p0 $0x1;
	_ =	shalt  }
.Lfunc_end2:
_tile_overlayer_lowered:
.L_overlay_start_2:
0xb5: {  	(tag) =	ssettag $0x2  }
0xb6: {  	s0 =	rddreg [dreg:$0x0];
	s2 =	stileid.u32  }
0xb7: {  	s1 =	rddreg [dreg:$0x1];
	p0 =	sne.s32 s2, $0x0  }
0xb8: {  	s3 =	rddreg [dreg:$0x2];
	[bflag:$0x3] =	sbarrier.arrive $0xFFFF;
	s2 =	simm.s32 @!p0 $0x1C05  }
0xb9: {  	[timem:s3], [sflag:s2] =	dma.local @!p0 [hbm:s0], s1  }
0xba: {  	s0 =	simm.s32 @!p0 $0x5  }
0xbb: {  	_ =	swait.ge @!p0 [sflag:s0], s1  }
0xbc: {  	s1 =	ssub.s32 @!p0 $0x0, s1;
	[sflag:s0] =	ssyncset.done @!p0 $0x0  }
0xbd: {  	[sflag:s0] =	ssyncadd.s32 @!p0 s1  }
0xbe: {  	[bflag:$0x3] =	sbarrier.arrive $0xFFFF  }
0xbf: {  	_ =	shalt  }

// kernel: kernel.24.cloned.1.call-start
scs
__scs_entry_jumppad:
0x0: {  	(pc) =	sbr.rel $0x88, $3  }
0x1: {  	(tag) =	ssettag $0x0;
	lr =	simm.s32 $0x1  }
0x2: {  	[smem:$0x3F97] =	sst lr;
	_ =	strace $0xD0000000  }
0x3: {  	_ = 	snop  }
0x4: {  	_ = 	snop  }
0x5: {  	_ = 	snop  }
0x6: {  	_ = 	snop  }
0x7: {  	_ = 	snop  }
__scs_overlays_trampoline_lowered:
0x8: {  	[smem:$0x3FA6] =	sst s0  }
0x9: {  	[smem:$0x3FA7] =	sst s1  }
0xa: {  	[smem:$0x3FA8] =	sst s2  }
0xb: {  	[smem:$0x3FA9] =	sst s3  }
0xc: {  	[smem:$0x3FAA] =	sst s4  }
0xd: {  	[smem:$0x3FAB] =	sst s5  }
0xe: {  	[smem:$0x3FAC] =	sst s6  }
0xf: {  	[smem:$0x3FAD] =	sst s7  }
0x10: {  	[smem:$0x3FAE] =	sst s8  }
0x11: {  	[smem:$0x3FAF] =	sst s9;
	s0 =	simm.s32 @!p0 $0x0  }
0x12: {  	s1 =	sld [smem:$0x3F95];
	s0 =	simm.s32 @p0 $0x1  }
0x13: {  	[smem:$0x3FB0] =	sst s0;
	s0 =	simm.s32 @!p1 $0x0  }
0x14: {  	s2 =	sld [smem:$0x3F94];
	s0 =	simm.s32 @p1 $0x1  }
0x15: {  	[smem:$0x3FB1] =	sst s0;
	s0 =	simm.s32 @!p2 $0x0  }
0x16: {  	s3 =	sld [smem:$0x3FDB];
	s0 =	simm.s32 @p2 $0x1  }
0x17: {  	s4 =	simm.s32 $0x1BF5;
	[smem:$0x3FB3] =	sst s0  }
0x18: {  	s0 =	sld [smem:$0x3F96];
	_ =	swait.ge [sflag:s4], $0x0  }
0x19: {  	s7 =	sld [smem:$0x3F97]  }
0x1a: {  	s8 =	sadd.s32 $0xFFFFE003, lr  }
0x1b: {  	s9 =	sadd.s32 $0xFFFFFEF7, lr;
	s5 =	simm.s32 $0xFFFFFFFF;
	p2 =	slt.u32 s8, $0xFFFFF086  }
0x1c: {  	p1 =	slt.u32 s9, $0xF7A;
	s5 =	simm.s32 @!p2 $0x0  }
0x1d: {  	s5 =	simm.s32 @p1 $0x1;
	p0 =	seq.s32 s7, s2  }
0x1e: {  	s7 =	smul.u32 @!p0 $0xF7A, s2;
	p2 =	seq.s32 @!p0 s5, $0x0  }
0x1f: {  	s9 =	smul.u32 $0xF7A, s1;
	s8 =	simm.s32 @!p0 $0x1BF5;
	p2 =	por !p2, p0  }
0x20: {  	[sflag:s8] =	ssyncset.s32 @!p0 $0xFFFFF086;
	s6 =	sadd.s32 @!p0 s3, s7;
	s7 =	simm.s32 @!p0 $0x108  }
0x21: {  	s3 =	sadd.s32 s3, s9;
	s6 =	sadd.s32 @!p0 $0x88, s6;
	s7 =	simm.s32 @p2 $0x1082  }
0x22: {  	[simem:s7], [sflag:s8] =	dma.local @!p0 [hbm:s6], $0xF7A  }
0x23: {  	s9 =	sor.u32 $0xD0000000, s2;
	s6 =	simm.s32 $0x108;
	_ =	swait.ge @!p0 [sflag:s8], $0x0  }
0x24: {  	s3 =	sadd.s32 $0x88, s3;
	s6 =	simm.s32 @!p1 $0x1082;
	[sflag:s4] =	ssyncset.s32 $0xFFFFF086  }
0x25: {  	[simem:s6], [sflag:s4] =	dma.local [hbm:s3], $0xF7A  }
0x26: {  	[smem:$0x3F97] =	sst s1;
	(tag) =	ssettag s2;
	_ =	strace s9  }
0x27: {  	s1 =	sld [smem:$0x3FA7]  }
0x28: {  	s2 =	sld [smem:$0x3FA8]  }
0x29: {  	s4 =	sld [smem:$0x3FAA]  }
0x2a: {  	p0 =	seq.s32 s5, $0x0;
	s5 =	sld [smem:$0x3FAB]  }
0x2b: {  	s6 =	sld [smem:$0x3FAC]  }
0x2c: {  	s7 =	sld [smem:$0x3FAD]  }
0x2d: {  	s3 =	simm.s32 $0x108;
	s8 =	sld [smem:$0x3FAE]  }
0x2e: {  	s3 =	simm.s32 @!p0 $0x1082;
	s9 =	sld [smem:$0x3FAF]  }
0x2f: {  	lr =	sadd.s32 s0, s3;
	s0 =	sld [smem:$0x3FA6]  }
0x30: {  	s3 =	sld [smem:$0x3FA9]  }
0x31: {  	[smem:$0x3FB2] =	sst s10  }
0x32: {  	s10 =	sld [smem:$0x3FB0];
	_ =	sdelay $0x3  }
0x33: {  	p0 =	seq.s32 s10, $0x1;
	s10 =	sld [smem:$0x3FB2];
	_ =	sdelay $0x3  }
0x34: {  	[smem:$0x3FB2] =	sst s10  }
0x35: {  	s10 =	sld [smem:$0x3FB1];
	_ =	sdelay $0x3  }
0x36: {  	p1 =	seq.s32 s10, $0x1;
	s10 =	sld [smem:$0x3FB2];
	_ =	sdelay $0x3  }
0x37: {  	[smem:$0x3FB2] =	sst s10  }
0x38: {  	s10 =	sld [smem:$0x3FB3]  }
0x39: {  	_ = 	snop;
	(pc) =	sbr.ind lr, $3  }
0x3a: {  	_ = 	snop  }
0x3b: {  	_ = 	snop  }
0x3c: {  	p2 =	seq.s32 s10, $0x1;
	s10 =	sld [smem:$0x3FB2]  }
0x3d: {  	_ =	shalt  }
0x3e: {  	_ =	shalt  }
0x3f: {  	_ =	shalt  }
0x40: {  	_ =	shalt  }
0x41: {  	_ =	shalt  }
0x42: {  	_ =	shalt  }
0x43: {  	_ =	shalt  }
0x44: {  	_ =	shalt  }
0x45: {  	_ =	shalt  }
0x46: {  	_ =	shalt  }
0x47: {  	_ =	shalt  }
0x48: {  	_ =	shalt  }
0x49: {  	_ =	shalt  }
0x4a: {  	_ =	shalt  }
0x4b: {  	_ =	shalt  }
0x4c: {  	_ =	shalt  }
0x4d: {  	_ =	shalt  }
0x4e: {  	_ =	shalt  }
0x4f: {  	_ =	shalt  }
0x50: {  	_ =	shalt  }
0x51: {  	_ =	shalt  }
0x52: {  	_ =	shalt  }
0x53: {  	_ =	shalt  }
0x54: {  	_ =	shalt  }
0x55: {  	_ =	shalt  }
0x56: {  	_ =	shalt  }
0x57: {  	_ =	shalt  }
0x58: {  	_ =	shalt  }
0x59: {  	_ =	shalt  }
0x5a: {  	_ =	shalt  }
0x5b: {  	_ =	shalt  }
0x5c: {  	_ =	shalt  }
0x5d: {  	_ =	shalt  }
0x5e: {  	_ =	shalt  }
0x5f: {  	_ =	shalt  }
0x60: {  	_ =	shalt  }
0x61: {  	_ =	shalt  }
0x62: {  	_ =	shalt  }
0x63: {  	_ =	shalt  }
0x64: {  	_ =	shalt  }
0x65: {  	_ =	shalt  }
0x66: {  	_ =	shalt  }
0x67: {  	_ =	shalt  }
0x68: {  	_ =	shalt  }
0x69: {  	_ =	shalt  }
0x6a: {  	_ =	shalt  }
0x6b: {  	_ =	shalt  }
0x6c: {  	_ =	shalt  }
0x6d: {  	_ =	shalt  }
0x6e: {  	_ =	shalt  }
0x6f: {  	_ =	shalt  }
0x70: {  	_ =	shalt  }
0x71: {  	_ =	shalt  }
0x72: {  	_ =	shalt  }
0x73: {  	_ =	shalt  }
0x74: {  	_ =	shalt  }
0x75: {  	_ =	shalt  }
0x76: {  	_ =	shalt  }
0x77: {  	_ =	shalt  }
0x78: {  	_ =	shalt  }
0x79: {  	_ =	shalt  }
0x7a: {  	_ =	shalt  }
0x7b: {  	_ =	shalt  }
0x7c: {  	_ =	shalt  }
0x7d: {  	_ =	shalt  }
0x7e: {  	_ =	shalt  }
0x7f: {  	_ =	shalt  }
0x80: {  	_ =	shalt  }
0x81: {  	_ =	shalt  }
0x82: {  	_ =	shalt  }
0x83: {  	_ =	shalt  }
0x84: {  	_ =	shalt  }
0x85: {  	_ =	shalt  }
0x86: {  	_ =	shalt  }
0x87: {  	_ =	shalt  }
.Lfunc_end0:
.L_simem_size_0:
called_computation.4_lowered:
.L_overlay_start_0:
0x88: {  	s2 =	sld [smem:$0x3FD9]  }
0x89: {  	s3 =	sld [smem:$0x3FFE];
	_ =	sdelay $0x1  }
0x8a: {  	s1 =	srdreg.scid  }
0x8b: {  	s0 =	sand.u32 $0x1, s1  }
0x8c: {  	s17 =	sshll.u32 s0, $0xA;
	s2 =	sadd.s32 s3, s2  }
0x8d: {  	s2 =	sadd.s32 s2, s17  }
0x8e: {  	[smem:$0x3FBE] =	sst s2  }
0x8f: {  	_ = 	snop  }
0x90: {  	s2 =	sld [smem:$0x3FD0];
	(tm) =	ssettm $0x1  }
0x91: {  	s18 =	sld [smem:$0x3FFB];
	_ =	sdelay $0x3  }
0x92: {  	_ =	strace s18  }
0x93: {  	s3 =	sld [smem:$0x3FFC];
	_ =	sdelay $0x3  }
0x94: {  	_ =	strace s3  }
0x95: {  	s3 =	sld [smem:$0x3FFD];
	_ =	sdelay $0x3  }
0x96: {  	_ =	strace s3  }
0x97: {  	_ =	strace $0x8FFFFFFF  }
0x98: {  	s19 =	sld [smem:$0x3FDB];
	_ =	sdelay $0x1  }
0x99: {  	s4 =	simm.s32 $_scs_section_size  }
0x9a: {  	s5 =	simm.s32 $_size__tile_overlayer_lowered;
	s6 =	simm.s32 $_tile_overlayer_lowered  }
0x9b: {  	s22 =	simm.s32 $0x1BFF;
	s21 =	sshll.u32 s6, $0x1;
	s3 =	sadd.s32 s4, s19  }
0x9c: {  	s7 =	simm.s32 $0x0;
	s20 =	sshll.u32 s5, $0x1;
	s5 =	sadd.s32 s21, s3  }
0x9d: {  	[timem:s7], [sflag:s22] =	dma.local [hbm:s5], s20  }
0x9e: {  	_ =	swait.ge [sflag:s22], s20  }
0x9f: {  	s4 =	ssub.s32 $0x0, s20;
	[sflag:s22] =	ssyncset.done $0x0  }
0xa0: {  	[sflag:s22] =	ssyncadd.s32 s4;
	_ =	sdelay $0x1  }
0xa1: {  	s23 =	simm.s32 $0x1B8B  }
0xa2: {  	_ =	swait.ge [sflag:s23], $0x1  }
0xa3: {  	[sflag:s23] =	ssyncset.done $0x0  }
0xa4: {  	s25 =	simm.s32 $0x1B8E;
	s24 =	sld [smem:$0x3FFE];
	[sflag:s23] =	ssyncadd.s32 $0xFFFFFFFF  }
0xa5: {  	s26 =	simm.s32 $execute0_lowered;
	[smem:$0x3FD2] =	sst s25  }
0xa6: {  	s5 =	sshll.u32 s26, $0x1;
	_ =	strace $0x80000052;
	[dreg:$0x1] =	wrdreg $0xFFFFFFFF  }
0xa7: {  	s28 =	simm.s32 $_size_execute0_lowered;
	s3 =	sadd.s32 s3, s5;
	[dreg:$0x0] =	wrdreg $0x0  }
0xa8: {  	s5 =	sshll.u32 s28, $0x1;
	[dreg:$0x2] =	wrdreg s3  }
0xa9: {  	[dreg:$0x3] =	wrdreg s5  }
0xaa: {  	[dreg:$0x4] =	wrdreg $0xC0  }
0xab: {  	_ =	task [dreg:s7], $0x5FFFF  }
0xac: {  	[dreg:$0x1] =	wrdreg $0xFFFFFFFF  }
0xad: {  	[dreg:$0x0] =	wrdreg $0x60  }
0xae: {  	[dreg:$0x2] =	wrdreg s24  }
0xaf: {  	[dreg:$0x3] =	wrdreg s2  }
0xb0: {  	[dreg:$0x4] =	wrdreg $0x4F000  }
0xb1: {  	[dreg:$0x5] =	wrdreg $0x9  }
0xb2: {  	_ =	task.clear_ibuf [dreg:s7], $0x6FFFF;
	_ =	strace $0x90000052  }
0xb3: {  	s29 =	simm.s32 $0x9;
	_ =	strace $0x80000054  }
0xb4: {  	_ =	swait.ge [sflag:s29], $0x1  }
0xb5: {  	[sflag:s29] =	ssyncadd.s32 $0xFFFFFFFF  }
0xb6: {  	_ =	strace $0x90000054  }
0xb7: {  	_ =	sfence  }
0xb8: {  	s30 =	sld [smem:$0x0];
	_ =	sdelay $0x2  }
0xb9: {  	s31 =	sshll.u32 s1, $0xD;
	s1 =	sshrl.u32 s1, $0x2  }
0xba: {  	s3 =	sand.u32 $0x4000, s31;
	s1 =	sadd.s32 s1, s30  }
0xbb: {  	s0 =	sor.u32 s3, s0;
	s1 =	sshll.u32 s1, $0x11  }
0xbc: {  	s0 =	sor.u32 s1, s0  }
0xbd: {  	s0 =	sadd.s32 $0x8F2B, s0  }
0xbe: {  	[sflag:s0] =	ssyncadd.remote.s32 $0x1  }
0xbf: {  	_ =	sfence.sel $0xFFFF  }
0xc0: {  	[dreg:$0x0] =	wrdreg $0xFFFFFFFF;
	(pc) =	sbr.abs _section_cstart, $3  }
0xc1: {  	[dreg:$0x1] =	wrdreg $0xFFFFFFFF  }
0xc2: {  	_ =	task.clear_ibuf [dreg:s7], $0x2FFFF;
	_ =	strace $0x9FFFFFFF  }
0xc3: {  	(tm) =	ssettm $0x7FFFFFFF  }
tec
execute0_lowered:
.L_overlay_start_1:
0x0: {  	(tag) =	ssettag $0x1  }
0x1: {  	s7 =	rddreg [dreg:$0x0]  }
0x2: {  	s0 =	srdreg.scid;
	s4 =	rddreg [dreg:$0x1]  }
0x3: {  	s12 =	stileid.u32;
	s1 =	rddreg [dreg:$0x2]  }
0x4: {  	s17 =	simm.s32 $0xC448;
	s18 =	simm.s32 $0xDC48;
	s20 =	simm.s32 $0xF448  }
0x5: {  	s22 =	simm.s32 $0x10C48;
	s23 =	simm.s32 $0x1;
	s24 =	simm.s32 $0x2  }
0x6: {  	s28 =	simm.s32 $0x4E00;
	s29 =	simm.s32 $0x4E80;
	s30 =	simm.s32 $0x10  }
0x7: {  	s31 =	simm.s32 $0x6;
	s0 =	sand.u32 $0x1, s0;
	s6 =	smul.u32 $0x7500, s12  }
0x8: {  	s11 =	sadd.s32 $0x49E00, s7;
	s14 =	smul.u32 $0x13800, s12;
	s16 =	sadd.s32 $0x75000, s1  }
0x9: {  	p0 =	sne.s32 s12, $0x0;
	s26 =	sshll.u32 s12, $0x6;
	s2 =	sshll.u32 s0, $0x4  }
0xa: {  	s10 =	ssub.s32 $0x2, s0;
	s0 =	smul.u32 $0x30, s0;
	s3 =	sor.u32 s12, s2  }
0xb: {  	s2 =	simm.s32 $0x0;
	s9 =	sshrl.u32 s6, $0x3;
	s13 =	sshrl.u32 s10, $0x1  }
0xc: {  	s15 =	sadd.s32 s6, s1;
	s5 =	smul.u32 $0x4F0, s3;
	[smem:$0x7FF] =	sst s2  }
0xd: {  	s3 =	sadd.s32 $0x2C400, s7;
	s9 =	sadd.s32 s9, s7;
	s10 =	ssub.s32 s10, s13  }
0xe: {  	s25 =	sor.u32 s0, s14;
	s0 =	sshrl.u32 s0, $0x3;
	s13 =	sor.u32 $0x1C05, s26  }
0xf: {  	s14 =	sshrl.u32 s15, $0x3;
	s15 =	sshrl.u32 @!p0 s16, $0x3;
	s16 =	simm.s32 $0x80  }
0x10: {  	s26 =	simm.s32 $0x4;
	_ =	strace $0x80000053;
	s6 =	sadd.s32 $0x3B200, s9  }
0x11: {  	s0 =	sadd.s32 s0, s11;
	s10 =	smax.u32 s10, $0x1;
	s8 =	sadd.s32 s5, s7  }
0x12: {  	s4 =	sadd.s32 s4, s5;
	s7 =	sadd.s32 $0x49C00, s7;
	s9 =	sadd.s32 $0x27000, s0  }
0x13: {  	s0 =	simm.s32 $0x0;
	s5 =	sadd.s32 $0xB4E00, s8;
	s8 =	sshrl.u32 s25, $0x3  }
0x14: {  	s25 =	simm.s32 $0x3;
	s8 =	sadd.s32 s11, s8;
	s11 =	simm.s32 $0x5  }
.LBB2_1:
0x15: {  	[tilespmem:s2], [sflag:$0x5] =	stream.linear.gather [hbm4b:s4+s2], $0x2780, $0x38;
	[tilespmem:$0x12448] =	vst v63  }
0x16: {  	_ =	swait.ge [sflag:s11], $0x2780  }
0x17: {  	[sflag:s11] =	ssyncset.done $0x0  }
0x18: {  	s12 =	simm.s32 $0x2780;
	[sflag:s11] =	ssyncadd.s32 $0xFFFFD880  }
0x19: {  	[tilespmem:s12], [sflag:$0x5] =	stream.linear.gather [hbm4b:s5+s2], $0x2780, $0x38;
	[tilespmem:$0x12448] =	vst v63  }
0x1a: {  	_ =	swait.ge [sflag:s11], $0x2780  }
0x1b: {  	[sflag:s11] =	ssyncset.done $0x0  }
0x1c: {  	[sflag:s11] =	ssyncadd.s32 $0xFFFFD880  }
0x1d: {  	[spmem:s14], [sflag:s13] =	dma.local [hbm:s6], $0xEA0  }
0x1e: {  	_ =	swait.ge [sflag:s11], $0xEA0  }
0x1f: {  	[sflag:s11] =	ssyncset.done $0x0  }
0x20: {  	s12 =	simm.s32 @!p0 $0x5;
	[sflag:s11] =	ssyncadd.s32 $0xFFFFF160  }
0x21: {  	[spmem:s15], [sflag:s13] =	dma.local @!p0 [hbm:s7], $0x90  }
0x22: {  	_ =	swait.ge @!p0 [sflag:s12], $0x90  }
0x23: {  	[sflag:s12] =	ssyncset.done @!p0 $0x0  }
0x24: {  	[sflag:s12] =	ssyncadd.s32 @!p0 $0xFFFFFF70  }
0x25: {  	[bflag:$0x0] =	sbarrier.arrive $0xFFFF  }
0x26: {  	[tilespmem:s17], [sflag:$0x1] =	stream.indirect.gather [hbm4b:s3+s16], $0x30, s2, s16, $0xb8;
	[tilespmem:$0x12448] =	vst v63  }
0x27: {  	_ = 	snop  }
0x28: {  	[tilespmem:s18], [sflag:$0x2] =	stream.indirect.gather [hbm4b:s3+s16], $0x30, s16, s16, $0xb8;
	[tilespmem:$0x12448] =	vst v63  }
0x29: {  	s21 =	simm.s32 $0x100  }
0x2a: {  	[tilespmem:s20], [sflag:$0x3] =	stream.indirect.gather [hbm4b:s3+s16], $0x30, s21, s16, $0xb8;
	[tilespmem:$0x12448] =	vst v63  }
0x2b: {  	s19 =	simm.s32 $0x180  }
0x2c: {  	[tilespmem:s22], [sflag:$0x4] =	stream.indirect.gather [hbm4b:s3+s16], $0x30, s19, s16, $0xb8;
	[tilespmem:$0x12448] =	vst v63  }
0x2d: {  	_ =	swait.ge [sflag:s23], $0x1800  }
0x2e: {  	[sflag:s23] =	ssyncset.done $0x0  }
0x2f: {  	s21 =	simm.s32 $0x2780;
	[sflag:s23] =	ssyncadd.s32 $0xFFFFE800  }
0x30: {  	[spmem:s1] =	stream.indirect.scatter.add.f32 [tilespmem:s17], [sflag:$0x5], $0x30, s21, s16, $0xb8;
	[tilespmem:$0x12448] =	vst v63  }
0x31: {  	_ =	swait.ge [sflag:s11], $0x1800  }
0x32: {  	[sflag:s11] =	ssyncset.done $0x0  }
0x33: {  	s19 =	simm.s32 $0x200;
	[sflag:s11] =	ssyncadd.s32 $0xFFFFE800  }
0x34: {  	[tilespmem:s17], [sflag:$0x1] =	stream.indirect.gather [hbm4b:s3+s16], $0x30, s19, s16, $0xb8;
	[tilespmem:$0x12448] =	vst v63  }
0x35: {  	_ =	swait.ge [sflag:s24], $0x1800  }
0x36: {  	[sflag:s24] =	ssyncset.done $0x0  }
0x37: {  	s21 =	simm.s32 $0x2800;
	[sflag:s24] =	ssyncadd.s32 $0xFFFFE800  }
0x38: {  	[spmem:s1] =	stream.indirect.scatter.add.f32 [tilespmem:s18], [sflag:$0x5], $0x30, s21, s16, $0xb8;
	[tilespmem:$0x12448] =	vst v63  }
0x39: {  	_ =	swait.ge [sflag:s11], $0x1800  }
0x3a: {  	[sflag:s11] =	ssyncset.done $0x0  }
0x3b: {  	s19 =	simm.s32 $0x280;
	[sflag:s11] =	ssyncadd.s32 $0xFFFFE800  }
0x3c: {  	[tilespmem:s18], [sflag:$0x2] =	stream.indirect.gather [hbm4b:s3+s16], $0x30, s19, s16, $0xb8;
	[tilespmem:$0x12448] =	vst v63  }
0x3d: {  	_ =	swait.ge [sflag:s25], $0x1800  }
0x3e: {  	[sflag:s25] =	ssyncset.done $0x0  }
0x3f: {  	s21 =	simm.s32 $0x2880;
	[sflag:s25] =	ssyncadd.s32 $0xFFFFE800  }
0x40: {  	[spmem:s1] =	stream.indirect.scatter.add.f32 [tilespmem:s20], [sflag:$0x5], $0x30, s21, s16, $0xb8;
	[tilespmem:$0x12448] =	vst v63  }
0x41: {  	_ =	swait.ge [sflag:s11], $0x1800  }
0x42: {  	[sflag:s11] =	ssyncset.done $0x0  }
0x43: {  	s19 =	simm.s32 $0x300;
	[sflag:s11] =	ssyncadd.s32 $0xFFFFE800  }
0x44: {  	[tilespmem:s20], [sflag:$0x3] =	stream.indirect.gather [hbm4b:s3+s16], $0x30, s19, s16, $0xb8;
	[tilespmem:$0x12448] =	vst v63  }
0x45: {  	_ =	swait.ge [sflag:s26], $0x1800  }
0x46: {  	[sflag:s26] =	ssyncset.done $0x0  }
0x47: {  	s21 =	simm.s32 $0x2900;
	[sflag:s26] =	ssyncadd.s32 $0xFFFFE800  }
0x48: {  	[spmem:s1] =	stream.indirect.scatter.add.f32 [tilespmem:s22], [sflag:$0x5], $0x30, s21, s16, $0xb8;
	[tilespmem:$0x12448] =	vst v63  }
0x49: {  	_ =	swait.ge [sflag:s11], $0x1800  }
0x4a: {  	[sflag:s11] =	ssyncset.done $0x0  }
0x4b: {  	s12 =	simm.s32 $0x800;
	s19 =	simm.s32 $0x380;
	[sflag:s11] =	ssyncadd.s32 $0xFFFFE800  }
.LBB2_2:
0x4c: {  	[tilespmem:s22], [sflag:$0x4] =	stream.indirect.gather [hbm4b:s3+s16], $0x30, s19, s16, $0xb8;
	[tilespmem:$0x12448] =	vst v63  }
0x4d: {  	s19 =	smov.u32 s12  }
0x4e: {  	p1 =	sne.s32 s12, $0x8800;
	s12 =	sadd.s32 $0x800, s12;
	_ =	swait.ge [sflag:s23], $0x1800  }
0x4f: {  	s19 =	sshra.s32 s19, $0x2;
	[sflag:s23] =	ssyncset.done $0x0  }
0x50: {  	s21 =	sadd.s32 $0x2780, s19;
	[sflag:s23] =	ssyncadd.s32 $0xFFFFE800  }
0x51: {  	[spmem:s1] =	stream.indirect.scatter.add.f32 [tilespmem:s17], [sflag:$0x5], $0x30, s21, s16, $0xb8;
	[tilespmem:$0x12448] =	vst v63  }
0x52: {  	_ =	swait.ge [sflag:s11], $0x1800  }
0x53: {  	[sflag:s11] =	ssyncset.done $0x0  }
0x54: {  	s21 =	sadd.s32 $0x200, s19;
	[sflag:s11] =	ssyncadd.s32 $0xFFFFE800  }
0x55: {  	[tilespmem:s17], [sflag:$0x1] =	stream.indirect.gather [hbm4b:s3+s16], $0x30, s21, s16, $0xb8;
	[tilespmem:$0x12448] =	vst v63  }
0x56: {  	_ =	swait.ge [sflag:s24], $0x1800  }
0x57: {  	[sflag:s24] =	ssyncset.done $0x0  }
0x58: {  	s21 =	sadd.s32 $0x2800, s19;
	[sflag:s24] =	ssyncadd.s32 $0xFFFFE800  }
0x59: {  	[spmem:s1] =	stream.indirect.scatter.add.f32 [tilespmem:s18], [sflag:$0x5], $0x30, s21, s16, $0xb8;
	[tilespmem:$0x12448] =	vst v63  }
0x5a: {  	_ =	swait.ge [sflag:s11], $0x1800  }
0x5b: {  	[sflag:s11] =	ssyncset.done $0x0  }
0x5c: {  	s21 =	sadd.s32 $0x280, s19;
	[sflag:s11] =	ssyncadd.s32 $0xFFFFE800  }
0x5d: {  	[tilespmem:s18], [sflag:$0x2] =	stream.indirect.gather [hbm4b:s3+s16], $0x30, s21, s16, $0xb8;
	[tilespmem:$0x12448] =	vst v63  }
0x5e: {  	_ =	swait.ge [sflag:s25], $0x1800  }
0x5f: {  	[sflag:s25] =	ssyncset.done $0x0  }
0x60: {  	s21 =	sadd.s32 $0x2880, s19;
	[sflag:s25] =	ssyncadd.s32 $0xFFFFE800  }
0x61: {  	[spmem:s1] =	stream.indirect.scatter.add.f32 [tilespmem:s20], [sflag:$0x5], $0x30, s21, s16, $0xb8;
	[tilespmem:$0x12448] =	vst v63  }
0x62: {  	_ =	swait.ge [sflag:s11], $0x1800  }
0x63: {  	[sflag:s11] =	ssyncset.done $0x0  }
0x64: {  	s21 =	sadd.s32 $0x300, s19;
	[sflag:s11] =	ssyncadd.s32 $0xFFFFE800  }
0x65: {  	[tilespmem:s20], [sflag:$0x3] =	stream.indirect.gather [hbm4b:s3+s16], $0x30, s21, s16, $0xb8;
	[tilespmem:$0x12448] =	vst v63  }
0x66: {  	_ =	swait.ge [sflag:s26], $0x1800  }
0x67: {  	[sflag:s26] =	ssyncset.done $0x0  }
.Ltmp0:
0x68: {  	s21 =	sadd.s32 $0x2900, s19;
	[sflag:s26] =	ssyncadd.s32 $0xFFFFE800;
	(pc) =	sbr.rel @p1 .LBB2_2-.Ltmp0, $4  }
0x69: {  	[spmem:s1] =	stream.indirect.scatter.add.f32 [tilespmem:s22], [sflag:$0x5], $0x30, s21, s16, $0xb8;
	[tilespmem:$0x12448] =	vst v63  }
0x6a: {  	_ =	swait.ge [sflag:s11], $0x1800  }
0x6b: {  	[sflag:s11] =	ssyncset.done $0x0  }
0x6c: {  	s19 =	sadd.s32 $0x380, s19;
	[sflag:s11] =	ssyncadd.s32 $0xFFFFE800  }
0x6d: {  	[tilespmem:s22], [sflag:$0x4] =	stream.indirect.gather [hbm4b:s3+s16], $0x30, s19, s16, $0xb8;
	[tilespmem:$0x12448] =	vst v63  }
0x6e: {  	_ =	swait.ge [sflag:s23], $0x1800  }
0x6f: {  	[sflag:s23] =	ssyncset.done $0x0  }
0x70: {  	s12 =	simm.s32 $0x4B80;
	[sflag:s23] =	ssyncadd.s32 $0xFFFFE800  }
0x71: {  	[spmem:s1] =	stream.indirect.scatter.add.f32 [tilespmem:s17], [sflag:$0x5], $0x30, s12, s16, $0xb8;
	[tilespmem:$0x12448] =	vst v63  }
0x72: {  	_ =	swait.ge [sflag:s11], $0x1800  }
0x73: {  	[sflag:s11] =	ssyncset.done $0x0  }
0x74: {  	s21 =	simm.s32 $0x2600;
	[sflag:s11] =	ssyncadd.s32 $0xFFFFE800  }
0x75: {  	[tilespmem:s17], [sflag:$0x1] =	stream.indirect.gather [hbm4b:s3+s16], $0x30, s21, s16, $0xb8;
	[tilespmem:$0x12448] =	vst v63  }
0x76: {  	_ =	swait.ge [sflag:s24], $0x1800  }
0x77: {  	[sflag:s24] =	ssyncset.done $0x0  }
0x78: {  	s19 =	simm.s32 $0x4C00;
	[sflag:s24] =	ssyncadd.s32 $0xFFFFE800  }
0x79: {  	[spmem:s1] =	stream.indirect.scatter.add.f32 [tilespmem:s18], [sflag:$0x5], $0x30, s19, s16, $0xb8;
	[tilespmem:$0x12448] =	vst v63  }
0x7a: {  	_ =	swait.ge [sflag:s11], $0x1800  }
0x7b: {  	[sflag:s11] =	ssyncset.done $0x0  }
0x7c: {  	s21 =	simm.s32 $0x2680;
	[sflag:s11] =	ssyncadd.s32 $0xFFFFE800  }
0x7d: {  	[tilespmem:s18], [sflag:$0x2] =	stream.indirect.gather [hbm4b:s3+s16], $0x30, s21, s16, $0xb8;
	[tilespmem:$0x12448] =	vst v63  }
0x7e: {  	_ =	swait.ge [sflag:s25], $0x1800  }
0x7f: {  	[sflag:s25] =	ssyncset.done $0x0  }
0x80: {  	s19 =	simm.s32 $0x4C80;
	[sflag:s25] =	ssyncadd.s32 $0xFFFFE800  }
0x81: {  	[spmem:s1] =	stream.indirect.scatter.add.f32 [tilespmem:s20], [sflag:$0x5], $0x30, s19, s16, $0xb8;
	[tilespmem:$0x12448] =	vst v63  }
0x82: {  	_ =	swait.ge [sflag:s11], $0x1800  }
0x83: {  	[sflag:s11] =	ssyncset.done $0x0  }
0x84: {  	s21 =	simm.s32 $0x2700;
	[sflag:s11] =	ssyncadd.s32 $0xFFFFE800  }
0x85: {  	[tilespmem:s20], [sflag:$0x3] =	stream.indirect.gather [hbm4b:s3+s16], $0x30, s21, s16, $0xb8;
	[tilespmem:$0x12448] =	vst v63  }
0x86: {  	_ =	swait.ge [sflag:s26], $0x1800  }
0x87: {  	[sflag:s26] =	ssyncset.done $0x0  }
0x88: {  	s19 =	simm.s32 $0x4D00;
	[sflag:s26] =	ssyncadd.s32 $0xFFFFE800  }
0x89: {  	[spmem:s1] =	stream.indirect.scatter.add.f32 [tilespmem:s22], [sflag:$0x5], $0x30, s19, s16, $0xb8;
	[tilespmem:$0x12448] =	vst v63  }
0x8a: {  	_ =	swait.ge [sflag:s11], $0x1800  }
0x8b: {  	[sflag:s11] =	ssyncset.done $0x0  }
0x8c: {  	[sflag:s11] =	ssyncadd.s32 $0xFFFFE800  }
0x8d: {  	_ =	swait.ge [sflag:s23], $0x1800  }
0x8e: {  	[sflag:s23] =	ssyncset.done $0x0  }
0x8f: {  	s21 =	simm.s32 $0x4D80;
	[sflag:s23] =	ssyncadd.s32 $0xFFFFE800  }
0x90: {  	[spmem:s1] =	stream.indirect.scatter.add.f32 [tilespmem:s17], [sflag:$0x5], $0x30, s21, s16, $0xb8;
	[tilespmem:$0x12448] =	vst v63  }
0x91: {  	_ =	swait.ge [sflag:s11], $0x1800  }
0x92: {  	[sflag:s11] =	ssyncset.done $0x0  }
0x93: {  	[sflag:s11] =	ssyncadd.s32 $0xFFFFE800  }
0x94: {  	_ =	swait.ge [sflag:s24], $0x1800  }
0x95: {  	[sflag:s24] =	ssyncset.done $0x0  }
0x96: {  	[sflag:s24] =	ssyncadd.s32 $0xFFFFE800  }
0x97: {  	[spmem:s1] =	stream.indirect.scatter.add.f32 [tilespmem:s18], [sflag:$0x5], $0x30, s28, s16, $0xb8;
	[tilespmem:$0x12448] =	vst v63  }
0x98: {  	_ =	swait.ge [sflag:s11], $0x1800  }
0x99: {  	[sflag:s11] =	ssyncset.done $0x0  }
0x9a: {  	[sflag:s11] =	ssyncadd.s32 $0xFFFFE800  }
0x9b: {  	_ =	swait.ge [sflag:s25], $0x1800  }
0x9c: {  	[sflag:s25] =	ssyncset.done $0x0  }
0x9d: {  	[sflag:s25] =	ssyncadd.s32 $0xFFFFE800  }
0x9e: {  	[spmem:s1] =	stream.indirect.scatter.add.f32 [tilespmem:s20], [sflag:$0x5], $0x30, s29, s16, $0xb8;
	[tilespmem:$0x12448] =	vst v63  }
0x9f: {  	_ =	swait.ge [sflag:s11], $0x1800  }
0xa0: {  	[sflag:s11] =	ssyncset.done $0x0  }
0xa1: {  	[sflag:s11] =	ssyncadd.s32 $0xFFFFE800  }
0xa2: {  	[bflag:$0x0] =	sbarrier.arrive $0xFFFF  }
0xa3: {  	[hbm:s8@s30], [sflag:s13] =	dma.strided [spmem:s14@s31], $0xEA0, s23, $0x6   }
0xa4: {  	s0 =	sadd.s32 $0x1, s0;
	_ =	swait.ge [sflag:s11], $0xEA0  }
0xa5: {  	p1 =	sne.s32 s0, s10;
	s12 =	simm.s32 @!p0 $0x1;
	[sflag:s11] =	ssyncset.done $0x0  }
0xa6: {  	s19 =	simm.s32 @!p0 $0x10;
	s21 =	simm.s32 @!p0 $0x6;
	[sflag:s11] =	ssyncadd.s32 $0xFFFFF160  }
0xa7: {  	[hbm:s9@s19], [sflag:s13] =	dma.strided @!p0 [spmem:s15@s21], $0x90, s12, $0x6   }
.Ltmp1:
0xa8: {  	_ = 	snop;
	(pc) =	sbr.rel @p1 .LBB2_1-.Ltmp1, $4  }
0xa9: {  	s12 =	simm.s32 @!p0 $0x5  }
0xaa: {  	_ =	swait.ge @!p0 [sflag:s12], $0x90  }
0xab: {  	[sflag:s12] =	ssyncset.done @!p0 $0x0  }
0xac: {  	[sflag:s12] =	ssyncadd.s32 @!p0 $0xFFFFFF70  }
0xad: {  	_ =	sfence.sel $0x180000  }
0xae: {  	[bflag:$0x0] =	sbarrier.arrive $0xFFFF  }
0xaf: {  	_ =	strace $0x90000053  }
0xb0: {  	[bflag:$0x2] =	sbarrier.arrive $0xFFFF  }
0xb1: {  	s0 =	rddreg [dreg:$0x3]  }
0xb2: {  	s0 =	sadd.s32 @!p0 $0x100000, s0  }
0xb3: {  	[sflag:s0] =	ssyncadd.tile.s32 @!p0 $0x1;
	_ =	shalt  }
.Lfunc_end2:
_tile_overlayer_lowered:
.L_overlay_start_2:
0xb4: {  	(tag) =	ssettag $0x2  }
0xb5: {  	s0 =	rddreg [dreg:$0x0];
	s2 =	stileid.u32  }
0xb6: {  	s1 =	rddreg [dreg:$0x1];
	p0 =	sne.s32 s2, $0x0  }
0xb7: {  	s3 =	rddreg [dreg:$0x2];
	[bflag:$0x3] =	sbarrier.arrive $0xFFFF;
	s2 =	simm.s32 @!p0 $0x1C05  }
0xb8: {  	[timem:s3], [sflag:s2] =	dma.local @!p0 [hbm:s0], s1  }
0xb9: {  	s0 =	simm.s32 @!p0 $0x5  }
0xba: {  	_ =	swait.ge @!p0 [sflag:s0], s1  }
0xbb: {  	s1 =	ssub.s32 @!p0 $0x0, s1;
	[sflag:s0] =	ssyncset.done @!p0 $0x0  }
0xbc: {  	[sflag:s0] =	ssyncadd.s32 @!p0 s1  }
0xbd: {  	[bflag:$0x3] =	sbarrier.arrive $0xFFFF  }
0xbe: {  	_ =	shalt  }

</sc_bundles>
